<compile_context>
chip_gen: v7x
topology: tpu7x:2x2x1
jax: 0.10.2.dev20260603
libtpu: 0.0.44.dev20260713+nightly
codegen_flags: <defaults>
</compile_context>

<pallas_src>
import dataclasses
import functools

import jax
import jax.numpy as jnp
from jax import lax
from jax.experimental import pallas as pl
from jax.experimental.pallas import tpu as pltpu
from jax.experimental.pallas import tpu_sc as plsc

N_NODES = 10000
N_EDGES = 160000
IN_DIM = 256
H2 = 128
HALF = 128
NC = 2
NS = 16
L = 16

E_PER_SUB = N_EDGES // NS
ECH = 125
ROW_SLICE = 624

HCH = 2000


def _sc_mesh():
    return plsc.VectorSubcoreMesh(core_axis_name="c", subcore_axis_name="s")


def _sc_compiler_params():
    cp = pltpu.CompilerParams()
    if "needs_layout_passes" in pltpu.CompilerParams.__dataclass_fields__:
        cp = dataclasses.replace(cp, needs_layout_passes=False)
    return cp


def _sc_hist(src, dst):
    @functools.partial(
        pl.kernel,
        mesh=_sc_mesh(),
        out_type=jax.ShapeDtypeStruct((NC * NS, N_NODES), jnp.float32),
        scratch_types=[
            pltpu.VMEM((N_NODES,), jnp.float32),
            pltpu.VMEM((HCH,), jnp.int32),
        ],
        compiler_params=_sc_compiler_params(),
    )
    def k(src_hbm, dst_hbm, out_hbm, hist_v, idx_v):
        c = lax.axis_index("c")
        s = lax.axis_index("s")
        zeros = jnp.zeros((L,), jnp.float32)
        ones = jnp.ones((L,), jnp.float32)

        @pl.loop(0, N_NODES // L)
        def _(i):
            hist_v[pl.ds(i * L, L)] = zeros

        @pl.loop(0, E_PER_SUB // HCH)
        def _(kk):
            base = s * E_PER_SUB + kk * HCH

            @pl.when(c == 0)
            def _():
                pltpu.sync_copy(src_hbm.at[pl.ds(base, HCH)], idx_v)

            @pl.when(c == 1)
            def _():
                pltpu.sync_copy(dst_hbm.at[pl.ds(base, HCH)], idx_v)

            @pl.loop(0, HCH // L)
            def _(j):
                iv = idx_v[pl.ds(j * L, L)]
                plsc.addupdate_scatter(hist_v, [iv], ones)

        pltpu.sync_copy(hist_v, out_hbm.at[c * NS + s])

    return k(src, dst)


E_ROWS = N_EDGES // ECH
R_SLICE = E_ROWS // NS
E_ROWS_PAD = E_ROWS
PBLK = 8
N_BLK = R_SLICE // PBLK
DEPTH = 3


def _sc_edge_pass(y_flat, packed):
    @functools.partial(
        pl.kernel,
        mesh=_sc_mesh(),
        out_type=jax.ShapeDtypeStruct((NC * N_NODES, HALF), jnp.float32),
        scratch_types=[
            pltpu.VMEM_SHARED((N_NODES, HALF), jnp.float32),
            pltpu.VMEM((ECH, HALF), jnp.float32),
            pltpu.VMEM((ECH, HALF), jnp.float32),
            pltpu.VMEM((ECH, HALF), jnp.float32),
            pltpu.VMEM((PBLK, ECH), jnp.int32),
            pltpu.VMEM((ECH,), jnp.int32),
            pltpu.VMEM((ECH,), jnp.int32),
            pltpu.VMEM((ECH,), jnp.int32),
            pltpu.VMEM((ECH,), jnp.int32),
            pltpu.VMEM((ECH,), jnp.int32),
            pltpu.VMEM((ECH,), jnp.int32),
            pltpu.SemaphoreType.DMA,
            pltpu.SemaphoreType.DMA,
            pltpu.SemaphoreType.DMA,
            pltpu.SemaphoreType.DMA,
        ],
    )
    def k(y_hbm, pk_hbm, out_hbm, acc, rows0, rows1, rows2, pidx0,
          sidx0, didx0, sidx1, didx1, sidx2, didx2,
          gsem0, gsem1, gsem2, psem0):
        c = lax.axis_index("c")
        s = lax.axis_index("s")
        off = c * N_NODES
        zeros = jnp.zeros((L,), jnp.float32)
        pkbase = s * R_SLICE

        pltpu.sync_copy(pk_hbm.at[pl.ds(pkbase, PBLK)], pidx0)

        @pl.loop(0, ECH)
        def _(r):
            @pl.loop(0, HALF // L)
            def _(j):
                rows0[r, pl.ds(j * L, L)] = zeros

        row0 = s * ROW_SLICE

        @pl.loop(0, 4)
        def _(m):
            pltpu.sync_copy(rows0, acc.at[pl.ds(row0 + m * ECH, ECH)])

        @pl.when(s < NS - 1)
        def _():
            pltpu.sync_copy(rows0.at[pl.ds(0, ROW_SLICE - 4 * ECH)],
                            acc.at[pl.ds(row0 + 4 * ECH, ROW_SLICE - 4 * ECH)])

        @pl.when(s == NS - 1)
        def _():
            pltpu.sync_copy(rows0, acc.at[pl.ds(row0 + 4 * ECH, ECH)])
            pltpu.sync_copy(rows0.at[pl.ds(0, 15)],
                            acc.at[pl.ds(row0 + 5 * ECH, 15)])

        plsc.subcore_barrier()

        unpack_offs = [0, 16, 32, 48, 64, 80, 96, 109]

        def unpack_from(pidx, r, sidx, didx):
            for o in unpack_offs:
                p32 = pidx[r, pl.ds(o, L)]
                sidx[pl.ds(o, L)] = (p32 & 0xFFFF) + off
                didx[pl.ds(o, L)] = p32 >> 16

        def start_gather(sidx, rows, sem):
            pltpu.async_copy(y_hbm.at[sidx], rows, sem)

        def prep_and_start(cu, sidx, didx, rows, sem):
            blk = cu // PBLK
            r_local = cu - blk * PBLK

            @pl.when(cu % PBLK == 0)
            def _():
                pltpu.make_async_copy(
                    pk_hbm.at[pl.ds(pkbase + blk * PBLK, PBLK)],
                    pidx0, psem0).wait()

            unpack_from(pidx0, r_local, sidx, didx)

            @pl.when(cu % PBLK == PBLK - 1)
            def _():
                @pl.when(blk < N_BLK - 1)
                def _():
                    pltpu.async_copy(
                        pk_hbm.at[pl.ds(pkbase + (blk + 1) * PBLK, PBLK)],
                        pidx0, psem0)

            start_gather(sidx, rows, sem)

        def step(ci, sidx, didx, rows, sem):
            @pl.when(ci < R_SLICE)
            def _():
                pltpu.make_async_copy(y_hbm.at[sidx], rows, sem).wait()
                pltpu.sync_copy(rows, acc.at[didx], add=True)

                @pl.when(ci + DEPTH < R_SLICE)
                def _():
                    prep_and_start(ci + DEPTH, sidx, didx, rows, sem)

        for ci, (sx, dx, rw, sm) in enumerate(
                [(sidx0, didx0, rows0, gsem0),
                 (sidx1, didx1, rows1, gsem1),
                 (sidx2, didx2, rows2, gsem2)]):
            unpack_from(pidx0, ci, sx, dx)
            start_gather(sx, rw, sm)

        @pl.loop(0, (R_SLICE + DEPTH - 1) // DEPTH)
        def _(q):
            c0 = DEPTH * q
            step(c0, sidx0, didx0, rows0, gsem0)
            step(c0 + 1, sidx1, didx1, rows1, gsem1)
            step(c0 + 2, sidx2, didx2, rows2, gsem2)

        plsc.subcore_barrier()

        @pl.when(s < NS - 1)
        def _():
            pltpu.sync_copy(acc.at[pl.ds(row0, ROW_SLICE)],
                            out_hbm.at[pl.ds(off + row0, ROW_SLICE)])

        @pl.when(s == NS - 1)
        def _():
            pltpu.sync_copy(acc.at[pl.ds(row0, ROW_SLICE + 16)],
                            out_hbm.at[pl.ds(off + row0, ROW_SLICE + 16)])

    return k(y_flat, packed)


_R = 1000
_NB = N_NODES // _R


def _tc_prep(hists, features):
    def body(h_ref, x_ref, y_ref, io_ref, ii_ref):
        h = h_ref[...]
        inv_o = lax.rsqrt(jnp.maximum(jnp.sum(h[:, 0:NS], axis=1), 1.0))
        inv_i = lax.rsqrt(jnp.maximum(jnp.sum(h[:, NS:], axis=1), 1.0))
        io_ref[...] = inv_o[:, None]
        ii_ref[...] = inv_i[:, None]
        y = x_ref[...] * inv_o[:, None]
        y_ref[0] = y[:, :HALF]
        y_ref[1] = y[:, HALF:]

    return pl.pallas_call(
        body,
        grid=(_NB,),
        in_specs=[
            pl.BlockSpec((_R, NC * NS), lambda i: (i, 0)),
            pl.BlockSpec((_R, IN_DIM), lambda i: (i, 0)),
        ],
        out_specs=[
            pl.BlockSpec((2, _R, HALF), lambda i: (0, i, 0)),
            pl.BlockSpec((_R, 1), lambda i: (i, 0)),
            pl.BlockSpec((_R, 1), lambda i: (i, 0)),
        ],
        out_shape=[
            jax.ShapeDtypeStruct((2, N_NODES, HALF), jnp.float32),
            jax.ShapeDtypeStruct((N_NODES, 1), jnp.float32),
            jax.ShapeDtypeStruct((N_NODES, 1), jnp.float32),
        ],
    )(hists, features)


def _tc_layer1(agg, inv_i, inv_o, W1, b1):
    def body(a_ref, ii_ref, io_ref, w_ref, b_ref, y_ref):
        a = jnp.concatenate([a_ref[0], a_ref[1]], axis=1) * ii_ref[...]
        h = jnp.maximum(
            jnp.dot(a, w_ref[...], preferred_element_type=jnp.float32)
            + b_ref[...], 0.0)
        y = h * io_ref[...]
        y_ref[0] = y[:, :HALF]
        y_ref[1] = y[:, HALF:]

    return pl.pallas_call(
        body,
        grid=(_NB,),
        in_specs=[
            pl.BlockSpec((2, _R, HALF), lambda i: (0, i, 0)),
            pl.BlockSpec((_R, 1), lambda i: (i, 0)),
            pl.BlockSpec((_R, 1), lambda i: (i, 0)),
            pl.BlockSpec((IN_DIM, IN_DIM), lambda i: (0, 0)),
            pl.BlockSpec((1, IN_DIM), lambda i: (0, 0)),
        ],
        out_specs=pl.BlockSpec((2, _R, HALF), lambda i: (0, i, 0)),
        out_shape=jax.ShapeDtypeStruct((2, N_NODES, HALF), jnp.float32),
    )(agg, inv_i, inv_o, W1, b1.reshape(1, IN_DIM))


def _tc_final(agg, inv_i, W2, b2, W3, b3, noise):
    def body(a_ref, ii_ref, w2_ref, b2_ref, w3_ref, b3_ref, nz_ref, o_ref):
        a = jnp.concatenate([a_ref[0], a_ref[1]], axis=1) * ii_ref[...]
        mean = jnp.dot(a, w2_ref[...], preferred_element_type=jnp.float32) \
            + b2_ref[...]
        log_std = jnp.dot(a, w3_ref[...], preferred_element_type=jnp.float32) \
            + b3_ref[...]
        o_ref[...] = mean + nz_ref[...] * jnp.exp(log_std)

    return pl.pallas_call(
        body,
        grid=(_NB,),
        in_specs=[
            pl.BlockSpec((2, _R, HALF), lambda i: (0, i, 0)),
            pl.BlockSpec((_R, 1), lambda i: (i, 0)),
            pl.BlockSpec((IN_DIM, H2), lambda i: (0, 0)),
            pl.BlockSpec((1, H2), lambda i: (0, 0)),
            pl.BlockSpec((IN_DIM, H2), lambda i: (0, 0)),
            pl.BlockSpec((1, H2), lambda i: (0, 0)),
            pl.BlockSpec((_R, H2), lambda i: (i, 0)),
        ],
        out_specs=pl.BlockSpec((_R, H2), lambda i: (i, 0)),
        out_shape=jax.ShapeDtypeStruct((N_NODES, H2), jnp.float32),
    )(agg, inv_i, W2, b2.reshape(1, H2), W3, b3.reshape(1, H2), noise)


def kernel(features, edge_index, W1, b1, W2, b2, W3, b3, noise):
    src = edge_index[0]
    dst = edge_index[1]
    packed = jnp.pad((src | (dst << 16)).reshape(E_ROWS, ECH),
                     ((0, E_ROWS_PAD - E_ROWS), (0, 0)))

    hists = _sc_hist(src, dst)
    y1, inv_o, inv_i = _tc_prep(hists.T, features)
    agg1 = _sc_edge_pass(y1.reshape(NC * N_NODES, HALF), packed)
    y2 = _tc_layer1(agg1.reshape(NC, N_NODES, HALF), inv_i, inv_o, W1, b1)
    agg2 = _sc_edge_pass(y2.reshape(NC * N_NODES, HALF), packed)
    return _tc_final(agg2.reshape(NC, N_NODES, HALF), inv_i, W2, b2, W3, b3,
                     noise)

# --- scband reference (transcript-rebuilt; emitter-appended) ---
"""Pipeline reference for scband-vgaemodel-54142357733692 (READ-ONLY COPY).

The authoritative reference and input builder live on the scoring server;
editing this copy changes nothing except your own understanding.
"""

import jax, jax.numpy as jnp
import numpy as np

N_NODES = 10000
N_EDGES = 160000
IN_DIM = 256
H1 = 256
H2 = 128


def graph_conv(x, src, dst, W, b, n_nodes):
    # DGL GraphConv with norm='both': D_dst^{-1/2} A D_src^{-1/2} X W + b
    deg_out = jnp.bincount(src, length=n_nodes).astype(x.dtype)
    deg_out = jnp.maximum(deg_out, 1.0)
    xs = x * (deg_out ** -0.5)[:, None]
    agg = jnp.zeros((n_nodes, x.shape[1]), dtype=x.dtype).at[dst].add(xs[src])
    deg_in = jnp.bincount(dst, length=n_nodes).astype(x.dtype)
    deg_in = jnp.maximum(deg_in, 1.0)
    agg = agg * (deg_in ** -0.5)[:, None]
    return agg @ W + b


def setup_inputs(seed: int = 0) -> dict:
    key = jax.random.key(seed)
    ks = jax.random.split(key, 10)
    features = jax.random.normal(ks[0], (N_NODES, IN_DIM), dtype=jnp.float32)
    edge_index = jax.random.randint(ks[1], (2, N_EDGES), 0, N_NODES, dtype=jnp.int32)
    W1 = jax.random.normal(ks[2], (IN_DIM, H1), dtype=jnp.float32) * 0.05
    b1 = jnp.zeros((H1,), dtype=jnp.float32)
    W2 = jax.random.normal(ks[3], (H1, H2), dtype=jnp.float32) * 0.05
    b2 = jnp.zeros((H2,), dtype=jnp.float32)
    W3 = jax.random.normal(ks[4], (H1, H2), dtype=jnp.float32) * 0.05
    b3 = jnp.zeros((H2,), dtype=jnp.float32)
    # reparameterization noise (deterministic stand-in for torch.randn)
    noise = jax.random.normal(ks[5], (N_NODES, H2), dtype=jnp.float32)
    return {"features": features, "edge_index": edge_index, "W1": W1, "b1": b1,
            "W2": W2, "b2": b2, "W3": W3, "b3": b3, "noise": noise}


def reference(features, edge_index, W1, b1, W2, b2, W3, b3, noise):
    src = edge_index[0]
    dst = edge_index[1]
    n = features.shape[0]
    h = jax.nn.relu(graph_conv(features, src, dst, W1, b1, n))
    mean = graph_conv(h, src, dst, W2, b2, n)
    log_std = graph_conv(h, src, dst, W3, b3, n)
    sampled_z = mean + noise * jnp.exp(log_std)
    return sampled_z

if __name__ == "__main__":
    import jax
    _d = setup_inputs()
    print(jax.jit(kernel)(*tuple(_d.values())))

</pallas_src>

<mosaic_0001>
#map = affine_map<(d0, d1) -> (0, 0)>
module attributes {stable_mosaic.version = 14 : i64} {
  func.func @k(%arg0: i32, %arg1: i32, %arg2: memref<20000x128xf32, #tpu.memory_space<hbm>>, %arg3: memref<1280x125xi32, #tpu.memory_space<hbm>>, %arg4: memref<20000x128xf32, #tpu.memory_space<hbm>>, %arg5: memref<10000x128xf32, #tpu.memory_space<vmem_shared>>, %arg6: memref<125x128xf32, #tpu.memory_space<vmem>>, %arg7: memref<125x128xf32, #tpu.memory_space<vmem>>, %arg8: memref<125x128xf32, #tpu.memory_space<vmem>>, %arg9: memref<8x125xi32, #tpu.memory_space<vmem>>, %arg10: memref<125xi32, #tpu.memory_space<vmem>>, %arg11: memref<125xi32, #tpu.memory_space<vmem>>, %arg12: memref<125xi32, #tpu.memory_space<vmem>>, %arg13: memref<125xi32, #tpu.memory_space<vmem>>, %arg14: memref<125xi32, #tpu.memory_space<vmem>>, %arg15: memref<125xi32, #tpu.memory_space<vmem>>, %arg16: memref<!tpu.dma_semaphore, #tpu.memory_space<semaphore_mem>>, %arg17: memref<!tpu.dma_semaphore, #tpu.memory_space<semaphore_mem>>, %arg18: memref<!tpu.dma_semaphore, #tpu.memory_space<semaphore_mem>>, %arg19: memref<!tpu.dma_semaphore, #tpu.memory_space<semaphore_mem>>) attributes {dimension_semantics = [#tpu.dimension_semantics<core_parallel>, #tpu.dimension_semantics<subcore_parallel>], iteration_bounds = array<i64: 2, 16>, scalar_prefetch = 0 : i64, scratch_operands = 15 : i64, tpu.core_type = #tpu.core_type<sc_vector_subcore>, window_params = [{transform_indices = #map}, {transform_indices = #map}, {transform_indices = #map}]} {
    %mul3A = arith.constant 10000 : i32
    %mul3A_0 = arith.muli %arg0, %mul3A : i32
    %broadcast_in_dim3A = arith.constant 0.000000e+00 : f32
    %broadcast_in_dim3A_1 = vector.broadcast %broadcast_in_dim3A : f32 to vector<16xf32>
    %mul3A_2 = arith.constant 80 : i32
    %mul3A_3 = arith.muli %arg1, %mul3A_2 : i32
    "tpu.region"() ({
      %run_scoped3A = tpu.sem_alloc : memref<!tpu.dma_semaphore, #tpu.memory_space<semaphore_mem>>
      %dma_start3A_544 = arith.constant 0 : i32
      %dma_start3A_545 = tpu.memref_slice %arg3[%mul3A_3, %dma_start3A_544] : memref<1280x125xi32, #tpu.memory_space<hbm>> -> memref<8x125xi32, #tpu.memory_space<hbm>>
      %dma_start3A_546 = arith.constant 0 : i32
      %dma_start3A_547 = tpu.memref_slice %arg3[%mul3A_3, %dma_start3A_546] : memref<1280x125xi32, #tpu.memory_space<hbm>> -> memref<8x125xi32, #tpu.memory_space<hbm>>
      tpu.enqueue_dma source(%dma_start3A_547 : memref<8x125xi32, #tpu.memory_space<hbm>>) target(%arg9 : memref<8x125xi32, #tpu.memory_space<vmem>>) target_semaphore(%run_scoped3A : memref<!tpu.dma_semaphore, #tpu.memory_space<semaphore_mem>>)
      %dma_wait3A = arith.constant 0 : i32
      %dma_wait3A_548 = tpu.memref_slice %arg3[%mul3A_3, %dma_wait3A] : memref<1280x125xi32, #tpu.memory_space<hbm>> -> memref<8x125xi32, #tpu.memory_space<hbm>>
      %dma_wait3A_549 = arith.constant 0 : i32
      %dma_wait3A_550 = tpu.memref_slice %arg3[%mul3A_3, %dma_wait3A_549] : memref<1280x125xi32, #tpu.memory_space<hbm>> -> memref<8x125xi32, #tpu.memory_space<hbm>>
      tpu.wait_dma2 semaphore(%run_scoped3A : memref<!tpu.dma_semaphore, #tpu.memory_space<semaphore_mem>>) src(%dma_wait3A_550 : memref<8x125xi32, #tpu.memory_space<hbm>>) dst(%arg9 : memref<8x125xi32, #tpu.memory_space<vmem>>)
      tpu.yield
    }) : () -> ()
    %scan3A = arith.constant 0 : i32
    %scan3A_4 = arith.constant 125 : i32
    %scan3A_5 = arith.addi %scan3A, %scan3A_4 : i32
    %scan3A_6 = arith.constant 1 : i32
    scf.for %scan3A_544 = %scan3A to %scan3A_5 step %scan3A_6  : i32 {
      %mul3A_545 = arith.constant 1 : i32
      %mul3A_546 = arith.muli %scan3A_544, %mul3A_545 : i32
      %add3A_547 = arith.constant 0 : i32
      %add3A_548 = arith.addi %add3A_547, %mul3A_546 : i32
      %scan3A_549 = arith.constant 0 : i32
      %scan3A_550 = arith.constant 8 : i32
      %scan3A_551 = arith.addi %scan3A_549, %scan3A_550 : i32
      %scan3A_552 = arith.constant 1 : i32
      scf.for %scan3A_554 = %scan3A_549 to %scan3A_551 step %scan3A_552  : i32 {
        %mul3A_555 = arith.constant 1 : i32
        %mul3A_556 = arith.muli %scan3A_554, %mul3A_555 : i32
        %add3A_557 = arith.constant 0 : i32
        %add3A_558 = arith.addi %add3A_557, %mul3A_556 : i32
        %mul3A_559 = arith.constant 16 : i32
        %mul3A_560 = arith.muli %add3A_558, %mul3A_559 : i32
        %swap3A_561 = arith.index_cast %add3A_548 : i32 to index
        %swap3A_562 = arith.index_cast %mul3A_560 : i32 to index
        %swap3A_563 = tpu.vector_load %arg6[%swap3A_561, %swap3A_562] {strides = array<i32>} : memref<125x128xf32, #tpu.memory_space<vmem>>, vector<1x16xf32>,
        %swap3A_564 = vector.shape_cast %swap3A_563 : vector<1x16xf32> to vector<16xf32>
        %swap3A_565 = vector.shape_cast %broadcast_in_dim3A_1 : vector<16xf32> to vector<1x16xf32>
        tpu.vector_store %arg6[%swap3A_561, %swap3A_562], %swap3A_565 {strides = array<i32>} : memref<125x128xf32, #tpu.memory_space<vmem>>, vector<1x16xf32>,
      }
      %scan3A_553 = arith.constant 8 : i32
    }
    %scan3A_7 = arith.constant 125 : i32
    %mul3A_8 = arith.constant 624 : i32
    %mul3A_9 = arith.muli %arg1, %mul3A_8 : i32
    %scan3A_10 = arith.constant 0 : i32
    %scan3A_11 = arith.constant 4 : i32
    %scan3A_12 = arith.addi %scan3A_10, %scan3A_11 : i32
    %scan3A_13 = arith.constant 1 : i32
    scf.for %scan3A_544 = %scan3A_10 to %scan3A_12 step %scan3A_13  : i32 {
      %mul3A_545 = arith.constant 1 : i32
      %mul3A_546 = arith.muli %scan3A_544, %mul3A_545 : i32
      %add3A_547 = arith.constant 0 : i32
      %add3A_548 = arith.addi %add3A_547, %mul3A_546 : i32
      %mul3A_549 = arith.constant 125 : i32
      %mul3A_550 = arith.muli %add3A_548, %mul3A_549 : i32
      %add3A_551 = arith.addi %mul3A_9, %mul3A_550 : i32
      "tpu.region"() ({
        %run_scoped3A = tpu.sem_alloc : memref<!tpu.dma_semaphore, #tpu.memory_space<semaphore_mem>>
        %dma_start3A_552 = arith.constant 0 : i32
        %dma_start3A_553 = tpu.memref_slice %arg5[%add3A_551, %dma_start3A_552] : memref<10000x128xf32, #tpu.memory_space<vmem_shared>> -> memref<125x128xf32, #tpu.memory_space<vmem_shared>>
        %dma_start3A_554 = arith.constant 0 : i32
        %dma_start3A_555 = tpu.memref_slice %arg5[%add3A_551, %dma_start3A_554] : memref<10000x128xf32, #tpu.memory_space<vmem_shared>> -> memref<125x128xf32, #tpu.memory_space<vmem_shared>>
        tpu.enqueue_dma source(%arg6 : memref<125x128xf32, #tpu.memory_space<vmem>>) target(%dma_start3A_555 : memref<125x128xf32, #tpu.memory_space<vmem_shared>>) target_semaphore(%run_scoped3A : memref<!tpu.dma_semaphore, #tpu.memory_space<semaphore_mem>>)
        %dma_wait3A = arith.constant 0 : i32
        %dma_wait3A_556 = tpu.memref_slice %arg5[%add3A_551, %dma_wait3A] : memref<10000x128xf32, #tpu.memory_space<vmem_shared>> -> memref<125x128xf32, #tpu.memory_space<vmem_shared>>
        %dma_wait3A_557 = arith.constant 0 : i32
        %dma_wait3A_558 = tpu.memref_slice %arg5[%add3A_551, %dma_wait3A_557] : memref<10000x128xf32, #tpu.memory_space<vmem_shared>> -> memref<125x128xf32, #tpu.memory_space<vmem_shared>>
        tpu.wait_dma2 semaphore(%run_scoped3A : memref<!tpu.dma_semaphore, #tpu.memory_space<semaphore_mem>>) src(%arg6 : memref<125x128xf32, #tpu.memory_space<vmem>>) dst(%dma_wait3A_558 : memref<125x128xf32, #tpu.memory_space<vmem_shared>>)
        tpu.yield
      }) : () -> ()
    }
    %scan3A_14 = arith.constant 4 : i32
    %lt3A = arith.constant 15 : i32
    %lt3A_15 = arith.cmpi slt, %arg1, %lt3A : i32
    %convert_element_type3A = arith.extui %lt3A_15 : i1 to i32
    %cond3A = arith.constant 0 : i32
    %cond3A_16 = arith.cmpi ne, %convert_element_type3A, %cond3A : i32
    scf.if %cond3A_16 {
      %add3A_544 = arith.constant 500 : i32
      %add3A_545 = arith.addi %mul3A_9, %add3A_544 : i32
      "tpu.region"() ({
        %run_scoped3A = tpu.sem_alloc : memref<!tpu.dma_semaphore, #tpu.memory_space<semaphore_mem>>
        %dma_start3A_546 = arith.constant 0 : i32
        %dma_start3A_547 = arith.constant 0 : i32
        %dma_start3A_548 = tpu.memref_slice %arg6[%dma_start3A_546, %dma_start3A_547] : memref<125x128xf32, #tpu.memory_space<vmem>> -> memref<124x128xf32, #tpu.memory_space<vmem>>
        %dma_start3A_549 = arith.constant 0 : i32
        %dma_start3A_550 = tpu.memref_slice %arg5[%add3A_545, %dma_start3A_549] : memref<10000x128xf32, #tpu.memory_space<vmem_shared>> -> memref<124x128xf32, #tpu.memory_space<vmem_shared>>
        %dma_start3A_551 = arith.constant 0 : i32
        %dma_start3A_552 = tpu.memref_slice %arg5[%add3A_545, %dma_start3A_551] : memref<10000x128xf32, #tpu.memory_space<vmem_shared>> -> memref<124x128xf32, #tpu.memory_space<vmem_shared>>
        %dma_start3A_553 = arith.constant 0 : i32
        %dma_start3A_554 = arith.constant 0 : i32
        %dma_start3A_555 = tpu.memref_slice %arg6[%dma_start3A_553, %dma_start3A_554] : memref<125x128xf32, #tpu.memory_space<vmem>> -> memref<124x128xf32, #tpu.memory_space<vmem>>
        tpu.enqueue_dma source(%dma_start3A_555 : memref<124x128xf32, #tpu.memory_space<vmem>>) target(%dma_start3A_552 : memref<124x128xf32, #tpu.memory_space<vmem_shared>>) target_semaphore(%run_scoped3A : memref<!tpu.dma_semaphore, #tpu.memory_space<semaphore_mem>>)
        %dma_wait3A = arith.constant 0 : i32
        %dma_wait3A_556 = arith.constant 0 : i32
        %dma_wait3A_557 = tpu.memref_slice %arg6[%dma_wait3A, %dma_wait3A_556] : memref<125x128xf32, #tpu.memory_space<vmem>> -> memref<124x128xf32, #tpu.memory_space<vmem>>
        %dma_wait3A_558 = arith.constant 0 : i32
        %dma_wait3A_559 = tpu.memref_slice %arg5[%add3A_545, %dma_wait3A_558] : memref<10000x128xf32, #tpu.memory_space<vmem_shared>> -> memref<124x128xf32, #tpu.memory_space<vmem_shared>>
        %dma_wait3A_560 = arith.constant 0 : i32
        %dma_wait3A_561 = tpu.memref_slice %arg5[%add3A_545, %dma_wait3A_560] : memref<10000x128xf32, #tpu.memory_space<vmem_shared>> -> memref<124x128xf32, #tpu.memory_space<vmem_shared>>
        %dma_wait3A_562 = arith.constant 0 : i32
        %dma_wait3A_563 = arith.constant 0 : i32
        %dma_wait3A_564 = tpu.memref_slice %arg6[%dma_wait3A_562, %dma_wait3A_563] : memref<125x128xf32, #tpu.memory_space<vmem>> -> memref<124x128xf32, #tpu.memory_space<vmem>>
        tpu.wait_dma2 semaphore(%run_scoped3A : memref<!tpu.dma_semaphore, #tpu.memory_space<semaphore_mem>>) src(%dma_wait3A_564 : memref<124x128xf32, #tpu.memory_space<vmem>>) dst(%dma_wait3A_561 : memref<124x128xf32, #tpu.memory_space<vmem_shared>>)
        tpu.yield
      }) : () -> ()
    } else {
    }
    %eq3A = arith.constant 15 : i32
    %eq3A_17 = arith.cmpi eq, %arg1, %eq3A : i32
    %convert_element_type3A_18 = arith.extui %eq3A_17 : i1 to i32
    %cond3A_19 = arith.constant 0 : i32
    %cond3A_20 = arith.cmpi ne, %convert_element_type3A_18, %cond3A_19 : i32
    scf.if %cond3A_20 {
      %add3A_544 = arith.constant 500 : i32
      %add3A_545 = arith.addi %mul3A_9, %add3A_544 : i32
      "tpu.region"() ({
        %run_scoped3A = tpu.sem_alloc : memref<!tpu.dma_semaphore, #tpu.memory_space<semaphore_mem>>
        %dma_start3A_548 = arith.constant 0 : i32
        %dma_start3A_549 = tpu.memref_slice %arg5[%add3A_545, %dma_start3A_548] : memref<10000x128xf32, #tpu.memory_space<vmem_shared>> -> memref<125x128xf32, #tpu.memory_space<vmem_shared>>
        %dma_start3A_550 = arith.constant 0 : i32
        %dma_start3A_551 = tpu.memref_slice %arg5[%add3A_545, %dma_start3A_550] : memref<10000x128xf32, #tpu.memory_space<vmem_shared>> -> memref<125x128xf32, #tpu.memory_space<vmem_shared>>
        tpu.enqueue_dma source(%arg6 : memref<125x128xf32, #tpu.memory_space<vmem>>) target(%dma_start3A_551 : memref<125x128xf32, #tpu.memory_space<vmem_shared>>) target_semaphore(%run_scoped3A : memref<!tpu.dma_semaphore, #tpu.memory_space<semaphore_mem>>)
        %dma_wait3A = arith.constant 0 : i32
        %dma_wait3A_552 = tpu.memref_slice %arg5[%add3A_545, %dma_wait3A] : memref<10000x128xf32, #tpu.memory_space<vmem_shared>> -> memref<125x128xf32, #tpu.memory_space<vmem_shared>>
        %dma_wait3A_553 = arith.constant 0 : i32
        %dma_wait3A_554 = tpu.memref_slice %arg5[%add3A_545, %dma_wait3A_553] : memref<10000x128xf32, #tpu.memory_space<vmem_shared>> -> memref<125x128xf32, #tpu.memory_space<vmem_shared>>
        tpu.wait_dma2 semaphore(%run_scoped3A : memref<!tpu.dma_semaphore, #tpu.memory_space<semaphore_mem>>) src(%arg6 : memref<125x128xf32, #tpu.memory_space<vmem>>) dst(%dma_wait3A_554 : memref<125x128xf32, #tpu.memory_space<vmem_shared>>)
        tpu.yield
      }) : () -> ()
      %add3A_546 = arith.constant 625 : i32
      %add3A_547 = arith.addi %mul3A_9, %add3A_546 : i32
      "tpu.region"() ({
        %run_scoped3A = tpu.sem_alloc : memref<!tpu.dma_semaphore, #tpu.memory_space<semaphore_mem>>
        %dma_start3A_548 = arith.constant 0 : i32
        %dma_start3A_549 = arith.constant 0 : i32
        %dma_start3A_550 = tpu.memref_slice %arg6[%dma_start3A_548, %dma_start3A_549] : memref<125x128xf32, #tpu.memory_space<vmem>> -> memref<15x128xf32, #tpu.memory_space<vmem>>
        %dma_start3A_551 = arith.constant 0 : i32
        %dma_start3A_552 = tpu.memref_slice %arg5[%add3A_547, %dma_start3A_551] : memref<10000x128xf32, #tpu.memory_space<vmem_shared>> -> memref<15x128xf32, #tpu.memory_space<vmem_shared>>
        %dma_start3A_553 = arith.constant 0 : i32
        %dma_start3A_554 = tpu.memref_slice %arg5[%add3A_547, %dma_start3A_553] : memref<10000x128xf32, #tpu.memory_space<vmem_shared>> -> memref<15x128xf32, #tpu.memory_space<vmem_shared>>
        %dma_start3A_555 = arith.constant 0 : i32
        %dma_start3A_556 = arith.constant 0 : i32
        %dma_start3A_557 = tpu.memref_slice %arg6[%dma_start3A_555, %dma_start3A_556] : memref<125x128xf32, #tpu.memory_space<vmem>> -> memref<15x128xf32, #tpu.memory_space<vmem>>
        tpu.enqueue_dma source(%dma_start3A_557 : memref<15x128xf32, #tpu.memory_space<vmem>>) target(%dma_start3A_554 : memref<15x128xf32, #tpu.memory_space<vmem_shared>>) target_semaphore(%run_scoped3A : memref<!tpu.dma_semaphore, #tpu.memory_space<semaphore_mem>>)
        %dma_wait3A = arith.constant 0 : i32
        %dma_wait3A_558 = arith.constant 0 : i32
        %dma_wait3A_559 = tpu.memref_slice %arg6[%dma_wait3A, %dma_wait3A_558] : memref<125x128xf32, #tpu.memory_space<vmem>> -> memref<15x128xf32, #tpu.memory_space<vmem>>
        %dma_wait3A_560 = arith.constant 0 : i32
        %dma_wait3A_561 = tpu.memref_slice %arg5[%add3A_547, %dma_wait3A_560] : memref<10000x128xf32, #tpu.memory_space<vmem_shared>> -> memref<15x128xf32, #tpu.memory_space<vmem_shared>>
        %dma_wait3A_562 = arith.constant 0 : i32
        %dma_wait3A_563 = tpu.memref_slice %arg5[%add3A_547, %dma_wait3A_562] : memref<10000x128xf32, #tpu.memory_space<vmem_shared>> -> memref<15x128xf32, #tpu.memory_space<vmem_shared>>
        %dma_wait3A_564 = arith.constant 0 : i32
        %dma_wait3A_565 = arith.constant 0 : i32
        %dma_wait3A_566 = tpu.memref_slice %arg6[%dma_wait3A_564, %dma_wait3A_565] : memref<125x128xf32, #tpu.memory_space<vmem>> -> memref<15x128xf32, #tpu.memory_space<vmem>>
        tpu.wait_dma2 semaphore(%run_scoped3A : memref<!tpu.dma_semaphore, #tpu.memory_space<semaphore_mem>>) src(%dma_wait3A_566 : memref<15x128xf32, #tpu.memory_space<vmem>>) dst(%dma_wait3A_563 : memref<15x128xf32, #tpu.memory_space<vmem_shared>>)
        tpu.yield
      }) : () -> ()
    } else {
    }
    %barrier3A = arith.constant 0 : index
    tpu.barrier barrier_id(%barrier3A)
    %get3A = arith.constant 0 : i32
    %get3A_21 = arith.index_cast %get3A : i32 to index
    %get3A_22 = arith.constant 0 : index
    %get3A_23 = tpu.vector_load %arg9[%get3A_21, %get3A_22] {strides = array<i32>} : memref<8x125xi32, #tpu.memory_space<vmem>>, vector<1x16xi32>,
    %get3A_24 = vector.shape_cast %get3A_23 : vector<1x16xi32> to vector<16xi32>
    %and3A = arith.constant 65535 : i32
    %and3A_25 = vector.broadcast %and3A : i32 to vector<16xi32>
    %and3A_26 = arith.andi %get3A_24, %and3A_25 : vector<16xi32>
    %add3A = vector.broadcast %mul3A_0 : i32 to vector<16xi32>
    %add3A_27 = arith.addi %and3A_26, %add3A : vector<16xi32>
    %swap3A = arith.constant 0 : index
    %swap3A_28 = tpu.vector_load %arg10[%swap3A] {strides = array<i32>} : memref<125xi32, #tpu.memory_space<vmem>>, vector<16xi32>,
    %swap3A_29 = vector.shape_cast %swap3A_28 : vector<16xi32> to vector<16xi32>
    %swap3A_30 = vector.shape_cast %add3A_27 : vector<16xi32> to vector<16xi32>
    tpu.vector_store %arg10[%swap3A], %swap3A_30 {strides = array<i32>} : memref<125xi32, #tpu.memory_space<vmem>>, vector<16xi32>,
    %shift_right_arithmetic3A = arith.constant 16 : i32
    %shift_right_arithmetic3A_31 = vector.broadcast %shift_right_arithmetic3A : i32 to vector<16xi32>
    %shift_right_arithmetic3A_32 = arith.shrsi %get3A_24, %shift_right_arithmetic3A_31 : vector<16xi32>
    %swap3A_33 = arith.constant 0 : index
    %swap3A_34 = tpu.vector_load %arg11[%swap3A_33] {strides = array<i32>} : memref<125xi32, #tpu.memory_space<vmem>>, vector<16xi32>,
    %swap3A_35 = vector.shape_cast %swap3A_34 : vector<16xi32> to vector<16xi32>
    %swap3A_36 = vector.shape_cast %shift_right_arithmetic3A_32 : vector<16xi32> to vector<16xi32>
    tpu.vector_store %arg11[%swap3A_33], %swap3A_36 {strides = array<i32>} : memref<125xi32, #tpu.memory_space<vmem>>, vector<16xi32>,
    %get3A_37 = arith.constant 0 : i32
    %get3A_38 = arith.index_cast %get3A_37 : i32 to index
    %get3A_39 = arith.constant 16 : index
    %get3A_40 = tpu.vector_load %arg9[%get3A_38, %get3A_39] {strides = array<i32>} : memref<8x125xi32, #tpu.memory_space<vmem>>, vector<1x16xi32>,
    %get3A_41 = vector.shape_cast %get3A_40 : vector<1x16xi32> to vector<16xi32>
    %and3A_42 = arith.constant 65535 : i32
    %and3A_43 = vector.broadcast %and3A_42 : i32 to vector<16xi32>
    %and3A_44 = arith.andi %get3A_41, %and3A_43 : vector<16xi32>
    %add3A_45 = vector.broadcast %mul3A_0 : i32 to vector<16xi32>
    %add3A_46 = arith.addi %and3A_44, %add3A_45 : vector<16xi32>
    %swap3A_47 = arith.constant 16 : index
    %swap3A_48 = tpu.vector_load %arg10[%swap3A_47] {strides = array<i32>} : memref<125xi32, #tpu.memory_space<vmem>>, vector<16xi32>,
    %swap3A_49 = vector.shape_cast %swap3A_48 : vector<16xi32> to vector<16xi32>
    %swap3A_50 = vector.shape_cast %add3A_46 : vector<16xi32> to vector<16xi32>
    tpu.vector_store %arg10[%swap3A_47], %swap3A_50 {strides = array<i32>} : memref<125xi32, #tpu.memory_space<vmem>>, vector<16xi32>,
    %shift_right_arithmetic3A_51 = arith.constant 16 : i32
    %shift_right_arithmetic3A_52 = vector.broadcast %shift_right_arithmetic3A_51 : i32 to vector<16xi32>
    %shift_right_arithmetic3A_53 = arith.shrsi %get3A_41, %shift_right_arithmetic3A_52 : vector<16xi32>
    %swap3A_54 = arith.constant 16 : index
    %swap3A_55 = tpu.vector_load %arg11[%swap3A_54] {strides = array<i32>} : memref<125xi32, #tpu.memory_space<vmem>>, vector<16xi32>,
    %swap3A_56 = vector.shape_cast %swap3A_55 : vector<16xi32> to vector<16xi32>
    %swap3A_57 = vector.shape_cast %shift_right_arithmetic3A_53 : vector<16xi32> to vector<16xi32>
    tpu.vector_store %arg11[%swap3A_54], %swap3A_57 {strides = array<i32>} : memref<125xi32, #tpu.memory_space<vmem>>, vector<16xi32>,
    %get3A_58 = arith.constant 0 : i32
    %get3A_59 = arith.index_cast %get3A_58 : i32 to index
    %get3A_60 = arith.constant 32 : index
    %get3A_61 = tpu.vector_load %arg9[%get3A_59, %get3A_60] {strides = array<i32>} : memref<8x125xi32, #tpu.memory_space<vmem>>, vector<1x16xi32>,
    %get3A_62 = vector.shape_cast %get3A_61 : vector<1x16xi32> to vector<16xi32>
    %and3A_63 = arith.constant 65535 : i32
    %and3A_64 = vector.broadcast %and3A_63 : i32 to vector<16xi32>
    %and3A_65 = arith.andi %get3A_62, %and3A_64 : vector<16xi32>
    %add3A_66 = vector.broadcast %mul3A_0 : i32 to vector<16xi32>
    %add3A_67 = arith.addi %and3A_65, %add3A_66 : vector<16xi32>
    %swap3A_68 = arith.constant 32 : index
    %swap3A_69 = tpu.vector_load %arg10[%swap3A_68] {strides = array<i32>} : memref<125xi32, #tpu.memory_space<vmem>>, vector<16xi32>,
    %swap3A_70 = vector.shape_cast %swap3A_69 : vector<16xi32> to vector<16xi32>
    %swap3A_71 = vector.shape_cast %add3A_67 : vector<16xi32> to vector<16xi32>
    tpu.vector_store %arg10[%swap3A_68], %swap3A_71 {strides = array<i32>} : memref<125xi32, #tpu.memory_space<vmem>>, vector<16xi32>,
    %shift_right_arithmetic3A_72 = arith.constant 16 : i32
    %shift_right_arithmetic3A_73 = vector.broadcast %shift_right_arithmetic3A_72 : i32 to vector<16xi32>
    %shift_right_arithmetic3A_74 = arith.shrsi %get3A_62, %shift_right_arithmetic3A_73 : vector<16xi32>
    %swap3A_75 = arith.constant 32 : index
    %swap3A_76 = tpu.vector_load %arg11[%swap3A_75] {strides = array<i32>} : memref<125xi32, #tpu.memory_space<vmem>>, vector<16xi32>,
    %swap3A_77 = vector.shape_cast %swap3A_76 : vector<16xi32> to vector<16xi32>
    %swap3A_78 = vector.shape_cast %shift_right_arithmetic3A_74 : vector<16xi32> to vector<16xi32>
    tpu.vector_store %arg11[%swap3A_75], %swap3A_78 {strides = array<i32>} : memref<125xi32, #tpu.memory_space<vmem>>, vector<16xi32>,
    %get3A_79 = arith.constant 0 : i32
    %get3A_80 = arith.index_cast %get3A_79 : i32 to index
    %get3A_81 = arith.constant 48 : index
    %get3A_82 = tpu.vector_load %arg9[%get3A_80, %get3A_81] {strides = array<i32>} : memref<8x125xi32, #tpu.memory_space<vmem>>, vector<1x16xi32>,
    %get3A_83 = vector.shape_cast %get3A_82 : vector<1x16xi32> to vector<16xi32>
    %and3A_84 = arith.constant 65535 : i32
    %and3A_85 = vector.broadcast %and3A_84 : i32 to vector<16xi32>
    %and3A_86 = arith.andi %get3A_83, %and3A_85 : vector<16xi32>
    %add3A_87 = vector.broadcast %mul3A_0 : i32 to vector<16xi32>
    %add3A_88 = arith.addi %and3A_86, %add3A_87 : vector<16xi32>
    %swap3A_89 = arith.constant 48 : index
    %swap3A_90 = tpu.vector_load %arg10[%swap3A_89] {strides = array<i32>} : memref<125xi32, #tpu.memory_space<vmem>>, vector<16xi32>,
    %swap3A_91 = vector.shape_cast %swap3A_90 : vector<16xi32> to vector<16xi32>
    %swap3A_92 = vector.shape_cast %add3A_88 : vector<16xi32> to vector<16xi32>
    tpu.vector_store %arg10[%swap3A_89], %swap3A_92 {strides = array<i32>} : memref<125xi32, #tpu.memory_space<vmem>>, vector<16xi32>,
    %shift_right_arithmetic3A_93 = arith.constant 16 : i32
    %shift_right_arithmetic3A_94 = vector.broadcast %shift_right_arithmetic3A_93 : i32 to vector<16xi32>
    %shift_right_arithmetic3A_95 = arith.shrsi %get3A_83, %shift_right_arithmetic3A_94 : vector<16xi32>
    %swap3A_96 = arith.constant 48 : index
    %swap3A_97 = tpu.vector_load %arg11[%swap3A_96] {strides = array<i32>} : memref<125xi32, #tpu.memory_space<vmem>>, vector<16xi32>,
    %swap3A_98 = vector.shape_cast %swap3A_97 : vector<16xi32> to vector<16xi32>
    %swap3A_99 = vector.shape_cast %shift_right_arithmetic3A_95 : vector<16xi32> to vector<16xi32>
    tpu.vector_store %arg11[%swap3A_96], %swap3A_99 {strides = array<i32>} : memref<125xi32, #tpu.memory_space<vmem>>, vector<16xi32>,
    %get3A_100 = arith.constant 0 : i32
    %get3A_101 = arith.index_cast %get3A_100 : i32 to index
    %get3A_102 = arith.constant 64 : index
    %get3A_103 = tpu.vector_load %arg9[%get3A_101, %get3A_102] {strides = array<i32>} : memref<8x125xi32, #tpu.memory_space<vmem>>, vector<1x16xi32>,
    %get3A_104 = vector.shape_cast %get3A_103 : vector<1x16xi32> to vector<16xi32>
    %and3A_105 = arith.constant 65535 : i32
    %and3A_106 = vector.broadcast %and3A_105 : i32 to vector<16xi32>
    %and3A_107 = arith.andi %get3A_104, %and3A_106 : vector<16xi32>
    %add3A_108 = vector.broadcast %mul3A_0 : i32 to vector<16xi32>
    %add3A_109 = arith.addi %and3A_107, %add3A_108 : vector<16xi32>
    %swap3A_110 = arith.constant 64 : index
    %swap3A_111 = tpu.vector_load %arg10[%swap3A_110] {strides = array<i32>} : memref<125xi32, #tpu.memory_space<vmem>>, vector<16xi32>,
    %swap3A_112 = vector.shape_cast %swap3A_111 : vector<16xi32> to vector<16xi32>
    %swap3A_113 = vector.shape_cast %add3A_109 : vector<16xi32> to vector<16xi32>
    tpu.vector_store %arg10[%swap3A_110], %swap3A_113 {strides = array<i32>} : memref<125xi32, #tpu.memory_space<vmem>>, vector<16xi32>,
    %shift_right_arithmetic3A_114 = arith.constant 16 : i32
    %shift_right_arithmetic3A_115 = vector.broadcast %shift_right_arithmetic3A_114 : i32 to vector<16xi32>
    %shift_right_arithmetic3A_116 = arith.shrsi %get3A_104, %shift_right_arithmetic3A_115 : vector<16xi32>
    %swap3A_117 = arith.constant 64 : index
    %swap3A_118 = tpu.vector_load %arg11[%swap3A_117] {strides = array<i32>} : memref<125xi32, #tpu.memory_space<vmem>>, vector<16xi32>,
    %swap3A_119 = vector.shape_cast %swap3A_118 : vector<16xi32> to vector<16xi32>
    %swap3A_120 = vector.shape_cast %shift_right_arithmetic3A_116 : vector<16xi32> to vector<16xi32>
    tpu.vector_store %arg11[%swap3A_117], %swap3A_120 {strides = array<i32>} : memref<125xi32, #tpu.memory_space<vmem>>, vector<16xi32>,
    %get3A_121 = arith.constant 0 : i32
    %get3A_122 = arith.index_cast %get3A_121 : i32 to index
    %get3A_123 = arith.constant 80 : index
    %get3A_124 = tpu.vector_load %arg9[%get3A_122, %get3A_123] {strides = array<i32>} : memref<8x125xi32, #tpu.memory_space<vmem>>, vector<1x16xi32>,
    %get3A_125 = vector.shape_cast %get3A_124 : vector<1x16xi32> to vector<16xi32>
    %and3A_126 = arith.constant 65535 : i32
    %and3A_127 = vector.broadcast %and3A_126 : i32 to vector<16xi32>
    %and3A_128 = arith.andi %get3A_125, %and3A_127 : vector<16xi32>
    %add3A_129 = vector.broadcast %mul3A_0 : i32 to vector<16xi32>
    %add3A_130 = arith.addi %and3A_128, %add3A_129 : vector<16xi32>
    %swap3A_131 = arith.constant 80 : index
    %swap3A_132 = tpu.vector_load %arg10[%swap3A_131] {strides = array<i32>} : memref<125xi32, #tpu.memory_space<vmem>>, vector<16xi32>,
    %swap3A_133 = vector.shape_cast %swap3A_132 : vector<16xi32> to vector<16xi32>
    %swap3A_134 = vector.shape_cast %add3A_130 : vector<16xi32> to vector<16xi32>
    tpu.vector_store %arg10[%swap3A_131], %swap3A_134 {strides = array<i32>} : memref<125xi32, #tpu.memory_space<vmem>>, vector<16xi32>,
    %shift_right_arithmetic3A_135 = arith.constant 16 : i32
    %shift_right_arithmetic3A_136 = vector.broadcast %shift_right_arithmetic3A_135 : i32 to vector<16xi32>
    %shift_right_arithmetic3A_137 = arith.shrsi %get3A_125, %shift_right_arithmetic3A_136 : vector<16xi32>
    %swap3A_138 = arith.constant 80 : index
    %swap3A_139 = tpu.vector_load %arg11[%swap3A_138] {strides = array<i32>} : memref<125xi32, #tpu.memory_space<vmem>>, vector<16xi32>,
    %swap3A_140 = vector.shape_cast %swap3A_139 : vector<16xi32> to vector<16xi32>
    %swap3A_141 = vector.shape_cast %shift_right_arithmetic3A_137 : vector<16xi32> to vector<16xi32>
    tpu.vector_store %arg11[%swap3A_138], %swap3A_141 {strides = array<i32>} : memref<125xi32, #tpu.memory_space<vmem>>, vector<16xi32>,
    %get3A_142 = arith.constant 0 : i32
    %get3A_143 = arith.index_cast %get3A_142 : i32 to index
    %get3A_144 = arith.constant 96 : index
    %get3A_145 = tpu.vector_load %arg9[%get3A_143, %get3A_144] {strides = array<i32>} : memref<8x125xi32, #tpu.memory_space<vmem>>, vector<1x16xi32>,
    %get3A_146 = vector.shape_cast %get3A_145 : vector<1x16xi32> to vector<16xi32>
    %and3A_147 = arith.constant 65535 : i32
    %and3A_148 = vector.broadcast %and3A_147 : i32 to vector<16xi32>
    %and3A_149 = arith.andi %get3A_146, %and3A_148 : vector<16xi32>
    %add3A_150 = vector.broadcast %mul3A_0 : i32 to vector<16xi32>
    %add3A_151 = arith.addi %and3A_149, %add3A_150 : vector<16xi32>
    %swap3A_152 = arith.constant 96 : index
    %swap3A_153 = tpu.vector_load %arg10[%swap3A_152] {strides = array<i32>} : memref<125xi32, #tpu.memory_space<vmem>>, vector<16xi32>,
    %swap3A_154 = vector.shape_cast %swap3A_153 : vector<16xi32> to vector<16xi32>
    %swap3A_155 = vector.shape_cast %add3A_151 : vector<16xi32> to vector<16xi32>
    tpu.vector_store %arg10[%swap3A_152], %swap3A_155 {strides = array<i32>} : memref<125xi32, #tpu.memory_space<vmem>>, vector<16xi32>,
    %shift_right_arithmetic3A_156 = arith.constant 16 : i32
    %shift_right_arithmetic3A_157 = vector.broadcast %shift_right_arithmetic3A_156 : i32 to vector<16xi32>
    %shift_right_arithmetic3A_158 = arith.shrsi %get3A_146, %shift_right_arithmetic3A_157 : vector<16xi32>
    %swap3A_159 = arith.constant 96 : index
    %swap3A_160 = tpu.vector_load %arg11[%swap3A_159] {strides = array<i32>} : memref<125xi32, #tpu.memory_space<vmem>>, vector<16xi32>,
    %swap3A_161 = vector.shape_cast %swap3A_160 : vector<16xi32> to vector<16xi32>
    %swap3A_162 = vector.shape_cast %shift_right_arithmetic3A_158 : vector<16xi32> to vector<16xi32>
    tpu.vector_store %arg11[%swap3A_159], %swap3A_162 {strides = array<i32>} : memref<125xi32, #tpu.memory_space<vmem>>, vector<16xi32>,
    %get3A_163 = arith.constant 0 : i32
    %get3A_164 = arith.index_cast %get3A_163 : i32 to index
    %get3A_165 = arith.constant 109 : index
    %get3A_166 = tpu.vector_load %arg9[%get3A_164, %get3A_165] {strides = array<i32>} : memref<8x125xi32, #tpu.memory_space<vmem>>, vector<1x16xi32>,
    %get3A_167 = vector.shape_cast %get3A_166 : vector<1x16xi32> to vector<16xi32>
    %and3A_168 = arith.constant 65535 : i32
    %and3A_169 = vector.broadcast %and3A_168 : i32 to vector<16xi32>
    %and3A_170 = arith.andi %get3A_167, %and3A_169 : vector<16xi32>
    %add3A_171 = vector.broadcast %mul3A_0 : i32 to vector<16xi32>
    %add3A_172 = arith.addi %and3A_170, %add3A_171 : vector<16xi32>
    %swap3A_173 = arith.constant 109 : index
    %swap3A_174 = tpu.vector_load %arg10[%swap3A_173] {strides = array<i32>} : memref<125xi32, #tpu.memory_space<vmem>>, vector<16xi32>,
    %swap3A_175 = vector.shape_cast %swap3A_174 : vector<16xi32> to vector<16xi32>
    %swap3A_176 = vector.shape_cast %add3A_172 : vector<16xi32> to vector<16xi32>
    tpu.vector_store %arg10[%swap3A_173], %swap3A_176 {strides = array<i32>} : memref<125xi32, #tpu.memory_space<vmem>>, vector<16xi32>,
    %shift_right_arithmetic3A_177 = arith.constant 16 : i32
    %shift_right_arithmetic3A_178 = vector.broadcast %shift_right_arithmetic3A_177 : i32 to vector<16xi32>
    %shift_right_arithmetic3A_179 = arith.shrsi %get3A_167, %shift_right_arithmetic3A_178 : vector<16xi32>
    %swap3A_180 = arith.constant 109 : index
    %swap3A_181 = tpu.vector_load %arg11[%swap3A_180] {strides = array<i32>} : memref<125xi32, #tpu.memory_space<vmem>>, vector<16xi32>,
    %swap3A_182 = vector.shape_cast %swap3A_181 : vector<16xi32> to vector<16xi32>
    %swap3A_183 = vector.shape_cast %shift_right_arithmetic3A_179 : vector<16xi32> to vector<16xi32>
    tpu.vector_store %arg11[%swap3A_180], %swap3A_183 {strides = array<i32>} : memref<125xi32, #tpu.memory_space<vmem>>, vector<16xi32>,
    %dma_start3A = arith.constant 0 : i32
    %dma_start3A_184 = arith.constant 0 : i32
    %dma_start3A_185 = tpu.memref_slice %arg2[%dma_start3A, %dma_start3A_184] : memref<20000x128xf32, #tpu.memory_space<hbm>> -> memref<20000x128xf32, #tpu.memory_space<hbm>>
    tpu.enqueue_indirect_dma source(%dma_start3A_185 : memref<20000x128xf32, #tpu.memory_space<hbm>>) target(%arg6 : memref<125x128xf32, #tpu.memory_space<vmem>>) offsets(%arg10 : memref<125xi32, #tpu.memory_space<vmem>>) semaphore(%arg16 : memref<!tpu.dma_semaphore, #tpu.memory_space<semaphore_mem>>)
    %get3A_186 = arith.constant 1 : i32
    %get3A_187 = arith.index_cast %get3A_186 : i32 to index
    %get3A_188 = arith.constant 0 : index
    %get3A_189 = tpu.vector_load %arg9[%get3A_187, %get3A_188] {strides = array<i32>} : memref<8x125xi32, #tpu.memory_space<vmem>>, vector<1x16xi32>,
    %get3A_190 = vector.shape_cast %get3A_189 : vector<1x16xi32> to vector<16xi32>
    %and3A_191 = arith.constant 65535 : i32
    %and3A_192 = vector.broadcast %and3A_191 : i32 to vector<16xi32>
    %and3A_193 = arith.andi %get3A_190, %and3A_192 : vector<16xi32>
    %add3A_194 = vector.broadcast %mul3A_0 : i32 to vector<16xi32>
    %add3A_195 = arith.addi %and3A_193, %add3A_194 : vector<16xi32>
    %swap3A_196 = arith.constant 0 : index
    %swap3A_197 = tpu.vector_load %arg12[%swap3A_196] {strides = array<i32>} : memref<125xi32, #tpu.memory_space<vmem>>, vector<16xi32>,
    %swap3A_198 = vector.shape_cast %swap3A_197 : vector<16xi32> to vector<16xi32>
    %swap3A_199 = vector.shape_cast %add3A_195 : vector<16xi32> to vector<16xi32>
    tpu.vector_store %arg12[%swap3A_196], %swap3A_199 {strides = array<i32>} : memref<125xi32, #tpu.memory_space<vmem>>, vector<16xi32>,
    %shift_right_arithmetic3A_200 = arith.constant 16 : i32
    %shift_right_arithmetic3A_201 = vector.broadcast %shift_right_arithmetic3A_200 : i32 to vector<16xi32>
    %shift_right_arithmetic3A_202 = arith.shrsi %get3A_190, %shift_right_arithmetic3A_201 : vector<16xi32>
    %swap3A_203 = arith.constant 0 : index
    %swap3A_204 = tpu.vector_load %arg13[%swap3A_203] {strides = array<i32>} : memref<125xi32, #tpu.memory_space<vmem>>, vector<16xi32>,
    %swap3A_205 = vector.shape_cast %swap3A_204 : vector<16xi32> to vector<16xi32>
    %swap3A_206 = vector.shape_cast %shift_right_arithmetic3A_202 : vector<16xi32> to vector<16xi32>
    tpu.vector_store %arg13[%swap3A_203], %swap3A_206 {strides = array<i32>} : memref<125xi32, #tpu.memory_space<vmem>>, vector<16xi32>,
    %get3A_207 = arith.constant 1 : i32
    %get3A_208 = arith.index_cast %get3A_207 : i32 to index
    %get3A_209 = arith.constant 16 : index
    %get3A_210 = tpu.vector_load %arg9[%get3A_208, %get3A_209] {strides = array<i32>} : memref<8x125xi32, #tpu.memory_space<vmem>>, vector<1x16xi32>,
    %get3A_211 = vector.shape_cast %get3A_210 : vector<1x16xi32> to vector<16xi32>
    %and3A_212 = arith.constant 65535 : i32
    %and3A_213 = vector.broadcast %and3A_212 : i32 to vector<16xi32>
    %and3A_214 = arith.andi %get3A_211, %and3A_213 : vector<16xi32>
    %add3A_215 = vector.broadcast %mul3A_0 : i32 to vector<16xi32>
    %add3A_216 = arith.addi %and3A_214, %add3A_215 : vector<16xi32>
    %swap3A_217 = arith.constant 16 : index
    %swap3A_218 = tpu.vector_load %arg12[%swap3A_217] {strides = array<i32>} : memref<125xi32, #tpu.memory_space<vmem>>, vector<16xi32>,
    %swap3A_219 = vector.shape_cast %swap3A_218 : vector<16xi32> to vector<16xi32>
    %swap3A_220 = vector.shape_cast %add3A_216 : vector<16xi32> to vector<16xi32>
    tpu.vector_store %arg12[%swap3A_217], %swap3A_220 {strides = array<i32>} : memref<125xi32, #tpu.memory_space<vmem>>, vector<16xi32>,
    %shift_right_arithmetic3A_221 = arith.constant 16 : i32
    %shift_right_arithmetic3A_222 = vector.broadcast %shift_right_arithmetic3A_221 : i32 to vector<16xi32>
    %shift_right_arithmetic3A_223 = arith.shrsi %get3A_211, %shift_right_arithmetic3A_222 : vector<16xi32>
    %swap3A_224 = arith.constant 16 : index
    %swap3A_225 = tpu.vector_load %arg13[%swap3A_224] {strides = array<i32>} : memref<125xi32, #tpu.memory_space<vmem>>, vector<16xi32>,
    %swap3A_226 = vector.shape_cast %swap3A_225 : vector<16xi32> to vector<16xi32>
    %swap3A_227 = vector.shape_cast %shift_right_arithmetic3A_223 : vector<16xi32> to vector<16xi32>
    tpu.vector_store %arg13[%swap3A_224], %swap3A_227 {strides = array<i32>} : memref<125xi32, #tpu.memory_space<vmem>>, vector<16xi32>,
    %get3A_228 = arith.constant 1 : i32
    %get3A_229 = arith.index_cast %get3A_228 : i32 to index
    %get3A_230 = arith.constant 32 : index
    %get3A_231 = tpu.vector_load %arg9[%get3A_229, %get3A_230] {strides = array<i32>} : memref<8x125xi32, #tpu.memory_space<vmem>>, vector<1x16xi32>,
    %get3A_232 = vector.shape_cast %get3A_231 : vector<1x16xi32> to vector<16xi32>
    %and3A_233 = arith.constant 65535 : i32
    %and3A_234 = vector.broadcast %and3A_233 : i32 to vector<16xi32>
    %and3A_235 = arith.andi %get3A_232, %and3A_234 : vector<16xi32>
    %add3A_236 = vector.broadcast %mul3A_0 : i32 to vector<16xi32>
    %add3A_237 = arith.addi %and3A_235, %add3A_236 : vector<16xi32>
    %swap3A_238 = arith.constant 32 : index
    %swap3A_239 = tpu.vector_load %arg12[%swap3A_238] {strides = array<i32>} : memref<125xi32, #tpu.memory_space<vmem>>, vector<16xi32>,
    %swap3A_240 = vector.shape_cast %swap3A_239 : vector<16xi32> to vector<16xi32>
    %swap3A_241 = vector.shape_cast %add3A_237 : vector<16xi32> to vector<16xi32>
    tpu.vector_store %arg12[%swap3A_238], %swap3A_241 {strides = array<i32>} : memref<125xi32, #tpu.memory_space<vmem>>, vector<16xi32>,
    %shift_right_arithmetic3A_242 = arith.constant 16 : i32
    %shift_right_arithmetic3A_243 = vector.broadcast %shift_right_arithmetic3A_242 : i32 to vector<16xi32>
    %shift_right_arithmetic3A_244 = arith.shrsi %get3A_232, %shift_right_arithmetic3A_243 : vector<16xi32>
    %swap3A_245 = arith.constant 32 : index
    %swap3A_246 = tpu.vector_load %arg13[%swap3A_245] {strides = array<i32>} : memref<125xi32, #tpu.memory_space<vmem>>, vector<16xi32>,
    %swap3A_247 = vector.shape_cast %swap3A_246 : vector<16xi32> to vector<16xi32>
    %swap3A_248 = vector.shape_cast %shift_right_arithmetic3A_244 : vector<16xi32> to vector<16xi32>
    tpu.vector_store %arg13[%swap3A_245], %swap3A_248 {strides = array<i32>} : memref<125xi32, #tpu.memory_space<vmem>>, vector<16xi32>,
    %get3A_249 = arith.constant 1 : i32
    %get3A_250 = arith.index_cast %get3A_249 : i32 to index
    %get3A_251 = arith.constant 48 : index
    %get3A_252 = tpu.vector_load %arg9[%get3A_250, %get3A_251] {strides = array<i32>} : memref<8x125xi32, #tpu.memory_space<vmem>>, vector<1x16xi32>,
    %get3A_253 = vector.shape_cast %get3A_252 : vector<1x16xi32> to vector<16xi32>
    %and3A_254 = arith.constant 65535 : i32
    %and3A_255 = vector.broadcast %and3A_254 : i32 to vector<16xi32>
    %and3A_256 = arith.andi %get3A_253, %and3A_255 : vector<16xi32>
    %add3A_257 = vector.broadcast %mul3A_0 : i32 to vector<16xi32>
    %add3A_258 = arith.addi %and3A_256, %add3A_257 : vector<16xi32>
    %swap3A_259 = arith.constant 48 : index
    %swap3A_260 = tpu.vector_load %arg12[%swap3A_259] {strides = array<i32>} : memref<125xi32, #tpu.memory_space<vmem>>, vector<16xi32>,
    %swap3A_261 = vector.shape_cast %swap3A_260 : vector<16xi32> to vector<16xi32>
    %swap3A_262 = vector.shape_cast %add3A_258 : vector<16xi32> to vector<16xi32>
    tpu.vector_store %arg12[%swap3A_259], %swap3A_262 {strides = array<i32>} : memref<125xi32, #tpu.memory_space<vmem>>, vector<16xi32>,
    %shift_right_arithmetic3A_263 = arith.constant 16 : i32
    %shift_right_arithmetic3A_264 = vector.broadcast %shift_right_arithmetic3A_263 : i32 to vector<16xi32>
    %shift_right_arithmetic3A_265 = arith.shrsi %get3A_253, %shift_right_arithmetic3A_264 : vector<16xi32>
    %swap3A_266 = arith.constant 48 : index
    %swap3A_267 = tpu.vector_load %arg13[%swap3A_266] {strides = array<i32>} : memref<125xi32, #tpu.memory_space<vmem>>, vector<16xi32>,
    %swap3A_268 = vector.shape_cast %swap3A_267 : vector<16xi32> to vector<16xi32>
    %swap3A_269 = vector.shape_cast %shift_right_arithmetic3A_265 : vector<16xi32> to vector<16xi32>
    tpu.vector_store %arg13[%swap3A_266], %swap3A_269 {strides = array<i32>} : memref<125xi32, #tpu.memory_space<vmem>>, vector<16xi32>,
    %get3A_270 = arith.constant 1 : i32
    %get3A_271 = arith.index_cast %get3A_270 : i32 to index
    %get3A_272 = arith.constant 64 : index
    %get3A_273 = tpu.vector_load %arg9[%get3A_271, %get3A_272] {strides = array<i32>} : memref<8x125xi32, #tpu.memory_space<vmem>>, vector<1x16xi32>,
    %get3A_274 = vector.shape_cast %get3A_273 : vector<1x16xi32> to vector<16xi32>
    %and3A_275 = arith.constant 65535 : i32
    %and3A_276 = vector.broadcast %and3A_275 : i32 to vector<16xi32>
    %and3A_277 = arith.andi %get3A_274, %and3A_276 : vector<16xi32>
    %add3A_278 = vector.broadcast %mul3A_0 : i32 to vector<16xi32>
    %add3A_279 = arith.addi %and3A_277, %add3A_278 : vector<16xi32>
    %swap3A_280 = arith.constant 64 : index
    %swap3A_281 = tpu.vector_load %arg12[%swap3A_280] {strides = array<i32>} : memref<125xi32, #tpu.memory_space<vmem>>, vector<16xi32>,
    %swap3A_282 = vector.shape_cast %swap3A_281 : vector<16xi32> to vector<16xi32>
    %swap3A_283 = vector.shape_cast %add3A_279 : vector<16xi32> to vector<16xi32>
    tpu.vector_store %arg12[%swap3A_280], %swap3A_283 {strides = array<i32>} : memref<125xi32, #tpu.memory_space<vmem>>, vector<16xi32>,
    %shift_right_arithmetic3A_284 = arith.constant 16 : i32
    %shift_right_arithmetic3A_285 = vector.broadcast %shift_right_arithmetic3A_284 : i32 to vector<16xi32>
    %shift_right_arithmetic3A_286 = arith.shrsi %get3A_274, %shift_right_arithmetic3A_285 : vector<16xi32>
    %swap3A_287 = arith.constant 64 : index
    %swap3A_288 = tpu.vector_load %arg13[%swap3A_287] {strides = array<i32>} : memref<125xi32, #tpu.memory_space<vmem>>, vector<16xi32>,
    %swap3A_289 = vector.shape_cast %swap3A_288 : vector<16xi32> to vector<16xi32>
    %swap3A_290 = vector.shape_cast %shift_right_arithmetic3A_286 : vector<16xi32> to vector<16xi32>
    tpu.vector_store %arg13[%swap3A_287], %swap3A_290 {strides = array<i32>} : memref<125xi32, #tpu.memory_space<vmem>>, vector<16xi32>,
    %get3A_291 = arith.constant 1 : i32
    %get3A_292 = arith.index_cast %get3A_291 : i32 to index
    %get3A_293 = arith.constant 80 : index
    %get3A_294 = tpu.vector_load %arg9[%get3A_292, %get3A_293] {strides = array<i32>} : memref<8x125xi32, #tpu.memory_space<vmem>>, vector<1x16xi32>,
    %get3A_295 = vector.shape_cast %get3A_294 : vector<1x16xi32> to vector<16xi32>
    %and3A_296 = arith.constant 65535 : i32
    %and3A_297 = vector.broadcast %and3A_296 : i32 to vector<16xi32>
    %and3A_298 = arith.andi %get3A_295, %and3A_297 : vector<16xi32>
    %add3A_299 = vector.broadcast %mul3A_0 : i32 to vector<16xi32>
    %add3A_300 = arith.addi %and3A_298, %add3A_299 : vector<16xi32>
    %swap3A_301 = arith.constant 80 : index
    %swap3A_302 = tpu.vector_load %arg12[%swap3A_301] {strides = array<i32>} : memref<125xi32, #tpu.memory_space<vmem>>, vector<16xi32>,
    %swap3A_303 = vector.shape_cast %swap3A_302 : vector<16xi32> to vector<16xi32>
    %swap3A_304 = vector.shape_cast %add3A_300 : vector<16xi32> to vector<16xi32>
    tpu.vector_store %arg12[%swap3A_301], %swap3A_304 {strides = array<i32>} : memref<125xi32, #tpu.memory_space<vmem>>, vector<16xi32>,
    %shift_right_arithmetic3A_305 = arith.constant 16 : i32
    %shift_right_arithmetic3A_306 = vector.broadcast %shift_right_arithmetic3A_305 : i32 to vector<16xi32>
    %shift_right_arithmetic3A_307 = arith.shrsi %get3A_295, %shift_right_arithmetic3A_306 : vector<16xi32>
    %swap3A_308 = arith.constant 80 : index
    %swap3A_309 = tpu.vector_load %arg13[%swap3A_308] {strides = array<i32>} : memref<125xi32, #tpu.memory_space<vmem>>, vector<16xi32>,
    %swap3A_310 = vector.shape_cast %swap3A_309 : vector<16xi32> to vector<16xi32>
    %swap3A_311 = vector.shape_cast %shift_right_arithmetic3A_307 : vector<16xi32> to vector<16xi32>
    tpu.vector_store %arg13[%swap3A_308], %swap3A_311 {strides = array<i32>} : memref<125xi32, #tpu.memory_space<vmem>>, vector<16xi32>,
    %get3A_312 = arith.constant 1 : i32
    %get3A_313 = arith.index_cast %get3A_312 : i32 to index
    %get3A_314 = arith.constant 96 : index
    %get3A_315 = tpu.vector_load %arg9[%get3A_313, %get3A_314] {strides = array<i32>} : memref<8x125xi32, #tpu.memory_space<vmem>>, vector<1x16xi32>,
    %get3A_316 = vector.shape_cast %get3A_315 : vector<1x16xi32> to vector<16xi32>
    %and3A_317 = arith.constant 65535 : i32
    %and3A_318 = vector.broadcast %and3A_317 : i32 to vector<16xi32>
    %and3A_319 = arith.andi %get3A_316, %and3A_318 : vector<16xi32>
    %add3A_320 = vector.broadcast %mul3A_0 : i32 to vector<16xi32>
    %add3A_321 = arith.addi %and3A_319, %add3A_320 : vector<16xi32>
    %swap3A_322 = arith.constant 96 : index
    %swap3A_323 = tpu.vector_load %arg12[%swap3A_322] {strides = array<i32>} : memref<125xi32, #tpu.memory_space<vmem>>, vector<16xi32>,
    %swap3A_324 = vector.shape_cast %swap3A_323 : vector<16xi32> to vector<16xi32>
    %swap3A_325 = vector.shape_cast %add3A_321 : vector<16xi32> to vector<16xi32>
    tpu.vector_store %arg12[%swap3A_322], %swap3A_325 {strides = array<i32>} : memref<125xi32, #tpu.memory_space<vmem>>, vector<16xi32>,
    %shift_right_arithmetic3A_326 = arith.constant 16 : i32
    %shift_right_arithmetic3A_327 = vector.broadcast %shift_right_arithmetic3A_326 : i32 to vector<16xi32>
    %shift_right_arithmetic3A_328 = arith.shrsi %get3A_316, %shift_right_arithmetic3A_327 : vector<16xi32>
    %swap3A_329 = arith.constant 96 : index
    %swap3A_330 = tpu.vector_load %arg13[%swap3A_329] {strides = array<i32>} : memref<125xi32, #tpu.memory_space<vmem>>, vector<16xi32>,
    %swap3A_331 = vector.shape_cast %swap3A_330 : vector<16xi32> to vector<16xi32>
    %swap3A_332 = vector.shape_cast %shift_right_arithmetic3A_328 : vector<16xi32> to vector<16xi32>
    tpu.vector_store %arg13[%swap3A_329], %swap3A_332 {strides = array<i32>} : memref<125xi32, #tpu.memory_space<vmem>>, vector<16xi32>,
    %get3A_333 = arith.constant 1 : i32
    %get3A_334 = arith.index_cast %get3A_333 : i32 to index
    %get3A_335 = arith.constant 109 : index
    %get3A_336 = tpu.vector_load %arg9[%get3A_334, %get3A_335] {strides = array<i32>} : memref<8x125xi32, #tpu.memory_space<vmem>>, vector<1x16xi32>,
    %get3A_337 = vector.shape_cast %get3A_336 : vector<1x16xi32> to vector<16xi32>
    %and3A_338 = arith.constant 65535 : i32
    %and3A_339 = vector.broadcast %and3A_338 : i32 to vector<16xi32>
    %and3A_340 = arith.andi %get3A_337, %and3A_339 : vector<16xi32>
    %add3A_341 = vector.broadcast %mul3A_0 : i32 to vector<16xi32>
    %add3A_342 = arith.addi %and3A_340, %add3A_341 : vector<16xi32>
    %swap3A_343 = arith.constant 109 : index
    %swap3A_344 = tpu.vector_load %arg12[%swap3A_343] {strides = array<i32>} : memref<125xi32, #tpu.memory_space<vmem>>, vector<16xi32>,
    %swap3A_345 = vector.shape_cast %swap3A_344 : vector<16xi32> to vector<16xi32>
    %swap3A_346 = vector.shape_cast %add3A_342 : vector<16xi32> to vector<16xi32>
    tpu.vector_store %arg12[%swap3A_343], %swap3A_346 {strides = array<i32>} : memref<125xi32, #tpu.memory_space<vmem>>, vector<16xi32>,
    %shift_right_arithmetic3A_347 = arith.constant 16 : i32
    %shift_right_arithmetic3A_348 = vector.broadcast %shift_right_arithmetic3A_347 : i32 to vector<16xi32>
    %shift_right_arithmetic3A_349 = arith.shrsi %get3A_337, %shift_right_arithmetic3A_348 : vector<16xi32>
    %swap3A_350 = arith.constant 109 : index
    %swap3A_351 = tpu.vector_load %arg13[%swap3A_350] {strides = array<i32>} : memref<125xi32, #tpu.memory_space<vmem>>, vector<16xi32>,
    %swap3A_352 = vector.shape_cast %swap3A_351 : vector<16xi32> to vector<16xi32>
    %swap3A_353 = vector.shape_cast %shift_right_arithmetic3A_349 : vector<16xi32> to vector<16xi32>
    tpu.vector_store %arg13[%swap3A_350], %swap3A_353 {strides = array<i32>} : memref<125xi32, #tpu.memory_space<vmem>>, vector<16xi32>,
    %dma_start3A_354 = arith.constant 0 : i32
    %dma_start3A_355 = arith.constant 0 : i32
    %dma_start3A_356 = tpu.memref_slice %arg2[%dma_start3A_354, %dma_start3A_355] : memref<20000x128xf32, #tpu.memory_space<hbm>> -> memref<20000x128xf32, #tpu.memory_space<hbm>>
    tpu.enqueue_indirect_dma source(%dma_start3A_356 : memref<20000x128xf32, #tpu.memory_space<hbm>>) target(%arg7 : memref<125x128xf32, #tpu.memory_space<vmem>>) offsets(%arg12 : memref<125xi32, #tpu.memory_space<vmem>>) semaphore(%arg17 : memref<!tpu.dma_semaphore, #tpu.memory_space<semaphore_mem>>)
    %get3A_357 = arith.constant 2 : i32
    %get3A_358 = arith.index_cast %get3A_357 : i32 to index
    %get3A_359 = arith.constant 0 : index
    %get3A_360 = tpu.vector_load %arg9[%get3A_358, %get3A_359] {strides = array<i32>} : memref<8x125xi32, #tpu.memory_space<vmem>>, vector<1x16xi32>,
    %get3A_361 = vector.shape_cast %get3A_360 : vector<1x16xi32> to vector<16xi32>
    %and3A_362 = arith.constant 65535 : i32
    %and3A_363 = vector.broadcast %and3A_362 : i32 to vector<16xi32>
    %and3A_364 = arith.andi %get3A_361, %and3A_363 : vector<16xi32>
    %add3A_365 = vector.broadcast %mul3A_0 : i32 to vector<16xi32>
    %add3A_366 = arith.addi %and3A_364, %add3A_365 : vector<16xi32>
    %swap3A_367 = arith.constant 0 : index
    %swap3A_368 = tpu.vector_load %arg14[%swap3A_367] {strides = array<i32>} : memref<125xi32, #tpu.memory_space<vmem>>, vector<16xi32>,
    %swap3A_369 = vector.shape_cast %swap3A_368 : vector<16xi32> to vector<16xi32>
    %swap3A_370 = vector.shape_cast %add3A_366 : vector<16xi32> to vector<16xi32>
    tpu.vector_store %arg14[%swap3A_367], %swap3A_370 {strides = array<i32>} : memref<125xi32, #tpu.memory_space<vmem>>, vector<16xi32>,
    %shift_right_arithmetic3A_371 = arith.constant 16 : i32
    %shift_right_arithmetic3A_372 = vector.broadcast %shift_right_arithmetic3A_371 : i32 to vector<16xi32>
    %shift_right_arithmetic3A_373 = arith.shrsi %get3A_361, %shift_right_arithmetic3A_372 : vector<16xi32>
    %swap3A_374 = arith.constant 0 : index
    %swap3A_375 = tpu.vector_load %arg15[%swap3A_374] {strides = array<i32>} : memref<125xi32, #tpu.memory_space<vmem>>, vector<16xi32>,
    %swap3A_376 = vector.shape_cast %swap3A_375 : vector<16xi32> to vector<16xi32>
    %swap3A_377 = vector.shape_cast %shift_right_arithmetic3A_373 : vector<16xi32> to vector<16xi32>
    tpu.vector_store %arg15[%swap3A_374], %swap3A_377 {strides = array<i32>} : memref<125xi32, #tpu.memory_space<vmem>>, vector<16xi32>,
    %get3A_378 = arith.constant 2 : i32
    %get3A_379 = arith.index_cast %get3A_378 : i32 to index
    %get3A_380 = arith.constant 16 : index
    %get3A_381 = tpu.vector_load %arg9[%get3A_379, %get3A_380] {strides = array<i32>} : memref<8x125xi32, #tpu.memory_space<vmem>>, vector<1x16xi32>,
    %get3A_382 = vector.shape_cast %get3A_381 : vector<1x16xi32> to vector<16xi32>
    %and3A_383 = arith.constant 65535 : i32
    %and3A_384 = vector.broadcast %and3A_383 : i32 to vector<16xi32>
    %and3A_385 = arith.andi %get3A_382, %and3A_384 : vector<16xi32>
    %add3A_386 = vector.broadcast %mul3A_0 : i32 to vector<16xi32>
    %add3A_387 = arith.addi %and3A_385, %add3A_386 : vector<16xi32>
    %swap3A_388 = arith.constant 16 : index
    %swap3A_389 = tpu.vector_load %arg14[%swap3A_388] {strides = array<i32>} : memref<125xi32, #tpu.memory_space<vmem>>, vector<16xi32>,
    %swap3A_390 = vector.shape_cast %swap3A_389 : vector<16xi32> to vector<16xi32>
    %swap3A_391 = vector.shape_cast %add3A_387 : vector<16xi32> to vector<16xi32>
    tpu.vector_store %arg14[%swap3A_388], %swap3A_391 {strides = array<i32>} : memref<125xi32, #tpu.memory_space<vmem>>, vector<16xi32>,
    %shift_right_arithmetic3A_392 = arith.constant 16 : i32
    %shift_right_arithmetic3A_393 = vector.broadcast %shift_right_arithmetic3A_392 : i32 to vector<16xi32>
    %shift_right_arithmetic3A_394 = arith.shrsi %get3A_382, %shift_right_arithmetic3A_393 : vector<16xi32>
    %swap3A_395 = arith.constant 16 : index
    %swap3A_396 = tpu.vector_load %arg15[%swap3A_395] {strides = array<i32>} : memref<125xi32, #tpu.memory_space<vmem>>, vector<16xi32>,
    %swap3A_397 = vector.shape_cast %swap3A_396 : vector<16xi32> to vector<16xi32>
    %swap3A_398 = vector.shape_cast %shift_right_arithmetic3A_394 : vector<16xi32> to vector<16xi32>
    tpu.vector_store %arg15[%swap3A_395], %swap3A_398 {strides = array<i32>} : memref<125xi32, #tpu.memory_space<vmem>>, vector<16xi32>,
    %get3A_399 = arith.constant 2 : i32
    %get3A_400 = arith.index_cast %get3A_399 : i32 to index
    %get3A_401 = arith.constant 32 : index
    %get3A_402 = tpu.vector_load %arg9[%get3A_400, %get3A_401] {strides = array<i32>} : memref<8x125xi32, #tpu.memory_space<vmem>>, vector<1x16xi32>,
    %get3A_403 = vector.shape_cast %get3A_402 : vector<1x16xi32> to vector<16xi32>
    %and3A_404 = arith.constant 65535 : i32
    %and3A_405 = vector.broadcast %and3A_404 : i32 to vector<16xi32>
    %and3A_406 = arith.andi %get3A_403, %and3A_405 : vector<16xi32>
    %add3A_407 = vector.broadcast %mul3A_0 : i32 to vector<16xi32>
    %add3A_408 = arith.addi %and3A_406, %add3A_407 : vector<16xi32>
    %swap3A_409 = arith.constant 32 : index
    %swap3A_410 = tpu.vector_load %arg14[%swap3A_409] {strides = array<i32>} : memref<125xi32, #tpu.memory_space<vmem>>, vector<16xi32>,
    %swap3A_411 = vector.shape_cast %swap3A_410 : vector<16xi32> to vector<16xi32>
    %swap3A_412 = vector.shape_cast %add3A_408 : vector<16xi32> to vector<16xi32>
    tpu.vector_store %arg14[%swap3A_409], %swap3A_412 {strides = array<i32>} : memref<125xi32, #tpu.memory_space<vmem>>, vector<16xi32>,
    %shift_right_arithmetic3A_413 = arith.constant 16 : i32
    %shift_right_arithmetic3A_414 = vector.broadcast %shift_right_arithmetic3A_413 : i32 to vector<16xi32>
    %shift_right_arithmetic3A_415 = arith.shrsi %get3A_403, %shift_right_arithmetic3A_414 : vector<16xi32>
    %swap3A_416 = arith.constant 32 : index
    %swap3A_417 = tpu.vector_load %arg15[%swap3A_416] {strides = array<i32>} : memref<125xi32, #tpu.memory_space<vmem>>, vector<16xi32>,
    %swap3A_418 = vector.shape_cast %swap3A_417 : vector<16xi32> to vector<16xi32>
    %swap3A_419 = vector.shape_cast %shift_right_arithmetic3A_415 : vector<16xi32> to vector<16xi32>
    tpu.vector_store %arg15[%swap3A_416], %swap3A_419 {strides = array<i32>} : memref<125xi32, #tpu.memory_space<vmem>>, vector<16xi32>,
    %get3A_420 = arith.constant 2 : i32
    %get3A_421 = arith.index_cast %get3A_420 : i32 to index
    %get3A_422 = arith.constant 48 : index
    %get3A_423 = tpu.vector_load %arg9[%get3A_421, %get3A_422] {strides = array<i32>} : memref<8x125xi32, #tpu.memory_space<vmem>>, vector<1x16xi32>,
    %get3A_424 = vector.shape_cast %get3A_423 : vector<1x16xi32> to vector<16xi32>
    %and3A_425 = arith.constant 65535 : i32
    %and3A_426 = vector.broadcast %and3A_425 : i32 to vector<16xi32>
    %and3A_427 = arith.andi %get3A_424, %and3A_426 : vector<16xi32>
    %add3A_428 = vector.broadcast %mul3A_0 : i32 to vector<16xi32>
    %add3A_429 = arith.addi %and3A_427, %add3A_428 : vector<16xi32>
    %swap3A_430 = arith.constant 48 : index
    %swap3A_431 = tpu.vector_load %arg14[%swap3A_430] {strides = array<i32>} : memref<125xi32, #tpu.memory_space<vmem>>, vector<16xi32>,
    %swap3A_432 = vector.shape_cast %swap3A_431 : vector<16xi32> to vector<16xi32>
    %swap3A_433 = vector.shape_cast %add3A_429 : vector<16xi32> to vector<16xi32>
    tpu.vector_store %arg14[%swap3A_430], %swap3A_433 {strides = array<i32>} : memref<125xi32, #tpu.memory_space<vmem>>, vector<16xi32>,
    %shift_right_arithmetic3A_434 = arith.constant 16 : i32
    %shift_right_arithmetic3A_435 = vector.broadcast %shift_right_arithmetic3A_434 : i32 to vector<16xi32>
    %shift_right_arithmetic3A_436 = arith.shrsi %get3A_424, %shift_right_arithmetic3A_435 : vector<16xi32>
    %swap3A_437 = arith.constant 48 : index
    %swap3A_438 = tpu.vector_load %arg15[%swap3A_437] {strides = array<i32>} : memref<125xi32, #tpu.memory_space<vmem>>, vector<16xi32>,
    %swap3A_439 = vector.shape_cast %swap3A_438 : vector<16xi32> to vector<16xi32>
    %swap3A_440 = vector.shape_cast %shift_right_arithmetic3A_436 : vector<16xi32> to vector<16xi32>
    tpu.vector_store %arg15[%swap3A_437], %swap3A_440 {strides = array<i32>} : memref<125xi32, #tpu.memory_space<vmem>>, vector<16xi32>,
    %get3A_441 = arith.constant 2 : i32
    %get3A_442 = arith.index_cast %get3A_441 : i32 to index
    %get3A_443 = arith.constant 64 : index
    %get3A_444 = tpu.vector_load %arg9[%get3A_442, %get3A_443] {strides = array<i32>} : memref<8x125xi32, #tpu.memory_space<vmem>>, vector<1x16xi32>,
    %get3A_445 = vector.shape_cast %get3A_444 : vector<1x16xi32> to vector<16xi32>
    %and3A_446 = arith.constant 65535 : i32
    %and3A_447 = vector.broadcast %and3A_446 : i32 to vector<16xi32>
    %and3A_448 = arith.andi %get3A_445, %and3A_447 : vector<16xi32>
    %add3A_449 = vector.broadcast %mul3A_0 : i32 to vector<16xi32>
    %add3A_450 = arith.addi %and3A_448, %add3A_449 : vector<16xi32>
    %swap3A_451 = arith.constant 64 : index
    %swap3A_452 = tpu.vector_load %arg14[%swap3A_451] {strides = array<i32>} : memref<125xi32, #tpu.memory_space<vmem>>, vector<16xi32>,
    %swap3A_453 = vector.shape_cast %swap3A_452 : vector<16xi32> to vector<16xi32>
    %swap3A_454 = vector.shape_cast %add3A_450 : vector<16xi32> to vector<16xi32>
    tpu.vector_store %arg14[%swap3A_451], %swap3A_454 {strides = array<i32>} : memref<125xi32, #tpu.memory_space<vmem>>, vector<16xi32>,
    %shift_right_arithmetic3A_455 = arith.constant 16 : i32
    %shift_right_arithmetic3A_456 = vector.broadcast %shift_right_arithmetic3A_455 : i32 to vector<16xi32>
    %shift_right_arithmetic3A_457 = arith.shrsi %get3A_445, %shift_right_arithmetic3A_456 : vector<16xi32>
    %swap3A_458 = arith.constant 64 : index
    %swap3A_459 = tpu.vector_load %arg15[%swap3A_458] {strides = array<i32>} : memref<125xi32, #tpu.memory_space<vmem>>, vector<16xi32>,
    %swap3A_460 = vector.shape_cast %swap3A_459 : vector<16xi32> to vector<16xi32>
    %swap3A_461 = vector.shape_cast %shift_right_arithmetic3A_457 : vector<16xi32> to vector<16xi32>
    tpu.vector_store %arg15[%swap3A_458], %swap3A_461 {strides = array<i32>} : memref<125xi32, #tpu.memory_space<vmem>>, vector<16xi32>,
    %get3A_462 = arith.constant 2 : i32
    %get3A_463 = arith.index_cast %get3A_462 : i32 to index
    %get3A_464 = arith.constant 80 : index
    %get3A_465 = tpu.vector_load %arg9[%get3A_463, %get3A_464] {strides = array<i32>} : memref<8x125xi32, #tpu.memory_space<vmem>>, vector<1x16xi32>,
    %get3A_466 = vector.shape_cast %get3A_465 : vector<1x16xi32> to vector<16xi32>
    %and3A_467 = arith.constant 65535 : i32
    %and3A_468 = vector.broadcast %and3A_467 : i32 to vector<16xi32>
    %and3A_469 = arith.andi %get3A_466, %and3A_468 : vector<16xi32>
    %add3A_470 = vector.broadcast %mul3A_0 : i32 to vector<16xi32>
    %add3A_471 = arith.addi %and3A_469, %add3A_470 : vector<16xi32>
    %swap3A_472 = arith.constant 80 : index
    %swap3A_473 = tpu.vector_load %arg14[%swap3A_472] {strides = array<i32>} : memref<125xi32, #tpu.memory_space<vmem>>, vector<16xi32>,
    %swap3A_474 = vector.shape_cast %swap3A_473 : vector<16xi32> to vector<16xi32>
    %swap3A_475 = vector.shape_cast %add3A_471 : vector<16xi32> to vector<16xi32>
    tpu.vector_store %arg14[%swap3A_472], %swap3A_475 {strides = array<i32>} : memref<125xi32, #tpu.memory_space<vmem>>, vector<16xi32>,
    %shift_right_arithmetic3A_476 = arith.constant 16 : i32
    %shift_right_arithmetic3A_477 = vector.broadcast %shift_right_arithmetic3A_476 : i32 to vector<16xi32>
    %shift_right_arithmetic3A_478 = arith.shrsi %get3A_466, %shift_right_arithmetic3A_477 : vector<16xi32>
    %swap3A_479 = arith.constant 80 : index
    %swap3A_480 = tpu.vector_load %arg15[%swap3A_479] {strides = array<i32>} : memref<125xi32, #tpu.memory_space<vmem>>, vector<16xi32>,
    %swap3A_481 = vector.shape_cast %swap3A_480 : vector<16xi32> to vector<16xi32>
    %swap3A_482 = vector.shape_cast %shift_right_arithmetic3A_478 : vector<16xi32> to vector<16xi32>
    tpu.vector_store %arg15[%swap3A_479], %swap3A_482 {strides = array<i32>} : memref<125xi32, #tpu.memory_space<vmem>>, vector<16xi32>,
    %get3A_483 = arith.constant 2 : i32
    %get3A_484 = arith.index_cast %get3A_483 : i32 to index
    %get3A_485 = arith.constant 96 : index
    %get3A_486 = tpu.vector_load %arg9[%get3A_484, %get3A_485] {strides = array<i32>} : memref<8x125xi32, #tpu.memory_space<vmem>>, vector<1x16xi32>,
    %get3A_487 = vector.shape_cast %get3A_486 : vector<1x16xi32> to vector<16xi32>
    %and3A_488 = arith.constant 65535 : i32
    %and3A_489 = vector.broadcast %and3A_488 : i32 to vector<16xi32>
    %and3A_490 = arith.andi %get3A_487, %and3A_489 : vector<16xi32>
    %add3A_491 = vector.broadcast %mul3A_0 : i32 to vector<16xi32>
    %add3A_492 = arith.addi %and3A_490, %add3A_491 : vector<16xi32>
    %swap3A_493 = arith.constant 96 : index
    %swap3A_494 = tpu.vector_load %arg14[%swap3A_493] {strides = array<i32>} : memref<125xi32, #tpu.memory_space<vmem>>, vector<16xi32>,
    %swap3A_495 = vector.shape_cast %swap3A_494 : vector<16xi32> to vector<16xi32>
    %swap3A_496 = vector.shape_cast %add3A_492 : vector<16xi32> to vector<16xi32>
    tpu.vector_store %arg14[%swap3A_493], %swap3A_496 {strides = array<i32>} : memref<125xi32, #tpu.memory_space<vmem>>, vector<16xi32>,
    %shift_right_arithmetic3A_497 = arith.constant 16 : i32
    %shift_right_arithmetic3A_498 = vector.broadcast %shift_right_arithmetic3A_497 : i32 to vector<16xi32>
    %shift_right_arithmetic3A_499 = arith.shrsi %get3A_487, %shift_right_arithmetic3A_498 : vector<16xi32>
    %swap3A_500 = arith.constant 96 : index
    %swap3A_501 = tpu.vector_load %arg15[%swap3A_500] {strides = array<i32>} : memref<125xi32, #tpu.memory_space<vmem>>, vector<16xi32>,
    %swap3A_502 = vector.shape_cast %swap3A_501 : vector<16xi32> to vector<16xi32>
    %swap3A_503 = vector.shape_cast %shift_right_arithmetic3A_499 : vector<16xi32> to vector<16xi32>
    tpu.vector_store %arg15[%swap3A_500], %swap3A_503 {strides = array<i32>} : memref<125xi32, #tpu.memory_space<vmem>>, vector<16xi32>,
    %get3A_504 = arith.constant 2 : i32
    %get3A_505 = arith.index_cast %get3A_504 : i32 to index
    %get3A_506 = arith.constant 109 : index
    %get3A_507 = tpu.vector_load %arg9[%get3A_505, %get3A_506] {strides = array<i32>} : memref<8x125xi32, #tpu.memory_space<vmem>>, vector<1x16xi32>,
    %get3A_508 = vector.shape_cast %get3A_507 : vector<1x16xi32> to vector<16xi32>
    %and3A_509 = arith.constant 65535 : i32
    %and3A_510 = vector.broadcast %and3A_509 : i32 to vector<16xi32>
    %and3A_511 = arith.andi %get3A_508, %and3A_510 : vector<16xi32>
    %add3A_512 = vector.broadcast %mul3A_0 : i32 to vector<16xi32>
    %add3A_513 = arith.addi %and3A_511, %add3A_512 : vector<16xi32>
    %swap3A_514 = arith.constant 109 : index
    %swap3A_515 = tpu.vector_load %arg14[%swap3A_514] {strides = array<i32>} : memref<125xi32, #tpu.memory_space<vmem>>, vector<16xi32>,
    %swap3A_516 = vector.shape_cast %swap3A_515 : vector<16xi32> to vector<16xi32>
    %swap3A_517 = vector.shape_cast %add3A_513 : vector<16xi32> to vector<16xi32>
    tpu.vector_store %arg14[%swap3A_514], %swap3A_517 {strides = array<i32>} : memref<125xi32, #tpu.memory_space<vmem>>, vector<16xi32>,
    %shift_right_arithmetic3A_518 = arith.constant 16 : i32
    %shift_right_arithmetic3A_519 = vector.broadcast %shift_right_arithmetic3A_518 : i32 to vector<16xi32>
    %shift_right_arithmetic3A_520 = arith.shrsi %get3A_508, %shift_right_arithmetic3A_519 : vector<16xi32>
    %swap3A_521 = arith.constant 109 : index
    %swap3A_522 = tpu.vector_load %arg15[%swap3A_521] {strides = array<i32>} : memref<125xi32, #tpu.memory_space<vmem>>, vector<16xi32>,
    %swap3A_523 = vector.shape_cast %swap3A_522 : vector<16xi32> to vector<16xi32>
    %swap3A_524 = vector.shape_cast %shift_right_arithmetic3A_520 : vector<16xi32> to vector<16xi32>
    tpu.vector_store %arg15[%swap3A_521], %swap3A_524 {strides = array<i32>} : memref<125xi32, #tpu.memory_space<vmem>>, vector<16xi32>,
    %dma_start3A_525 = arith.constant 0 : i32
    %dma_start3A_526 = arith.constant 0 : i32
    %dma_start3A_527 = tpu.memref_slice %arg2[%dma_start3A_525, %dma_start3A_526] : memref<20000x128xf32, #tpu.memory_space<hbm>> -> memref<20000x128xf32, #tpu.memory_space<hbm>>
    tpu.enqueue_indirect_dma source(%dma_start3A_527 : memref<20000x128xf32, #tpu.memory_space<hbm>>) target(%arg8 : memref<125x128xf32, #tpu.memory_space<vmem>>) offsets(%arg14 : memref<125xi32, #tpu.memory_space<vmem>>) semaphore(%arg18 : memref<!tpu.dma_semaphore, #tpu.memory_space<semaphore_mem>>)
    %scan3A_528 = arith.constant 0 : i32
    %scan3A_529 = arith.constant 27 : i32
    %scan3A_530 = arith.addi %scan3A_528, %scan3A_529 : i32
    %scan3A_531 = arith.constant 1 : i32
    scf.for %scan3A_544 = %scan3A_528 to %scan3A_530 step %scan3A_531  : i32 {
      %mul3A_545 = arith.constant 1 : i32
      %mul3A_546 = arith.muli %scan3A_544, %mul3A_545 : i32
      %add3A_547 = arith.constant 0 : i32
      %add3A_548 = arith.addi %add3A_547, %mul3A_546 : i32
      %mul3A_549 = arith.constant 3 : i32
      %mul3A_550 = arith.muli %mul3A_549, %add3A_548 : i32
      %lt3A_551 = arith.constant 80 : i32
      %lt3A_552 = arith.cmpi slt, %mul3A_550, %lt3A_551 : i32
      %convert_element_type3A_553 = arith.extui %lt3A_552 : i1 to i32
      %cond3A_554 = arith.constant 0 : i32
      %cond3A_555 = arith.cmpi ne, %convert_element_type3A_553, %cond3A_554 : i32
      scf.if %cond3A_555 {
        %dma_wait3A = arith.constant 0 : i32
        %dma_wait3A_570 = arith.constant 0 : i32
        %dma_wait3A_571 = tpu.memref_slice %arg2[%dma_wait3A, %dma_wait3A_570] : memref<20000x128xf32, #tpu.memory_space<hbm>> -> memref<20000x128xf32, #tpu.memory_space<hbm>>
        tpu.wait_indirect_dma semaphore(%arg16 : memref<!tpu.dma_semaphore, #tpu.memory_space<semaphore_mem>>) src(%dma_wait3A_571 : memref<20000x128xf32, #tpu.memory_space<hbm>>) dst(%arg6 : memref<125x128xf32, #tpu.memory_space<vmem>>)
        "tpu.region"() ({
          %run_scoped3A = tpu.sem_alloc : memref<!tpu.dma_semaphore, #tpu.memory_space<semaphore_mem>>
          %dma_start3A_579 = arith.constant 0 : i32
          %dma_start3A_580 = arith.constant 0 : i32
          %dma_start3A_581 = tpu.memref_slice %arg5[%dma_start3A_579, %dma_start3A_580] : memref<10000x128xf32, #tpu.memory_space<vmem_shared>> -> memref<10000x128xf32, #tpu.memory_space<vmem_shared>>
          tpu.enqueue_indirect_dma source(%arg6 : memref<125x128xf32, #tpu.memory_space<vmem>>) target(%dma_start3A_581 : memref<10000x128xf32, #tpu.memory_space<vmem_shared>>) offsets(%arg11 : memref<125xi32, #tpu.memory_space<vmem>>) semaphore(%run_scoped3A : memref<!tpu.dma_semaphore, #tpu.memory_space<semaphore_mem>>) {add = true}
          %dma_wait3A_582 = arith.constant 0 : i32
          %dma_wait3A_583 = arith.constant 0 : i32
          %dma_wait3A_584 = tpu.memref_slice %arg5[%dma_wait3A_582, %dma_wait3A_583] : memref<10000x128xf32, #tpu.memory_space<vmem_shared>> -> memref<10000x128xf32, #tpu.memory_space<vmem_shared>>
          tpu.wait_indirect_dma semaphore(%run_scoped3A : memref<!tpu.dma_semaphore, #tpu.memory_space<semaphore_mem>>) src(%arg6 : memref<125x128xf32, #tpu.memory_space<vmem>>) dst(%dma_wait3A_584 : memref<10000x128xf32, #tpu.memory_space<vmem_shared>>)
          tpu.yield
        }) : () -> ()
        %add3A_572 = arith.constant 3 : i32
        %add3A_573 = arith.addi %mul3A_550, %add3A_572 : i32
        %lt3A_574 = arith.constant 80 : i32
        %lt3A_575 = arith.cmpi slt, %add3A_573, %lt3A_574 : i32
        %convert_element_type3A_576 = arith.extui %lt3A_575 : i1 to i32
        %cond3A_577 = arith.constant 0 : i32
        %cond3A_578 = arith.cmpi ne, %convert_element_type3A_576, %cond3A_577 : i32
        scf.if %cond3A_578 {
          %add3A_579 = arith.constant 3 : i32
          %add3A_580 = arith.addi %mul3A_550, %add3A_579 : i32
          %jit3A = arith.constant 8 : i32
          %div3A = arith.divsi %add3A_580, %jit3A : i32
          %sign3A = arith.constant 0 : i32
          %sign3A_581 = arith.cmpi sgt, %add3A_580, %sign3A : i32
          %sign3A_582 = arith.extui %sign3A_581 : i1 to i32
          %sign3A_583 = arith.constant 0 : i32
          %sign3A_584 = arith.cmpi slt, %add3A_580, %sign3A_583 : i32
          %sign3A_585 = arith.extui %sign3A_584 : i1 to i32
          %sign3A_586 = arith.subi %sign3A_582, %sign3A_585 : i32
          %sign3A_587 = arith.constant 0 : i32
          %sign3A_588 = arith.cmpi sgt, %jit3A, %sign3A_587 : i32
          %sign3A_589 = arith.extui %sign3A_588 : i1 to i32
          %sign3A_590 = arith.constant 0 : i32
          %sign3A_591 = arith.cmpi slt, %jit3A, %sign3A_590 : i32
          %sign3A_592 = arith.extui %sign3A_591 : i1 to i32
          %sign3A_593 = arith.subi %sign3A_589, %sign3A_592 : i32
          %ne3A = arith.cmpi ne, %sign3A_586, %sign3A_593 : i32
          %rem3A = arith.remsi %add3A_580, %jit3A : i32
          %ne3A_594 = arith.constant 0 : i32
          %ne3A_595 = arith.cmpi ne, %rem3A, %ne3A_594 : i32
          %and3A_596 = arith.andi %ne3A, %ne3A_595 : i1
          %sub3A = arith.constant 1 : i32
          %sub3A_597 = arith.subi %div3A, %sub3A : i32
          %select_n3A = arith.select %and3A_596, %sub3A_597, %div3A : i32
          %mul3A_598 = arith.constant 8 : i32
          %mul3A_599 = arith.muli %select_n3A, %mul3A_598 : i32
          %sub3A_600 = arith.subi %add3A_580, %mul3A_599 : i32
          %jit3A_601 = arith.constant 8 : i32
          %eq3A_602 = arith.constant 0 : i32
          %eq3A_603 = arith.cmpi eq, %jit3A_601, %eq3A_602 : i32
          %jit3A_604 = arith.constant 1 : i32
          %select_n3A_605 = arith.select %eq3A_603, %jit3A_604, %jit3A_601 : i32
          %rem3A_606 = arith.remsi %add3A_580, %select_n3A_605 : i32
          %ne3A_607 = arith.constant 0 : i32
          %ne3A_608 = arith.cmpi ne, %rem3A_606, %ne3A_607 : i32
          %lt3A_609 = arith.constant 0 : i32
          %lt3A_610 = arith.cmpi slt, %rem3A_606, %lt3A_609 : i32
          %lt3A_611 = arith.constant 0 : i32
          %lt3A_612 = arith.cmpi slt, %select_n3A_605, %lt3A_611 : i32
          %ne3A_613 = arith.xori %lt3A_610, %lt3A_612 : i1
          %and3A_614 = arith.andi %ne3A_613, %ne3A_608 : i1
          %add3A_615 = arith.addi %rem3A_606, %select_n3A_605 : i32
          %select_n3A_616 = arith.select %and3A_614, %add3A_615, %rem3A_606 : i32
          %eq3A_617 = arith.constant 0 : i32
          %eq3A_618 = arith.cmpi eq, %select_n3A_616, %eq3A_617 : i32
          %convert_element_type3A_619 = arith.extui %eq3A_618 : i1 to i32
          %cond3A_620 = arith.constant 0 : i32
          %cond3A_621 = arith.cmpi ne, %convert_element_type3A_619, %cond3A_620 : i32
          scf.if %cond3A_621 {
            %mul3A_806 = arith.constant 8 : i32
            %mul3A_807 = arith.muli %select_n3A, %mul3A_806 : i32
            %add3A_808 = arith.addi %mul3A_3, %mul3A_807 : i32
            %dma_wait3A_809 = arith.constant 0 : i32
            %dma_wait3A_810 = tpu.memref_slice %arg3[%add3A_808, %dma_wait3A_809] : memref<1280x125xi32, #tpu.memory_space<hbm>> -> memref<8x125xi32, #tpu.memory_space<hbm>>
            %dma_wait3A_811 = arith.constant 0 : i32
            %dma_wait3A_812 = tpu.memref_slice %arg3[%add3A_808, %dma_wait3A_811] : memref<1280x125xi32, #tpu.memory_space<hbm>> -> memref<8x125xi32, #tpu.memory_space<hbm>>
            tpu.wait_dma2 semaphore(%arg19 : memref<!tpu.dma_semaphore, #tpu.memory_space<semaphore_mem>>) src(%dma_wait3A_812 : memref<8x125xi32, #tpu.memory_space<hbm>>) dst(%arg9 : memref<8x125xi32, #tpu.memory_space<vmem>>)
          } else {
          }
          %get3A_622 = arith.index_cast %sub3A_600 : i32 to index
          %get3A_623 = arith.constant 0 : index
          %get3A_624 = tpu.vector_load %arg9[%get3A_622, %get3A_623] {strides = array<i32>} : memref<8x125xi32, #tpu.memory_space<vmem>>, vector<1x16xi32>,
          %get3A_625 = vector.shape_cast %get3A_624 : vector<1x16xi32> to vector<16xi32>
          %and3A_626 = arith.constant 65535 : i32
          %and3A_627 = vector.broadcast %and3A_626 : i32 to vector<16xi32>
          %and3A_628 = arith.andi %get3A_625, %and3A_627 : vector<16xi32>
          %add3A_629 = vector.broadcast %mul3A_0 : i32 to vector<16xi32>
          %add3A_630 = arith.addi %and3A_628, %add3A_629 : vector<16xi32>
          %swap3A_631 = arith.constant 0 : index
          %swap3A_632 = tpu.vector_load %arg10[%swap3A_631] {strides = array<i32>} : memref<125xi32, #tpu.memory_space<vmem>>, vector<16xi32>,
          %swap3A_633 = vector.shape_cast %swap3A_632 : vector<16xi32> to vector<16xi32>
          %swap3A_634 = vector.shape_cast %add3A_630 : vector<16xi32> to vector<16xi32>
          tpu.vector_store %arg10[%swap3A_631], %swap3A_634 {strides = array<i32>} : memref<125xi32, #tpu.memory_space<vmem>>, vector<16xi32>,
          %shift_right_arithmetic3A_635 = arith.constant 16 : i32
          %shift_right_arithmetic3A_636 = vector.broadcast %shift_right_arithmetic3A_635 : i32 to vector<16xi32>
          %shift_right_arithmetic3A_637 = arith.shrsi %get3A_625, %shift_right_arithmetic3A_636 : vector<16xi32>
          %swap3A_638 = arith.constant 0 : index
          %swap3A_639 = tpu.vector_load %arg11[%swap3A_638] {strides = array<i32>} : memref<125xi32, #tpu.memory_space<vmem>>, vector<16xi32>,
          %swap3A_640 = vector.shape_cast %swap3A_639 : vector<16xi32> to vector<16xi32>
          %swap3A_641 = vector.shape_cast %shift_right_arithmetic3A_637 : vector<16xi32> to vector<16xi32>
          tpu.vector_store %arg11[%swap3A_638], %swap3A_641 {strides = array<i32>} : memref<125xi32, #tpu.memory_space<vmem>>, vector<16xi32>,
          %get3A_642 = arith.index_cast %sub3A_600 : i32 to index
          %get3A_643 = arith.constant 16 : index
          %get3A_644 = tpu.vector_load %arg9[%get3A_642, %get3A_643] {strides = array<i32>} : memref<8x125xi32, #tpu.memory_space<vmem>>, vector<1x16xi32>,
          %get3A_645 = vector.shape_cast %get3A_644 : vector<1x16xi32> to vector<16xi32>
          %and3A_646 = arith.constant 65535 : i32
          %and3A_647 = vector.broadcast %and3A_646 : i32 to vector<16xi32>
          %and3A_648 = arith.andi %get3A_645, %and3A_647 : vector<16xi32>
          %add3A_649 = vector.broadcast %mul3A_0 : i32 to vector<16xi32>
          %add3A_650 = arith.addi %and3A_648, %add3A_649 : vector<16xi32>
          %swap3A_651 = arith.constant 16 : index
          %swap3A_652 = tpu.vector_load %arg10[%swap3A_651] {strides = array<i32>} : memref<125xi32, #tpu.memory_space<vmem>>, vector<16xi32>,
          %swap3A_653 = vector.shape_cast %swap3A_652 : vector<16xi32> to vector<16xi32>
          %swap3A_654 = vector.shape_cast %add3A_650 : vector<16xi32> to vector<16xi32>
          tpu.vector_store %arg10[%swap3A_651], %swap3A_654 {strides = array<i32>} : memref<125xi32, #tpu.memory_space<vmem>>, vector<16xi32>,
          %shift_right_arithmetic3A_655 = arith.constant 16 : i32
          %shift_right_arithmetic3A_656 = vector.broadcast %shift_right_arithmetic3A_655 : i32 to vector<16xi32>
          %shift_right_arithmetic3A_657 = arith.shrsi %get3A_645, %shift_right_arithmetic3A_656 : vector<16xi32>
          %swap3A_658 = arith.constant 16 : index
          %swap3A_659 = tpu.vector_load %arg11[%swap3A_658] {strides = array<i32>} : memref<125xi32, #tpu.memory_space<vmem>>, vector<16xi32>,
          %swap3A_660 = vector.shape_cast %swap3A_659 : vector<16xi32> to vector<16xi32>
          %swap3A_661 = vector.shape_cast %shift_right_arithmetic3A_657 : vector<16xi32> to vector<16xi32>
          tpu.vector_store %arg11[%swap3A_658], %swap3A_661 {strides = array<i32>} : memref<125xi32, #tpu.memory_space<vmem>>, vector<16xi32>,
          %get3A_662 = arith.index_cast %sub3A_600 : i32 to index
          %get3A_663 = arith.constant 32 : index
          %get3A_664 = tpu.vector_load %arg9[%get3A_662, %get3A_663] {strides = array<i32>} : memref<8x125xi32, #tpu.memory_space<vmem>>, vector<1x16xi32>,
          %get3A_665 = vector.shape_cast %get3A_664 : vector<1x16xi32> to vector<16xi32>
          %and3A_666 = arith.constant 65535 : i32
          %and3A_667 = vector.broadcast %and3A_666 : i32 to vector<16xi32>
          %and3A_668 = arith.andi %get3A_665, %and3A_667 : vector<16xi32>
          %add3A_669 = vector.broadcast %mul3A_0 : i32 to vector<16xi32>
          %add3A_670 = arith.addi %and3A_668, %add3A_669 : vector<16xi32>
          %swap3A_671 = arith.constant 32 : index
          %swap3A_672 = tpu.vector_load %arg10[%swap3A_671] {strides = array<i32>} : memref<125xi32, #tpu.memory_space<vmem>>, vector<16xi32>,
          %swap3A_673 = vector.shape_cast %swap3A_672 : vector<16xi32> to vector<16xi32>
          %swap3A_674 = vector.shape_cast %add3A_670 : vector<16xi32> to vector<16xi32>
          tpu.vector_store %arg10[%swap3A_671], %swap3A_674 {strides = array<i32>} : memref<125xi32, #tpu.memory_space<vmem>>, vector<16xi32>,
          %shift_right_arithmetic3A_675 = arith.constant 16 : i32
          %shift_right_arithmetic3A_676 = vector.broadcast %shift_right_arithmetic3A_675 : i32 to vector<16xi32>
          %shift_right_arithmetic3A_677 = arith.shrsi %get3A_665, %shift_right_arithmetic3A_676 : vector<16xi32>
          %swap3A_678 = arith.constant 32 : index
          %swap3A_679 = tpu.vector_load %arg11[%swap3A_678] {strides = array<i32>} : memref<125xi32, #tpu.memory_space<vmem>>, vector<16xi32>,
          %swap3A_680 = vector.shape_cast %swap3A_679 : vector<16xi32> to vector<16xi32>
          %swap3A_681 = vector.shape_cast %shift_right_arithmetic3A_677 : vector<16xi32> to vector<16xi32>
          tpu.vector_store %arg11[%swap3A_678], %swap3A_681 {strides = array<i32>} : memref<125xi32, #tpu.memory_space<vmem>>, vector<16xi32>,
          %get3A_682 = arith.index_cast %sub3A_600 : i32 to index
          %get3A_683 = arith.constant 48 : index
          %get3A_684 = tpu.vector_load %arg9[%get3A_682, %get3A_683] {strides = array<i32>} : memref<8x125xi32, #tpu.memory_space<vmem>>, vector<1x16xi32>,
          %get3A_685 = vector.shape_cast %get3A_684 : vector<1x16xi32> to vector<16xi32>
          %and3A_686 = arith.constant 65535 : i32
          %and3A_687 = vector.broadcast %and3A_686 : i32 to vector<16xi32>
          %and3A_688 = arith.andi %get3A_685, %and3A_687 : vector<16xi32>
          %add3A_689 = vector.broadcast %mul3A_0 : i32 to vector<16xi32>
          %add3A_690 = arith.addi %and3A_688, %add3A_689 : vector<16xi32>
          %swap3A_691 = arith.constant 48 : index
          %swap3A_692 = tpu.vector_load %arg10[%swap3A_691] {strides = array<i32>} : memref<125xi32, #tpu.memory_space<vmem>>, vector<16xi32>,
          %swap3A_693 = vector.shape_cast %swap3A_692 : vector<16xi32> to vector<16xi32>
          %swap3A_694 = vector.shape_cast %add3A_690 : vector<16xi32> to vector<16xi32>
          tpu.vector_store %arg10[%swap3A_691], %swap3A_694 {strides = array<i32>} : memref<125xi32, #tpu.memory_space<vmem>>, vector<16xi32>,
          %shift_right_arithmetic3A_695 = arith.constant 16 : i32
          %shift_right_arithmetic3A_696 = vector.broadcast %shift_right_arithmetic3A_695 : i32 to vector<16xi32>
          %shift_right_arithmetic3A_697 = arith.shrsi %get3A_685, %shift_right_arithmetic3A_696 : vector<16xi32>
          %swap3A_698 = arith.constant 48 : index
          %swap3A_699 = tpu.vector_load %arg11[%swap3A_698] {strides = array<i32>} : memref<125xi32, #tpu.memory_space<vmem>>, vector<16xi32>,
          %swap3A_700 = vector.shape_cast %swap3A_699 : vector<16xi32> to vector<16xi32>
          %swap3A_701 = vector.shape_cast %shift_right_arithmetic3A_697 : vector<16xi32> to vector<16xi32>
          tpu.vector_store %arg11[%swap3A_698], %swap3A_701 {strides = array<i32>} : memref<125xi32, #tpu.memory_space<vmem>>, vector<16xi32>,
          %get3A_702 = arith.index_cast %sub3A_600 : i32 to index
          %get3A_703 = arith.constant 64 : index
          %get3A_704 = tpu.vector_load %arg9[%get3A_702, %get3A_703] {strides = array<i32>} : memref<8x125xi32, #tpu.memory_space<vmem>>, vector<1x16xi32>,
          %get3A_705 = vector.shape_cast %get3A_704 : vector<1x16xi32> to vector<16xi32>
          %and3A_706 = arith.constant 65535 : i32
          %and3A_707 = vector.broadcast %and3A_706 : i32 to vector<16xi32>
          %and3A_708 = arith.andi %get3A_705, %and3A_707 : vector<16xi32>
          %add3A_709 = vector.broadcast %mul3A_0 : i32 to vector<16xi32>
          %add3A_710 = arith.addi %and3A_708, %add3A_709 : vector<16xi32>
          %swap3A_711 = arith.constant 64 : index
          %swap3A_712 = tpu.vector_load %arg10[%swap3A_711] {strides = array<i32>} : memref<125xi32, #tpu.memory_space<vmem>>, vector<16xi32>,
          %swap3A_713 = vector.shape_cast %swap3A_712 : vector<16xi32> to vector<16xi32>
          %swap3A_714 = vector.shape_cast %add3A_710 : vector<16xi32> to vector<16xi32>
          tpu.vector_store %arg10[%swap3A_711], %swap3A_714 {strides = array<i32>} : memref<125xi32, #tpu.memory_space<vmem>>, vector<16xi32>,
          %shift_right_arithmetic3A_715 = arith.constant 16 : i32
          %shift_right_arithmetic3A_716 = vector.broadcast %shift_right_arithmetic3A_715 : i32 to vector<16xi32>
          %shift_right_arithmetic3A_717 = arith.shrsi %get3A_705, %shift_right_arithmetic3A_716 : vector<16xi32>
          %swap3A_718 = arith.constant 64 : index
          %swap3A_719 = tpu.vector_load %arg11[%swap3A_718] {strides = array<i32>} : memref<125xi32, #tpu.memory_space<vmem>>, vector<16xi32>,
          %swap3A_720 = vector.shape_cast %swap3A_719 : vector<16xi32> to vector<16xi32>
          %swap3A_721 = vector.shape_cast %shift_right_arithmetic3A_717 : vector<16xi32> to vector<16xi32>
          tpu.vector_store %arg11[%swap3A_718], %swap3A_721 {strides = array<i32>} : memref<125xi32, #tpu.memory_space<vmem>>, vector<16xi32>,
          %get3A_722 = arith.index_cast %sub3A_600 : i32 to index
          %get3A_723 = arith.constant 80 : index
          %get3A_724 = tpu.vector_load %arg9[%get3A_722, %get3A_723] {strides = array<i32>} : memref<8x125xi32, #tpu.memory_space<vmem>>, vector<1x16xi32>,
          %get3A_725 = vector.shape_cast %get3A_724 : vector<1x16xi32> to vector<16xi32>
          %and3A_726 = arith.constant 65535 : i32
          %and3A_727 = vector.broadcast %and3A_726 : i32 to vector<16xi32>
          %and3A_728 = arith.andi %get3A_725, %and3A_727 : vector<16xi32>
          %add3A_729 = vector.broadcast %mul3A_0 : i32 to vector<16xi32>
          %add3A_730 = arith.addi %and3A_728, %add3A_729 : vector<16xi32>
          %swap3A_731 = arith.constant 80 : index
          %swap3A_732 = tpu.vector_load %arg10[%swap3A_731] {strides = array<i32>} : memref<125xi32, #tpu.memory_space<vmem>>, vector<16xi32>,
          %swap3A_733 = vector.shape_cast %swap3A_732 : vector<16xi32> to vector<16xi32>
          %swap3A_734 = vector.shape_cast %add3A_730 : vector<16xi32> to vector<16xi32>
          tpu.vector_store %arg10[%swap3A_731], %swap3A_734 {strides = array<i32>} : memref<125xi32, #tpu.memory_space<vmem>>, vector<16xi32>,
          %shift_right_arithmetic3A_735 = arith.constant 16 : i32
          %shift_right_arithmetic3A_736 = vector.broadcast %shift_right_arithmetic3A_735 : i32 to vector<16xi32>
          %shift_right_arithmetic3A_737 = arith.shrsi %get3A_725, %shift_right_arithmetic3A_736 : vector<16xi32>
          %swap3A_738 = arith.constant 80 : index
          %swap3A_739 = tpu.vector_load %arg11[%swap3A_738] {strides = array<i32>} : memref<125xi32, #tpu.memory_space<vmem>>, vector<16xi32>,
          %swap3A_740 = vector.shape_cast %swap3A_739 : vector<16xi32> to vector<16xi32>
          %swap3A_741 = vector.shape_cast %shift_right_arithmetic3A_737 : vector<16xi32> to vector<16xi32>
          tpu.vector_store %arg11[%swap3A_738], %swap3A_741 {strides = array<i32>} : memref<125xi32, #tpu.memory_space<vmem>>, vector<16xi32>,
          %get3A_742 = arith.index_cast %sub3A_600 : i32 to index
          %get3A_743 = arith.constant 96 : index
          %get3A_744 = tpu.vector_load %arg9[%get3A_742, %get3A_743] {strides = array<i32>} : memref<8x125xi32, #tpu.memory_space<vmem>>, vector<1x16xi32>,
          %get3A_745 = vector.shape_cast %get3A_744 : vector<1x16xi32> to vector<16xi32>
          %and3A_746 = arith.constant 65535 : i32
          %and3A_747 = vector.broadcast %and3A_746 : i32 to vector<16xi32>
          %and3A_748 = arith.andi %get3A_745, %and3A_747 : vector<16xi32>
          %add3A_749 = vector.broadcast %mul3A_0 : i32 to vector<16xi32>
          %add3A_750 = arith.addi %and3A_748, %add3A_749 : vector<16xi32>
          %swap3A_751 = arith.constant 96 : index
          %swap3A_752 = tpu.vector_load %arg10[%swap3A_751] {strides = array<i32>} : memref<125xi32, #tpu.memory_space<vmem>>, vector<16xi32>,
          %swap3A_753 = vector.shape_cast %swap3A_752 : vector<16xi32> to vector<16xi32>
          %swap3A_754 = vector.shape_cast %add3A_750 : vector<16xi32> to vector<16xi32>
          tpu.vector_store %arg10[%swap3A_751], %swap3A_754 {strides = array<i32>} : memref<125xi32, #tpu.memory_space<vmem>>, vector<16xi32>,
          %shift_right_arithmetic3A_755 = arith.constant 16 : i32
          %shift_right_arithmetic3A_756 = vector.broadcast %shift_right_arithmetic3A_755 : i32 to vector<16xi32>
          %shift_right_arithmetic3A_757 = arith.shrsi %get3A_745, %shift_right_arithmetic3A_756 : vector<16xi32>
          %swap3A_758 = arith.constant 96 : index
          %swap3A_759 = tpu.vector_load %arg11[%swap3A_758] {strides = array<i32>} : memref<125xi32, #tpu.memory_space<vmem>>, vector<16xi32>,
          %swap3A_760 = vector.shape_cast %swap3A_759 : vector<16xi32> to vector<16xi32>
          %swap3A_761 = vector.shape_cast %shift_right_arithmetic3A_757 : vector<16xi32> to vector<16xi32>
          tpu.vector_store %arg11[%swap3A_758], %swap3A_761 {strides = array<i32>} : memref<125xi32, #tpu.memory_space<vmem>>, vector<16xi32>,
          %get3A_762 = arith.index_cast %sub3A_600 : i32 to index
          %get3A_763 = arith.constant 109 : index
          %get3A_764 = tpu.vector_load %arg9[%get3A_762, %get3A_763] {strides = array<i32>} : memref<8x125xi32, #tpu.memory_space<vmem>>, vector<1x16xi32>,
          %get3A_765 = vector.shape_cast %get3A_764 : vector<1x16xi32> to vector<16xi32>
          %and3A_766 = arith.constant 65535 : i32
          %and3A_767 = vector.broadcast %and3A_766 : i32 to vector<16xi32>
          %and3A_768 = arith.andi %get3A_765, %and3A_767 : vector<16xi32>
          %add3A_769 = vector.broadcast %mul3A_0 : i32 to vector<16xi32>
          %add3A_770 = arith.addi %and3A_768, %add3A_769 : vector<16xi32>
          %swap3A_771 = arith.constant 109 : index
          %swap3A_772 = tpu.vector_load %arg10[%swap3A_771] {strides = array<i32>} : memref<125xi32, #tpu.memory_space<vmem>>, vector<16xi32>,
          %swap3A_773 = vector.shape_cast %swap3A_772 : vector<16xi32> to vector<16xi32>
          %swap3A_774 = vector.shape_cast %add3A_770 : vector<16xi32> to vector<16xi32>
          tpu.vector_store %arg10[%swap3A_771], %swap3A_774 {strides = array<i32>} : memref<125xi32, #tpu.memory_space<vmem>>, vector<16xi32>,
          %shift_right_arithmetic3A_775 = arith.constant 16 : i32
          %shift_right_arithmetic3A_776 = vector.broadcast %shift_right_arithmetic3A_775 : i32 to vector<16xi32>
          %shift_right_arithmetic3A_777 = arith.shrsi %get3A_765, %shift_right_arithmetic3A_776 : vector<16xi32>
          %swap3A_778 = arith.constant 109 : index
          %swap3A_779 = tpu.vector_load %arg11[%swap3A_778] {strides = array<i32>} : memref<125xi32, #tpu.memory_space<vmem>>, vector<16xi32>,
          %swap3A_780 = vector.shape_cast %swap3A_779 : vector<16xi32> to vector<16xi32>
          %swap3A_781 = vector.shape_cast %shift_right_arithmetic3A_777 : vector<16xi32> to vector<16xi32>
          tpu.vector_store %arg11[%swap3A_778], %swap3A_781 {strides = array<i32>} : memref<125xi32, #tpu.memory_space<vmem>>, vector<16xi32>,
          %jit3A_782 = arith.constant 8 : i32
          %eq3A_783 = arith.constant 0 : i32
          %eq3A_784 = arith.cmpi eq, %jit3A_782, %eq3A_783 : i32
          %jit3A_785 = arith.constant 1 : i32
          %select_n3A_786 = arith.select %eq3A_784, %jit3A_785, %jit3A_782 : i32
          %rem3A_787 = arith.remsi %add3A_580, %select_n3A_786 : i32
          %ne3A_788 = arith.constant 0 : i32
          %ne3A_789 = arith.cmpi ne, %rem3A_787, %ne3A_788 : i32
          %lt3A_790 = arith.constant 0 : i32
          %lt3A_791 = arith.cmpi slt, %rem3A_787, %lt3A_790 : i32
          %lt3A_792 = arith.constant 0 : i32
          %lt3A_793 = arith.cmpi slt, %select_n3A_786, %lt3A_792 : i32
          %ne3A_794 = arith.xori %lt3A_791, %lt3A_793 : i1
          %and3A_795 = arith.andi %ne3A_794, %ne3A_789 : i1
          %add3A_796 = arith.addi %rem3A_787, %select_n3A_786 : i32
          %select_n3A_797 = arith.select %and3A_795, %add3A_796, %rem3A_787 : i32
          %eq3A_798 = arith.constant 7 : i32
          %eq3A_799 = arith.cmpi eq, %select_n3A_797, %eq3A_798 : i32
          %convert_element_type3A_800 = arith.extui %eq3A_799 : i1 to i32
          %cond3A_801 = arith.constant 0 : i32
          %cond3A_802 = arith.cmpi ne, %convert_element_type3A_800, %cond3A_801 : i32
          scf.if %cond3A_802 {
            %lt3A_806 = arith.constant 9 : i32
            %lt3A_807 = arith.cmpi slt, %select_n3A, %lt3A_806 : i32
            %convert_element_type3A_808 = arith.extui %lt3A_807 : i1 to i32
            %cond3A_809 = arith.constant 0 : i32
            %cond3A_810 = arith.cmpi ne, %convert_element_type3A_808, %cond3A_809 : i32
            scf.if %cond3A_810 {
              %add3A_811 = arith.constant 1 : i32
              %add3A_812 = arith.addi %select_n3A, %add3A_811 : i32
              %mul3A_813 = arith.constant 8 : i32
              %mul3A_814 = arith.muli %add3A_812, %mul3A_813 : i32
              %add3A_815 = arith.addi %mul3A_3, %mul3A_814 : i32
              %dma_start3A_816 = arith.constant 0 : i32
              %dma_start3A_817 = tpu.memref_slice %arg3[%add3A_815, %dma_start3A_816] : memref<1280x125xi32, #tpu.memory_space<hbm>> -> memref<8x125xi32, #tpu.memory_space<hbm>>
              %dma_start3A_818 = arith.constant 0 : i32
              %dma_start3A_819 = tpu.memref_slice %arg3[%add3A_815, %dma_start3A_818] : memref<1280x125xi32, #tpu.memory_space<hbm>> -> memref<8x125xi32, #tpu.memory_space<hbm>>
              tpu.enqueue_dma source(%dma_start3A_819 : memref<8x125xi32, #tpu.memory_space<hbm>>) target(%arg9 : memref<8x125xi32, #tpu.memory_space<vmem>>) target_semaphore(%arg19 : memref<!tpu.dma_semaphore, #tpu.memory_space<semaphore_mem>>)
            } else {
            }
          } else {
          }
          %dma_start3A_803 = arith.constant 0 : i32
          %dma_start3A_804 = arith.constant 0 : i32
          %dma_start3A_805 = tpu.memref_slice %arg2[%dma_start3A_803, %dma_start3A_804] : memref<20000x128xf32, #tpu.memory_space<hbm>> -> memref<20000x128xf32, #tpu.memory_space<hbm>>
          tpu.enqueue_indirect_dma source(%dma_start3A_805 : memref<20000x128xf32, #tpu.memory_space<hbm>>) target(%arg6 : memref<125x128xf32, #tpu.memory_space<vmem>>) offsets(%arg10 : memref<125xi32, #tpu.memory_space<vmem>>) semaphore(%arg16 : memref<!tpu.dma_semaphore, #tpu.memory_space<semaphore_mem>>)
        } else {
        }
      } else {
      }
      %add3A_556 = arith.constant 1 : i32
      %add3A_557 = arith.addi %mul3A_550, %add3A_556 : i32
      %lt3A_558 = arith.constant 80 : i32
      %lt3A_559 = arith.cmpi slt, %add3A_557, %lt3A_558 : i32
      %convert_element_type3A_560 = arith.extui %lt3A_559 : i1 to i32
      %cond3A_561 = arith.constant 0 : i32
      %cond3A_562 = arith.cmpi ne, %convert_element_type3A_560, %cond3A_561 : i32
      scf.if %cond3A_562 {
        %dma_wait3A = arith.constant 0 : i32
        %dma_wait3A_570 = arith.constant 0 : i32
        %dma_wait3A_571 = tpu.memref_slice %arg2[%dma_wait3A, %dma_wait3A_570] : memref<20000x128xf32, #tpu.memory_space<hbm>> -> memref<20000x128xf32, #tpu.memory_space<hbm>>
        tpu.wait_indirect_dma semaphore(%arg17 : memref<!tpu.dma_semaphore, #tpu.memory_space<semaphore_mem>>) src(%dma_wait3A_571 : memref<20000x128xf32, #tpu.memory_space<hbm>>) dst(%arg7 : memref<125x128xf32, #tpu.memory_space<vmem>>)
        "tpu.region"() ({
          %run_scoped3A = tpu.sem_alloc : memref<!tpu.dma_semaphore, #tpu.memory_space<semaphore_mem>>
          %dma_start3A_579 = arith.constant 0 : i32
          %dma_start3A_580 = arith.constant 0 : i32
          %dma_start3A_581 = tpu.memref_slice %arg5[%dma_start3A_579, %dma_start3A_580] : memref<10000x128xf32, #tpu.memory_space<vmem_shared>> -> memref<10000x128xf32, #tpu.memory_space<vmem_shared>>
          tpu.enqueue_indirect_dma source(%arg7 : memref<125x128xf32, #tpu.memory_space<vmem>>) target(%dma_start3A_581 : memref<10000x128xf32, #tpu.memory_space<vmem_shared>>) offsets(%arg13 : memref<125xi32, #tpu.memory_space<vmem>>) semaphore(%run_scoped3A : memref<!tpu.dma_semaphore, #tpu.memory_space<semaphore_mem>>) {add = true}
          %dma_wait3A_582 = arith.constant 0 : i32
          %dma_wait3A_583 = arith.constant 0 : i32
          %dma_wait3A_584 = tpu.memref_slice %arg5[%dma_wait3A_582, %dma_wait3A_583] : memref<10000x128xf32, #tpu.memory_space<vmem_shared>> -> memref<10000x128xf32, #tpu.memory_space<vmem_shared>>
          tpu.wait_indirect_dma semaphore(%run_scoped3A : memref<!tpu.dma_semaphore, #tpu.memory_space<semaphore_mem>>) src(%arg7 : memref<125x128xf32, #tpu.memory_space<vmem>>) dst(%dma_wait3A_584 : memref<10000x128xf32, #tpu.memory_space<vmem_shared>>)
          tpu.yield
        }) : () -> ()
        %add3A_572 = arith.constant 3 : i32
        %add3A_573 = arith.addi %add3A_557, %add3A_572 : i32
        %lt3A_574 = arith.constant 80 : i32
        %lt3A_575 = arith.cmpi slt, %add3A_573, %lt3A_574 : i32
        %convert_element_type3A_576 = arith.extui %lt3A_575 : i1 to i32
        %cond3A_577 = arith.constant 0 : i32
        %cond3A_578 = arith.cmpi ne, %convert_element_type3A_576, %cond3A_577 : i32
        scf.if %cond3A_578 {
          %add3A_579 = arith.constant 3 : i32
          %add3A_580 = arith.addi %add3A_557, %add3A_579 : i32
          %jit3A = arith.constant 8 : i32
          %div3A = arith.divsi %add3A_580, %jit3A : i32
          %sign3A = arith.constant 0 : i32
          %sign3A_581 = arith.cmpi sgt, %add3A_580, %sign3A : i32
          %sign3A_582 = arith.extui %sign3A_581 : i1 to i32
          %sign3A_583 = arith.constant 0 : i32
          %sign3A_584 = arith.cmpi slt, %add3A_580, %sign3A_583 : i32
          %sign3A_585 = arith.extui %sign3A_584 : i1 to i32
          %sign3A_586 = arith.subi %sign3A_582, %sign3A_585 : i32
          %sign3A_587 = arith.constant 0 : i32
          %sign3A_588 = arith.cmpi sgt, %jit3A, %sign3A_587 : i32
          %sign3A_589 = arith.extui %sign3A_588 : i1 to i32
          %sign3A_590 = arith.constant 0 : i32
          %sign3A_591 = arith.cmpi slt, %jit3A, %sign3A_590 : i32
          %sign3A_592 = arith.extui %sign3A_591 : i1 to i32
          %sign3A_593 = arith.subi %sign3A_589, %sign3A_592 : i32
          %ne3A = arith.cmpi ne, %sign3A_586, %sign3A_593 : i32
          %rem3A = arith.remsi %add3A_580, %jit3A : i32
          %ne3A_594 = arith.constant 0 : i32
          %ne3A_595 = arith.cmpi ne, %rem3A, %ne3A_594 : i32
          %and3A_596 = arith.andi %ne3A, %ne3A_595 : i1
          %sub3A = arith.constant 1 : i32
          %sub3A_597 = arith.subi %div3A, %sub3A : i32
          %select_n3A = arith.select %and3A_596, %sub3A_597, %div3A : i32
          %mul3A_598 = arith.constant 8 : i32
          %mul3A_599 = arith.muli %select_n3A, %mul3A_598 : i32
          %sub3A_600 = arith.subi %add3A_580, %mul3A_599 : i32
          %jit3A_601 = arith.constant 8 : i32
          %eq3A_602 = arith.constant 0 : i32
          %eq3A_603 = arith.cmpi eq, %jit3A_601, %eq3A_602 : i32
          %jit3A_604 = arith.constant 1 : i32
          %select_n3A_605 = arith.select %eq3A_603, %jit3A_604, %jit3A_601 : i32
          %rem3A_606 = arith.remsi %add3A_580, %select_n3A_605 : i32
          %ne3A_607 = arith.constant 0 : i32
          %ne3A_608 = arith.cmpi ne, %rem3A_606, %ne3A_607 : i32
          %lt3A_609 = arith.constant 0 : i32
          %lt3A_610 = arith.cmpi slt, %rem3A_606, %lt3A_609 : i32
          %lt3A_611 = arith.constant 0 : i32
          %lt3A_612 = arith.cmpi slt, %select_n3A_605, %lt3A_611 : i32
          %ne3A_613 = arith.xori %lt3A_610, %lt3A_612 : i1
          %and3A_614 = arith.andi %ne3A_613, %ne3A_608 : i1
          %add3A_615 = arith.addi %rem3A_606, %select_n3A_605 : i32
          %select_n3A_616 = arith.select %and3A_614, %add3A_615, %rem3A_606 : i32
          %eq3A_617 = arith.constant 0 : i32
          %eq3A_618 = arith.cmpi eq, %select_n3A_616, %eq3A_617 : i32
          %convert_element_type3A_619 = arith.extui %eq3A_618 : i1 to i32
          %cond3A_620 = arith.constant 0 : i32
          %cond3A_621 = arith.cmpi ne, %convert_element_type3A_619, %cond3A_620 : i32
          scf.if %cond3A_621 {
            %mul3A_806 = arith.constant 8 : i32
            %mul3A_807 = arith.muli %select_n3A, %mul3A_806 : i32
            %add3A_808 = arith.addi %mul3A_3, %mul3A_807 : i32
            %dma_wait3A_809 = arith.constant 0 : i32
            %dma_wait3A_810 = tpu.memref_slice %arg3[%add3A_808, %dma_wait3A_809] : memref<1280x125xi32, #tpu.memory_space<hbm>> -> memref<8x125xi32, #tpu.memory_space<hbm>>
            %dma_wait3A_811 = arith.constant 0 : i32
            %dma_wait3A_812 = tpu.memref_slice %arg3[%add3A_808, %dma_wait3A_811] : memref<1280x125xi32, #tpu.memory_space<hbm>> -> memref<8x125xi32, #tpu.memory_space<hbm>>
            tpu.wait_dma2 semaphore(%arg19 : memref<!tpu.dma_semaphore, #tpu.memory_space<semaphore_mem>>) src(%dma_wait3A_812 : memref<8x125xi32, #tpu.memory_space<hbm>>) dst(%arg9 : memref<8x125xi32, #tpu.memory_space<vmem>>)
          } else {
          }
          %get3A_622 = arith.index_cast %sub3A_600 : i32 to index
          %get3A_623 = arith.constant 0 : index
          %get3A_624 = tpu.vector_load %arg9[%get3A_622, %get3A_623] {strides = array<i32>} : memref<8x125xi32, #tpu.memory_space<vmem>>, vector<1x16xi32>,
          %get3A_625 = vector.shape_cast %get3A_624 : vector<1x16xi32> to vector<16xi32>
          %and3A_626 = arith.constant 65535 : i32
          %and3A_627 = vector.broadcast %and3A_626 : i32 to vector<16xi32>
          %and3A_628 = arith.andi %get3A_625, %and3A_627 : vector<16xi32>
          %add3A_629 = vector.broadcast %mul3A_0 : i32 to vector<16xi32>
          %add3A_630 = arith.addi %and3A_628, %add3A_629 : vector<16xi32>
          %swap3A_631 = arith.constant 0 : index
          %swap3A_632 = tpu.vector_load %arg12[%swap3A_631] {strides = array<i32>} : memref<125xi32, #tpu.memory_space<vmem>>, vector<16xi32>,
          %swap3A_633 = vector.shape_cast %swap3A_632 : vector<16xi32> to vector<16xi32>
          %swap3A_634 = vector.shape_cast %add3A_630 : vector<16xi32> to vector<16xi32>
          tpu.vector_store %arg12[%swap3A_631], %swap3A_634 {strides = array<i32>} : memref<125xi32, #tpu.memory_space<vmem>>, vector<16xi32>,
          %shift_right_arithmetic3A_635 = arith.constant 16 : i32
          %shift_right_arithmetic3A_636 = vector.broadcast %shift_right_arithmetic3A_635 : i32 to vector<16xi32>
          %shift_right_arithmetic3A_637 = arith.shrsi %get3A_625, %shift_right_arithmetic3A_636 : vector<16xi32>
          %swap3A_638 = arith.constant 0 : index
          %swap3A_639 = tpu.vector_load %arg13[%swap3A_638] {strides = array<i32>} : memref<125xi32, #tpu.memory_space<vmem>>, vector<16xi32>,
          %swap3A_640 = vector.shape_cast %swap3A_639 : vector<16xi32> to vector<16xi32>
          %swap3A_641 = vector.shape_cast %shift_right_arithmetic3A_637 : vector<16xi32> to vector<16xi32>
          tpu.vector_store %arg13[%swap3A_638], %swap3A_641 {strides = array<i32>} : memref<125xi32, #tpu.memory_space<vmem>>, vector<16xi32>,
          %get3A_642 = arith.index_cast %sub3A_600 : i32 to index
          %get3A_643 = arith.constant 16 : index
          %get3A_644 = tpu.vector_load %arg9[%get3A_642, %get3A_643] {strides = array<i32>} : memref<8x125xi32, #tpu.memory_space<vmem>>, vector<1x16xi32>,
          %get3A_645 = vector.shape_cast %get3A_644 : vector<1x16xi32> to vector<16xi32>
          %and3A_646 = arith.constant 65535 : i32
          %and3A_647 = vector.broadcast %and3A_646 : i32 to vector<16xi32>
          %and3A_648 = arith.andi %get3A_645, %and3A_647 : vector<16xi32>
          %add3A_649 = vector.broadcast %mul3A_0 : i32 to vector<16xi32>
          %add3A_650 = arith.addi %and3A_648, %add3A_649 : vector<16xi32>
          %swap3A_651 = arith.constant 16 : index
          %swap3A_652 = tpu.vector_load %arg12[%swap3A_651] {strides = array<i32>} : memref<125xi32, #tpu.memory_space<vmem>>, vector<16xi32>,
          %swap3A_653 = vector.shape_cast %swap3A_652 : vector<16xi32> to vector<16xi32>
          %swap3A_654 = vector.shape_cast %add3A_650 : vector<16xi32> to vector<16xi32>
          tpu.vector_store %arg12[%swap3A_651], %swap3A_654 {strides = array<i32>} : memref<125xi32, #tpu.memory_space<vmem>>, vector<16xi32>,
          %shift_right_arithmetic3A_655 = arith.constant 16 : i32
          %shift_right_arithmetic3A_656 = vector.broadcast %shift_right_arithmetic3A_655 : i32 to vector<16xi32>
          %shift_right_arithmetic3A_657 = arith.shrsi %get3A_645, %shift_right_arithmetic3A_656 : vector<16xi32>
          %swap3A_658 = arith.constant 16 : index
          %swap3A_659 = tpu.vector_load %arg13[%swap3A_658] {strides = array<i32>} : memref<125xi32, #tpu.memory_space<vmem>>, vector<16xi32>,
          %swap3A_660 = vector.shape_cast %swap3A_659 : vector<16xi32> to vector<16xi32>
          %swap3A_661 = vector.shape_cast %shift_right_arithmetic3A_657 : vector<16xi32> to vector<16xi32>
          tpu.vector_store %arg13[%swap3A_658], %swap3A_661 {strides = array<i32>} : memref<125xi32, #tpu.memory_space<vmem>>, vector<16xi32>,
          %get3A_662 = arith.index_cast %sub3A_600 : i32 to index
          %get3A_663 = arith.constant 32 : index
          %get3A_664 = tpu.vector_load %arg9[%get3A_662, %get3A_663] {strides = array<i32>} : memref<8x125xi32, #tpu.memory_space<vmem>>, vector<1x16xi32>,
          %get3A_665 = vector.shape_cast %get3A_664 : vector<1x16xi32> to vector<16xi32>
          %and3A_666 = arith.constant 65535 : i32
          %and3A_667 = vector.broadcast %and3A_666 : i32 to vector<16xi32>
          %and3A_668 = arith.andi %get3A_665, %and3A_667 : vector<16xi32>
          %add3A_669 = vector.broadcast %mul3A_0 : i32 to vector<16xi32>
          %add3A_670 = arith.addi %and3A_668, %add3A_669 : vector<16xi32>
          %swap3A_671 = arith.constant 32 : index
          %swap3A_672 = tpu.vector_load %arg12[%swap3A_671] {strides = array<i32>} : memref<125xi32, #tpu.memory_space<vmem>>, vector<16xi32>,
          %swap3A_673 = vector.shape_cast %swap3A_672 : vector<16xi32> to vector<16xi32>
          %swap3A_674 = vector.shape_cast %add3A_670 : vector<16xi32> to vector<16xi32>
          tpu.vector_store %arg12[%swap3A_671], %swap3A_674 {strides = array<i32>} : memref<125xi32, #tpu.memory_space<vmem>>, vector<16xi32>,
          %shift_right_arithmetic3A_675 = arith.constant 16 : i32
          %shift_right_arithmetic3A_676 = vector.broadcast %shift_right_arithmetic3A_675 : i32 to vector<16xi32>
          %shift_right_arithmetic3A_677 = arith.shrsi %get3A_665, %shift_right_arithmetic3A_676 : vector<16xi32>
          %swap3A_678 = arith.constant 32 : index
          %swap3A_679 = tpu.vector_load %arg13[%swap3A_678] {strides = array<i32>} : memref<125xi32, #tpu.memory_space<vmem>>, vector<16xi32>,
          %swap3A_680 = vector.shape_cast %swap3A_679 : vector<16xi32> to vector<16xi32>
          %swap3A_681 = vector.shape_cast %shift_right_arithmetic3A_677 : vector<16xi32> to vector<16xi32>
          tpu.vector_store %arg13[%swap3A_678], %swap3A_681 {strides = array<i32>} : memref<125xi32, #tpu.memory_space<vmem>>, vector<16xi32>,
          %get3A_682 = arith.index_cast %sub3A_600 : i32 to index
          %get3A_683 = arith.constant 48 : index
          %get3A_684 = tpu.vector_load %arg9[%get3A_682, %get3A_683] {strides = array<i32>} : memref<8x125xi32, #tpu.memory_space<vmem>>, vector<1x16xi32>,
          %get3A_685 = vector.shape_cast %get3A_684 : vector<1x16xi32> to vector<16xi32>
          %and3A_686 = arith.constant 65535 : i32
          %and3A_687 = vector.broadcast %and3A_686 : i32 to vector<16xi32>
          %and3A_688 = arith.andi %get3A_685, %and3A_687 : vector<16xi32>
          %add3A_689 = vector.broadcast %mul3A_0 : i32 to vector<16xi32>
          %add3A_690 = arith.addi %and3A_688, %add3A_689 : vector<16xi32>
          %swap3A_691 = arith.constant 48 : index
          %swap3A_692 = tpu.vector_load %arg12[%swap3A_691] {strides = array<i32>} : memref<125xi32, #tpu.memory_space<vmem>>, vector<16xi32>,
          %swap3A_693 = vector.shape_cast %swap3A_692 : vector<16xi32> to vector<16xi32>
          %swap3A_694 = vector.shape_cast %add3A_690 : vector<16xi32> to vector<16xi32>
          tpu.vector_store %arg12[%swap3A_691], %swap3A_694 {strides = array<i32>} : memref<125xi32, #tpu.memory_space<vmem>>, vector<16xi32>,
          %shift_right_arithmetic3A_695 = arith.constant 16 : i32
          %shift_right_arithmetic3A_696 = vector.broadcast %shift_right_arithmetic3A_695 : i32 to vector<16xi32>
          %shift_right_arithmetic3A_697 = arith.shrsi %get3A_685, %shift_right_arithmetic3A_696 : vector<16xi32>
          %swap3A_698 = arith.constant 48 : index
          %swap3A_699 = tpu.vector_load %arg13[%swap3A_698] {strides = array<i32>} : memref<125xi32, #tpu.memory_space<vmem>>, vector<16xi32>,
          %swap3A_700 = vector.shape_cast %swap3A_699 : vector<16xi32> to vector<16xi32>
          %swap3A_701 = vector.shape_cast %shift_right_arithmetic3A_697 : vector<16xi32> to vector<16xi32>
          tpu.vector_store %arg13[%swap3A_698], %swap3A_701 {strides = array<i32>} : memref<125xi32, #tpu.memory_space<vmem>>, vector<16xi32>,
          %get3A_702 = arith.index_cast %sub3A_600 : i32 to index
          %get3A_703 = arith.constant 64 : index
          %get3A_704 = tpu.vector_load %arg9[%get3A_702, %get3A_703] {strides = array<i32>} : memref<8x125xi32, #tpu.memory_space<vmem>>, vector<1x16xi32>,
          %get3A_705 = vector.shape_cast %get3A_704 : vector<1x16xi32> to vector<16xi32>
          %and3A_706 = arith.constant 65535 : i32
          %and3A_707 = vector.broadcast %and3A_706 : i32 to vector<16xi32>
          %and3A_708 = arith.andi %get3A_705, %and3A_707 : vector<16xi32>
          %add3A_709 = vector.broadcast %mul3A_0 : i32 to vector<16xi32>
          %add3A_710 = arith.addi %and3A_708, %add3A_709 : vector<16xi32>
          %swap3A_711 = arith.constant 64 : index
          %swap3A_712 = tpu.vector_load %arg12[%swap3A_711] {strides = array<i32>} : memref<125xi32, #tpu.memory_space<vmem>>, vector<16xi32>,
          %swap3A_713 = vector.shape_cast %swap3A_712 : vector<16xi32> to vector<16xi32>
          %swap3A_714 = vector.shape_cast %add3A_710 : vector<16xi32> to vector<16xi32>
          tpu.vector_store %arg12[%swap3A_711], %swap3A_714 {strides = array<i32>} : memref<125xi32, #tpu.memory_space<vmem>>, vector<16xi32>,
          %shift_right_arithmetic3A_715 = arith.constant 16 : i32
          %shift_right_arithmetic3A_716 = vector.broadcast %shift_right_arithmetic3A_715 : i32 to vector<16xi32>
          %shift_right_arithmetic3A_717 = arith.shrsi %get3A_705, %shift_right_arithmetic3A_716 : vector<16xi32>
          %swap3A_718 = arith.constant 64 : index
          %swap3A_719 = tpu.vector_load %arg13[%swap3A_718] {strides = array<i32>} : memref<125xi32, #tpu.memory_space<vmem>>, vector<16xi32>,
          %swap3A_720 = vector.shape_cast %swap3A_719 : vector<16xi32> to vector<16xi32>
          %swap3A_721 = vector.shape_cast %shift_right_arithmetic3A_717 : vector<16xi32> to vector<16xi32>
          tpu.vector_store %arg13[%swap3A_718], %swap3A_721 {strides = array<i32>} : memref<125xi32, #tpu.memory_space<vmem>>, vector<16xi32>,
          %get3A_722 = arith.index_cast %sub3A_600 : i32 to index
          %get3A_723 = arith.constant 80 : index
          %get3A_724 = tpu.vector_load %arg9[%get3A_722, %get3A_723] {strides = array<i32>} : memref<8x125xi32, #tpu.memory_space<vmem>>, vector<1x16xi32>,
          %get3A_725 = vector.shape_cast %get3A_724 : vector<1x16xi32> to vector<16xi32>
          %and3A_726 = arith.constant 65535 : i32
          %and3A_727 = vector.broadcast %and3A_726 : i32 to vector<16xi32>
          %and3A_728 = arith.andi %get3A_725, %and3A_727 : vector<16xi32>
          %add3A_729 = vector.broadcast %mul3A_0 : i32 to vector<16xi32>
          %add3A_730 = arith.addi %and3A_728, %add3A_729 : vector<16xi32>
          %swap3A_731 = arith.constant 80 : index
          %swap3A_732 = tpu.vector_load %arg12[%swap3A_731] {strides = array<i32>} : memref<125xi32, #tpu.memory_space<vmem>>, vector<16xi32>,
          %swap3A_733 = vector.shape_cast %swap3A_732 : vector<16xi32> to vector<16xi32>
          %swap3A_734 = vector.shape_cast %add3A_730 : vector<16xi32> to vector<16xi32>
          tpu.vector_store %arg12[%swap3A_731], %swap3A_734 {strides = array<i32>} : memref<125xi32, #tpu.memory_space<vmem>>, vector<16xi32>,
          %shift_right_arithmetic3A_735 = arith.constant 16 : i32
          %shift_right_arithmetic3A_736 = vector.broadcast %shift_right_arithmetic3A_735 : i32 to vector<16xi32>
          %shift_right_arithmetic3A_737 = arith.shrsi %get3A_725, %shift_right_arithmetic3A_736 : vector<16xi32>
          %swap3A_738 = arith.constant 80 : index
          %swap3A_739 = tpu.vector_load %arg13[%swap3A_738] {strides = array<i32>} : memref<125xi32, #tpu.memory_space<vmem>>, vector<16xi32>,
          %swap3A_740 = vector.shape_cast %swap3A_739 : vector<16xi32> to vector<16xi32>
          %swap3A_741 = vector.shape_cast %shift_right_arithmetic3A_737 : vector<16xi32> to vector<16xi32>
          tpu.vector_store %arg13[%swap3A_738], %swap3A_741 {strides = array<i32>} : memref<125xi32, #tpu.memory_space<vmem>>, vector<16xi32>,
          %get3A_742 = arith.index_cast %sub3A_600 : i32 to index
          %get3A_743 = arith.constant 96 : index
          %get3A_744 = tpu.vector_load %arg9[%get3A_742, %get3A_743] {strides = array<i32>} : memref<8x125xi32, #tpu.memory_space<vmem>>, vector<1x16xi32>,
          %get3A_745 = vector.shape_cast %get3A_744 : vector<1x16xi32> to vector<16xi32>
          %and3A_746 = arith.constant 65535 : i32
          %and3A_747 = vector.broadcast %and3A_746 : i32 to vector<16xi32>
          %and3A_748 = arith.andi %get3A_745, %and3A_747 : vector<16xi32>
          %add3A_749 = vector.broadcast %mul3A_0 : i32 to vector<16xi32>
          %add3A_750 = arith.addi %and3A_748, %add3A_749 : vector<16xi32>
          %swap3A_751 = arith.constant 96 : index
          %swap3A_752 = tpu.vector_load %arg12[%swap3A_751] {strides = array<i32>} : memref<125xi32, #tpu.memory_space<vmem>>, vector<16xi32>,
          %swap3A_753 = vector.shape_cast %swap3A_752 : vector<16xi32> to vector<16xi32>
          %swap3A_754 = vector.shape_cast %add3A_750 : vector<16xi32> to vector<16xi32>
          tpu.vector_store %arg12[%swap3A_751], %swap3A_754 {strides = array<i32>} : memref<125xi32, #tpu.memory_space<vmem>>, vector<16xi32>,
          %shift_right_arithmetic3A_755 = arith.constant 16 : i32
          %shift_right_arithmetic3A_756 = vector.broadcast %shift_right_arithmetic3A_755 : i32 to vector<16xi32>
          %shift_right_arithmetic3A_757 = arith.shrsi %get3A_745, %shift_right_arithmetic3A_756 : vector<16xi32>
          %swap3A_758 = arith.constant 96 : index
          %swap3A_759 = tpu.vector_load %arg13[%swap3A_758] {strides = array<i32>} : memref<125xi32, #tpu.memory_space<vmem>>, vector<16xi32>,
          %swap3A_760 = vector.shape_cast %swap3A_759 : vector<16xi32> to vector<16xi32>
          %swap3A_761 = vector.shape_cast %shift_right_arithmetic3A_757 : vector<16xi32> to vector<16xi32>
          tpu.vector_store %arg13[%swap3A_758], %swap3A_761 {strides = array<i32>} : memref<125xi32, #tpu.memory_space<vmem>>, vector<16xi32>,
          %get3A_762 = arith.index_cast %sub3A_600 : i32 to index
          %get3A_763 = arith.constant 109 : index
          %get3A_764 = tpu.vector_load %arg9[%get3A_762, %get3A_763] {strides = array<i32>} : memref<8x125xi32, #tpu.memory_space<vmem>>, vector<1x16xi32>,
          %get3A_765 = vector.shape_cast %get3A_764 : vector<1x16xi32> to vector<16xi32>
          %and3A_766 = arith.constant 65535 : i32
          %and3A_767 = vector.broadcast %and3A_766 : i32 to vector<16xi32>
          %and3A_768 = arith.andi %get3A_765, %and3A_767 : vector<16xi32>
          %add3A_769 = vector.broadcast %mul3A_0 : i32 to vector<16xi32>
          %add3A_770 = arith.addi %and3A_768, %add3A_769 : vector<16xi32>
          %swap3A_771 = arith.constant 109 : index
          %swap3A_772 = tpu.vector_load %arg12[%swap3A_771] {strides = array<i32>} : memref<125xi32, #tpu.memory_space<vmem>>, vector<16xi32>,
          %swap3A_773 = vector.shape_cast %swap3A_772 : vector<16xi32> to vector<16xi32>
          %swap3A_774 = vector.shape_cast %add3A_770 : vector<16xi32> to vector<16xi32>
          tpu.vector_store %arg12[%swap3A_771], %swap3A_774 {strides = array<i32>} : memref<125xi32, #tpu.memory_space<vmem>>, vector<16xi32>,
          %shift_right_arithmetic3A_775 = arith.constant 16 : i32
          %shift_right_arithmetic3A_776 = vector.broadcast %shift_right_arithmetic3A_775 : i32 to vector<16xi32>
          %shift_right_arithmetic3A_777 = arith.shrsi %get3A_765, %shift_right_arithmetic3A_776 : vector<16xi32>
          %swap3A_778 = arith.constant 109 : index
          %swap3A_779 = tpu.vector_load %arg13[%swap3A_778] {strides = array<i32>} : memref<125xi32, #tpu.memory_space<vmem>>, vector<16xi32>,
          %swap3A_780 = vector.shape_cast %swap3A_779 : vector<16xi32> to vector<16xi32>
          %swap3A_781 = vector.shape_cast %shift_right_arithmetic3A_777 : vector<16xi32> to vector<16xi32>
          tpu.vector_store %arg13[%swap3A_778], %swap3A_781 {strides = array<i32>} : memref<125xi32, #tpu.memory_space<vmem>>, vector<16xi32>,
          %jit3A_782 = arith.constant 8 : i32
          %eq3A_783 = arith.constant 0 : i32
          %eq3A_784 = arith.cmpi eq, %jit3A_782, %eq3A_783 : i32
          %jit3A_785 = arith.constant 1 : i32
          %select_n3A_786 = arith.select %eq3A_784, %jit3A_785, %jit3A_782 : i32
          %rem3A_787 = arith.remsi %add3A_580, %select_n3A_786 : i32
          %ne3A_788 = arith.constant 0 : i32
          %ne3A_789 = arith.cmpi ne, %rem3A_787, %ne3A_788 : i32
          %lt3A_790 = arith.constant 0 : i32
          %lt3A_791 = arith.cmpi slt, %rem3A_787, %lt3A_790 : i32
          %lt3A_792 = arith.constant 0 : i32
          %lt3A_793 = arith.cmpi slt, %select_n3A_786, %lt3A_792 : i32
          %ne3A_794 = arith.xori %lt3A_791, %lt3A_793 : i1
          %and3A_795 = arith.andi %ne3A_794, %ne3A_789 : i1
          %add3A_796 = arith.addi %rem3A_787, %select_n3A_786 : i32
          %select_n3A_797 = arith.select %and3A_795, %add3A_796, %rem3A_787 : i32
          %eq3A_798 = arith.constant 7 : i32
          %eq3A_799 = arith.cmpi eq, %select_n3A_797, %eq3A_798 : i32
          %convert_element_type3A_800 = arith.extui %eq3A_799 : i1 to i32
          %cond3A_801 = arith.constant 0 : i32
          %cond3A_802 = arith.cmpi ne, %convert_element_type3A_800, %cond3A_801 : i32
          scf.if %cond3A_802 {
            %lt3A_806 = arith.constant 9 : i32
            %lt3A_807 = arith.cmpi slt, %select_n3A, %lt3A_806 : i32
            %convert_element_type3A_808 = arith.extui %lt3A_807 : i1 to i32
            %cond3A_809 = arith.constant 0 : i32
            %cond3A_810 = arith.cmpi ne, %convert_element_type3A_808, %cond3A_809 : i32
            scf.if %cond3A_810 {
              %add3A_811 = arith.constant 1 : i32
              %add3A_812 = arith.addi %select_n3A, %add3A_811 : i32
              %mul3A_813 = arith.constant 8 : i32
              %mul3A_814 = arith.muli %add3A_812, %mul3A_813 : i32
              %add3A_815 = arith.addi %mul3A_3, %mul3A_814 : i32
              %dma_start3A_816 = arith.constant 0 : i32
              %dma_start3A_817 = tpu.memref_slice %arg3[%add3A_815, %dma_start3A_816] : memref<1280x125xi32, #tpu.memory_space<hbm>> -> memref<8x125xi32, #tpu.memory_space<hbm>>
              %dma_start3A_818 = arith.constant 0 : i32
              %dma_start3A_819 = tpu.memref_slice %arg3[%add3A_815, %dma_start3A_818] : memref<1280x125xi32, #tpu.memory_space<hbm>> -> memref<8x125xi32, #tpu.memory_space<hbm>>
              tpu.enqueue_dma source(%dma_start3A_819 : memref<8x125xi32, #tpu.memory_space<hbm>>) target(%arg9 : memref<8x125xi32, #tpu.memory_space<vmem>>) target_semaphore(%arg19 : memref<!tpu.dma_semaphore, #tpu.memory_space<semaphore_mem>>)
            } else {
            }
          } else {
          }
          %dma_start3A_803 = arith.constant 0 : i32
          %dma_start3A_804 = arith.constant 0 : i32
          %dma_start3A_805 = tpu.memref_slice %arg2[%dma_start3A_803, %dma_start3A_804] : memref<20000x128xf32, #tpu.memory_space<hbm>> -> memref<20000x128xf32, #tpu.memory_space<hbm>>
          tpu.enqueue_indirect_dma source(%dma_start3A_805 : memref<20000x128xf32, #tpu.memory_space<hbm>>) target(%arg7 : memref<125x128xf32, #tpu.memory_space<vmem>>) offsets(%arg12 : memref<125xi32, #tpu.memory_space<vmem>>) semaphore(%arg17 : memref<!tpu.dma_semaphore, #tpu.memory_space<semaphore_mem>>)
        } else {
        }
      } else {
      }
      %add3A_563 = arith.constant 2 : i32
      %add3A_564 = arith.addi %mul3A_550, %add3A_563 : i32
      %lt3A_565 = arith.constant 80 : i32
      %lt3A_566 = arith.cmpi slt, %add3A_564, %lt3A_565 : i32
      %convert_element_type3A_567 = arith.extui %lt3A_566 : i1 to i32
      %cond3A_568 = arith.constant 0 : i32
      %cond3A_569 = arith.cmpi ne, %convert_element_type3A_567, %cond3A_568 : i32
      scf.if %cond3A_569 {
        %dma_wait3A = arith.constant 0 : i32
        %dma_wait3A_570 = arith.constant 0 : i32
        %dma_wait3A_571 = tpu.memref_slice %arg2[%dma_wait3A, %dma_wait3A_570] : memref<20000x128xf32, #tpu.memory_space<hbm>> -> memref<20000x128xf32, #tpu.memory_space<hbm>>
        tpu.wait_indirect_dma semaphore(%arg18 : memref<!tpu.dma_semaphore, #tpu.memory_space<semaphore_mem>>) src(%dma_wait3A_571 : memref<20000x128xf32, #tpu.memory_space<hbm>>) dst(%arg8 : memref<125x128xf32, #tpu.memory_space<vmem>>)
        "tpu.region"() ({
          %run_scoped3A = tpu.sem_alloc : memref<!tpu.dma_semaphore, #tpu.memory_space<semaphore_mem>>
          %dma_start3A_579 = arith.constant 0 : i32
          %dma_start3A_580 = arith.constant 0 : i32
          %dma_start3A_581 = tpu.memref_slice %arg5[%dma_start3A_579, %dma_start3A_580] : memref<10000x128xf32, #tpu.memory_space<vmem_shared>> -> memref<10000x128xf32, #tpu.memory_space<vmem_shared>>
          tpu.enqueue_indirect_dma source(%arg8 : memref<125x128xf32, #tpu.memory_space<vmem>>) target(%dma_start3A_581 : memref<10000x128xf32, #tpu.memory_space<vmem_shared>>) offsets(%arg15 : memref<125xi32, #tpu.memory_space<vmem>>) semaphore(%run_scoped3A : memref<!tpu.dma_semaphore, #tpu.memory_space<semaphore_mem>>) {add = true}
          %dma_wait3A_582 = arith.constant 0 : i32
          %dma_wait3A_583 = arith.constant 0 : i32
          %dma_wait3A_584 = tpu.memref_slice %arg5[%dma_wait3A_582, %dma_wait3A_583] : memref<10000x128xf32, #tpu.memory_space<vmem_shared>> -> memref<10000x128xf32, #tpu.memory_space<vmem_shared>>
          tpu.wait_indirect_dma semaphore(%run_scoped3A : memref<!tpu.dma_semaphore, #tpu.memory_space<semaphore_mem>>) src(%arg8 : memref<125x128xf32, #tpu.memory_space<vmem>>) dst(%dma_wait3A_584 : memref<10000x128xf32, #tpu.memory_space<vmem_shared>>)
          tpu.yield
        }) : () -> ()
        %add3A_572 = arith.constant 3 : i32
        %add3A_573 = arith.addi %add3A_564, %add3A_572 : i32
        %lt3A_574 = arith.constant 80 : i32
        %lt3A_575 = arith.cmpi slt, %add3A_573, %lt3A_574 : i32
        %convert_element_type3A_576 = arith.extui %lt3A_575 : i1 to i32
        %cond3A_577 = arith.constant 0 : i32
        %cond3A_578 = arith.cmpi ne, %convert_element_type3A_576, %cond3A_577 : i32
        scf.if %cond3A_578 {
          %add3A_579 = arith.constant 3 : i32
          %add3A_580 = arith.addi %add3A_564, %add3A_579 : i32
          %jit3A = arith.constant 8 : i32
          %div3A = arith.divsi %add3A_580, %jit3A : i32
          %sign3A = arith.constant 0 : i32
          %sign3A_581 = arith.cmpi sgt, %add3A_580, %sign3A : i32
          %sign3A_582 = arith.extui %sign3A_581 : i1 to i32
          %sign3A_583 = arith.constant 0 : i32
          %sign3A_584 = arith.cmpi slt, %add3A_580, %sign3A_583 : i32
          %sign3A_585 = arith.extui %sign3A_584 : i1 to i32
          %sign3A_586 = arith.subi %sign3A_582, %sign3A_585 : i32
          %sign3A_587 = arith.constant 0 : i32
          %sign3A_588 = arith.cmpi sgt, %jit3A, %sign3A_587 : i32
          %sign3A_589 = arith.extui %sign3A_588 : i1 to i32
          %sign3A_590 = arith.constant 0 : i32
          %sign3A_591 = arith.cmpi slt, %jit3A, %sign3A_590 : i32
          %sign3A_592 = arith.extui %sign3A_591 : i1 to i32
          %sign3A_593 = arith.subi %sign3A_589, %sign3A_592 : i32
          %ne3A = arith.cmpi ne, %sign3A_586, %sign3A_593 : i32
          %rem3A = arith.remsi %add3A_580, %jit3A : i32
          %ne3A_594 = arith.constant 0 : i32
          %ne3A_595 = arith.cmpi ne, %rem3A, %ne3A_594 : i32
          %and3A_596 = arith.andi %ne3A, %ne3A_595 : i1
          %sub3A = arith.constant 1 : i32
          %sub3A_597 = arith.subi %div3A, %sub3A : i32
          %select_n3A = arith.select %and3A_596, %sub3A_597, %div3A : i32
          %mul3A_598 = arith.constant 8 : i32
          %mul3A_599 = arith.muli %select_n3A, %mul3A_598 : i32
          %sub3A_600 = arith.subi %add3A_580, %mul3A_599 : i32
          %jit3A_601 = arith.constant 8 : i32
          %eq3A_602 = arith.constant 0 : i32
          %eq3A_603 = arith.cmpi eq, %jit3A_601, %eq3A_602 : i32
          %jit3A_604 = arith.constant 1 : i32
          %select_n3A_605 = arith.select %eq3A_603, %jit3A_604, %jit3A_601 : i32
          %rem3A_606 = arith.remsi %add3A_580, %select_n3A_605 : i32
          %ne3A_607 = arith.constant 0 : i32
          %ne3A_608 = arith.cmpi ne, %rem3A_606, %ne3A_607 : i32
          %lt3A_609 = arith.constant 0 : i32
          %lt3A_610 = arith.cmpi slt, %rem3A_606, %lt3A_609 : i32
          %lt3A_611 = arith.constant 0 : i32
          %lt3A_612 = arith.cmpi slt, %select_n3A_605, %lt3A_611 : i32
          %ne3A_613 = arith.xori %lt3A_610, %lt3A_612 : i1
          %and3A_614 = arith.andi %ne3A_613, %ne3A_608 : i1
          %add3A_615 = arith.addi %rem3A_606, %select_n3A_605 : i32
          %select_n3A_616 = arith.select %and3A_614, %add3A_615, %rem3A_606 : i32
          %eq3A_617 = arith.constant 0 : i32
          %eq3A_618 = arith.cmpi eq, %select_n3A_616, %eq3A_617 : i32
          %convert_element_type3A_619 = arith.extui %eq3A_618 : i1 to i32
          %cond3A_620 = arith.constant 0 : i32
          %cond3A_621 = arith.cmpi ne, %convert_element_type3A_619, %cond3A_620 : i32
          scf.if %cond3A_621 {
            %mul3A_806 = arith.constant 8 : i32
            %mul3A_807 = arith.muli %select_n3A, %mul3A_806 : i32
            %add3A_808 = arith.addi %mul3A_3, %mul3A_807 : i32
            %dma_wait3A_809 = arith.constant 0 : i32
            %dma_wait3A_810 = tpu.memref_slice %arg3[%add3A_808, %dma_wait3A_809] : memref<1280x125xi32, #tpu.memory_space<hbm>> -> memref<8x125xi32, #tpu.memory_space<hbm>>
            %dma_wait3A_811 = arith.constant 0 : i32
            %dma_wait3A_812 = tpu.memref_slice %arg3[%add3A_808, %dma_wait3A_811] : memref<1280x125xi32, #tpu.memory_space<hbm>> -> memref<8x125xi32, #tpu.memory_space<hbm>>
            tpu.wait_dma2 semaphore(%arg19 : memref<!tpu.dma_semaphore, #tpu.memory_space<semaphore_mem>>) src(%dma_wait3A_812 : memref<8x125xi32, #tpu.memory_space<hbm>>) dst(%arg9 : memref<8x125xi32, #tpu.memory_space<vmem>>)
          } else {
          }
          %get3A_622 = arith.index_cast %sub3A_600 : i32 to index
          %get3A_623 = arith.constant 0 : index
          %get3A_624 = tpu.vector_load %arg9[%get3A_622, %get3A_623] {strides = array<i32>} : memref<8x125xi32, #tpu.memory_space<vmem>>, vector<1x16xi32>,
          %get3A_625 = vector.shape_cast %get3A_624 : vector<1x16xi32> to vector<16xi32>
          %and3A_626 = arith.constant 65535 : i32
          %and3A_627 = vector.broadcast %and3A_626 : i32 to vector<16xi32>
          %and3A_628 = arith.andi %get3A_625, %and3A_627 : vector<16xi32>
          %add3A_629 = vector.broadcast %mul3A_0 : i32 to vector<16xi32>
          %add3A_630 = arith.addi %and3A_628, %add3A_629 : vector<16xi32>
          %swap3A_631 = arith.constant 0 : index
          %swap3A_632 = tpu.vector_load %arg14[%swap3A_631] {strides = array<i32>} : memref<125xi32, #tpu.memory_space<vmem>>, vector<16xi32>,
          %swap3A_633 = vector.shape_cast %swap3A_632 : vector<16xi32> to vector<16xi32>
          %swap3A_634 = vector.shape_cast %add3A_630 : vector<16xi32> to vector<16xi32>
          tpu.vector_store %arg14[%swap3A_631], %swap3A_634 {strides = array<i32>} : memref<125xi32, #tpu.memory_space<vmem>>, vector<16xi32>,
          %shift_right_arithmetic3A_635 = arith.constant 16 : i32
          %shift_right_arithmetic3A_636 = vector.broadcast %shift_right_arithmetic3A_635 : i32 to vector<16xi32>
          %shift_right_arithmetic3A_637 = arith.shrsi %get3A_625, %shift_right_arithmetic3A_636 : vector<16xi32>
          %swap3A_638 = arith.constant 0 : index
          %swap3A_639 = tpu.vector_load %arg15[%swap3A_638] {strides = array<i32>} : memref<125xi32, #tpu.memory_space<vmem>>, vector<16xi32>,
          %swap3A_640 = vector.shape_cast %swap3A_639 : vector<16xi32> to vector<16xi32>
          %swap3A_641 = vector.shape_cast %shift_right_arithmetic3A_637 : vector<16xi32> to vector<16xi32>
          tpu.vector_store %arg15[%swap3A_638], %swap3A_641 {strides = array<i32>} : memref<125xi32, #tpu.memory_space<vmem>>, vector<16xi32>,
          %get3A_642 = arith.index_cast %sub3A_600 : i32 to index
          %get3A_643 = arith.constant 16 : index
          %get3A_644 = tpu.vector_load %arg9[%get3A_642, %get3A_643] {strides = array<i32>} : memref<8x125xi32, #tpu.memory_space<vmem>>, vector<1x16xi32>,
          %get3A_645 = vector.shape_cast %get3A_644 : vector<1x16xi32> to vector<16xi32>
          %and3A_646 = arith.constant 65535 : i32
          %and3A_647 = vector.broadcast %and3A_646 : i32 to vector<16xi32>
          %and3A_648 = arith.andi %get3A_645, %and3A_647 : vector<16xi32>
          %add3A_649 = vector.broadcast %mul3A_0 : i32 to vector<16xi32>
          %add3A_650 = arith.addi %and3A_648, %add3A_649 : vector<16xi32>
          %swap3A_651 = arith.constant 16 : index
          %swap3A_652 = tpu.vector_load %arg14[%swap3A_651] {strides = array<i32>} : memref<125xi32, #tpu.memory_space<vmem>>, vector<16xi32>,
          %swap3A_653 = vector.shape_cast %swap3A_652 : vector<16xi32> to vector<16xi32>
          %swap3A_654 = vector.shape_cast %add3A_650 : vector<16xi32> to vector<16xi32>
          tpu.vector_store %arg14[%swap3A_651], %swap3A_654 {strides = array<i32>} : memref<125xi32, #tpu.memory_space<vmem>>, vector<16xi32>,
          %shift_right_arithmetic3A_655 = arith.constant 16 : i32
          %shift_right_arithmetic3A_656 = vector.broadcast %shift_right_arithmetic3A_655 : i32 to vector<16xi32>
          %shift_right_arithmetic3A_657 = arith.shrsi %get3A_645, %shift_right_arithmetic3A_656 : vector<16xi32>
          %swap3A_658 = arith.constant 16 : index
          %swap3A_659 = tpu.vector_load %arg15[%swap3A_658] {strides = array<i32>} : memref<125xi32, #tpu.memory_space<vmem>>, vector<16xi32>,
          %swap3A_660 = vector.shape_cast %swap3A_659 : vector<16xi32> to vector<16xi32>
          %swap3A_661 = vector.shape_cast %shift_right_arithmetic3A_657 : vector<16xi32> to vector<16xi32>
          tpu.vector_store %arg15[%swap3A_658], %swap3A_661 {strides = array<i32>} : memref<125xi32, #tpu.memory_space<vmem>>, vector<16xi32>,
          %get3A_662 = arith.index_cast %sub3A_600 : i32 to index
          %get3A_663 = arith.constant 32 : index
          %get3A_664 = tpu.vector_load %arg9[%get3A_662, %get3A_663] {strides = array<i32>} : memref<8x125xi32, #tpu.memory_space<vmem>>, vector<1x16xi32>,
          %get3A_665 = vector.shape_cast %get3A_664 : vector<1x16xi32> to vector<16xi32>
          %and3A_666 = arith.constant 65535 : i32
          %and3A_667 = vector.broadcast %and3A_666 : i32 to vector<16xi32>
          %and3A_668 = arith.andi %get3A_665, %and3A_667 : vector<16xi32>
          %add3A_669 = vector.broadcast %mul3A_0 : i32 to vector<16xi32>
          %add3A_670 = arith.addi %and3A_668, %add3A_669 : vector<16xi32>
          %swap3A_671 = arith.constant 32 : index
          %swap3A_672 = tpu.vector_load %arg14[%swap3A_671] {strides = array<i32>} : memref<125xi32, #tpu.memory_space<vmem>>, vector<16xi32>,
          %swap3A_673 = vector.shape_cast %swap3A_672 : vector<16xi32> to vector<16xi32>
          %swap3A_674 = vector.shape_cast %add3A_670 : vector<16xi32> to vector<16xi32>
          tpu.vector_store %arg14[%swap3A_671], %swap3A_674 {strides = array<i32>} : memref<125xi32, #tpu.memory_space<vmem>>, vector<16xi32>,
          %shift_right_arithmetic3A_675 = arith.constant 16 : i32
          %shift_right_arithmetic3A_676 = vector.broadcast %shift_right_arithmetic3A_675 : i32 to vector<16xi32>
          %shift_right_arithmetic3A_677 = arith.shrsi %get3A_665, %shift_right_arithmetic3A_676 : vector<16xi32>
          %swap3A_678 = arith.constant 32 : index
          %swap3A_679 = tpu.vector_load %arg15[%swap3A_678] {strides = array<i32>} : memref<125xi32, #tpu.memory_space<vmem>>, vector<16xi32>,
          %swap3A_680 = vector.shape_cast %swap3A_679 : vector<16xi32> to vector<16xi32>
          %swap3A_681 = vector.shape_cast %shift_right_arithmetic3A_677 : vector<16xi32> to vector<16xi32>
          tpu.vector_store %arg15[%swap3A_678], %swap3A_681 {strides = array<i32>} : memref<125xi32, #tpu.memory_space<vmem>>, vector<16xi32>,
          %get3A_682 = arith.index_cast %sub3A_600 : i32 to index
          %get3A_683 = arith.constant 48 : index
          %get3A_684 = tpu.vector_load %arg9[%get3A_682, %get3A_683] {strides = array<i32>} : memref<8x125xi32, #tpu.memory_space<vmem>>, vector<1x16xi32>,
          %get3A_685 = vector.shape_cast %get3A_684 : vector<1x16xi32> to vector<16xi32>
          %and3A_686 = arith.constant 65535 : i32
          %and3A_687 = vector.broadcast %and3A_686 : i32 to vector<16xi32>
          %and3A_688 = arith.andi %get3A_685, %and3A_687 : vector<16xi32>
          %add3A_689 = vector.broadcast %mul3A_0 : i32 to vector<16xi32>
          %add3A_690 = arith.addi %and3A_688, %add3A_689 : vector<16xi32>
          %swap3A_691 = arith.constant 48 : index
          %swap3A_692 = tpu.vector_load %arg14[%swap3A_691] {strides = array<i32>} : memref<125xi32, #tpu.memory_space<vmem>>, vector<16xi32>,
          %swap3A_693 = vector.shape_cast %swap3A_692 : vector<16xi32> to vector<16xi32>
          %swap3A_694 = vector.shape_cast %add3A_690 : vector<16xi32> to vector<16xi32>
          tpu.vector_store %arg14[%swap3A_691], %swap3A_694 {strides = array<i32>} : memref<125xi32, #tpu.memory_space<vmem>>, vector<16xi32>,
          %shift_right_arithmetic3A_695 = arith.constant 16 : i32
          %shift_right_arithmetic3A_696 = vector.broadcast %shift_right_arithmetic3A_695 : i32 to vector<16xi32>
          %shift_right_arithmetic3A_697 = arith.shrsi %get3A_685, %shift_right_arithmetic3A_696 : vector<16xi32>
          %swap3A_698 = arith.constant 48 : index
          %swap3A_699 = tpu.vector_load %arg15[%swap3A_698] {strides = array<i32>} : memref<125xi32, #tpu.memory_space<vmem>>, vector<16xi32>,
          %swap3A_700 = vector.shape_cast %swap3A_699 : vector<16xi32> to vector<16xi32>
          %swap3A_701 = vector.shape_cast %shift_right_arithmetic3A_697 : vector<16xi32> to vector<16xi32>
          tpu.vector_store %arg15[%swap3A_698], %swap3A_701 {strides = array<i32>} : memref<125xi32, #tpu.memory_space<vmem>>, vector<16xi32>,
          %get3A_702 = arith.index_cast %sub3A_600 : i32 to index
          %get3A_703 = arith.constant 64 : index
          %get3A_704 = tpu.vector_load %arg9[%get3A_702, %get3A_703] {strides = array<i32>} : memref<8x125xi32, #tpu.memory_space<vmem>>, vector<1x16xi32>,
          %get3A_705 = vector.shape_cast %get3A_704 : vector<1x16xi32> to vector<16xi32>
          %and3A_706 = arith.constant 65535 : i32
          %and3A_707 = vector.broadcast %and3A_706 : i32 to vector<16xi32>
          %and3A_708 = arith.andi %get3A_705, %and3A_707 : vector<16xi32>
          %add3A_709 = vector.broadcast %mul3A_0 : i32 to vector<16xi32>
          %add3A_710 = arith.addi %and3A_708, %add3A_709 : vector<16xi32>
          %swap3A_711 = arith.constant 64 : index
          %swap3A_712 = tpu.vector_load %arg14[%swap3A_711] {strides = array<i32>} : memref<125xi32, #tpu.memory_space<vmem>>, vector<16xi32>,
          %swap3A_713 = vector.shape_cast %swap3A_712 : vector<16xi32> to vector<16xi32>
          %swap3A_714 = vector.shape_cast %add3A_710 : vector<16xi32> to vector<16xi32>
          tpu.vector_store %arg14[%swap3A_711], %swap3A_714 {strides = array<i32>} : memref<125xi32, #tpu.memory_space<vmem>>, vector<16xi32>,
          %shift_right_arithmetic3A_715 = arith.constant 16 : i32
          %shift_right_arithmetic3A_716 = vector.broadcast %shift_right_arithmetic3A_715 : i32 to vector<16xi32>
          %shift_right_arithmetic3A_717 = arith.shrsi %get3A_705, %shift_right_arithmetic3A_716 : vector<16xi32>
          %swap3A_718 = arith.constant 64 : index
          %swap3A_719 = tpu.vector_load %arg15[%swap3A_718] {strides = array<i32>} : memref<125xi32, #tpu.memory_space<vmem>>, vector<16xi32>,
          %swap3A_720 = vector.shape_cast %swap3A_719 : vector<16xi32> to vector<16xi32>
          %swap3A_721 = vector.shape_cast %shift_right_arithmetic3A_717 : vector<16xi32> to vector<16xi32>
          tpu.vector_store %arg15[%swap3A_718], %swap3A_721 {strides = array<i32>} : memref<125xi32, #tpu.memory_space<vmem>>, vector<16xi32>,
          %get3A_722 = arith.index_cast %sub3A_600 : i32 to index
          %get3A_723 = arith.constant 80 : index
          %get3A_724 = tpu.vector_load %arg9[%get3A_722, %get3A_723] {strides = array<i32>} : memref<8x125xi32, #tpu.memory_space<vmem>>, vector<1x16xi32>,
          %get3A_725 = vector.shape_cast %get3A_724 : vector<1x16xi32> to vector<16xi32>
          %and3A_726 = arith.constant 65535 : i32
          %and3A_727 = vector.broadcast %and3A_726 : i32 to vector<16xi32>
          %and3A_728 = arith.andi %get3A_725, %and3A_727 : vector<16xi32>
          %add3A_729 = vector.broadcast %mul3A_0 : i32 to vector<16xi32>
          %add3A_730 = arith.addi %and3A_728, %add3A_729 : vector<16xi32>
          %swap3A_731 = arith.constant 80 : index
          %swap3A_732 = tpu.vector_load %arg14[%swap3A_731] {strides = array<i32>} : memref<125xi32, #tpu.memory_space<vmem>>, vector<16xi32>,
          %swap3A_733 = vector.shape_cast %swap3A_732 : vector<16xi32> to vector<16xi32>
          %swap3A_734 = vector.shape_cast %add3A_730 : vector<16xi32> to vector<16xi32>
          tpu.vector_store %arg14[%swap3A_731], %swap3A_734 {strides = array<i32>} : memref<125xi32, #tpu.memory_space<vmem>>, vector<16xi32>,
          %shift_right_arithmetic3A_735 = arith.constant 16 : i32
          %shift_right_arithmetic3A_736 = vector.broadcast %shift_right_arithmetic3A_735 : i32 to vector<16xi32>
          %shift_right_arithmetic3A_737 = arith.shrsi %get3A_725, %shift_right_arithmetic3A_736 : vector<16xi32>
          %swap3A_738 = arith.constant 80 : index
          %swap3A_739 = tpu.vector_load %arg15[%swap3A_738] {strides = array<i32>} : memref<125xi32, #tpu.memory_space<vmem>>, vector<16xi32>,
          %swap3A_740 = vector.shape_cast %swap3A_739 : vector<16xi32> to vector<16xi32>
          %swap3A_741 = vector.shape_cast %shift_right_arithmetic3A_737 : vector<16xi32> to vector<16xi32>
          tpu.vector_store %arg15[%swap3A_738], %swap3A_741 {strides = array<i32>} : memref<125xi32, #tpu.memory_space<vmem>>, vector<16xi32>,
          %get3A_742 = arith.index_cast %sub3A_600 : i32 to index
          %get3A_743 = arith.constant 96 : index
          %get3A_744 = tpu.vector_load %arg9[%get3A_742, %get3A_743] {strides = array<i32>} : memref<8x125xi32, #tpu.memory_space<vmem>>, vector<1x16xi32>,
          %get3A_745 = vector.shape_cast %get3A_744 : vector<1x16xi32> to vector<16xi32>
          %and3A_746 = arith.constant 65535 : i32
          %and3A_747 = vector.broadcast %and3A_746 : i32 to vector<16xi32>
          %and3A_748 = arith.andi %get3A_745, %and3A_747 : vector<16xi32>
          %add3A_749 = vector.broadcast %mul3A_0 : i32 to vector<16xi32>
          %add3A_750 = arith.addi %and3A_748, %add3A_749 : vector<16xi32>
          %swap3A_751 = arith.constant 96 : index
          %swap3A_752 = tpu.vector_load %arg14[%swap3A_751] {strides = array<i32>} : memref<125xi32, #tpu.memory_space<vmem>>, vector<16xi32>,
          %swap3A_753 = vector.shape_cast %swap3A_752 : vector<16xi32> to vector<16xi32>
          %swap3A_754 = vector.shape_cast %add3A_750 : vector<16xi32> to vector<16xi32>
          tpu.vector_store %arg14[%swap3A_751], %swap3A_754 {strides = array<i32>} : memref<125xi32, #tpu.memory_space<vmem>>, vector<16xi32>,
          %shift_right_arithmetic3A_755 = arith.constant 16 : i32
          %shift_right_arithmetic3A_756 = vector.broadcast %shift_right_arithmetic3A_755 : i32 to vector<16xi32>
          %shift_right_arithmetic3A_757 = arith.shrsi %get3A_745, %shift_right_arithmetic3A_756 : vector<16xi32>
          %swap3A_758 = arith.constant 96 : index
          %swap3A_759 = tpu.vector_load %arg15[%swap3A_758] {strides = array<i32>} : memref<125xi32, #tpu.memory_space<vmem>>, vector<16xi32>,
          %swap3A_760 = vector.shape_cast %swap3A_759 : vector<16xi32> to vector<16xi32>
          %swap3A_761 = vector.shape_cast %shift_right_arithmetic3A_757 : vector<16xi32> to vector<16xi32>
          tpu.vector_store %arg15[%swap3A_758], %swap3A_761 {strides = array<i32>} : memref<125xi32, #tpu.memory_space<vmem>>, vector<16xi32>,
          %get3A_762 = arith.index_cast %sub3A_600 : i32 to index
          %get3A_763 = arith.constant 109 : index
          %get3A_764 = tpu.vector_load %arg9[%get3A_762, %get3A_763] {strides = array<i32>} : memref<8x125xi32, #tpu.memory_space<vmem>>, vector<1x16xi32>,
          %get3A_765 = vector.shape_cast %get3A_764 : vector<1x16xi32> to vector<16xi32>
          %and3A_766 = arith.constant 65535 : i32
          %and3A_767 = vector.broadcast %and3A_766 : i32 to vector<16xi32>
          %and3A_768 = arith.andi %get3A_765, %and3A_767 : vector<16xi32>
          %add3A_769 = vector.broadcast %mul3A_0 : i32 to vector<16xi32>
          %add3A_770 = arith.addi %and3A_768, %add3A_769 : vector<16xi32>
          %swap3A_771 = arith.constant 109 : index
          %swap3A_772 = tpu.vector_load %arg14[%swap3A_771] {strides = array<i32>} : memref<125xi32, #tpu.memory_space<vmem>>, vector<16xi32>,
          %swap3A_773 = vector.shape_cast %swap3A_772 : vector<16xi32> to vector<16xi32>
          %swap3A_774 = vector.shape_cast %add3A_770 : vector<16xi32> to vector<16xi32>
          tpu.vector_store %arg14[%swap3A_771], %swap3A_774 {strides = array<i32>} : memref<125xi32, #tpu.memory_space<vmem>>, vector<16xi32>,
          %shift_right_arithmetic3A_775 = arith.constant 16 : i32
          %shift_right_arithmetic3A_776 = vector.broadcast %shift_right_arithmetic3A_775 : i32 to vector<16xi32>
          %shift_right_arithmetic3A_777 = arith.shrsi %get3A_765, %shift_right_arithmetic3A_776 : vector<16xi32>
          %swap3A_778 = arith.constant 109 : index
          %swap3A_779 = tpu.vector_load %arg15[%swap3A_778] {strides = array<i32>} : memref<125xi32, #tpu.memory_space<vmem>>, vector<16xi32>,
          %swap3A_780 = vector.shape_cast %swap3A_779 : vector<16xi32> to vector<16xi32>
          %swap3A_781 = vector.shape_cast %shift_right_arithmetic3A_777 : vector<16xi32> to vector<16xi32>
          tpu.vector_store %arg15[%swap3A_778], %swap3A_781 {strides = array<i32>} : memref<125xi32, #tpu.memory_space<vmem>>, vector<16xi32>,
          %jit3A_782 = arith.constant 8 : i32
          %eq3A_783 = arith.constant 0 : i32
          %eq3A_784 = arith.cmpi eq, %jit3A_782, %eq3A_783 : i32
          %jit3A_785 = arith.constant 1 : i32
          %select_n3A_786 = arith.select %eq3A_784, %jit3A_785, %jit3A_782 : i32
          %rem3A_787 = arith.remsi %add3A_580, %select_n3A_786 : i32
          %ne3A_788 = arith.constant 0 : i32
          %ne3A_789 = arith.cmpi ne, %rem3A_787, %ne3A_788 : i32
          %lt3A_790 = arith.constant 0 : i32
          %lt3A_791 = arith.cmpi slt, %rem3A_787, %lt3A_790 : i32
          %lt3A_792 = arith.constant 0 : i32
          %lt3A_793 = arith.cmpi slt, %select_n3A_786, %lt3A_792 : i32
          %ne3A_794 = arith.xori %lt3A_791, %lt3A_793 : i1
          %and3A_795 = arith.andi %ne3A_794, %ne3A_789 : i1
          %add3A_796 = arith.addi %rem3A_787, %select_n3A_786 : i32
          %select_n3A_797 = arith.select %and3A_795, %add3A_796, %rem3A_787 : i32
          %eq3A_798 = arith.constant 7 : i32
          %eq3A_799 = arith.cmpi eq, %select_n3A_797, %eq3A_798 : i32
          %convert_element_type3A_800 = arith.extui %eq3A_799 : i1 to i32
          %cond3A_801 = arith.constant 0 : i32
          %cond3A_802 = arith.cmpi ne, %convert_element_type3A_800, %cond3A_801 : i32
          scf.if %cond3A_802 {
            %lt3A_806 = arith.constant 9 : i32
            %lt3A_807 = arith.cmpi slt, %select_n3A, %lt3A_806 : i32
            %convert_element_type3A_808 = arith.extui %lt3A_807 : i1 to i32
            %cond3A_809 = arith.constant 0 : i32
            %cond3A_810 = arith.cmpi ne, %convert_element_type3A_808, %cond3A_809 : i32
            scf.if %cond3A_810 {
              %add3A_811 = arith.constant 1 : i32
              %add3A_812 = arith.addi %select_n3A, %add3A_811 : i32
              %mul3A_813 = arith.constant 8 : i32
              %mul3A_814 = arith.muli %add3A_812, %mul3A_813 : i32
              %add3A_815 = arith.addi %mul3A_3, %mul3A_814 : i32
              %dma_start3A_816 = arith.constant 0 : i32
              %dma_start3A_817 = tpu.memref_slice %arg3[%add3A_815, %dma_start3A_816] : memref<1280x125xi32, #tpu.memory_space<hbm>> -> memref<8x125xi32, #tpu.memory_space<hbm>>
              %dma_start3A_818 = arith.constant 0 : i32
              %dma_start3A_819 = tpu.memref_slice %arg3[%add3A_815, %dma_start3A_818] : memref<1280x125xi32, #tpu.memory_space<hbm>> -> memref<8x125xi32, #tpu.memory_space<hbm>>
              tpu.enqueue_dma source(%dma_start3A_819 : memref<8x125xi32, #tpu.memory_space<hbm>>) target(%arg9 : memref<8x125xi32, #tpu.memory_space<vmem>>) target_semaphore(%arg19 : memref<!tpu.dma_semaphore, #tpu.memory_space<semaphore_mem>>)
            } else {
            }
          } else {
          }
          %dma_start3A_803 = arith.constant 0 : i32
          %dma_start3A_804 = arith.constant 0 : i32
          %dma_start3A_805 = tpu.memref_slice %arg2[%dma_start3A_803, %dma_start3A_804] : memref<20000x128xf32, #tpu.memory_space<hbm>> -> memref<20000x128xf32, #tpu.memory_space<hbm>>
          tpu.enqueue_indirect_dma source(%dma_start3A_805 : memref<20000x128xf32, #tpu.memory_space<hbm>>) target(%arg8 : memref<125x128xf32, #tpu.memory_space<vmem>>) offsets(%arg14 : memref<125xi32, #tpu.memory_space<vmem>>) semaphore(%arg18 : memref<!tpu.dma_semaphore, #tpu.memory_space<semaphore_mem>>)
        } else {
        }
      } else {
      }
    }
    %scan3A_532 = arith.constant 27 : i32
    %barrier3A_533 = arith.constant 0 : index
    tpu.barrier barrier_id(%barrier3A_533)
    %lt3A_534 = arith.constant 15 : i32
    %lt3A_535 = arith.cmpi slt, %arg1, %lt3A_534 : i32
    %convert_element_type3A_536 = arith.extui %lt3A_535 : i1 to i32
    %cond3A_537 = arith.constant 0 : i32
    %cond3A_538 = arith.cmpi ne, %convert_element_type3A_536, %cond3A_537 : i32
    scf.if %cond3A_538 {
      %add3A_544 = arith.addi %mul3A_0, %mul3A_9 : i32
      "tpu.region"() ({
        %run_scoped3A = tpu.sem_alloc : memref<!tpu.dma_semaphore, #tpu.memory_space<semaphore_mem>>
        %dma_start3A_545 = arith.constant 0 : i32
        %dma_start3A_546 = tpu.memref_slice %arg4[%add3A_544, %dma_start3A_545] : memref<20000x128xf32, #tpu.memory_space<hbm>> -> memref<624x128xf32, #tpu.memory_space<hbm>>
        %dma_start3A_547 = arith.constant 0 : i32
        %dma_start3A_548 = tpu.memref_slice %arg5[%mul3A_9, %dma_start3A_547] : memref<10000x128xf32, #tpu.memory_space<vmem_shared>> -> memref<624x128xf32, #tpu.memory_space<vmem_shared>>
        tpu.enqueue_dma source(%dma_start3A_548 : memref<624x128xf32, #tpu.memory_space<vmem_shared>>) target(%dma_start3A_546 : memref<624x128xf32, #tpu.memory_space<hbm>>) target_semaphore(%run_scoped3A : memref<!tpu.dma_semaphore, #tpu.memory_space<semaphore_mem>>)
        %dma_wait3A = arith.constant 0 : i32
        %dma_wait3A_549 = tpu.memref_slice %arg4[%add3A_544, %dma_wait3A] : memref<20000x128xf32, #tpu.memory_space<hbm>> -> memref<624x128xf32, #tpu.memory_space<hbm>>
        %dma_wait3A_550 = arith.constant 0 : i32
        %dma_wait3A_551 = tpu.memref_slice %arg5[%mul3A_9, %dma_wait3A_550] : memref<10000x128xf32, #tpu.memory_space<vmem_shared>> -> memref<624x128xf32, #tpu.memory_space<vmem_shared>>
        tpu.wait_dma2 semaphore(%run_scoped3A : memref<!tpu.dma_semaphore, #tpu.memory_space<semaphore_mem>>) src(%dma_wait3A_551 : memref<624x128xf32, #tpu.memory_space<vmem_shared>>) dst(%dma_wait3A_549 : memref<624x128xf32, #tpu.memory_space<hbm>>)
        tpu.yield
      }) : () -> ()
    } else {
    }
    %eq3A_539 = arith.constant 15 : i32
    %eq3A_540 = arith.cmpi eq, %arg1, %eq3A_539 : i32
    %convert_element_type3A_541 = arith.extui %eq3A_540 : i1 to i32
    %cond3A_542 = arith.constant 0 : i32
    %cond3A_543 = arith.cmpi ne, %convert_element_type3A_541, %cond3A_542 : i32
    scf.if %cond3A_543 {
      %add3A_544 = arith.addi %mul3A_0, %mul3A_9 : i32
      "tpu.region"() ({
        %run_scoped3A = tpu.sem_alloc : memref<!tpu.dma_semaphore, #tpu.memory_space<semaphore_mem>>
        %dma_start3A_545 = arith.constant 0 : i32
        %dma_start3A_546 = tpu.memref_slice %arg4[%add3A_544, %dma_start3A_545] : memref<20000x128xf32, #tpu.memory_space<hbm>> -> memref<640x128xf32, #tpu.memory_space<hbm>>
        %dma_start3A_547 = arith.constant 0 : i32
        %dma_start3A_548 = tpu.memref_slice %arg5[%mul3A_9, %dma_start3A_547] : memref<10000x128xf32, #tpu.memory_space<vmem_shared>> -> memref<640x128xf32, #tpu.memory_space<vmem_shared>>
        tpu.enqueue_dma source(%dma_start3A_548 : memref<640x128xf32, #tpu.memory_space<vmem_shared>>) target(%dma_start3A_546 : memref<640x128xf32, #tpu.memory_space<hbm>>) target_semaphore(%run_scoped3A : memref<!tpu.dma_semaphore, #tpu.memory_space<semaphore_mem>>)
        %dma_wait3A = arith.constant 0 : i32
        %dma_wait3A_549 = tpu.memref_slice %arg4[%add3A_544, %dma_wait3A] : memref<20000x128xf32, #tpu.memory_space<hbm>> -> memref<640x128xf32, #tpu.memory_space<hbm>>
        %dma_wait3A_550 = arith.constant 0 : i32
        %dma_wait3A_551 = tpu.memref_slice %arg5[%mul3A_9, %dma_wait3A_550] : memref<10000x128xf32, #tpu.memory_space<vmem_shared>> -> memref<640x128xf32, #tpu.memory_space<vmem_shared>>
        tpu.wait_dma2 semaphore(%run_scoped3A : memref<!tpu.dma_semaphore, #tpu.memory_space<semaphore_mem>>) src(%dma_wait3A_551 : memref<640x128xf32, #tpu.memory_space<vmem_shared>>) dst(%dma_wait3A_549 : memref<640x128xf32, #tpu.memory_space<hbm>>)
        tpu.yield
      }) : () -> ()
    } else {
    }
    return
  }
}

#map = affine_map<(d0, d1) -> (0)>
#map1 = affine_map<(d0, d1) -> (0, 0)>
module attributes {stable_mosaic.version = 14 : i64} {
  func.func @k(%arg0: i32, %arg1: i32, %arg2: memref<160000xi32, #tpu.memory_space<hbm>>, %arg3: memref<160000xi32, #tpu.memory_space<hbm>>, %arg4: memref<32x10000xf32, #tpu.memory_space<hbm>>, %arg5: memref<10000xf32, #tpu.memory_space<vmem>>, %arg6: memref<2000xi32, #tpu.memory_space<vmem>>) attributes {dimension_semantics = [#tpu.dimension_semantics<core_parallel>, #tpu.dimension_semantics<subcore_parallel>], iteration_bounds = array<i64: 2, 16>, scalar_prefetch = 0 : i64, scratch_operands = 2 : i64, tpu.core_type = #tpu.core_type<sc_vector_subcore>, window_params = [{transform_indices = #map}, {transform_indices = #map}, {transform_indices = #map1}]} {
    %broadcast_in_dim3A = arith.constant 0.000000e+00 : f32
    %broadcast_in_dim3A_0 = vector.broadcast %broadcast_in_dim3A : f32 to vector<16xf32>
    %broadcast_in_dim3A_1 = arith.constant 1.000000e+00 : f32
    %broadcast_in_dim3A_2 = vector.broadcast %broadcast_in_dim3A_1 : f32 to vector<16xf32>
    %scan3A = arith.constant 0 : i32
    %scan3A_3 = arith.constant 625 : i32
    %scan3A_4 = arith.addi %scan3A, %scan3A_3 : i32
    %scan3A_5 = arith.constant 1 : i32
    scf.for %scan3A_13 = %scan3A to %scan3A_4 step %scan3A_5  : i32 {
      %mul3A_14 = arith.constant 1 : i32
      %mul3A_15 = arith.muli %scan3A_13, %mul3A_14 : i32
      %add3A_16 = arith.constant 0 : i32
      %add3A_17 = arith.addi %add3A_16, %mul3A_15 : i32
      %mul3A_18 = arith.constant 16 : i32
      %mul3A_19 = arith.muli %add3A_17, %mul3A_18 : i32
      %swap3A = arith.index_cast %mul3A_19 : i32 to index
      %swap3A_20 = tpu.vector_load %arg5[%swap3A] {strides = array<i32>} : memref<10000xf32, #tpu.memory_space<vmem>>, vector<16xf32>,
      tpu.vector_store %arg5[%swap3A], %broadcast_in_dim3A_0 {strides = array<i32>} : memref<10000xf32, #tpu.memory_space<vmem>>, vector<16xf32>,
    }
    %scan3A_6 = arith.constant 625 : i32
    %scan3A_7 = arith.constant 0 : i32
    %scan3A_8 = arith.constant 5 : i32
    %scan3A_9 = arith.addi %scan3A_7, %scan3A_8 : i32
    %scan3A_10 = arith.constant 1 : i32
    scf.for %scan3A_13 = %scan3A_7 to %scan3A_9 step %scan3A_10  : i32 {
      %mul3A_14 = arith.constant 1 : i32
      %mul3A_15 = arith.muli %scan3A_13, %mul3A_14 : i32
      %add3A_16 = arith.constant 0 : i32
      %add3A_17 = arith.addi %add3A_16, %mul3A_15 : i32
      %mul3A_18 = arith.constant 10000 : i32
      %mul3A_19 = arith.muli %arg1, %mul3A_18 : i32
      %mul3A_20 = arith.constant 2000 : i32
      %mul3A_21 = arith.muli %add3A_17, %mul3A_20 : i32
      %add3A_22 = arith.addi %mul3A_19, %mul3A_21 : i32
      %eq3A = arith.constant 0 : i32
      %eq3A_23 = arith.cmpi eq, %arg0, %eq3A : i32
      %convert_element_type3A = arith.extui %eq3A_23 : i1 to i32
      %cond3A = arith.constant 0 : i32
      %cond3A_24 = arith.cmpi ne, %convert_element_type3A, %cond3A : i32
      scf.if %cond3A_24 {
        "tpu.region"() ({
          %run_scoped3A = tpu.sem_alloc : memref<!tpu.dma_semaphore, #tpu.memory_space<semaphore_mem>>
          %dma_start3A = tpu.memref_slice %arg2[%add3A_22] : memref<160000xi32, #tpu.memory_space<hbm>> -> memref<2000xi32, #tpu.memory_space<hbm>>
          %dma_start3A_35 = tpu.memref_slice %arg2[%add3A_22] : memref<160000xi32, #tpu.memory_space<hbm>> -> memref<2000xi32, #tpu.memory_space<hbm>>
          tpu.enqueue_dma source(%dma_start3A_35 : memref<2000xi32, #tpu.memory_space<hbm>>) target(%arg6 : memref<2000xi32, #tpu.memory_space<vmem>>) target_semaphore(%run_scoped3A : memref<!tpu.dma_semaphore, #tpu.memory_space<semaphore_mem>>)
          %dma_wait3A = tpu.memref_slice %arg2[%add3A_22] : memref<160000xi32, #tpu.memory_space<hbm>> -> memref<2000xi32, #tpu.memory_space<hbm>>
          %dma_wait3A_36 = tpu.memref_slice %arg2[%add3A_22] : memref<160000xi32, #tpu.memory_space<hbm>> -> memref<2000xi32, #tpu.memory_space<hbm>>
          tpu.wait_dma2 semaphore(%run_scoped3A : memref<!tpu.dma_semaphore, #tpu.memory_space<semaphore_mem>>) src(%dma_wait3A_36 : memref<2000xi32, #tpu.memory_space<hbm>>) dst(%arg6 : memref<2000xi32, #tpu.memory_space<vmem>>)
          tpu.yield
        }) : () -> ()
      } else {
      }
      %eq3A_25 = arith.constant 1 : i32
      %eq3A_26 = arith.cmpi eq, %arg0, %eq3A_25 : i32
      %convert_element_type3A_27 = arith.extui %eq3A_26 : i1 to i32
      %cond3A_28 = arith.constant 0 : i32
      %cond3A_29 = arith.cmpi ne, %convert_element_type3A_27, %cond3A_28 : i32
      scf.if %cond3A_29 {
        "tpu.region"() ({
          %run_scoped3A = tpu.sem_alloc : memref<!tpu.dma_semaphore, #tpu.memory_space<semaphore_mem>>
          %dma_start3A = tpu.memref_slice %arg3[%add3A_22] : memref<160000xi32, #tpu.memory_space<hbm>> -> memref<2000xi32, #tpu.memory_space<hbm>>
          %dma_start3A_35 = tpu.memref_slice %arg3[%add3A_22] : memref<160000xi32, #tpu.memory_space<hbm>> -> memref<2000xi32, #tpu.memory_space<hbm>>
          tpu.enqueue_dma source(%dma_start3A_35 : memref<2000xi32, #tpu.memory_space<hbm>>) target(%arg6 : memref<2000xi32, #tpu.memory_space<vmem>>) target_semaphore(%run_scoped3A : memref<!tpu.dma_semaphore, #tpu.memory_space<semaphore_mem>>)
          %dma_wait3A = tpu.memref_slice %arg3[%add3A_22] : memref<160000xi32, #tpu.memory_space<hbm>> -> memref<2000xi32, #tpu.memory_space<hbm>>
          %dma_wait3A_36 = tpu.memref_slice %arg3[%add3A_22] : memref<160000xi32, #tpu.memory_space<hbm>> -> memref<2000xi32, #tpu.memory_space<hbm>>
          tpu.wait_dma2 semaphore(%run_scoped3A : memref<!tpu.dma_semaphore, #tpu.memory_space<semaphore_mem>>) src(%dma_wait3A_36 : memref<2000xi32, #tpu.memory_space<hbm>>) dst(%arg6 : memref<2000xi32, #tpu.memory_space<vmem>>)
          tpu.yield
        }) : () -> ()
      } else {
      }
      %scan3A_30 = arith.constant 0 : i32
      %scan3A_31 = arith.constant 125 : i32
      %scan3A_32 = arith.addi %scan3A_30, %scan3A_31 : i32
      %scan3A_33 = arith.constant 1 : i32
      scf.for %scan3A_35 = %scan3A_30 to %scan3A_32 step %scan3A_33  : i32 {
        %mul3A_36 = arith.constant 1 : i32
        %mul3A_37 = arith.muli %scan3A_35, %mul3A_36 : i32
        %add3A_38 = arith.constant 0 : i32
        %add3A_39 = arith.addi %add3A_38, %mul3A_37 : i32
        %mul3A_40 = arith.constant 16 : i32
        %mul3A_41 = arith.muli %add3A_39, %mul3A_40 : i32
        %get3A = arith.index_cast %mul3A_41 : i32 to index
        %get3A_42 = tpu.vector_load %arg6[%get3A] {strides = array<i32>} : memref<2000xi32, #tpu.memory_space<vmem>>, vector<16xi32>,
        tpu.vector_store_idx %arg5[%get3A_42], %broadcast_in_dim3A_2 {add = true} : memref<10000xf32, #tpu.memory_space<vmem>>[vector<16xi32>], vector<16xf32>,
      }
      %scan3A_34 = arith.constant 125 : i32
    }
    %scan3A_11 = arith.constant 5 : i32
    %mul3A = arith.constant 16 : i32
    %mul3A_12 = arith.muli %arg0, %mul3A : i32
    %add3A = arith.addi %mul3A_12, %arg1 : i32
    "tpu.region"() ({
      %run_scoped3A = tpu.sem_alloc : memref<!tpu.dma_semaphore, #tpu.memory_space<semaphore_mem>>
      %dma_start3A = arith.constant 0 : i32
      %dma_start3A_13 = tpu.memref_slice %arg4[%add3A, %dma_start3A] : memref<32x10000xf32, #tpu.memory_space<hbm>> -> memref<1x10000xf32, #tpu.memory_space<hbm>>
      %dma_start3A_14 = tpu.memref_squeeze %dma_start3A_13 : memref<1x10000xf32, #tpu.memory_space<hbm>> -> memref<10000xf32, #tpu.memory_space<hbm>>
      %dma_start3A_15 = arith.constant 0 : i32
      %dma_start3A_16 = tpu.memref_slice %arg4[%add3A, %dma_start3A_15] : memref<32x10000xf32, #tpu.memory_space<hbm>> -> memref<1x10000xf32, #tpu.memory_space<hbm>>
      %dma_start3A_17 = tpu.memref_squeeze %dma_start3A_16 : memref<1x10000xf32, #tpu.memory_space<hbm>> -> memref<10000xf32, #tpu.memory_space<hbm>>
      tpu.enqueue_dma source(%arg5 : memref<10000xf32, #tpu.memory_space<vmem>>) target(%dma_start3A_17 : memref<10000xf32, #tpu.memory_space<hbm>>) target_semaphore(%run_scoped3A : memref<!tpu.dma_semaphore, #tpu.memory_space<semaphore_mem>>)
      %dma_wait3A = arith.constant 0 : i32
      %dma_wait3A_18 = tpu.memref_slice %arg4[%add3A, %dma_wait3A] : memref<32x10000xf32, #tpu.memory_space<hbm>> -> memref<1x10000xf32, #tpu.memory_space<hbm>>
      %dma_wait3A_19 = tpu.memref_squeeze %dma_wait3A_18 : memref<1x10000xf32, #tpu.memory_space<hbm>> -> memref<10000xf32, #tpu.memory_space<hbm>>
      %dma_wait3A_20 = arith.constant 0 : i32
      %dma_wait3A_21 = tpu.memref_slice %arg4[%add3A, %dma_wait3A_20] : memref<32x10000xf32, #tpu.memory_space<hbm>> -> memref<1x10000xf32, #tpu.memory_space<hbm>>
      %dma_wait3A_22 = tpu.memref_squeeze %dma_wait3A_21 : memref<1x10000xf32, #tpu.memory_space<hbm>> -> memref<10000xf32, #tpu.memory_space<hbm>>
      tpu.wait_dma2 semaphore(%run_scoped3A : memref<!tpu.dma_semaphore, #tpu.memory_space<semaphore_mem>>) src(%arg5 : memref<10000xf32, #tpu.memory_space<vmem>>) dst(%dma_wait3A_22 : memref<10000xf32, #tpu.memory_space<hbm>>)
      tpu.yield
    }) : () -> ()
    return
  }
}

#map = affine_map<(d0, d1) -> (0, 0)>
module attributes {stable_mosaic.version = 14 : i64} {
  func.func @k(%arg0: i32, %arg1: i32, %arg2: memref<20000x128xf32, #tpu.memory_space<hbm>>, %arg3: memref<1280x125xi32, #tpu.memory_space<hbm>>, %arg4: memref<20000x128xf32, #tpu.memory_space<hbm>>, %arg5: memref<10000x128xf32, #tpu.memory_space<vmem_shared>>, %arg6: memref<125x128xf32, #tpu.memory_space<vmem>>, %arg7: memref<125x128xf32, #tpu.memory_space<vmem>>, %arg8: memref<125x128xf32, #tpu.memory_space<vmem>>, %arg9: memref<8x125xi32, #tpu.memory_space<vmem>>, %arg10: memref<125xi32, #tpu.memory_space<vmem>>, %arg11: memref<125xi32, #tpu.memory_space<vmem>>, %arg12: memref<125xi32, #tpu.memory_space<vmem>>, %arg13: memref<125xi32, #tpu.memory_space<vmem>>, %arg14: memref<125xi32, #tpu.memory_space<vmem>>, %arg15: memref<125xi32, #tpu.memory_space<vmem>>, %arg16: memref<!tpu.dma_semaphore, #tpu.memory_space<semaphore_mem>>, %arg17: memref<!tpu.dma_semaphore, #tpu.memory_space<semaphore_mem>>, %arg18: memref<!tpu.dma_semaphore, #tpu.memory_space<semaphore_mem>>, %arg19: memref<!tpu.dma_semaphore, #tpu.memory_space<semaphore_mem>>) attributes {dimension_semantics = [#tpu.dimension_semantics<core_parallel>, #tpu.dimension_semantics<subcore_parallel>], iteration_bounds = array<i64: 2, 16>, scalar_prefetch = 0 : i64, scratch_operands = 15 : i64, tpu.core_type = #tpu.core_type<sc_vector_subcore>, window_params = [{transform_indices = #map}, {transform_indices = #map}, {transform_indices = #map}]} {
    %mul3A = arith.constant 10000 : i32
    %mul3A_0 = arith.muli %arg0, %mul3A : i32
    %broadcast_in_dim3A = arith.constant 0.000000e+00 : f32
    %broadcast_in_dim3A_1 = vector.broadcast %broadcast_in_dim3A : f32 to vector<16xf32>
    %mul3A_2 = arith.constant 80 : i32
    %mul3A_3 = arith.muli %arg1, %mul3A_2 : i32
    "tpu.region"() ({
      %run_scoped3A = tpu.sem_alloc : memref<!tpu.dma_semaphore, #tpu.memory_space<semaphore_mem>>
      %dma_start3A_544 = arith.constant 0 : i32
      %dma_start3A_545 = tpu.memref_slice %arg3[%mul3A_3, %dma_start3A_544] : memref<1280x125xi32, #tpu.memory_space<hbm>> -> memref<8x125xi32, #tpu.memory_space<hbm>>
      %dma_start3A_546 = arith.constant 0 : i32
      %dma_start3A_547 = tpu.memref_slice %arg3[%mul3A_3, %dma_start3A_546] : memref<1280x125xi32, #tpu.memory_space<hbm>> -> memref<8x125xi32, #tpu.memory_space<hbm>>
      tpu.enqueue_dma source(%dma_start3A_547 : memref<8x125xi32, #tpu.memory_space<hbm>>) target(%arg9 : memref<8x125xi32, #tpu.memory_space<vmem>>) target_semaphore(%run_scoped3A : memref<!tpu.dma_semaphore, #tpu.memory_space<semaphore_mem>>)
      %dma_wait3A = arith.constant 0 : i32
      %dma_wait3A_548 = tpu.memref_slice %arg3[%mul3A_3, %dma_wait3A] : memref<1280x125xi32, #tpu.memory_space<hbm>> -> memref<8x125xi32, #tpu.memory_space<hbm>>
      %dma_wait3A_549 = arith.constant 0 : i32
      %dma_wait3A_550 = tpu.memref_slice %arg3[%mul3A_3, %dma_wait3A_549] : memref<1280x125xi32, #tpu.memory_space<hbm>> -> memref<8x125xi32, #tpu.memory_space<hbm>>
      tpu.wait_dma2 semaphore(%run_scoped3A : memref<!tpu.dma_semaphore, #tpu.memory_space<semaphore_mem>>) src(%dma_wait3A_550 : memref<8x125xi32, #tpu.memory_space<hbm>>) dst(%arg9 : memref<8x125xi32, #tpu.memory_space<vmem>>)
      tpu.yield
    }) : () -> ()
    %scan3A = arith.constant 0 : i32
    %scan3A_4 = arith.constant 125 : i32
    %scan3A_5 = arith.addi %scan3A, %scan3A_4 : i32
    %scan3A_6 = arith.constant 1 : i32
    scf.for %scan3A_544 = %scan3A to %scan3A_5 step %scan3A_6  : i32 {
      %mul3A_545 = arith.constant 1 : i32
      %mul3A_546 = arith.muli %scan3A_544, %mul3A_545 : i32
      %add3A_547 = arith.constant 0 : i32
      %add3A_548 = arith.addi %add3A_547, %mul3A_546 : i32
      %scan3A_549 = arith.constant 0 : i32
      %scan3A_550 = arith.constant 8 : i32
      %scan3A_551 = arith.addi %scan3A_549, %scan3A_550 : i32
      %scan3A_552 = arith.constant 1 : i32
      scf.for %scan3A_554 = %scan3A_549 to %scan3A_551 step %scan3A_552  : i32 {
        %mul3A_555 = arith.constant 1 : i32
        %mul3A_556 = arith.muli %scan3A_554, %mul3A_555 : i32
        %add3A_557 = arith.constant 0 : i32
        %add3A_558 = arith.addi %add3A_557, %mul3A_556 : i32
        %mul3A_559 = arith.constant 16 : i32
        %mul3A_560 = arith.muli %add3A_558, %mul3A_559 : i32
        %swap3A_561 = arith.index_cast %add3A_548 : i32 to index
        %swap3A_562 = arith.index_cast %mul3A_560 : i32 to index
        %swap3A_563 = tpu.vector_load %arg6[%swap3A_561, %swap3A_562] {strides = array<i32>} : memref<125x128xf32, #tpu.memory_space<vmem>>, vector<1x16xf32>,
        %swap3A_564 = vector.shape_cast %swap3A_563 : vector<1x16xf32> to vector<16xf32>
        %swap3A_565 = vector.shape_cast %broadcast_in_dim3A_1 : vector<16xf32> to vector<1x16xf32>
        tpu.vector_store %arg6[%swap3A_561, %swap3A_562], %swap3A_565 {strides = array<i32>} : memref<125x128xf32, #tpu.memory_space<vmem>>, vector<1x16xf32>,
      }
      %scan3A_553 = arith.constant 8 : i32
    }
    %scan3A_7 = arith.constant 125 : i32
    %mul3A_8 = arith.constant 624 : i32
    %mul3A_9 = arith.muli %arg1, %mul3A_8 : i32
    %scan3A_10 = arith.constant 0 : i32
    %scan3A_11 = arith.constant 4 : i32
    %scan3A_12 = arith.addi %scan3A_10, %scan3A_11 : i32
    %scan3A_13 = arith.constant 1 : i32
    scf.for %scan3A_544 = %scan3A_10 to %scan3A_12 step %scan3A_13  : i32 {
      %mul3A_545 = arith.constant 1 : i32
      %mul3A_546 = arith.muli %scan3A_544, %mul3A_545 : i32
      %add3A_547 = arith.constant 0 : i32
      %add3A_548 = arith.addi %add3A_547, %mul3A_546 : i32
      %mul3A_549 = arith.constant 125 : i32
      %mul3A_550 = arith.muli %add3A_548, %mul3A_549 : i32
      %add3A_551 = arith.addi %mul3A_9, %mul3A_550 : i32
      "tpu.region"() ({
        %run_scoped3A = tpu.sem_alloc : memref<!tpu.dma_semaphore, #tpu.memory_space<semaphore_mem>>
        %dma_start3A_552 = arith.constant 0 : i32
        %dma_start3A_553 = tpu.memref_slice %arg5[%add3A_551, %dma_start3A_552] : memref<10000x128xf32, #tpu.memory_space<vmem_shared>> -> memref<125x128xf32, #tpu.memory_space<vmem_shared>>
        %dma_start3A_554 = arith.constant 0 : i32
        %dma_start3A_555 = tpu.memref_slice %arg5[%add3A_551, %dma_start3A_554] : memref<10000x128xf32, #tpu.memory_space<vmem_shared>> -> memref<125x128xf32, #tpu.memory_space<vmem_shared>>
        tpu.enqueue_dma source(%arg6 : memref<125x128xf32, #tpu.memory_space<vmem>>) target(%dma_start3A_555 : memref<125x128xf32, #tpu.memory_space<vmem_shared>>) target_semaphore(%run_scoped3A : memref<!tpu.dma_semaphore, #tpu.memory_space<semaphore_mem>>)
        %dma_wait3A = arith.constant 0 : i32
        %dma_wait3A_556 = tpu.memref_slice %arg5[%add3A_551, %dma_wait3A] : memref<10000x128xf32, #tpu.memory_space<vmem_shared>> -> memref<125x128xf32, #tpu.memory_space<vmem_shared>>
        %dma_wait3A_557 = arith.constant 0 : i32
        %dma_wait3A_558 = tpu.memref_slice %arg5[%add3A_551, %dma_wait3A_557] : memref<10000x128xf32, #tpu.memory_space<vmem_shared>> -> memref<125x128xf32, #tpu.memory_space<vmem_shared>>
        tpu.wait_dma2 semaphore(%run_scoped3A : memref<!tpu.dma_semaphore, #tpu.memory_space<semaphore_mem>>) src(%arg6 : memref<125x128xf32, #tpu.memory_space<vmem>>) dst(%dma_wait3A_558 : memref<125x128xf32, #tpu.memory_space<vmem_shared>>)
        tpu.yield
      }) : () -> ()
    }
    %scan3A_14 = arith.constant 4 : i32
    %lt3A = arith.constant 15 : i32
    %lt3A_15 = arith.cmpi slt, %arg1, %lt3A : i32
    %convert_element_type3A = arith.extui %lt3A_15 : i1 to i32
    %cond3A = arith.constant 0 : i32
    %cond3A_16 = arith.cmpi ne, %convert_element_type3A, %cond3A : i32
    scf.if %cond3A_16 {
      %add3A_544 = arith.constant 500 : i32
      %add3A_545 = arith.addi %mul3A_9, %add3A_544 : i32
      "tpu.region"() ({
        %run_scoped3A = tpu.sem_alloc : memref<!tpu.dma_semaphore, #tpu.memory_space<semaphore_mem>>
        %dma_start3A_546 = arith.constant 0 : i32
        %dma_start3A_547 = arith.constant 0 : i32
        %dma_start3A_548 = tpu.memref_slice %arg6[%dma_start3A_546, %dma_start3A_547] : memref<125x128xf32, #tpu.memory_space<vmem>> -> memref<124x128xf32, #tpu.memory_space<vmem>>
        %dma_start3A_549 = arith.constant 0 : i32
        %dma_start3A_550 = tpu.memref_slice %arg5[%add3A_545, %dma_start3A_549] : memref<10000x128xf32, #tpu.memory_space<vmem_shared>> -> memref<124x128xf32, #tpu.memory_space<vmem_shared>>
        %dma_start3A_551 = arith.constant 0 : i32
        %dma_start3A_552 = tpu.memref_slice %arg5[%add3A_545, %dma_start3A_551] : memref<10000x128xf32, #tpu.memory_space<vmem_shared>> -> memref<124x128xf32, #tpu.memory_space<vmem_shared>>
        %dma_start3A_553 = arith.constant 0 : i32
        %dma_start3A_554 = arith.constant 0 : i32
        %dma_start3A_555 = tpu.memref_slice %arg6[%dma_start3A_553, %dma_start3A_554] : memref<125x128xf32, #tpu.memory_space<vmem>> -> memref<124x128xf32, #tpu.memory_space<vmem>>
        tpu.enqueue_dma source(%dma_start3A_555 : memref<124x128xf32, #tpu.memory_space<vmem>>) target(%dma_start3A_552 : memref<124x128xf32, #tpu.memory_space<vmem_shared>>) target_semaphore(%run_scoped3A : memref<!tpu.dma_semaphore, #tpu.memory_space<semaphore_mem>>)
        %dma_wait3A = arith.constant 0 : i32
        %dma_wait3A_556 = arith.constant 0 : i32
        %dma_wait3A_557 = tpu.memref_slice %arg6[%dma_wait3A, %dma_wait3A_556] : memref<125x128xf32, #tpu.memory_space<vmem>> -> memref<124x128xf32, #tpu.memory_space<vmem>>
        %dma_wait3A_558 = arith.constant 0 : i32
        %dma_wait3A_559 = tpu.memref_slice %arg5[%add3A_545, %dma_wait3A_558] : memref<10000x128xf32, #tpu.memory_space<vmem_shared>> -> memref<124x128xf32, #tpu.memory_space<vmem_shared>>
        %dma_wait3A_560 = arith.constant 0 : i32
        %dma_wait3A_561 = tpu.memref_slice %arg5[%add3A_545, %dma_wait3A_560] : memref<10000x128xf32, #tpu.memory_space<vmem_shared>> -> memref<124x128xf32, #tpu.memory_space<vmem_shared>>
        %dma_wait3A_562 = arith.constant 0 : i32
        %dma_wait3A_563 = arith.constant 0 : i32
        %dma_wait3A_564 = tpu.memref_slice %arg6[%dma_wait3A_562, %dma_wait3A_563] : memref<125x128xf32, #tpu.memory_space<vmem>> -> memref<124x128xf32, #tpu.memory_space<vmem>>
        tpu.wait_dma2 semaphore(%run_scoped3A : memref<!tpu.dma_semaphore, #tpu.memory_space<semaphore_mem>>) src(%dma_wait3A_564 : memref<124x128xf32, #tpu.memory_space<vmem>>) dst(%dma_wait3A_561 : memref<124x128xf32, #tpu.memory_space<vmem_shared>>)
        tpu.yield
      }) : () -> ()
    } else {
    }
    %eq3A = arith.constant 15 : i32
    %eq3A_17 = arith.cmpi eq, %arg1, %eq3A : i32
    %convert_element_type3A_18 = arith.extui %eq3A_17 : i1 to i32
    %cond3A_19 = arith.constant 0 : i32
    %cond3A_20 = arith.cmpi ne, %convert_element_type3A_18, %cond3A_19 : i32
    scf.if %cond3A_20 {
      %add3A_544 = arith.constant 500 : i32
      %add3A_545 = arith.addi %mul3A_9, %add3A_544 : i32
      "tpu.region"() ({
        %run_scoped3A = tpu.sem_alloc : memref<!tpu.dma_semaphore, #tpu.memory_space<semaphore_mem>>
        %dma_start3A_548 = arith.constant 0 : i32
        %dma_start3A_549 = tpu.memref_slice %arg5[%add3A_545, %dma_start3A_548] : memref<10000x128xf32, #tpu.memory_space<vmem_shared>> -> memref<125x128xf32, #tpu.memory_space<vmem_shared>>
        %dma_start3A_550 = arith.constant 0 : i32
        %dma_start3A_551 = tpu.memref_slice %arg5[%add3A_545, %dma_start3A_550] : memref<10000x128xf32, #tpu.memory_space<vmem_shared>> -> memref<125x128xf32, #tpu.memory_space<vmem_shared>>
        tpu.enqueue_dma source(%arg6 : memref<125x128xf32, #tpu.memory_space<vmem>>) target(%dma_start3A_551 : memref<125x128xf32, #tpu.memory_space<vmem_shared>>) target_semaphore(%run_scoped3A : memref<!tpu.dma_semaphore, #tpu.memory_space<semaphore_mem>>)
        %dma_wait3A = arith.constant 0 : i32
        %dma_wait3A_552 = tpu.memref_slice %arg5[%add3A_545, %dma_wait3A] : memref<10000x128xf32, #tpu.memory_space<vmem_shared>> -> memref<125x128xf32, #tpu.memory_space<vmem_shared>>
        %dma_wait3A_553 = arith.constant 0 : i32
        %dma_wait3A_554 = tpu.memref_slice %arg5[%add3A_545, %dma_wait3A_553] : memref<10000x128xf32, #tpu.memory_space<vmem_shared>> -> memref<125x128xf32, #tpu.memory_space<vmem_shared>>
        tpu.wait_dma2 semaphore(%run_scoped3A : memref<!tpu.dma_semaphore, #tpu.memory_space<semaphore_mem>>) src(%arg6 : memref<125x128xf32, #tpu.memory_space<vmem>>) dst(%dma_wait3A_554 : memref<125x128xf32, #tpu.memory_space<vmem_shared>>)
        tpu.yield
      }) : () -> ()
      %add3A_546 = arith.constant 625 : i32
      %add3A_547 = arith.addi %mul3A_9, %add3A_546 : i32
      "tpu.region"() ({
        %run_scoped3A = tpu.sem_alloc : memref<!tpu.dma_semaphore, #tpu.memory_space<semaphore_mem>>
        %dma_start3A_548 = arith.constant 0 : i32
        %dma_start3A_549 = arith.constant 0 : i32
        %dma_start3A_550 = tpu.memref_slice %arg6[%dma_start3A_548, %dma_start3A_549] : memref<125x128xf32, #tpu.memory_space<vmem>> -> memref<15x128xf32, #tpu.memory_space<vmem>>
        %dma_start3A_551 = arith.constant 0 : i32
        %dma_start3A_552 = tpu.memref_slice %arg5[%add3A_547, %dma_start3A_551] : memref<10000x128xf32, #tpu.memory_space<vmem_shared>> -> memref<15x128xf32, #tpu.memory_space<vmem_shared>>
        %dma_start3A_553 = arith.constant 0 : i32
        %dma_start3A_554 = tpu.memref_slice %arg5[%add3A_547, %dma_start3A_553] : memref<10000x128xf32, #tpu.memory_space<vmem_shared>> -> memref<15x128xf32, #tpu.memory_space<vmem_shared>>
        %dma_start3A_555 = arith.constant 0 : i32
        %dma_start3A_556 = arith.constant 0 : i32
        %dma_start3A_557 = tpu.memref_slice %arg6[%dma_start3A_555, %dma_start3A_556] : memref<125x128xf32, #tpu.memory_space<vmem>> -> memref<15x128xf32, #tpu.memory_space<vmem>>
        tpu.enqueue_dma source(%dma_start3A_557 : memref<15x128xf32, #tpu.memory_space<vmem>>) target(%dma_start3A_554 : memref<15x128xf32, #tpu.memory_space<vmem_shared>>) target_semaphore(%run_scoped3A : memref<!tpu.dma_semaphore, #tpu.memory_space<semaphore_mem>>)
        %dma_wait3A = arith.constant 0 : i32
        %dma_wait3A_558 = arith.constant 0 : i32
        %dma_wait3A_559 = tpu.memref_slice %arg6[%dma_wait3A, %dma_wait3A_558] : memref<125x128xf32, #tpu.memory_space<vmem>> -> memref<15x128xf32, #tpu.memory_space<vmem>>
        %dma_wait3A_560 = arith.constant 0 : i32
        %dma_wait3A_561 = tpu.memref_slice %arg5[%add3A_547, %dma_wait3A_560] : memref<10000x128xf32, #tpu.memory_space<vmem_shared>> -> memref<15x128xf32, #tpu.memory_space<vmem_shared>>
        %dma_wait3A_562 = arith.constant 0 : i32
        %dma_wait3A_563 = tpu.memref_slice %arg5[%add3A_547, %dma_wait3A_562] : memref<10000x128xf32, #tpu.memory_space<vmem_shared>> -> memref<15x128xf32, #tpu.memory_space<vmem_shared>>
        %dma_wait3A_564 = arith.constant 0 : i32
        %dma_wait3A_565 = arith.constant 0 : i32
        %dma_wait3A_566 = tpu.memref_slice %arg6[%dma_wait3A_564, %dma_wait3A_565] : memref<125x128xf32, #tpu.memory_space<vmem>> -> memref<15x128xf32, #tpu.memory_space<vmem>>
        tpu.wait_dma2 semaphore(%run_scoped3A : memref<!tpu.dma_semaphore, #tpu.memory_space<semaphore_mem>>) src(%dma_wait3A_566 : memref<15x128xf32, #tpu.memory_space<vmem>>) dst(%dma_wait3A_563 : memref<15x128xf32, #tpu.memory_space<vmem_shared>>)
        tpu.yield
      }) : () -> ()
    } else {
    }
    %barrier3A = arith.constant 0 : index
    tpu.barrier barrier_id(%barrier3A)
    %get3A = arith.constant 0 : i32
    %get3A_21 = arith.index_cast %get3A : i32 to index
    %get3A_22 = arith.constant 0 : index
    %get3A_23 = tpu.vector_load %arg9[%get3A_21, %get3A_22] {strides = array<i32>} : memref<8x125xi32, #tpu.memory_space<vmem>>, vector<1x16xi32>,
    %get3A_24 = vector.shape_cast %get3A_23 : vector<1x16xi32> to vector<16xi32>
    %and3A = arith.constant 65535 : i32
    %and3A_25 = vector.broadcast %and3A : i32 to vector<16xi32>
    %and3A_26 = arith.andi %get3A_24, %and3A_25 : vector<16xi32>
    %add3A = vector.broadcast %mul3A_0 : i32 to vector<16xi32>
    %add3A_27 = arith.addi %and3A_26, %add3A : vector<16xi32>
    %swap3A = arith.constant 0 : index
    %swap3A_28 = tpu.vector_load %arg10[%swap3A] {strides = array<i32>} : memref<125xi32, #tpu.memory_space<vmem>>, vector<16xi32>,
    %swap3A_29 = vector.shape_cast %swap3A_28 : vector<16xi32> to vector<16xi32>
    %swap3A_30 = vector.shape_cast %add3A_27 : vector<16xi32> to vector<16xi32>
    tpu.vector_store %arg10[%swap3A], %swap3A_30 {strides = array<i32>} : memref<125xi32, #tpu.memory_space<vmem>>, vector<16xi32>,
    %shift_right_arithmetic3A = arith.constant 16 : i32
    %shift_right_arithmetic3A_31 = vector.broadcast %shift_right_arithmetic3A : i32 to vector<16xi32>
    %shift_right_arithmetic3A_32 = arith.shrsi %get3A_24, %shift_right_arithmetic3A_31 : vector<16xi32>
    %swap3A_33 = arith.constant 0 : index
    %swap3A_34 = tpu.vector_load %arg11[%swap3A_33] {strides = array<i32>} : memref<125xi32, #tpu.memory_space<vmem>>, vector<16xi32>,
    %swap3A_35 = vector.shape_cast %swap3A_34 : vector<16xi32> to vector<16xi32>
    %swap3A_36 = vector.shape_cast %shift_right_arithmetic3A_32 : vector<16xi32> to vector<16xi32>
    tpu.vector_store %arg11[%swap3A_33], %swap3A_36 {strides = array<i32>} : memref<125xi32, #tpu.memory_space<vmem>>, vector<16xi32>,
    %get3A_37 = arith.constant 0 : i32
    %get3A_38 = arith.index_cast %get3A_37 : i32 to index
    %get3A_39 = arith.constant 16 : index
    %get3A_40 = tpu.vector_load %arg9[%get3A_38, %get3A_39] {strides = array<i32>} : memref<8x125xi32, #tpu.memory_space<vmem>>, vector<1x16xi32>,
    %get3A_41 = vector.shape_cast %get3A_40 : vector<1x16xi32> to vector<16xi32>
    %and3A_42 = arith.constant 65535 : i32
    %and3A_43 = vector.broadcast %and3A_42 : i32 to vector<16xi32>
    %and3A_44 = arith.andi %get3A_41, %and3A_43 : vector<16xi32>
    %add3A_45 = vector.broadcast %mul3A_0 : i32 to vector<16xi32>
    %add3A_46 = arith.addi %and3A_44, %add3A_45 : vector<16xi32>
    %swap3A_47 = arith.constant 16 : index
    %swap3A_48 = tpu.vector_load %arg10[%swap3A_47] {strides = array<i32>} : memref<125xi32, #tpu.memory_space<vmem>>, vector<16xi32>,
    %swap3A_49 = vector.shape_cast %swap3A_48 : vector<16xi32> to vector<16xi32>
    %swap3A_50 = vector.shape_cast %add3A_46 : vector<16xi32> to vector<16xi32>
    tpu.vector_store %arg10[%swap3A_47], %swap3A_50 {strides = array<i32>} : memref<125xi32, #tpu.memory_space<vmem>>, vector<16xi32>,
    %shift_right_arithmetic3A_51 = arith.constant 16 : i32
    %shift_right_arithmetic3A_52 = vector.broadcast %shift_right_arithmetic3A_51 : i32 to vector<16xi32>
    %shift_right_arithmetic3A_53 = arith.shrsi %get3A_41, %shift_right_arithmetic3A_52 : vector<16xi32>
    %swap3A_54 = arith.constant 16 : index
    %swap3A_55 = tpu.vector_load %arg11[%swap3A_54] {strides = array<i32>} : memref<125xi32, #tpu.memory_space<vmem>>, vector<16xi32>,
    %swap3A_56 = vector.shape_cast %swap3A_55 : vector<16xi32> to vector<16xi32>
    %swap3A_57 = vector.shape_cast %shift_right_arithmetic3A_53 : vector<16xi32> to vector<16xi32>
    tpu.vector_store %arg11[%swap3A_54], %swap3A_57 {strides = array<i32>} : memref<125xi32, #tpu.memory_space<vmem>>, vector<16xi32>,
    %get3A_58 = arith.constant 0 : i32
    %get3A_59 = arith.index_cast %get3A_58 : i32 to index
    %get3A_60 = arith.constant 32 : index
    %get3A_61 = tpu.vector_load %arg9[%get3A_59, %get3A_60] {strides = array<i32>} : memref<8x125xi32, #tpu.memory_space<vmem>>, vector<1x16xi32>,
    %get3A_62 = vector.shape_cast %get3A_61 : vector<1x16xi32> to vector<16xi32>
    %and3A_63 = arith.constant 65535 : i32
    %and3A_64 = vector.broadcast %and3A_63 : i32 to vector<16xi32>
    %and3A_65 = arith.andi %get3A_62, %and3A_64 : vector<16xi32>
    %add3A_66 = vector.broadcast %mul3A_0 : i32 to vector<16xi32>
    %add3A_67 = arith.addi %and3A_65, %add3A_66 : vector<16xi32>
    %swap3A_68 = arith.constant 32 : index
    %swap3A_69 = tpu.vector_load %arg10[%swap3A_68] {strides = array<i32>} : memref<125xi32, #tpu.memory_space<vmem>>, vector<16xi32>,
    %swap3A_70 = vector.shape_cast %swap3A_69 : vector<16xi32> to vector<16xi32>
    %swap3A_71 = vector.shape_cast %add3A_67 : vector<16xi32> to vector<16xi32>
    tpu.vector_store %arg10[%swap3A_68], %swap3A_71 {strides = array<i32>} : memref<125xi32, #tpu.memory_space<vmem>>, vector<16xi32>,
    %shift_right_arithmetic3A_72 = arith.constant 16 : i32
    %shift_right_arithmetic3A_73 = vector.broadcast %shift_right_arithmetic3A_72 : i32 to vector<16xi32>
    %shift_right_arithmetic3A_74 = arith.shrsi %get3A_62, %shift_right_arithmetic3A_73 : vector<16xi32>
    %swap3A_75 = arith.constant 32 : index
    %swap3A_76 = tpu.vector_load %arg11[%swap3A_75] {strides = array<i32>} : memref<125xi32, #tpu.memory_space<vmem>>, vector<16xi32>,
    %swap3A_77 = vector.shape_cast %swap3A_76 : vector<16xi32> to vector<16xi32>
    %swap3A_78 = vector.shape_cast %shift_right_arithmetic3A_74 : vector<16xi32> to vector<16xi32>
    tpu.vector_store %arg11[%swap3A_75], %swap3A_78 {strides = array<i32>} : memref<125xi32, #tpu.memory_space<vmem>>, vector<16xi32>,
    %get3A_79 = arith.constant 0 : i32
    %get3A_80 = arith.index_cast %get3A_79 : i32 to index
    %get3A_81 = arith.constant 48 : index
    %get3A_82 = tpu.vector_load %arg9[%get3A_80, %get3A_81] {strides = array<i32>} : memref<8x125xi32, #tpu.memory_space<vmem>>, vector<1x16xi32>,
    %get3A_83 = vector.shape_cast %get3A_82 : vector<1x16xi32> to vector<16xi32>
    %and3A_84 = arith.constant 65535 : i32
    %and3A_85 = vector.broadcast %and3A_84 : i32 to vector<16xi32>
    %and3A_86 = arith.andi %get3A_83, %and3A_85 : vector<16xi32>
    %add3A_87 = vector.broadcast %mul3A_0 : i32 to vector<16xi32>
    %add3A_88 = arith.addi %and3A_86, %add3A_87 : vector<16xi32>
    %swap3A_89 = arith.constant 48 : index
    %swap3A_90 = tpu.vector_load %arg10[%swap3A_89] {strides = array<i32>} : memref<125xi32, #tpu.memory_space<vmem>>, vector<16xi32>,
    %swap3A_91 = vector.shape_cast %swap3A_90 : vector<16xi32> to vector<16xi32>
    %swap3A_92 = vector.shape_cast %add3A_88 : vector<16xi32> to vector<16xi32>
    tpu.vector_store %arg10[%swap3A_89], %swap3A_92 {strides = array<i32>} : memref<125xi32, #tpu.memory_space<vmem>>, vector<16xi32>,
    %shift_right_arithmetic3A_93 = arith.constant 16 : i32
    %shift_right_arithmetic3A_94 = vector.broadcast %shift_right_arithmetic3A_93 : i32 to vector<16xi32>
    %shift_right_arithmetic3A_95 = arith.shrsi %get3A_83, %shift_right_arithmetic3A_94 : vector<16xi32>
    %swap3A_96 = arith.constant 48 : index
    %swap3A_97 = tpu.vector_load %arg11[%swap3A_96] {strides = array<i32>} : memref<125xi32, #tpu.memory_space<vmem>>, vector<16xi32>,
    %swap3A_98 = vector.shape_cast %swap3A_97 : vector<16xi32> to vector<16xi32>
    %swap3A_99 = vector.shape_cast %shift_right_arithmetic3A_95 : vector<16xi32> to vector<16xi32>
    tpu.vector_store %arg11[%swap3A_96], %swap3A_99 {strides = array<i32>} : memref<125xi32, #tpu.memory_space<vmem>>, vector<16xi32>,
    %get3A_100 = arith.constant 0 : i32
    %get3A_101 = arith.index_cast %get3A_100 : i32 to index
    %get3A_102 = arith.constant 64 : index
    %get3A_103 = tpu.vector_load %arg9[%get3A_101, %get3A_102] {strides = array<i32>} : memref<8x125xi32, #tpu.memory_space<vmem>>, vector<1x16xi32>,
    %get3A_104 = vector.shape_cast %get3A_103 : vector<1x16xi32> to vector<16xi32>
    %and3A_105 = arith.constant 65535 : i32
    %and3A_106 = vector.broadcast %and3A_105 : i32 to vector<16xi32>
    %and3A_107 = arith.andi %get3A_104, %and3A_106 : vector<16xi32>
    %add3A_108 = vector.broadcast %mul3A_0 : i32 to vector<16xi32>
    %add3A_109 = arith.addi %and3A_107, %add3A_108 : vector<16xi32>
    %swap3A_110 = arith.constant 64 : index
    %swap3A_111 = tpu.vector_load %arg10[%swap3A_110] {strides = array<i32>} : memref<125xi32, #tpu.memory_space<vmem>>, vector<16xi32>,
    %swap3A_112 = vector.shape_cast %swap3A_111 : vector<16xi32> to vector<16xi32>
    %swap3A_113 = vector.shape_cast %add3A_109 : vector<16xi32> to vector<16xi32>
    tpu.vector_store %arg10[%swap3A_110], %swap3A_113 {strides = array<i32>} : memref<125xi32, #tpu.memory_space<vmem>>, vector<16xi32>,
    %shift_right_arithmetic3A_114 = arith.constant 16 : i32
    %shift_right_arithmetic3A_115 = vector.broadcast %shift_right_arithmetic3A_114 : i32 to vector<16xi32>
    %shift_right_arithmetic3A_116 = arith.shrsi %get3A_104, %shift_right_arithmetic3A_115 : vector<16xi32>
    %swap3A_117 = arith.constant 64 : index
    %swap3A_118 = tpu.vector_load %arg11[%swap3A_117] {strides = array<i32>} : memref<125xi32, #tpu.memory_space<vmem>>, vector<16xi32>,
    %swap3A_119 = vector.shape_cast %swap3A_118 : vector<16xi32> to vector<16xi32>
    %swap3A_120 = vector.shape_cast %shift_right_arithmetic3A_116 : vector<16xi32> to vector<16xi32>
    tpu.vector_store %arg11[%swap3A_117], %swap3A_120 {strides = array<i32>} : memref<125xi32, #tpu.memory_space<vmem>>, vector<16xi32>,
    %get3A_121 = arith.constant 0 : i32
    %get3A_122 = arith.index_cast %get3A_121 : i32 to index
    %get3A_123 = arith.constant 80 : index
    %get3A_124 = tpu.vector_load %arg9[%get3A_122, %get3A_123] {strides = array<i32>} : memref<8x125xi32, #tpu.memory_space<vmem>>, vector<1x16xi32>,
    %get3A_125 = vector.shape_cast %get3A_124 : vector<1x16xi32> to vector<16xi32>
    %and3A_126 = arith.constant 65535 : i32
    %and3A_127 = vector.broadcast %and3A_126 : i32 to vector<16xi32>
    %and3A_128 = arith.andi %get3A_125, %and3A_127 : vector<16xi32>
    %add3A_129 = vector.broadcast %mul3A_0 : i32 to vector<16xi32>
    %add3A_130 = arith.addi %and3A_128, %add3A_129 : vector<16xi32>
    %swap3A_131 = arith.constant 80 : index
    %swap3A_132 = tpu.vector_load %arg10[%swap3A_131] {strides = array<i32>} : memref<125xi32, #tpu.memory_space<vmem>>, vector<16xi32>,
    %swap3A_133 = vector.shape_cast %swap3A_132 : vector<16xi32> to vector<16xi32>
    %swap3A_134 = vector.shape_cast %add3A_130 : vector<16xi32> to vector<16xi32>
    tpu.vector_store %arg10[%swap3A_131], %swap3A_134 {strides = array<i32>} : memref<125xi32, #tpu.memory_space<vmem>>, vector<16xi32>,
    %shift_right_arithmetic3A_135 = arith.constant 16 : i32
    %shift_right_arithmetic3A_136 = vector.broadcast %shift_right_arithmetic3A_135 : i32 to vector<16xi32>
    %shift_right_arithmetic3A_137 = arith.shrsi %get3A_125, %shift_right_arithmetic3A_136 : vector<16xi32>
    %swap3A_138 = arith.constant 80 : index
    %swap3A_139 = tpu.vector_load %arg11[%swap3A_138] {strides = array<i32>} : memref<125xi32, #tpu.memory_space<vmem>>, vector<16xi32>,
    %swap3A_140 = vector.shape_cast %swap3A_139 : vector<16xi32> to vector<16xi32>
    %swap3A_141 = vector.shape_cast %shift_right_arithmetic3A_137 : vector<16xi32> to vector<16xi32>
    tpu.vector_store %arg11[%swap3A_138], %swap3A_141 {strides = array<i32>} : memref<125xi32, #tpu.memory_space<vmem>>, vector<16xi32>,
    %get3A_142 = arith.constant 0 : i32
    %get3A_143 = arith.index_cast %get3A_142 : i32 to index
    %get3A_144 = arith.constant 96 : index
    %get3A_145 = tpu.vector_load %arg9[%get3A_143, %get3A_144] {strides = array<i32>} : memref<8x125xi32, #tpu.memory_space<vmem>>, vector<1x16xi32>,
    %get3A_146 = vector.shape_cast %get3A_145 : vector<1x16xi32> to vector<16xi32>
    %and3A_147 = arith.constant 65535 : i32
    %and3A_148 = vector.broadcast %and3A_147 : i32 to vector<16xi32>
    %and3A_149 = arith.andi %get3A_146, %and3A_148 : vector<16xi32>
    %add3A_150 = vector.broadcast %mul3A_0 : i32 to vector<16xi32>
    %add3A_151 = arith.addi %and3A_149, %add3A_150 : vector<16xi32>
    %swap3A_152 = arith.constant 96 : index
    %swap3A_153 = tpu.vector_load %arg10[%swap3A_152] {strides = array<i32>} : memref<125xi32, #tpu.memory_space<vmem>>, vector<16xi32>,
    %swap3A_154 = vector.shape_cast %swap3A_153 : vector<16xi32> to vector<16xi32>
    %swap3A_155 = vector.shape_cast %add3A_151 : vector<16xi32> to vector<16xi32>
    tpu.vector_store %arg10[%swap3A_152], %swap3A_155 {strides = array<i32>} : memref<125xi32, #tpu.memory_space<vmem>>, vector<16xi32>,
    %shift_right_arithmetic3A_156 = arith.constant 16 : i32
    %shift_right_arithmetic3A_157 = vector.broadcast %shift_right_arithmetic3A_156 : i32 to vector<16xi32>
    %shift_right_arithmetic3A_158 = arith.shrsi %get3A_146, %shift_right_arithmetic3A_157 : vector<16xi32>
    %swap3A_159 = arith.constant 96 : index
    %swap3A_160 = tpu.vector_load %arg11[%swap3A_159] {strides = array<i32>} : memref<125xi32, #tpu.memory_space<vmem>>, vector<16xi32>,
    %swap3A_161 = vector.shape_cast %swap3A_160 : vector<16xi32> to vector<16xi32>
    %swap3A_162 = vector.shape_cast %shift_right_arithmetic3A_158 : vector<16xi32> to vector<16xi32>
    tpu.vector_store %arg11[%swap3A_159], %swap3A_162 {strides = array<i32>} : memref<125xi32, #tpu.memory_space<vmem>>, vector<16xi32>,
    %get3A_163 = arith.constant 0 : i32
    %get3A_164 = arith.index_cast %get3A_163 : i32 to index
    %get3A_165 = arith.constant 109 : index
    %get3A_166 = tpu.vector_load %arg9[%get3A_164, %get3A_165] {strides = array<i32>} : memref<8x125xi32, #tpu.memory_space<vmem>>, vector<1x16xi32>,
    %get3A_167 = vector.shape_cast %get3A_166 : vector<1x16xi32> to vector<16xi32>
    %and3A_168 = arith.constant 65535 : i32
    %and3A_169 = vector.broadcast %and3A_168 : i32 to vector<16xi32>
    %and3A_170 = arith.andi %get3A_167, %and3A_169 : vector<16xi32>
    %add3A_171 = vector.broadcast %mul3A_0 : i32 to vector<16xi32>
    %add3A_172 = arith.addi %and3A_170, %add3A_171 : vector<16xi32>
    %swap3A_173 = arith.constant 109 : index
    %swap3A_174 = tpu.vector_load %arg10[%swap3A_173] {strides = array<i32>} : memref<125xi32, #tpu.memory_space<vmem>>, vector<16xi32>,
    %swap3A_175 = vector.shape_cast %swap3A_174 : vector<16xi32> to vector<16xi32>
    %swap3A_176 = vector.shape_cast %add3A_172 : vector<16xi32> to vector<16xi32>
    tpu.vector_store %arg10[%swap3A_173], %swap3A_176 {strides = array<i32>} : memref<125xi32, #tpu.memory_space<vmem>>, vector<16xi32>,
    %shift_right_arithmetic3A_177 = arith.constant 16 : i32
    %shift_right_arithmetic3A_178 = vector.broadcast %shift_right_arithmetic3A_177 : i32 to vector<16xi32>
    %shift_right_arithmetic3A_179 = arith.shrsi %get3A_167, %shift_right_arithmetic3A_178 : vector<16xi32>
    %swap3A_180 = arith.constant 109 : index
    %swap3A_181 = tpu.vector_load %arg11[%swap3A_180] {strides = array<i32>} : memref<125xi32, #tpu.memory_space<vmem>>, vector<16xi32>,
    %swap3A_182 = vector.shape_cast %swap3A_181 : vector<16xi32> to vector<16xi32>
    %swap3A_183 = vector.shape_cast %shift_right_arithmetic3A_179 : vector<16xi32> to vector<16xi32>
    tpu.vector_store %arg11[%swap3A_180], %swap3A_183 {strides = array<i32>} : memref<125xi32, #tpu.memory_space<vmem>>, vector<16xi32>,
    %dma_start3A = arith.constant 0 : i32
    %dma_start3A_184 = arith.constant 0 : i32
    %dma_start3A_185 = tpu.memref_slice %arg2[%dma_start3A, %dma_start3A_184] : memref<20000x128xf32, #tpu.memory_space<hbm>> -> memref<20000x128xf32, #tpu.memory_space<hbm>>
    tpu.enqueue_indirect_dma source(%dma_start3A_185 : memref<20000x128xf32, #tpu.memory_space<hbm>>) target(%arg6 : memref<125x128xf32, #tpu.memory_space<vmem>>) offsets(%arg10 : memref<125xi32, #tpu.memory_space<vmem>>) semaphore(%arg16 : memref<!tpu.dma_semaphore, #tpu.memory_space<semaphore_mem>>)
    %get3A_186 = arith.constant 1 : i32
    %get3A_187 = arith.index_cast %get3A_186 : i32 to index
    %get3A_188 = arith.constant 0 : index
    %get3A_189 = tpu.vector_load %arg9[%get3A_187, %get3A_188] {strides = array<i32>} : memref<8x125xi32, #tpu.memory_space<vmem>>, vector<1x16xi32>,
    %get3A_190 = vector.shape_cast %get3A_189 : vector<1x16xi32> to vector<16xi32>
    %and3A_191 = arith.constant 65535 : i32
    %and3A_192 = vector.broadcast %and3A_191 : i32 to vector<16xi32>
    %and3A_193 = arith.andi %get3A_190, %and3A_192 : vector<16xi32>
    %add3A_194 = vector.broadcast %mul3A_0 : i32 to vector<16xi32>
    %add3A_195 = arith.addi %and3A_193, %add3A_194 : vector<16xi32>
    %swap3A_196 = arith.constant 0 : index
    %swap3A_197 = tpu.vector_load %arg12[%swap3A_196] {strides = array<i32>} : memref<125xi32, #tpu.memory_space<vmem>>, vector<16xi32>,
    %swap3A_198 = vector.shape_cast %swap3A_197 : vector<16xi32> to vector<16xi32>
    %swap3A_199 = vector.shape_cast %add3A_195 : vector<16xi32> to vector<16xi32>
    tpu.vector_store %arg12[%swap3A_196], %swap3A_199 {strides = array<i32>} : memref<125xi32, #tpu.memory_space<vmem>>, vector<16xi32>,
    %shift_right_arithmetic3A_200 = arith.constant 16 : i32
    %shift_right_arithmetic3A_201 = vector.broadcast %shift_right_arithmetic3A_200 : i32 to vector<16xi32>
    %shift_right_arithmetic3A_202 = arith.shrsi %get3A_190, %shift_right_arithmetic3A_201 : vector<16xi32>
    %swap3A_203 = arith.constant 0 : index
    %swap3A_204 = tpu.vector_load %arg13[%swap3A_203] {strides = array<i32>} : memref<125xi32, #tpu.memory_space<vmem>>, vector<16xi32>,
    %swap3A_205 = vector.shape_cast %swap3A_204 : vector<16xi32> to vector<16xi32>
    %swap3A_206 = vector.shape_cast %shift_right_arithmetic3A_202 : vector<16xi32> to vector<16xi32>
    tpu.vector_store %arg13[%swap3A_203], %swap3A_206 {strides = array<i32>} : memref<125xi32, #tpu.memory_space<vmem>>, vector<16xi32>,
    %get3A_207 = arith.constant 1 : i32
    %get3A_208 = arith.index_cast %get3A_207 : i32 to index
    %get3A_209 = arith.constant 16 : index
    %get3A_210 = tpu.vector_load %arg9[%get3A_208, %get3A_209] {strides = array<i32>} : memref<8x125xi32, #tpu.memory_space<vmem>>, vector<1x16xi32>,
    %get3A_211 = vector.shape_cast %get3A_210 : vector<1x16xi32> to vector<16xi32>
    %and3A_212 = arith.constant 65535 : i32
    %and3A_213 = vector.broadcast %and3A_212 : i32 to vector<16xi32>
    %and3A_214 = arith.andi %get3A_211, %and3A_213 : vector<16xi32>
    %add3A_215 = vector.broadcast %mul3A_0 : i32 to vector<16xi32>
    %add3A_216 = arith.addi %and3A_214, %add3A_215 : vector<16xi32>
    %swap3A_217 = arith.constant 16 : index
    %swap3A_218 = tpu.vector_load %arg12[%swap3A_217] {strides = array<i32>} : memref<125xi32, #tpu.memory_space<vmem>>, vector<16xi32>,
    %swap3A_219 = vector.shape_cast %swap3A_218 : vector<16xi32> to vector<16xi32>
    %swap3A_220 = vector.shape_cast %add3A_216 : vector<16xi32> to vector<16xi32>
    tpu.vector_store %arg12[%swap3A_217], %swap3A_220 {strides = array<i32>} : memref<125xi32, #tpu.memory_space<vmem>>, vector<16xi32>,
    %shift_right_arithmetic3A_221 = arith.constant 16 : i32
    %shift_right_arithmetic3A_222 = vector.broadcast %shift_right_arithmetic3A_221 : i32 to vector<16xi32>
    %shift_right_arithmetic3A_223 = arith.shrsi %get3A_211, %shift_right_arithmetic3A_222 : vector<16xi32>
    %swap3A_224 = arith.constant 16 : index
    %swap3A_225 = tpu.vector_load %arg13[%swap3A_224] {strides = array<i32>} : memref<125xi32, #tpu.memory_space<vmem>>, vector<16xi32>,
    %swap3A_226 = vector.shape_cast %swap3A_225 : vector<16xi32> to vector<16xi32>
    %swap3A_227 = vector.shape_cast %shift_right_arithmetic3A_223 : vector<16xi32> to vector<16xi32>
    tpu.vector_store %arg13[%swap3A_224], %swap3A_227 {strides = array<i32>} : memref<125xi32, #tpu.memory_space<vmem>>, vector<16xi32>,
    %get3A_228 = arith.constant 1 : i32
    %get3A_229 = arith.index_cast %get3A_228 : i32 to index
    %get3A_230 = arith.constant 32 : index
    %get3A_231 = tpu.vector_load %arg9[%get3A_229, %get3A_230] {strides = array<i32>} : memref<8x125xi32, #tpu.memory_space<vmem>>, vector<1x16xi32>,
    %get3A_232 = vector.shape_cast %get3A_231 : vector<1x16xi32> to vector<16xi32>
    %and3A_233 = arith.constant 65535 : i32
    %and3A_234 = vector.broadcast %and3A_233 : i32 to vector<16xi32>
    %and3A_235 = arith.andi %get3A_232, %and3A_234 : vector<16xi32>
    %add3A_236 = vector.broadcast %mul3A_0 : i32 to vector<16xi32>
    %add3A_237 = arith.addi %and3A_235, %add3A_236 : vector<16xi32>
    %swap3A_238 = arith.constant 32 : index
    %swap3A_239 = tpu.vector_load %arg12[%swap3A_238] {strides = array<i32>} : memref<125xi32, #tpu.memory_space<vmem>>, vector<16xi32>,
    %swap3A_240 = vector.shape_cast %swap3A_239 : vector<16xi32> to vector<16xi32>
    %swap3A_241 = vector.shape_cast %add3A_237 : vector<16xi32> to vector<16xi32>
    tpu.vector_store %arg12[%swap3A_238], %swap3A_241 {strides = array<i32>} : memref<125xi32, #tpu.memory_space<vmem>>, vector<16xi32>,
    %shift_right_arithmetic3A_242 = arith.constant 16 : i32
    %shift_right_arithmetic3A_243 = vector.broadcast %shift_right_arithmetic3A_242 : i32 to vector<16xi32>
    %shift_right_arithmetic3A_244 = arith.shrsi %get3A_232, %shift_right_arithmetic3A_243 : vector<16xi32>
    %swap3A_245 = arith.constant 32 : index
    %swap3A_246 = tpu.vector_load %arg13[%swap3A_245] {strides = array<i32>} : memref<125xi32, #tpu.memory_space<vmem>>, vector<16xi32>,
    %swap3A_247 = vector.shape_cast %swap3A_246 : vector<16xi32> to vector<16xi32>
    %swap3A_248 = vector.shape_cast %shift_right_arithmetic3A_244 : vector<16xi32> to vector<16xi32>
    tpu.vector_store %arg13[%swap3A_245], %swap3A_248 {strides = array<i32>} : memref<125xi32, #tpu.memory_space<vmem>>, vector<16xi32>,
    %get3A_249 = arith.constant 1 : i32
    %get3A_250 = arith.index_cast %get3A_249 : i32 to index
    %get3A_251 = arith.constant 48 : index
    %get3A_252 = tpu.vector_load %arg9[%get3A_250, %get3A_251] {strides = array<i32>} : memref<8x125xi32, #tpu.memory_space<vmem>>, vector<1x16xi32>,
    %get3A_253 = vector.shape_cast %get3A_252 : vector<1x16xi32> to vector<16xi32>
    %and3A_254 = arith.constant 65535 : i32
    %and3A_255 = vector.broadcast %and3A_254 : i32 to vector<16xi32>
    %and3A_256 = arith.andi %get3A_253, %and3A_255 : vector<16xi32>
    %add3A_257 = vector.broadcast %mul3A_0 : i32 to vector<16xi32>
    %add3A_258 = arith.addi %and3A_256, %add3A_257 : vector<16xi32>
    %swap3A_259 = arith.constant 48 : index
    %swap3A_260 = tpu.vector_load %arg12[%swap3A_259] {strides = array<i32>} : memref<125xi32, #tpu.memory_space<vmem>>, vector<16xi32>,
    %swap3A_261 = vector.shape_cast %swap3A_260 : vector<16xi32> to vector<16xi32>
    %swap3A_262 = vector.shape_cast %add3A_258 : vector<16xi32> to vector<16xi32>
    tpu.vector_store %arg12[%swap3A_259], %swap3A_262 {strides = array<i32>} : memref<125xi32, #tpu.memory_space<vmem>>, vector<16xi32>,
    %shift_right_arithmetic3A_263 = arith.constant 16 : i32
    %shift_right_arithmetic3A_264 = vector.broadcast %shift_right_arithmetic3A_263 : i32 to vector<16xi32>
    %shift_right_arithmetic3A_265 = arith.shrsi %get3A_253, %shift_right_arithmetic3A_264 : vector<16xi32>
    %swap3A_266 = arith.constant 48 : index
    %swap3A_267 = tpu.vector_load %arg13[%swap3A_266] {strides = array<i32>} : memref<125xi32, #tpu.memory_space<vmem>>, vector<16xi32>,
    %swap3A_268 = vector.shape_cast %swap3A_267 : vector<16xi32> to vector<16xi32>
    %swap3A_269 = vector.shape_cast %shift_right_arithmetic3A_265 : vector<16xi32> to vector<16xi32>
    tpu.vector_store %arg13[%swap3A_266], %swap3A_269 {strides = array<i32>} : memref<125xi32, #tpu.memory_space<vmem>>, vector<16xi32>,
    %get3A_270 = arith.constant 1 : i32
    %get3A_271 = arith.index_cast %get3A_270 : i32 to index
    %get3A_272 = arith.constant 64 : index
    %get3A_273 = tpu.vector_load %arg9[%get3A_271, %get3A_272] {strides = array<i32>} : memref<8x125xi32, #tpu.memory_space<vmem>>, vector<1x16xi32>,
    %get3A_274 = vector.shape_cast %get3A_273 : vector<1x16xi32> to vector<16xi32>
    %and3A_275 = arith.constant 65535 : i32
    %and3A_276 = vector.broadcast %and3A_275 : i32 to vector<16xi32>
    %and3A_277 = arith.andi %get3A_274, %and3A_276 : vector<16xi32>
    %add3A_278 = vector.broadcast %mul3A_0 : i32 to vector<16xi32>
    %add3A_279 = arith.addi %and3A_277, %add3A_278 : vector<16xi32>
    %swap3A_280 = arith.constant 64 : index
    %swap3A_281 = tpu.vector_load %arg12[%swap3A_280] {strides = array<i32>} : memref<125xi32, #tpu.memory_space<vmem>>, vector<16xi32>,
    %swap3A_282 = vector.shape_cast %swap3A_281 : vector<16xi32> to vector<16xi32>
    %swap3A_283 = vector.shape_cast %add3A_279 : vector<16xi32> to vector<16xi32>
    tpu.vector_store %arg12[%swap3A_280], %swap3A_283 {strides = array<i32>} : memref<125xi32, #tpu.memory_space<vmem>>, vector<16xi32>,
    %shift_right_arithmetic3A_284 = arith.constant 16 : i32
    %shift_right_arithmetic3A_285 = vector.broadcast %shift_right_arithmetic3A_284 : i32 to vector<16xi32>
    %shift_right_arithmetic3A_286 = arith.shrsi %get3A_274, %shift_right_arithmetic3A_285 : vector<16xi32>
    %swap3A_287 = arith.constant 64 : index
    %swap3A_288 = tpu.vector_load %arg13[%swap3A_287] {strides = array<i32>} : memref<125xi32, #tpu.memory_space<vmem>>, vector<16xi32>,
    %swap3A_289 = vector.shape_cast %swap3A_288 : vector<16xi32> to vector<16xi32>
    %swap3A_290 = vector.shape_cast %shift_right_arithmetic3A_286 : vector<16xi32> to vector<16xi32>
    tpu.vector_store %arg13[%swap3A_287], %swap3A_290 {strides = array<i32>} : memref<125xi32, #tpu.memory_space<vmem>>, vector<16xi32>,
    %get3A_291 = arith.constant 1 : i32
    %get3A_292 = arith.index_cast %get3A_291 : i32 to index
    %get3A_293 = arith.constant 80 : index
    %get3A_294 = tpu.vector_load %arg9[%get3A_292, %get3A_293] {strides = array<i32>} : memref<8x125xi32, #tpu.memory_space<vmem>>, vector<1x16xi32>,
    %get3A_295 = vector.shape_cast %get3A_294 : vector<1x16xi32> to vector<16xi32>
    %and3A_296 = arith.constant 65535 : i32
    %and3A_297 = vector.broadcast %and3A_296 : i32 to vector<16xi32>
    %and3A_298 = arith.andi %get3A_295, %and3A_297 : vector<16xi32>
    %add3A_299 = vector.broadcast %mul3A_0 : i32 to vector<16xi32>
    %add3A_300 = arith.addi %and3A_298, %add3A_299 : vector<16xi32>
    %swap3A_301 = arith.constant 80 : index
    %swap3A_302 = tpu.vector_load %arg12[%swap3A_301] {strides = array<i32>} : memref<125xi32, #tpu.memory_space<vmem>>, vector<16xi32>,
    %swap3A_303 = vector.shape_cast %swap3A_302 : vector<16xi32> to vector<16xi32>
    %swap3A_304 = vector.shape_cast %add3A_300 : vector<16xi32> to vector<16xi32>
    tpu.vector_store %arg12[%swap3A_301], %swap3A_304 {strides = array<i32>} : memref<125xi32, #tpu.memory_space<vmem>>, vector<16xi32>,
    %shift_right_arithmetic3A_305 = arith.constant 16 : i32
    %shift_right_arithmetic3A_306 = vector.broadcast %shift_right_arithmetic3A_305 : i32 to vector<16xi32>
    %shift_right_arithmetic3A_307 = arith.shrsi %get3A_295, %shift_right_arithmetic3A_306 : vector<16xi32>
    %swap3A_308 = arith.constant 80 : index
    %swap3A_309 = tpu.vector_load %arg13[%swap3A_308] {strides = array<i32>} : memref<125xi32, #tpu.memory_space<vmem>>, vector<16xi32>,
    %swap3A_310 = vector.shape_cast %swap3A_309 : vector<16xi32> to vector<16xi32>
    %swap3A_311 = vector.shape_cast %shift_right_arithmetic3A_307 : vector<16xi32> to vector<16xi32>
    tpu.vector_store %arg13[%swap3A_308], %swap3A_311 {strides = array<i32>} : memref<125xi32, #tpu.memory_space<vmem>>, vector<16xi32>,
    %get3A_312 = arith.constant 1 : i32
    %get3A_313 = arith.index_cast %get3A_312 : i32 to index
    %get3A_314 = arith.constant 96 : index
    %get3A_315 = tpu.vector_load %arg9[%get3A_313, %get3A_314] {strides = array<i32>} : memref<8x125xi32, #tpu.memory_space<vmem>>, vector<1x16xi32>,
    %get3A_316 = vector.shape_cast %get3A_315 : vector<1x16xi32> to vector<16xi32>
    %and3A_317 = arith.constant 65535 : i32
    %and3A_318 = vector.broadcast %and3A_317 : i32 to vector<16xi32>
    %and3A_319 = arith.andi %get3A_316, %and3A_318 : vector<16xi32>
    %add3A_320 = vector.broadcast %mul3A_0 : i32 to vector<16xi32>
    %add3A_321 = arith.addi %and3A_319, %add3A_320 : vector<16xi32>
    %swap3A_322 = arith.constant 96 : index
    %swap3A_323 = tpu.vector_load %arg12[%swap3A_322] {strides = array<i32>} : memref<125xi32, #tpu.memory_space<vmem>>, vector<16xi32>,
    %swap3A_324 = vector.shape_cast %swap3A_323 : vector<16xi32> to vector<16xi32>
    %swap3A_325 = vector.shape_cast %add3A_321 : vector<16xi32> to vector<16xi32>
    tpu.vector_store %arg12[%swap3A_322], %swap3A_325 {strides = array<i32>} : memref<125xi32, #tpu.memory_space<vmem>>, vector<16xi32>,
    %shift_right_arithmetic3A_326 = arith.constant 16 : i32
    %shift_right_arithmetic3A_327 = vector.broadcast %shift_right_arithmetic3A_326 : i32 to vector<16xi32>
    %shift_right_arithmetic3A_328 = arith.shrsi %get3A_316, %shift_right_arithmetic3A_327 : vector<16xi32>
    %swap3A_329 = arith.constant 96 : index
    %swap3A_330 = tpu.vector_load %arg13[%swap3A_329] {strides = array<i32>} : memref<125xi32, #tpu.memory_space<vmem>>, vector<16xi32>,
    %swap3A_331 = vector.shape_cast %swap3A_330 : vector<16xi32> to vector<16xi32>
    %swap3A_332 = vector.shape_cast %shift_right_arithmetic3A_328 : vector<16xi32> to vector<16xi32>
    tpu.vector_store %arg13[%swap3A_329], %swap3A_332 {strides = array<i32>} : memref<125xi32, #tpu.memory_space<vmem>>, vector<16xi32>,
    %get3A_333 = arith.constant 1 : i32
    %get3A_334 = arith.index_cast %get3A_333 : i32 to index
    %get3A_335 = arith.constant 109 : index
    %get3A_336 = tpu.vector_load %arg9[%get3A_334, %get3A_335] {strides = array<i32>} : memref<8x125xi32, #tpu.memory_space<vmem>>, vector<1x16xi32>,
    %get3A_337 = vector.shape_cast %get3A_336 : vector<1x16xi32> to vector<16xi32>
    %and3A_338 = arith.constant 65535 : i32
    %and3A_339 = vector.broadcast %and3A_338 : i32 to vector<16xi32>
    %and3A_340 = arith.andi %get3A_337, %and3A_339 : vector<16xi32>
    %add3A_341 = vector.broadcast %mul3A_0 : i32 to vector<16xi32>
    %add3A_342 = arith.addi %and3A_340, %add3A_341 : vector<16xi32>
    %swap3A_343 = arith.constant 109 : index
    %swap3A_344 = tpu.vector_load %arg12[%swap3A_343] {strides = array<i32>} : memref<125xi32, #tpu.memory_space<vmem>>, vector<16xi32>,
    %swap3A_345 = vector.shape_cast %swap3A_344 : vector<16xi32> to vector<16xi32>
    %swap3A_346 = vector.shape_cast %add3A_342 : vector<16xi32> to vector<16xi32>
    tpu.vector_store %arg12[%swap3A_343], %swap3A_346 {strides = array<i32>} : memref<125xi32, #tpu.memory_space<vmem>>, vector<16xi32>,
    %shift_right_arithmetic3A_347 = arith.constant 16 : i32
    %shift_right_arithmetic3A_348 = vector.broadcast %shift_right_arithmetic3A_347 : i32 to vector<16xi32>
    %shift_right_arithmetic3A_349 = arith.shrsi %get3A_337, %shift_right_arithmetic3A_348 : vector<16xi32>
    %swap3A_350 = arith.constant 109 : index
    %swap3A_351 = tpu.vector_load %arg13[%swap3A_350] {strides = array<i32>} : memref<125xi32, #tpu.memory_space<vmem>>, vector<16xi32>,
    %swap3A_352 = vector.shape_cast %swap3A_351 : vector<16xi32> to vector<16xi32>
    %swap3A_353 = vector.shape_cast %shift_right_arithmetic3A_349 : vector<16xi32> to vector<16xi32>
    tpu.vector_store %arg13[%swap3A_350], %swap3A_353 {strides = array<i32>} : memref<125xi32, #tpu.memory_space<vmem>>, vector<16xi32>,
    %dma_start3A_354 = arith.constant 0 : i32
    %dma_start3A_355 = arith.constant 0 : i32
    %dma_start3A_356 = tpu.memref_slice %arg2[%dma_start3A_354, %dma_start3A_355] : memref<20000x128xf32, #tpu.memory_space<hbm>> -> memref<20000x128xf32, #tpu.memory_space<hbm>>
    tpu.enqueue_indirect_dma source(%dma_start3A_356 : memref<20000x128xf32, #tpu.memory_space<hbm>>) target(%arg7 : memref<125x128xf32, #tpu.memory_space<vmem>>) offsets(%arg12 : memref<125xi32, #tpu.memory_space<vmem>>) semaphore(%arg17 : memref<!tpu.dma_semaphore, #tpu.memory_space<semaphore_mem>>)
    %get3A_357 = arith.constant 2 : i32
    %get3A_358 = arith.index_cast %get3A_357 : i32 to index
    %get3A_359 = arith.constant 0 : index
    %get3A_360 = tpu.vector_load %arg9[%get3A_358, %get3A_359] {strides = array<i32>} : memref<8x125xi32, #tpu.memory_space<vmem>>, vector<1x16xi32>,
    %get3A_361 = vector.shape_cast %get3A_360 : vector<1x16xi32> to vector<16xi32>
    %and3A_362 = arith.constant 65535 : i32
    %and3A_363 = vector.broadcast %and3A_362 : i32 to vector<16xi32>
    %and3A_364 = arith.andi %get3A_361, %and3A_363 : vector<16xi32>
    %add3A_365 = vector.broadcast %mul3A_0 : i32 to vector<16xi32>
    %add3A_366 = arith.addi %and3A_364, %add3A_365 : vector<16xi32>
    %swap3A_367 = arith.constant 0 : index
    %swap3A_368 = tpu.vector_load %arg14[%swap3A_367] {strides = array<i32>} : memref<125xi32, #tpu.memory_space<vmem>>, vector<16xi32>,
    %swap3A_369 = vector.shape_cast %swap3A_368 : vector<16xi32> to vector<16xi32>
    %swap3A_370 = vector.shape_cast %add3A_366 : vector<16xi32> to vector<16xi32>
    tpu.vector_store %arg14[%swap3A_367], %swap3A_370 {strides = array<i32>} : memref<125xi32, #tpu.memory_space<vmem>>, vector<16xi32>,
    %shift_right_arithmetic3A_371 = arith.constant 16 : i32
    %shift_right_arithmetic3A_372 = vector.broadcast %shift_right_arithmetic3A_371 : i32 to vector<16xi32>
    %shift_right_arithmetic3A_373 = arith.shrsi %get3A_361, %shift_right_arithmetic3A_372 : vector<16xi32>
    %swap3A_374 = arith.constant 0 : index
    %swap3A_375 = tpu.vector_load %arg15[%swap3A_374] {strides = array<i32>} : memref<125xi32, #tpu.memory_space<vmem>>, vector<16xi32>,
    %swap3A_376 = vector.shape_cast %swap3A_375 : vector<16xi32> to vector<16xi32>
    %swap3A_377 = vector.shape_cast %shift_right_arithmetic3A_373 : vector<16xi32> to vector<16xi32>
    tpu.vector_store %arg15[%swap3A_374], %swap3A_377 {strides = array<i32>} : memref<125xi32, #tpu.memory_space<vmem>>, vector<16xi32>,
    %get3A_378 = arith.constant 2 : i32
    %get3A_379 = arith.index_cast %get3A_378 : i32 to index
    %get3A_380 = arith.constant 16 : index
    %get3A_381 = tpu.vector_load %arg9[%get3A_379, %get3A_380] {strides = array<i32>} : memref<8x125xi32, #tpu.memory_space<vmem>>, vector<1x16xi32>,
    %get3A_382 = vector.shape_cast %get3A_381 : vector<1x16xi32> to vector<16xi32>
    %and3A_383 = arith.constant 65535 : i32
    %and3A_384 = vector.broadcast %and3A_383 : i32 to vector<16xi32>
    %and3A_385 = arith.andi %get3A_382, %and3A_384 : vector<16xi32>
    %add3A_386 = vector.broadcast %mul3A_0 : i32 to vector<16xi32>
    %add3A_387 = arith.addi %and3A_385, %add3A_386 : vector<16xi32>
    %swap3A_388 = arith.constant 16 : index
    %swap3A_389 = tpu.vector_load %arg14[%swap3A_388] {strides = array<i32>} : memref<125xi32, #tpu.memory_space<vmem>>, vector<16xi32>,
    %swap3A_390 = vector.shape_cast %swap3A_389 : vector<16xi32> to vector<16xi32>
    %swap3A_391 = vector.shape_cast %add3A_387 : vector<16xi32> to vector<16xi32>
    tpu.vector_store %arg14[%swap3A_388], %swap3A_391 {strides = array<i32>} : memref<125xi32, #tpu.memory_space<vmem>>, vector<16xi32>,
    %shift_right_arithmetic3A_392 = arith.constant 16 : i32
    %shift_right_arithmetic3A_393 = vector.broadcast %shift_right_arithmetic3A_392 : i32 to vector<16xi32>
    %shift_right_arithmetic3A_394 = arith.shrsi %get3A_382, %shift_right_arithmetic3A_393 : vector<16xi32>
    %swap3A_395 = arith.constant 16 : index
    %swap3A_396 = tpu.vector_load %arg15[%swap3A_395] {strides = array<i32>} : memref<125xi32, #tpu.memory_space<vmem>>, vector<16xi32>,
    %swap3A_397 = vector.shape_cast %swap3A_396 : vector<16xi32> to vector<16xi32>
    %swap3A_398 = vector.shape_cast %shift_right_arithmetic3A_394 : vector<16xi32> to vector<16xi32>
    tpu.vector_store %arg15[%swap3A_395], %swap3A_398 {strides = array<i32>} : memref<125xi32, #tpu.memory_space<vmem>>, vector<16xi32>,
    %get3A_399 = arith.constant 2 : i32
    %get3A_400 = arith.index_cast %get3A_399 : i32 to index
    %get3A_401 = arith.constant 32 : index
    %get3A_402 = tpu.vector_load %arg9[%get3A_400, %get3A_401] {strides = array<i32>} : memref<8x125xi32, #tpu.memory_space<vmem>>, vector<1x16xi32>,
    %get3A_403 = vector.shape_cast %get3A_402 : vector<1x16xi32> to vector<16xi32>
    %and3A_404 = arith.constant 65535 : i32
    %and3A_405 = vector.broadcast %and3A_404 : i32 to vector<16xi32>
    %and3A_406 = arith.andi %get3A_403, %and3A_405 : vector<16xi32>
    %add3A_407 = vector.broadcast %mul3A_0 : i32 to vector<16xi32>
    %add3A_408 = arith.addi %and3A_406, %add3A_407 : vector<16xi32>
    %swap3A_409 = arith.constant 32 : index
    %swap3A_410 = tpu.vector_load %arg14[%swap3A_409] {strides = array<i32>} : memref<125xi32, #tpu.memory_space<vmem>>, vector<16xi32>,
    %swap3A_411 = vector.shape_cast %swap3A_410 : vector<16xi32> to vector<16xi32>
    %swap3A_412 = vector.shape_cast %add3A_408 : vector<16xi32> to vector<16xi32>
    tpu.vector_store %arg14[%swap3A_409], %swap3A_412 {strides = array<i32>} : memref<125xi32, #tpu.memory_space<vmem>>, vector<16xi32>,
    %shift_right_arithmetic3A_413 = arith.constant 16 : i32
    %shift_right_arithmetic3A_414 = vector.broadcast %shift_right_arithmetic3A_413 : i32 to vector<16xi32>
    %shift_right_arithmetic3A_415 = arith.shrsi %get3A_403, %shift_right_arithmetic3A_414 : vector<16xi32>
    %swap3A_416 = arith.constant 32 : index
    %swap3A_417 = tpu.vector_load %arg15[%swap3A_416] {strides = array<i32>} : memref<125xi32, #tpu.memory_space<vmem>>, vector<16xi32>,
    %swap3A_418 = vector.shape_cast %swap3A_417 : vector<16xi32> to vector<16xi32>
    %swap3A_419 = vector.shape_cast %shift_right_arithmetic3A_415 : vector<16xi32> to vector<16xi32>
    tpu.vector_store %arg15[%swap3A_416], %swap3A_419 {strides = array<i32>} : memref<125xi32, #tpu.memory_space<vmem>>, vector<16xi32>,
    %get3A_420 = arith.constant 2 : i32
    %get3A_421 = arith.index_cast %get3A_420 : i32 to index
    %get3A_422 = arith.constant 48 : index
    %get3A_423 = tpu.vector_load %arg9[%get3A_421, %get3A_422] {strides = array<i32>} : memref<8x125xi32, #tpu.memory_space<vmem>>, vector<1x16xi32>,
    %get3A_424 = vector.shape_cast %get3A_423 : vector<1x16xi32> to vector<16xi32>
    %and3A_425 = arith.constant 65535 : i32
    %and3A_426 = vector.broadcast %and3A_425 : i32 to vector<16xi32>
    %and3A_427 = arith.andi %get3A_424, %and3A_426 : vector<16xi32>
    %add3A_428 = vector.broadcast %mul3A_0 : i32 to vector<16xi32>
    %add3A_429 = arith.addi %and3A_427, %add3A_428 : vector<16xi32>
    %swap3A_430 = arith.constant 48 : index
    %swap3A_431 = tpu.vector_load %arg14[%swap3A_430] {strides = array<i32>} : memref<125xi32, #tpu.memory_space<vmem>>, vector<16xi32>,
    %swap3A_432 = vector.shape_cast %swap3A_431 : vector<16xi32> to vector<16xi32>
    %swap3A_433 = vector.shape_cast %add3A_429 : vector<16xi32> to vector<16xi32>
    tpu.vector_store %arg14[%swap3A_430], %swap3A_433 {strides = array<i32>} : memref<125xi32, #tpu.memory_space<vmem>>, vector<16xi32>,
    %shift_right_arithmetic3A_434 = arith.constant 16 : i32
    %shift_right_arithmetic3A_435 = vector.broadcast %shift_right_arithmetic3A_434 : i32 to vector<16xi32>
    %shift_right_arithmetic3A_436 = arith.shrsi %get3A_424, %shift_right_arithmetic3A_435 : vector<16xi32>
    %swap3A_437 = arith.constant 48 : index
    %swap3A_438 = tpu.vector_load %arg15[%swap3A_437] {strides = array<i32>} : memref<125xi32, #tpu.memory_space<vmem>>, vector<16xi32>,
    %swap3A_439 = vector.shape_cast %swap3A_438 : vector<16xi32> to vector<16xi32>
    %swap3A_440 = vector.shape_cast %shift_right_arithmetic3A_436 : vector<16xi32> to vector<16xi32>
    tpu.vector_store %arg15[%swap3A_437], %swap3A_440 {strides = array<i32>} : memref<125xi32, #tpu.memory_space<vmem>>, vector<16xi32>,
    %get3A_441 = arith.constant 2 : i32
    %get3A_442 = arith.index_cast %get3A_441 : i32 to index
    %get3A_443 = arith.constant 64 : index
    %get3A_444 = tpu.vector_load %arg9[%get3A_442, %get3A_443] {strides = array<i32>} : memref<8x125xi32, #tpu.memory_space<vmem>>, vector<1x16xi32>,
    %get3A_445 = vector.shape_cast %get3A_444 : vector<1x16xi32> to vector<16xi32>
    %and3A_446 = arith.constant 65535 : i32
    %and3A_447 = vector.broadcast %and3A_446 : i32 to vector<16xi32>
    %and3A_448 = arith.andi %get3A_445, %and3A_447 : vector<16xi32>
    %add3A_449 = vector.broadcast %mul3A_0 : i32 to vector<16xi32>
    %add3A_450 = arith.addi %and3A_448, %add3A_449 : vector<16xi32>
    %swap3A_451 = arith.constant 64 : index
    %swap3A_452 = tpu.vector_load %arg14[%swap3A_451] {strides = array<i32>} : memref<125xi32, #tpu.memory_space<vmem>>, vector<16xi32>,
    %swap3A_453 = vector.shape_cast %swap3A_452 : vector<16xi32> to vector<16xi32>
    %swap3A_454 = vector.shape_cast %add3A_450 : vector<16xi32> to vector<16xi32>
    tpu.vector_store %arg14[%swap3A_451], %swap3A_454 {strides = array<i32>} : memref<125xi32, #tpu.memory_space<vmem>>, vector<16xi32>,
    %shift_right_arithmetic3A_455 = arith.constant 16 : i32
    %shift_right_arithmetic3A_456 = vector.broadcast %shift_right_arithmetic3A_455 : i32 to vector<16xi32>
    %shift_right_arithmetic3A_457 = arith.shrsi %get3A_445, %shift_right_arithmetic3A_456 : vector<16xi32>
    %swap3A_458 = arith.constant 64 : index
    %swap3A_459 = tpu.vector_load %arg15[%swap3A_458] {strides = array<i32>} : memref<125xi32, #tpu.memory_space<vmem>>, vector<16xi32>,
    %swap3A_460 = vector.shape_cast %swap3A_459 : vector<16xi32> to vector<16xi32>
    %swap3A_461 = vector.shape_cast %shift_right_arithmetic3A_457 : vector<16xi32> to vector<16xi32>
    tpu.vector_store %arg15[%swap3A_458], %swap3A_461 {strides = array<i32>} : memref<125xi32, #tpu.memory_space<vmem>>, vector<16xi32>,
    %get3A_462 = arith.constant 2 : i32
    %get3A_463 = arith.index_cast %get3A_462 : i32 to index
    %get3A_464 = arith.constant 80 : index
    %get3A_465 = tpu.vector_load %arg9[%get3A_463, %get3A_464] {strides = array<i32>} : memref<8x125xi32, #tpu.memory_space<vmem>>, vector<1x16xi32>,
    %get3A_466 = vector.shape_cast %get3A_465 : vector<1x16xi32> to vector<16xi32>
    %and3A_467 = arith.constant 65535 : i32
    %and3A_468 = vector.broadcast %and3A_467 : i32 to vector<16xi32>
    %and3A_469 = arith.andi %get3A_466, %and3A_468 : vector<16xi32>
    %add3A_470 = vector.broadcast %mul3A_0 : i32 to vector<16xi32>
    %add3A_471 = arith.addi %and3A_469, %add3A_470 : vector<16xi32>
    %swap3A_472 = arith.constant 80 : index
    %swap3A_473 = tpu.vector_load %arg14[%swap3A_472] {strides = array<i32>} : memref<125xi32, #tpu.memory_space<vmem>>, vector<16xi32>,
    %swap3A_474 = vector.shape_cast %swap3A_473 : vector<16xi32> to vector<16xi32>
    %swap3A_475 = vector.shape_cast %add3A_471 : vector<16xi32> to vector<16xi32>
    tpu.vector_store %arg14[%swap3A_472], %swap3A_475 {strides = array<i32>} : memref<125xi32, #tpu.memory_space<vmem>>, vector<16xi32>,
    %shift_right_arithmetic3A_476 = arith.constant 16 : i32
    %shift_right_arithmetic3A_477 = vector.broadcast %shift_right_arithmetic3A_476 : i32 to vector<16xi32>
    %shift_right_arithmetic3A_478 = arith.shrsi %get3A_466, %shift_right_arithmetic3A_477 : vector<16xi32>
    %swap3A_479 = arith.constant 80 : index
    %swap3A_480 = tpu.vector_load %arg15[%swap3A_479] {strides = array<i32>} : memref<125xi32, #tpu.memory_space<vmem>>, vector<16xi32>,
    %swap3A_481 = vector.shape_cast %swap3A_480 : vector<16xi32> to vector<16xi32>
    %swap3A_482 = vector.shape_cast %shift_right_arithmetic3A_478 : vector<16xi32> to vector<16xi32>
    tpu.vector_store %arg15[%swap3A_479], %swap3A_482 {strides = array<i32>} : memref<125xi32, #tpu.memory_space<vmem>>, vector<16xi32>,
    %get3A_483 = arith.constant 2 : i32
    %get3A_484 = arith.index_cast %get3A_483 : i32 to index
    %get3A_485 = arith.constant 96 : index
    %get3A_486 = tpu.vector_load %arg9[%get3A_484, %get3A_485] {strides = array<i32>} : memref<8x125xi32, #tpu.memory_space<vmem>>, vector<1x16xi32>,
    %get3A_487 = vector.shape_cast %get3A_486 : vector<1x16xi32> to vector<16xi32>
    %and3A_488 = arith.constant 65535 : i32
    %and3A_489 = vector.broadcast %and3A_488 : i32 to vector<16xi32>
    %and3A_490 = arith.andi %get3A_487, %and3A_489 : vector<16xi32>
    %add3A_491 = vector.broadcast %mul3A_0 : i32 to vector<16xi32>
    %add3A_492 = arith.addi %and3A_490, %add3A_491 : vector<16xi32>
    %swap3A_493 = arith.constant 96 : index
    %swap3A_494 = tpu.vector_load %arg14[%swap3A_493] {strides = array<i32>} : memref<125xi32, #tpu.memory_space<vmem>>, vector<16xi32>,
    %swap3A_495 = vector.shape_cast %swap3A_494 : vector<16xi32> to vector<16xi32>
    %swap3A_496 = vector.shape_cast %add3A_492 : vector<16xi32> to vector<16xi32>
    tpu.vector_store %arg14[%swap3A_493], %swap3A_496 {strides = array<i32>} : memref<125xi32, #tpu.memory_space<vmem>>, vector<16xi32>,
    %shift_right_arithmetic3A_497 = arith.constant 16 : i32
    %shift_right_arithmetic3A_498 = vector.broadcast %shift_right_arithmetic3A_497 : i32 to vector<16xi32>
    %shift_right_arithmetic3A_499 = arith.shrsi %get3A_487, %shift_right_arithmetic3A_498 : vector<16xi32>
    %swap3A_500 = arith.constant 96 : index
    %swap3A_501 = tpu.vector_load %arg15[%swap3A_500] {strides = array<i32>} : memref<125xi32, #tpu.memory_space<vmem>>, vector<16xi32>,
    %swap3A_502 = vector.shape_cast %swap3A_501 : vector<16xi32> to vector<16xi32>
    %swap3A_503 = vector.shape_cast %shift_right_arithmetic3A_499 : vector<16xi32> to vector<16xi32>
    tpu.vector_store %arg15[%swap3A_500], %swap3A_503 {strides = array<i32>} : memref<125xi32, #tpu.memory_space<vmem>>, vector<16xi32>,
    %get3A_504 = arith.constant 2 : i32
    %get3A_505 = arith.index_cast %get3A_504 : i32 to index
    %get3A_506 = arith.constant 109 : index
    %get3A_507 = tpu.vector_load %arg9[%get3A_505, %get3A_506] {strides = array<i32>} : memref<8x125xi32, #tpu.memory_space<vmem>>, vector<1x16xi32>,
    %get3A_508 = vector.shape_cast %get3A_507 : vector<1x16xi32> to vector<16xi32>
    %and3A_509 = arith.constant 65535 : i32
    %and3A_510 = vector.broadcast %and3A_509 : i32 to vector<16xi32>
    %and3A_511 = arith.andi %get3A_508, %and3A_510 : vector<16xi32>
    %add3A_512 = vector.broadcast %mul3A_0 : i32 to vector<16xi32>
    %add3A_513 = arith.addi %and3A_511, %add3A_512 : vector<16xi32>
    %swap3A_514 = arith.constant 109 : index
    %swap3A_515 = tpu.vector_load %arg14[%swap3A_514] {strides = array<i32>} : memref<125xi32, #tpu.memory_space<vmem>>, vector<16xi32>,
    %swap3A_516 = vector.shape_cast %swap3A_515 : vector<16xi32> to vector<16xi32>
    %swap3A_517 = vector.shape_cast %add3A_513 : vector<16xi32> to vector<16xi32>
    tpu.vector_store %arg14[%swap3A_514], %swap3A_517 {strides = array<i32>} : memref<125xi32, #tpu.memory_space<vmem>>, vector<16xi32>,
    %shift_right_arithmetic3A_518 = arith.constant 16 : i32
    %shift_right_arithmetic3A_519 = vector.broadcast %shift_right_arithmetic3A_518 : i32 to vector<16xi32>
    %shift_right_arithmetic3A_520 = arith.shrsi %get3A_508, %shift_right_arithmetic3A_519 : vector<16xi32>
    %swap3A_521 = arith.constant 109 : index
    %swap3A_522 = tpu.vector_load %arg15[%swap3A_521] {strides = array<i32>} : memref<125xi32, #tpu.memory_space<vmem>>, vector<16xi32>,
    %swap3A_523 = vector.shape_cast %swap3A_522 : vector<16xi32> to vector<16xi32>
    %swap3A_524 = vector.shape_cast %shift_right_arithmetic3A_520 : vector<16xi32> to vector<16xi32>
    tpu.vector_store %arg15[%swap3A_521], %swap3A_524 {strides = array<i32>} : memref<125xi32, #tpu.memory_space<vmem>>, vector<16xi32>,
    %dma_start3A_525 = arith.constant 0 : i32
    %dma_start3A_526 = arith.constant 0 : i32
    %dma_start3A_527 = tpu.memref_slice %arg2[%dma_start3A_525, %dma_start3A_526] : memref<20000x128xf32, #tpu.memory_space<hbm>> -> memref<20000x128xf32, #tpu.memory_space<hbm>>
    tpu.enqueue_indirect_dma source(%dma_start3A_527 : memref<20000x128xf32, #tpu.memory_space<hbm>>) target(%arg8 : memref<125x128xf32, #tpu.memory_space<vmem>>) offsets(%arg14 : memref<125xi32, #tpu.memory_space<vmem>>) semaphore(%arg18 : memref<!tpu.dma_semaphore, #tpu.memory_space<semaphore_mem>>)
    %scan3A_528 = arith.constant 0 : i32
    %scan3A_529 = arith.constant 27 : i32
    %scan3A_530 = arith.addi %scan3A_528, %scan3A_529 : i32
    %scan3A_531 = arith.constant 1 : i32
    scf.for %scan3A_544 = %scan3A_528 to %scan3A_530 step %scan3A_531  : i32 {
      %mul3A_545 = arith.constant 1 : i32
      %mul3A_546 = arith.muli %scan3A_544, %mul3A_545 : i32
      %add3A_547 = arith.constant 0 : i32
      %add3A_548 = arith.addi %add3A_547, %mul3A_546 : i32
      %mul3A_549 = arith.constant 3 : i32
      %mul3A_550 = arith.muli %mul3A_549, %add3A_548 : i32
      %lt3A_551 = arith.constant 80 : i32
      %lt3A_552 = arith.cmpi slt, %mul3A_550, %lt3A_551 : i32
      %convert_element_type3A_553 = arith.extui %lt3A_552 : i1 to i32
      %cond3A_554 = arith.constant 0 : i32
      %cond3A_555 = arith.cmpi ne, %convert_element_type3A_553, %cond3A_554 : i32
      scf.if %cond3A_555 {
        %dma_wait3A = arith.constant 0 : i32
        %dma_wait3A_570 = arith.constant 0 : i32
        %dma_wait3A_571 = tpu.memref_slice %arg2[%dma_wait3A, %dma_wait3A_570] : memref<20000x128xf32, #tpu.memory_space<hbm>> -> memref<20000x128xf32, #tpu.memory_space<hbm>>
        tpu.wait_indirect_dma semaphore(%arg16 : memref<!tpu.dma_semaphore, #tpu.memory_space<semaphore_mem>>) src(%dma_wait3A_571 : memref<20000x128xf32, #tpu.memory_space<hbm>>) dst(%arg6 : memref<125x128xf32, #tpu.memory_space<vmem>>)
        "tpu.region"() ({
          %run_scoped3A = tpu.sem_alloc : memref<!tpu.dma_semaphore, #tpu.memory_space<semaphore_mem>>
          %dma_start3A_579 = arith.constant 0 : i32
          %dma_start3A_580 = arith.constant 0 : i32
          %dma_start3A_581 = tpu.memref_slice %arg5[%dma_start3A_579, %dma_start3A_580] : memref<10000x128xf32, #tpu.memory_space<vmem_shared>> -> memref<10000x128xf32, #tpu.memory_space<vmem_shared>>
          tpu.enqueue_indirect_dma source(%arg6 : memref<125x128xf32, #tpu.memory_space<vmem>>) target(%dma_start3A_581 : memref<10000x128xf32, #tpu.memory_space<vmem_shared>>) offsets(%arg11 : memref<125xi32, #tpu.memory_space<vmem>>) semaphore(%run_scoped3A : memref<!tpu.dma_semaphore, #tpu.memory_space<semaphore_mem>>) {add = true}
          %dma_wait3A_582 = arith.constant 0 : i32
          %dma_wait3A_583 = arith.constant 0 : i32
          %dma_wait3A_584 = tpu.memref_slice %arg5[%dma_wait3A_582, %dma_wait3A_583] : memref<10000x128xf32, #tpu.memory_space<vmem_shared>> -> memref<10000x128xf32, #tpu.memory_space<vmem_shared>>
          tpu.wait_indirect_dma semaphore(%run_scoped3A : memref<!tpu.dma_semaphore, #tpu.memory_space<semaphore_mem>>) src(%arg6 : memref<125x128xf32, #tpu.memory_space<vmem>>) dst(%dma_wait3A_584 : memref<10000x128xf32, #tpu.memory_space<vmem_shared>>)
          tpu.yield
        }) : () -> ()
        %add3A_572 = arith.constant 3 : i32
        %add3A_573 = arith.addi %mul3A_550, %add3A_572 : i32
        %lt3A_574 = arith.constant 80 : i32
        %lt3A_575 = arith.cmpi slt, %add3A_573, %lt3A_574 : i32
        %convert_element_type3A_576 = arith.extui %lt3A_575 : i1 to i32
        %cond3A_577 = arith.constant 0 : i32
        %cond3A_578 = arith.cmpi ne, %convert_element_type3A_576, %cond3A_577 : i32
        scf.if %cond3A_578 {
          %add3A_579 = arith.constant 3 : i32
          %add3A_580 = arith.addi %mul3A_550, %add3A_579 : i32
          %jit3A = arith.constant 8 : i32
          %div3A = arith.divsi %add3A_580, %jit3A : i32
          %sign3A = arith.constant 0 : i32
          %sign3A_581 = arith.cmpi sgt, %add3A_580, %sign3A : i32
          %sign3A_582 = arith.extui %sign3A_581 : i1 to i32
          %sign3A_583 = arith.constant 0 : i32
          %sign3A_584 = arith.cmpi slt, %add3A_580, %sign3A_583 : i32
          %sign3A_585 = arith.extui %sign3A_584 : i1 to i32
          %sign3A_586 = arith.subi %sign3A_582, %sign3A_585 : i32
          %sign3A_587 = arith.constant 0 : i32
          %sign3A_588 = arith.cmpi sgt, %jit3A, %sign3A_587 : i32
          %sign3A_589 = arith.extui %sign3A_588 : i1 to i32
          %sign3A_590 = arith.constant 0 : i32
          %sign3A_591 = arith.cmpi slt, %jit3A, %sign3A_590 : i32
          %sign3A_592 = arith.extui %sign3A_591 : i1 to i32
          %sign3A_593 = arith.subi %sign3A_589, %sign3A_592 : i32
          %ne3A = arith.cmpi ne, %sign3A_586, %sign3A_593 : i32
          %rem3A = arith.remsi %add3A_580, %jit3A : i32
          %ne3A_594 = arith.constant 0 : i32
          %ne3A_595 = arith.cmpi ne, %rem3A, %ne3A_594 : i32
          %and3A_596 = arith.andi %ne3A, %ne3A_595 : i1
          %sub3A = arith.constant 1 : i32
          %sub3A_597 = arith.subi %div3A, %sub3A : i32
          %select_n3A = arith.select %and3A_596, %sub3A_597, %div3A : i32
          %mul3A_598 = arith.constant 8 : i32
          %mul3A_599 = arith.muli %select_n3A, %mul3A_598 : i32
          %sub3A_600 = arith.subi %add3A_580, %mul3A_599 : i32
          %jit3A_601 = arith.constant 8 : i32
          %eq3A_602 = arith.constant 0 : i32
          %eq3A_603 = arith.cmpi eq, %jit3A_601, %eq3A_602 : i32
          %jit3A_604 = arith.constant 1 : i32
          %select_n3A_605 = arith.select %eq3A_603, %jit3A_604, %jit3A_601 : i32
          %rem3A_606 = arith.remsi %add3A_580, %select_n3A_605 : i32
          %ne3A_607 = arith.constant 0 : i32
          %ne3A_608 = arith.cmpi ne, %rem3A_606, %ne3A_607 : i32
          %lt3A_609 = arith.constant 0 : i32
          %lt3A_610 = arith.cmpi slt, %rem3A_606, %lt3A_609 : i32
          %lt3A_611 = arith.constant 0 : i32
          %lt3A_612 = arith.cmpi slt, %select_n3A_605, %lt3A_611 : i32
          %ne3A_613 = arith.xori %lt3A_610, %lt3A_612 : i1
          %and3A_614 = arith.andi %ne3A_613, %ne3A_608 : i1
          %add3A_615 = arith.addi %rem3A_606, %select_n3A_605 : i32
          %select_n3A_616 = arith.select %and3A_614, %add3A_615, %rem3A_606 : i32
          %eq3A_617 = arith.constant 0 : i32
          %eq3A_618 = arith.cmpi eq, %select_n3A_616, %eq3A_617 : i32
          %convert_element_type3A_619 = arith.extui %eq3A_618 : i1 to i32
          %cond3A_620 = arith.constant 0 : i32
          %cond3A_621 = arith.cmpi ne, %convert_element_type3A_619, %cond3A_620 : i32
          scf.if %cond3A_621 {
            %mul3A_806 = arith.constant 8 : i32
            %mul3A_807 = arith.muli %select_n3A, %mul3A_806 : i32
            %add3A_808 = arith.addi %mul3A_3, %mul3A_807 : i32
            %dma_wait3A_809 = arith.constant 0 : i32
            %dma_wait3A_810 = tpu.memref_slice %arg3[%add3A_808, %dma_wait3A_809] : memref<1280x125xi32, #tpu.memory_space<hbm>> -> memref<8x125xi32, #tpu.memory_space<hbm>>
            %dma_wait3A_811 = arith.constant 0 : i32
            %dma_wait3A_812 = tpu.memref_slice %arg3[%add3A_808, %dma_wait3A_811] : memref<1280x125xi32, #tpu.memory_space<hbm>> -> memref<8x125xi32, #tpu.memory_space<hbm>>
            tpu.wait_dma2 semaphore(%arg19 : memref<!tpu.dma_semaphore, #tpu.memory_space<semaphore_mem>>) src(%dma_wait3A_812 : memref<8x125xi32, #tpu.memory_space<hbm>>) dst(%arg9 : memref<8x125xi32, #tpu.memory_space<vmem>>)
          } else {
          }
          %get3A_622 = arith.index_cast %sub3A_600 : i32 to index
          %get3A_623 = arith.constant 0 : index
          %get3A_624 = tpu.vector_load %arg9[%get3A_622, %get3A_623] {strides = array<i32>} : memref<8x125xi32, #tpu.memory_space<vmem>>, vector<1x16xi32>,
          %get3A_625 = vector.shape_cast %get3A_624 : vector<1x16xi32> to vector<16xi32>
          %and3A_626 = arith.constant 65535 : i32
          %and3A_627 = vector.broadcast %and3A_626 : i32 to vector<16xi32>
          %and3A_628 = arith.andi %get3A_625, %and3A_627 : vector<16xi32>
          %add3A_629 = vector.broadcast %mul3A_0 : i32 to vector<16xi32>
          %add3A_630 = arith.addi %and3A_628, %add3A_629 : vector<16xi32>
          %swap3A_631 = arith.constant 0 : index
          %swap3A_632 = tpu.vector_load %arg10[%swap3A_631] {strides = array<i32>} : memref<125xi32, #tpu.memory_space<vmem>>, vector<16xi32>,
          %swap3A_633 = vector.shape_cast %swap3A_632 : vector<16xi32> to vector<16xi32>
          %swap3A_634 = vector.shape_cast %add3A_630 : vector<16xi32> to vector<16xi32>
          tpu.vector_store %arg10[%swap3A_631], %swap3A_634 {strides = array<i32>} : memref<125xi32, #tpu.memory_space<vmem>>, vector<16xi32>,
          %shift_right_arithmetic3A_635 = arith.constant 16 : i32
          %shift_right_arithmetic3A_636 = vector.broadcast %shift_right_arithmetic3A_635 : i32 to vector<16xi32>
          %shift_right_arithmetic3A_637 = arith.shrsi %get3A_625, %shift_right_arithmetic3A_636 : vector<16xi32>
          %swap3A_638 = arith.constant 0 : index
          %swap3A_639 = tpu.vector_load %arg11[%swap3A_638] {strides = array<i32>} : memref<125xi32, #tpu.memory_space<vmem>>, vector<16xi32>,
          %swap3A_640 = vector.shape_cast %swap3A_639 : vector<16xi32> to vector<16xi32>
          %swap3A_641 = vector.shape_cast %shift_right_arithmetic3A_637 : vector<16xi32> to vector<16xi32>
          tpu.vector_store %arg11[%swap3A_638], %swap3A_641 {strides = array<i32>} : memref<125xi32, #tpu.memory_space<vmem>>, vector<16xi32>,
          %get3A_642 = arith.index_cast %sub3A_600 : i32 to index
          %get3A_643 = arith.constant 16 : index
          %get3A_644 = tpu.vector_load %arg9[%get3A_642, %get3A_643] {strides = array<i32>} : memref<8x125xi32, #tpu.memory_space<vmem>>, vector<1x16xi32>,
          %get3A_645 = vector.shape_cast %get3A_644 : vector<1x16xi32> to vector<16xi32>
          %and3A_646 = arith.constant 65535 : i32
          %and3A_647 = vector.broadcast %and3A_646 : i32 to vector<16xi32>
          %and3A_648 = arith.andi %get3A_645, %and3A_647 : vector<16xi32>
          %add3A_649 = vector.broadcast %mul3A_0 : i32 to vector<16xi32>
          %add3A_650 = arith.addi %and3A_648, %add3A_649 : vector<16xi32>
          %swap3A_651 = arith.constant 16 : index
          %swap3A_652 = tpu.vector_load %arg10[%swap3A_651] {strides = array<i32>} : memref<125xi32, #tpu.memory_space<vmem>>, vector<16xi32>,
          %swap3A_653 = vector.shape_cast %swap3A_652 : vector<16xi32> to vector<16xi32>
          %swap3A_654 = vector.shape_cast %add3A_650 : vector<16xi32> to vector<16xi32>
          tpu.vector_store %arg10[%swap3A_651], %swap3A_654 {strides = array<i32>} : memref<125xi32, #tpu.memory_space<vmem>>, vector<16xi32>,
          %shift_right_arithmetic3A_655 = arith.constant 16 : i32
          %shift_right_arithmetic3A_656 = vector.broadcast %shift_right_arithmetic3A_655 : i32 to vector<16xi32>
          %shift_right_arithmetic3A_657 = arith.shrsi %get3A_645, %shift_right_arithmetic3A_656 : vector<16xi32>
          %swap3A_658 = arith.constant 16 : index
          %swap3A_659 = tpu.vector_load %arg11[%swap3A_658] {strides = array<i32>} : memref<125xi32, #tpu.memory_space<vmem>>, vector<16xi32>,
          %swap3A_660 = vector.shape_cast %swap3A_659 : vector<16xi32> to vector<16xi32>
          %swap3A_661 = vector.shape_cast %shift_right_arithmetic3A_657 : vector<16xi32> to vector<16xi32>
          tpu.vector_store %arg11[%swap3A_658], %swap3A_661 {strides = array<i32>} : memref<125xi32, #tpu.memory_space<vmem>>, vector<16xi32>,
          %get3A_662 = arith.index_cast %sub3A_600 : i32 to index
          %get3A_663 = arith.constant 32 : index
          %get3A_664 = tpu.vector_load %arg9[%get3A_662, %get3A_663] {strides = array<i32>} : memref<8x125xi32, #tpu.memory_space<vmem>>, vector<1x16xi32>,
          %get3A_665 = vector.shape_cast %get3A_664 : vector<1x16xi32> to vector<16xi32>
          %and3A_666 = arith.constant 65535 : i32
          %and3A_667 = vector.broadcast %and3A_666 : i32 to vector<16xi32>
          %and3A_668 = arith.andi %get3A_665, %and3A_667 : vector<16xi32>
          %add3A_669 = vector.broadcast %mul3A_0 : i32 to vector<16xi32>
          %add3A_670 = arith.addi %and3A_668, %add3A_669 : vector<16xi32>
          %swap3A_671 = arith.constant 32 : index
          %swap3A_672 = tpu.vector_load %arg10[%swap3A_671] {strides = array<i32>} : memref<125xi32, #tpu.memory_space<vmem>>, vector<16xi32>,
          %swap3A_673 = vector.shape_cast %swap3A_672 : vector<16xi32> to vector<16xi32>
          %swap3A_674 = vector.shape_cast %add3A_670 : vector<16xi32> to vector<16xi32>
          tpu.vector_store %arg10[%swap3A_671], %swap3A_674 {strides = array<i32>} : memref<125xi32, #tpu.memory_space<vmem>>, vector<16xi32>,
          %shift_right_arithmetic3A_675 = arith.constant 16 : i32
          %shift_right_arithmetic3A_676 = vector.broadcast %shift_right_arithmetic3A_675 : i32 to vector<16xi32>
          %shift_right_arithmetic3A_677 = arith.shrsi %get3A_665, %shift_right_arithmetic3A_676 : vector<16xi32>
          %swap3A_678 = arith.constant 32 : index
          %swap3A_679 = tpu.vector_load %arg11[%swap3A_678] {strides = array<i32>} : memref<125xi32, #tpu.memory_space<vmem>>, vector<16xi32>,
          %swap3A_680 = vector.shape_cast %swap3A_679 : vector<16xi32> to vector<16xi32>
          %swap3A_681 = vector.shape_cast %shift_right_arithmetic3A_677 : vector<16xi32> to vector<16xi32>
          tpu.vector_store %arg11[%swap3A_678], %swap3A_681 {strides = array<i32>} : memref<125xi32, #tpu.memory_space<vmem>>, vector<16xi32>,
          %get3A_682 = arith.index_cast %sub3A_600 : i32 to index
          %get3A_683 = arith.constant 48 : index
          %get3A_684 = tpu.vector_load %arg9[%get3A_682, %get3A_683] {strides = array<i32>} : memref<8x125xi32, #tpu.memory_space<vmem>>, vector<1x16xi32>,
          %get3A_685 = vector.shape_cast %get3A_684 : vector<1x16xi32> to vector<16xi32>
          %and3A_686 = arith.constant 65535 : i32
          %and3A_687 = vector.broadcast %and3A_686 : i32 to vector<16xi32>
          %and3A_688 = arith.andi %get3A_685, %and3A_687 : vector<16xi32>
          %add3A_689 = vector.broadcast %mul3A_0 : i32 to vector<16xi32>
          %add3A_690 = arith.addi %and3A_688, %add3A_689 : vector<16xi32>
          %swap3A_691 = arith.constant 48 : index
          %swap3A_692 = tpu.vector_load %arg10[%swap3A_691] {strides = array<i32>} : memref<125xi32, #tpu.memory_space<vmem>>, vector<16xi32>,
          %swap3A_693 = vector.shape_cast %swap3A_692 : vector<16xi32> to vector<16xi32>
          %swap3A_694 = vector.shape_cast %add3A_690 : vector<16xi32> to vector<16xi32>
          tpu.vector_store %arg10[%swap3A_691], %swap3A_694 {strides = array<i32>} : memref<125xi32, #tpu.memory_space<vmem>>, vector<16xi32>,
          %shift_right_arithmetic3A_695 = arith.constant 16 : i32
          %shift_right_arithmetic3A_696 = vector.broadcast %shift_right_arithmetic3A_695 : i32 to vector<16xi32>
          %shift_right_arithmetic3A_697 = arith.shrsi %get3A_685, %shift_right_arithmetic3A_696 : vector<16xi32>
          %swap3A_698 = arith.constant 48 : index
          %swap3A_699 = tpu.vector_load %arg11[%swap3A_698] {strides = array<i32>} : memref<125xi32, #tpu.memory_space<vmem>>, vector<16xi32>,
          %swap3A_700 = vector.shape_cast %swap3A_699 : vector<16xi32> to vector<16xi32>
          %swap3A_701 = vector.shape_cast %shift_right_arithmetic3A_697 : vector<16xi32> to vector<16xi32>
          tpu.vector_store %arg11[%swap3A_698], %swap3A_701 {strides = array<i32>} : memref<125xi32, #tpu.memory_space<vmem>>, vector<16xi32>,
          %get3A_702 = arith.index_cast %sub3A_600 : i32 to index
          %get3A_703 = arith.constant 64 : index
          %get3A_704 = tpu.vector_load %arg9[%get3A_702, %get3A_703] {strides = array<i32>} : memref<8x125xi32, #tpu.memory_space<vmem>>, vector<1x16xi32>,
          %get3A_705 = vector.shape_cast %get3A_704 : vector<1x16xi32> to vector<16xi32>
          %and3A_706 = arith.constant 65535 : i32
          %and3A_707 = vector.broadcast %and3A_706 : i32 to vector<16xi32>
          %and3A_708 = arith.andi %get3A_705, %and3A_707 : vector<16xi32>
          %add3A_709 = vector.broadcast %mul3A_0 : i32 to vector<16xi32>
          %add3A_710 = arith.addi %and3A_708, %add3A_709 : vector<16xi32>
          %swap3A_711 = arith.constant 64 : index
          %swap3A_712 = tpu.vector_load %arg10[%swap3A_711] {strides = array<i32>} : memref<125xi32, #tpu.memory_space<vmem>>, vector<16xi32>,
          %swap3A_713 = vector.shape_cast %swap3A_712 : vector<16xi32> to vector<16xi32>
          %swap3A_714 = vector.shape_cast %add3A_710 : vector<16xi32> to vector<16xi32>
          tpu.vector_store %arg10[%swap3A_711], %swap3A_714 {strides = array<i32>} : memref<125xi32, #tpu.memory_space<vmem>>, vector<16xi32>,
          %shift_right_arithmetic3A_715 = arith.constant 16 : i32
          %shift_right_arithmetic3A_716 = vector.broadcast %shift_right_arithmetic3A_715 : i32 to vector<16xi32>
          %shift_right_arithmetic3A_717 = arith.shrsi %get3A_705, %shift_right_arithmetic3A_716 : vector<16xi32>
          %swap3A_718 = arith.constant 64 : index
          %swap3A_719 = tpu.vector_load %arg11[%swap3A_718] {strides = array<i32>} : memref<125xi32, #tpu.memory_space<vmem>>, vector<16xi32>,
          %swap3A_720 = vector.shape_cast %swap3A_719 : vector<16xi32> to vector<16xi32>
          %swap3A_721 = vector.shape_cast %shift_right_arithmetic3A_717 : vector<16xi32> to vector<16xi32>
          tpu.vector_store %arg11[%swap3A_718], %swap3A_721 {strides = array<i32>} : memref<125xi32, #tpu.memory_space<vmem>>, vector<16xi32>,
          %get3A_722 = arith.index_cast %sub3A_600 : i32 to index
          %get3A_723 = arith.constant 80 : index
          %get3A_724 = tpu.vector_load %arg9[%get3A_722, %get3A_723] {strides = array<i32>} : memref<8x125xi32, #tpu.memory_space<vmem>>, vector<1x16xi32>,
          %get3A_725 = vector.shape_cast %get3A_724 : vector<1x16xi32> to vector<16xi32>
          %and3A_726 = arith.constant 65535 : i32
          %and3A_727 = vector.broadcast %and3A_726 : i32 to vector<16xi32>
          %and3A_728 = arith.andi %get3A_725, %and3A_727 : vector<16xi32>
          %add3A_729 = vector.broadcast %mul3A_0 : i32 to vector<16xi32>
          %add3A_730 = arith.addi %and3A_728, %add3A_729 : vector<16xi32>
          %swap3A_731 = arith.constant 80 : index
          %swap3A_732 = tpu.vector_load %arg10[%swap3A_731] {strides = array<i32>} : memref<125xi32, #tpu.memory_space<vmem>>, vector<16xi32>,
          %swap3A_733 = vector.shape_cast %swap3A_732 : vector<16xi32> to vector<16xi32>
          %swap3A_734 = vector.shape_cast %add3A_730 : vector<16xi32> to vector<16xi32>
          tpu.vector_store %arg10[%swap3A_731], %swap3A_734 {strides = array<i32>} : memref<125xi32, #tpu.memory_space<vmem>>, vector<16xi32>,
          %shift_right_arithmetic3A_735 = arith.constant 16 : i32
          %shift_right_arithmetic3A_736 = vector.broadcast %shift_right_arithmetic3A_735 : i32 to vector<16xi32>
          %shift_right_arithmetic3A_737 = arith.shrsi %get3A_725, %shift_right_arithmetic3A_736 : vector<16xi32>
          %swap3A_738 = arith.constant 80 : index
          %swap3A_739 = tpu.vector_load %arg11[%swap3A_738] {strides = array<i32>} : memref<125xi32, #tpu.memory_space<vmem>>, vector<16xi32>,
          %swap3A_740 = vector.shape_cast %swap3A_739 : vector<16xi32> to vector<16xi32>
          %swap3A_741 = vector.shape_cast %shift_right_arithmetic3A_737 : vector<16xi32> to vector<16xi32>
          tpu.vector_store %arg11[%swap3A_738], %swap3A_741 {strides = array<i32>} : memref<125xi32, #tpu.memory_space<vmem>>, vector<16xi32>,
          %get3A_742 = arith.index_cast %sub3A_600 : i32 to index
          %get3A_743 = arith.constant 96 : index
          %get3A_744 = tpu.vector_load %arg9[%get3A_742, %get3A_743] {strides = array<i32>} : memref<8x125xi32, #tpu.memory_space<vmem>>, vector<1x16xi32>,
          %get3A_745 = vector.shape_cast %get3A_744 : vector<1x16xi32> to vector<16xi32>
          %and3A_746 = arith.constant 65535 : i32
          %and3A_747 = vector.broadcast %and3A_746 : i32 to vector<16xi32>
          %and3A_748 = arith.andi %get3A_745, %and3A_747 : vector<16xi32>
          %add3A_749 = vector.broadcast %mul3A_0 : i32 to vector<16xi32>
          %add3A_750 = arith.addi %and3A_748, %add3A_749 : vector<16xi32>
          %swap3A_751 = arith.constant 96 : index
          %swap3A_752 = tpu.vector_load %arg10[%swap3A_751] {strides = array<i32>} : memref<125xi32, #tpu.memory_space<vmem>>, vector<16xi32>,
          %swap3A_753 = vector.shape_cast %swap3A_752 : vector<16xi32> to vector<16xi32>
          %swap3A_754 = vector.shape_cast %add3A_750 : vector<16xi32> to vector<16xi32>
          tpu.vector_store %arg10[%swap3A_751], %swap3A_754 {strides = array<i32>} : memref<125xi32, #tpu.memory_space<vmem>>, vector<16xi32>,
          %shift_right_arithmetic3A_755 = arith.constant 16 : i32
          %shift_right_arithmetic3A_756 = vector.broadcast %shift_right_arithmetic3A_755 : i32 to vector<16xi32>
          %shift_right_arithmetic3A_757 = arith.shrsi %get3A_745, %shift_right_arithmetic3A_756 : vector<16xi32>
          %swap3A_758 = arith.constant 96 : index
          %swap3A_759 = tpu.vector_load %arg11[%swap3A_758] {strides = array<i32>} : memref<125xi32, #tpu.memory_space<vmem>>, vector<16xi32>,
          %swap3A_760 = vector.shape_cast %swap3A_759 : vector<16xi32> to vector<16xi32>
          %swap3A_761 = vector.shape_cast %shift_right_arithmetic3A_757 : vector<16xi32> to vector<16xi32>
          tpu.vector_store %arg11[%swap3A_758], %swap3A_761 {strides = array<i32>} : memref<125xi32, #tpu.memory_space<vmem>>, vector<16xi32>,
          %get3A_762 = arith.index_cast %sub3A_600 : i32 to index
          %get3A_763 = arith.constant 109 : index
          %get3A_764 = tpu.vector_load %arg9[%get3A_762, %get3A_763] {strides = array<i32>} : memref<8x125xi32, #tpu.memory_space<vmem>>, vector<1x16xi32>,
          %get3A_765 = vector.shape_cast %get3A_764 : vector<1x16xi32> to vector<16xi32>
          %and3A_766 = arith.constant 65535 : i32
          %and3A_767 = vector.broadcast %and3A_766 : i32 to vector<16xi32>
          %and3A_768 = arith.andi %get3A_765, %and3A_767 : vector<16xi32>
          %add3A_769 = vector.broadcast %mul3A_0 : i32 to vector<16xi32>
          %add3A_770 = arith.addi %and3A_768, %add3A_769 : vector<16xi32>
          %swap3A_771 = arith.constant 109 : index
          %swap3A_772 = tpu.vector_load %arg10[%swap3A_771] {strides = array<i32>} : memref<125xi32, #tpu.memory_space<vmem>>, vector<16xi32>,
          %swap3A_773 = vector.shape_cast %swap3A_772 : vector<16xi32> to vector<16xi32>
          %swap3A_774 = vector.shape_cast %add3A_770 : vector<16xi32> to vector<16xi32>
          tpu.vector_store %arg10[%swap3A_771], %swap3A_774 {strides = array<i32>} : memref<125xi32, #tpu.memory_space<vmem>>, vector<16xi32>,
          %shift_right_arithmetic3A_775 = arith.constant 16 : i32
          %shift_right_arithmetic3A_776 = vector.broadcast %shift_right_arithmetic3A_775 : i32 to vector<16xi32>
          %shift_right_arithmetic3A_777 = arith.shrsi %get3A_765, %shift_right_arithmetic3A_776 : vector<16xi32>
          %swap3A_778 = arith.constant 109 : index
          %swap3A_779 = tpu.vector_load %arg11[%swap3A_778] {strides = array<i32>} : memref<125xi32, #tpu.memory_space<vmem>>, vector<16xi32>,
          %swap3A_780 = vector.shape_cast %swap3A_779 : vector<16xi32> to vector<16xi32>
          %swap3A_781 = vector.shape_cast %shift_right_arithmetic3A_777 : vector<16xi32> to vector<16xi32>
          tpu.vector_store %arg11[%swap3A_778], %swap3A_781 {strides = array<i32>} : memref<125xi32, #tpu.memory_space<vmem>>, vector<16xi32>,
          %jit3A_782 = arith.constant 8 : i32
          %eq3A_783 = arith.constant 0 : i32
          %eq3A_784 = arith.cmpi eq, %jit3A_782, %eq3A_783 : i32
          %jit3A_785 = arith.constant 1 : i32
          %select_n3A_786 = arith.select %eq3A_784, %jit3A_785, %jit3A_782 : i32
          %rem3A_787 = arith.remsi %add3A_580, %select_n3A_786 : i32
          %ne3A_788 = arith.constant 0 : i32
          %ne3A_789 = arith.cmpi ne, %rem3A_787, %ne3A_788 : i32
          %lt3A_790 = arith.constant 0 : i32
          %lt3A_791 = arith.cmpi slt, %rem3A_787, %lt3A_790 : i32
          %lt3A_792 = arith.constant 0 : i32
          %lt3A_793 = arith.cmpi slt, %select_n3A_786, %lt3A_792 : i32
          %ne3A_794 = arith.xori %lt3A_791, %lt3A_793 : i1
          %and3A_795 = arith.andi %ne3A_794, %ne3A_789 : i1
          %add3A_796 = arith.addi %rem3A_787, %select_n3A_786 : i32
          %select_n3A_797 = arith.select %and3A_795, %add3A_796, %rem3A_787 : i32
          %eq3A_798 = arith.constant 7 : i32
          %eq3A_799 = arith.cmpi eq, %select_n3A_797, %eq3A_798 : i32
          %convert_element_type3A_800 = arith.extui %eq3A_799 : i1 to i32
          %cond3A_801 = arith.constant 0 : i32
          %cond3A_802 = arith.cmpi ne, %convert_element_type3A_800, %cond3A_801 : i32
          scf.if %cond3A_802 {
            %lt3A_806 = arith.constant 9 : i32
            %lt3A_807 = arith.cmpi slt, %select_n3A, %lt3A_806 : i32
            %convert_element_type3A_808 = arith.extui %lt3A_807 : i1 to i32
            %cond3A_809 = arith.constant 0 : i32
            %cond3A_810 = arith.cmpi ne, %convert_element_type3A_808, %cond3A_809 : i32
            scf.if %cond3A_810 {
              %add3A_811 = arith.constant 1 : i32
              %add3A_812 = arith.addi %select_n3A, %add3A_811 : i32
              %mul3A_813 = arith.constant 8 : i32
              %mul3A_814 = arith.muli %add3A_812, %mul3A_813 : i32
              %add3A_815 = arith.addi %mul3A_3, %mul3A_814 : i32
              %dma_start3A_816 = arith.constant 0 : i32
              %dma_start3A_817 = tpu.memref_slice %arg3[%add3A_815, %dma_start3A_816] : memref<1280x125xi32, #tpu.memory_space<hbm>> -> memref<8x125xi32, #tpu.memory_space<hbm>>
              %dma_start3A_818 = arith.constant 0 : i32
              %dma_start3A_819 = tpu.memref_slice %arg3[%add3A_815, %dma_start3A_818] : memref<1280x125xi32, #tpu.memory_space<hbm>> -> memref<8x125xi32, #tpu.memory_space<hbm>>
              tpu.enqueue_dma source(%dma_start3A_819 : memref<8x125xi32, #tpu.memory_space<hbm>>) target(%arg9 : memref<8x125xi32, #tpu.memory_space<vmem>>) target_semaphore(%arg19 : memref<!tpu.dma_semaphore, #tpu.memory_space<semaphore_mem>>)
            } else {
            }
          } else {
          }
          %dma_start3A_803 = arith.constant 0 : i32
          %dma_start3A_804 = arith.constant 0 : i32
          %dma_start3A_805 = tpu.memref_slice %arg2[%dma_start3A_803, %dma_start3A_804] : memref<20000x128xf32, #tpu.memory_space<hbm>> -> memref<20000x128xf32, #tpu.memory_space<hbm>>
          tpu.enqueue_indirect_dma source(%dma_start3A_805 : memref<20000x128xf32, #tpu.memory_space<hbm>>) target(%arg6 : memref<125x128xf32, #tpu.memory_space<vmem>>) offsets(%arg10 : memref<125xi32, #tpu.memory_space<vmem>>) semaphore(%arg16 : memref<!tpu.dma_semaphore, #tpu.memory_space<semaphore_mem>>)
        } else {
        }
      } else {
      }
      %add3A_556 = arith.constant 1 : i32
      %add3A_557 = arith.addi %mul3A_550, %add3A_556 : i32
      %lt3A_558 = arith.constant 80 : i32
      %lt3A_559 = arith.cmpi slt, %add3A_557, %lt3A_558 : i32
      %convert_element_type3A_560 = arith.extui %lt3A_559 : i1 to i32
      %cond3A_561 = arith.constant 0 : i32
      %cond3A_562 = arith.cmpi ne, %convert_element_type3A_560, %cond3A_561 : i32
      scf.if %cond3A_562 {
        %dma_wait3A = arith.constant 0 : i32
        %dma_wait3A_570 = arith.constant 0 : i32
        %dma_wait3A_571 = tpu.memref_slice %arg2[%dma_wait3A, %dma_wait3A_570] : memref<20000x128xf32, #tpu.memory_space<hbm>> -> memref<20000x128xf32, #tpu.memory_space<hbm>>
        tpu.wait_indirect_dma semaphore(%arg17 : memref<!tpu.dma_semaphore, #tpu.memory_space<semaphore_mem>>) src(%dma_wait3A_571 : memref<20000x128xf32, #tpu.memory_space<hbm>>) dst(%arg7 : memref<125x128xf32, #tpu.memory_space<vmem>>)
        "tpu.region"() ({
          %run_scoped3A = tpu.sem_alloc : memref<!tpu.dma_semaphore, #tpu.memory_space<semaphore_mem>>
          %dma_start3A_579 = arith.constant 0 : i32
          %dma_start3A_580 = arith.constant 0 : i32
          %dma_start3A_581 = tpu.memref_slice %arg5[%dma_start3A_579, %dma_start3A_580] : memref<10000x128xf32, #tpu.memory_space<vmem_shared>> -> memref<10000x128xf32, #tpu.memory_space<vmem_shared>>
          tpu.enqueue_indirect_dma source(%arg7 : memref<125x128xf32, #tpu.memory_space<vmem>>) target(%dma_start3A_581 : memref<10000x128xf32, #tpu.memory_space<vmem_shared>>) offsets(%arg13 : memref<125xi32, #tpu.memory_space<vmem>>) semaphore(%run_scoped3A : memref<!tpu.dma_semaphore, #tpu.memory_space<semaphore_mem>>) {add = true}
          %dma_wait3A_582 = arith.constant 0 : i32
          %dma_wait3A_583 = arith.constant 0 : i32
          %dma_wait3A_584 = tpu.memref_slice %arg5[%dma_wait3A_582, %dma_wait3A_583] : memref<10000x128xf32, #tpu.memory_space<vmem_shared>> -> memref<10000x128xf32, #tpu.memory_space<vmem_shared>>
          tpu.wait_indirect_dma semaphore(%run_scoped3A : memref<!tpu.dma_semaphore, #tpu.memory_space<semaphore_mem>>) src(%arg7 : memref<125x128xf32, #tpu.memory_space<vmem>>) dst(%dma_wait3A_584 : memref<10000x128xf32, #tpu.memory_space<vmem_shared>>)
          tpu.yield
        }) : () -> ()
        %add3A_572 = arith.constant 3 : i32
        %add3A_573 = arith.addi %add3A_557, %add3A_572 : i32
        %lt3A_574 = arith.constant 80 : i32
        %lt3A_575 = arith.cmpi slt, %add3A_573, %lt3A_574 : i32
        %convert_element_type3A_576 = arith.extui %lt3A_575 : i1 to i32
        %cond3A_577 = arith.constant 0 : i32
        %cond3A_578 = arith.cmpi ne, %convert_element_type3A_576, %cond3A_577 : i32
        scf.if %cond3A_578 {
          %add3A_579 = arith.constant 3 : i32
          %add3A_580 = arith.addi %add3A_557, %add3A_579 : i32
          %jit3A = arith.constant 8 : i32
          %div3A = arith.divsi %add3A_580, %jit3A : i32
          %sign3A = arith.constant 0 : i32
          %sign3A_581 = arith.cmpi sgt, %add3A_580, %sign3A : i32
          %sign3A_582 = arith.extui %sign3A_581 : i1 to i32
          %sign3A_583 = arith.constant 0 : i32
          %sign3A_584 = arith.cmpi slt, %add3A_580, %sign3A_583 : i32
          %sign3A_585 = arith.extui %sign3A_584 : i1 to i32
          %sign3A_586 = arith.subi %sign3A_582, %sign3A_585 : i32
          %sign3A_587 = arith.constant 0 : i32
          %sign3A_588 = arith.cmpi sgt, %jit3A, %sign3A_587 : i32
          %sign3A_589 = arith.extui %sign3A_588 : i1 to i32
          %sign3A_590 = arith.constant 0 : i32
          %sign3A_591 = arith.cmpi slt, %jit3A, %sign3A_590 : i32
          %sign3A_592 = arith.extui %sign3A_591 : i1 to i32
          %sign3A_593 = arith.subi %sign3A_589, %sign3A_592 : i32
          %ne3A = arith.cmpi ne, %sign3A_586, %sign3A_593 : i32
          %rem3A = arith.remsi %add3A_580, %jit3A : i32
          %ne3A_594 = arith.constant 0 : i32
          %ne3A_595 = arith.cmpi ne, %rem3A, %ne3A_594 : i32
          %and3A_596 = arith.andi %ne3A, %ne3A_595 : i1
          %sub3A = arith.constant 1 : i32
          %sub3A_597 = arith.subi %div3A, %sub3A : i32
          %select_n3A = arith.select %and3A_596, %sub3A_597, %div3A : i32
          %mul3A_598 = arith.constant 8 : i32
          %mul3A_599 = arith.muli %select_n3A, %mul3A_598 : i32
          %sub3A_600 = arith.subi %add3A_580, %mul3A_599 : i32
          %jit3A_601 = arith.constant 8 : i32
          %eq3A_602 = arith.constant 0 : i32
          %eq3A_603 = arith.cmpi eq, %jit3A_601, %eq3A_602 : i32
          %jit3A_604 = arith.constant 1 : i32
          %select_n3A_605 = arith.select %eq3A_603, %jit3A_604, %jit3A_601 : i32
          %rem3A_606 = arith.remsi %add3A_580, %select_n3A_605 : i32
          %ne3A_607 = arith.constant 0 : i32
          %ne3A_608 = arith.cmpi ne, %rem3A_606, %ne3A_607 : i32
          %lt3A_609 = arith.constant 0 : i32
          %lt3A_610 = arith.cmpi slt, %rem3A_606, %lt3A_609 : i32
          %lt3A_611 = arith.constant 0 : i32
          %lt3A_612 = arith.cmpi slt, %select_n3A_605, %lt3A_611 : i32
          %ne3A_613 = arith.xori %lt3A_610, %lt3A_612 : i1
          %and3A_614 = arith.andi %ne3A_613, %ne3A_608 : i1
          %add3A_615 = arith.addi %rem3A_606, %select_n3A_605 : i32
          %select_n3A_616 = arith.select %and3A_614, %add3A_615, %rem3A_606 : i32
          %eq3A_617 = arith.constant 0 : i32
          %eq3A_618 = arith.cmpi eq, %select_n3A_616, %eq3A_617 : i32
          %convert_element_type3A_619 = arith.extui %eq3A_618 : i1 to i32
          %cond3A_620 = arith.constant 0 : i32
          %cond3A_621 = arith.cmpi ne, %convert_element_type3A_619, %cond3A_620 : i32
          scf.if %cond3A_621 {
            %mul3A_806 = arith.constant 8 : i32
            %mul3A_807 = arith.muli %select_n3A, %mul3A_806 : i32
            %add3A_808 = arith.addi %mul3A_3, %mul3A_807 : i32
            %dma_wait3A_809 = arith.constant 0 : i32
            %dma_wait3A_810 = tpu.memref_slice %arg3[%add3A_808, %dma_wait3A_809] : memref<1280x125xi32, #tpu.memory_space<hbm>> -> memref<8x125xi32, #tpu.memory_space<hbm>>
            %dma_wait3A_811 = arith.constant 0 : i32
            %dma_wait3A_812 = tpu.memref_slice %arg3[%add3A_808, %dma_wait3A_811] : memref<1280x125xi32, #tpu.memory_space<hbm>> -> memref<8x125xi32, #tpu.memory_space<hbm>>
            tpu.wait_dma2 semaphore(%arg19 : memref<!tpu.dma_semaphore, #tpu.memory_space<semaphore_mem>>) src(%dma_wait3A_812 : memref<8x125xi32, #tpu.memory_space<hbm>>) dst(%arg9 : memref<8x125xi32, #tpu.memory_space<vmem>>)
          } else {
          }
          %get3A_622 = arith.index_cast %sub3A_600 : i32 to index
          %get3A_623 = arith.constant 0 : index
          %get3A_624 = tpu.vector_load %arg9[%get3A_622, %get3A_623] {strides = array<i32>} : memref<8x125xi32, #tpu.memory_space<vmem>>, vector<1x16xi32>,
          %get3A_625 = vector.shape_cast %get3A_624 : vector<1x16xi32> to vector<16xi32>
          %and3A_626 = arith.constant 65535 : i32
          %and3A_627 = vector.broadcast %and3A_626 : i32 to vector<16xi32>
          %and3A_628 = arith.andi %get3A_625, %and3A_627 : vector<16xi32>
          %add3A_629 = vector.broadcast %mul3A_0 : i32 to vector<16xi32>
          %add3A_630 = arith.addi %and3A_628, %add3A_629 : vector<16xi32>
          %swap3A_631 = arith.constant 0 : index
          %swap3A_632 = tpu.vector_load %arg12[%swap3A_631] {strides = array<i32>} : memref<125xi32, #tpu.memory_space<vmem>>, vector<16xi32>,
          %swap3A_633 = vector.shape_cast %swap3A_632 : vector<16xi32> to vector<16xi32>
          %swap3A_634 = vector.shape_cast %add3A_630 : vector<16xi32> to vector<16xi32>
          tpu.vector_store %arg12[%swap3A_631], %swap3A_634 {strides = array<i32>} : memref<125xi32, #tpu.memory_space<vmem>>, vector<16xi32>,
          %shift_right_arithmetic3A_635 = arith.constant 16 : i32
          %shift_right_arithmetic3A_636 = vector.broadcast %shift_right_arithmetic3A_635 : i32 to vector<16xi32>
          %shift_right_arithmetic3A_637 = arith.shrsi %get3A_625, %shift_right_arithmetic3A_636 : vector<16xi32>
          %swap3A_638 = arith.constant 0 : index
          %swap3A_639 = tpu.vector_load %arg13[%swap3A_638] {strides = array<i32>} : memref<125xi32, #tpu.memory_space<vmem>>, vector<16xi32>,
          %swap3A_640 = vector.shape_cast %swap3A_639 : vector<16xi32> to vector<16xi32>
          %swap3A_641 = vector.shape_cast %shift_right_arithmetic3A_637 : vector<16xi32> to vector<16xi32>
          tpu.vector_store %arg13[%swap3A_638], %swap3A_641 {strides = array<i32>} : memref<125xi32, #tpu.memory_space<vmem>>, vector<16xi32>,
          %get3A_642 = arith.index_cast %sub3A_600 : i32 to index
          %get3A_643 = arith.constant 16 : index
          %get3A_644 = tpu.vector_load %arg9[%get3A_642, %get3A_643] {strides = array<i32>} : memref<8x125xi32, #tpu.memory_space<vmem>>, vector<1x16xi32>,
          %get3A_645 = vector.shape_cast %get3A_644 : vector<1x16xi32> to vector<16xi32>
          %and3A_646 = arith.constant 65535 : i32
          %and3A_647 = vector.broadcast %and3A_646 : i32 to vector<16xi32>
          %and3A_648 = arith.andi %get3A_645, %and3A_647 : vector<16xi32>
          %add3A_649 = vector.broadcast %mul3A_0 : i32 to vector<16xi32>
          %add3A_650 = arith.addi %and3A_648, %add3A_649 : vector<16xi32>
          %swap3A_651 = arith.constant 16 : index
          %swap3A_652 = tpu.vector_load %arg12[%swap3A_651] {strides = array<i32>} : memref<125xi32, #tpu.memory_space<vmem>>, vector<16xi32>,
          %swap3A_653 = vector.shape_cast %swap3A_652 : vector<16xi32> to vector<16xi32>
          %swap3A_654 = vector.shape_cast %add3A_650 : vector<16xi32> to vector<16xi32>
          tpu.vector_store %arg12[%swap3A_651], %swap3A_654 {strides = array<i32>} : memref<125xi32, #tpu.memory_space<vmem>>, vector<16xi32>,
          %shift_right_arithmetic3A_655 = arith.constant 16 : i32
          %shift_right_arithmetic3A_656 = vector.broadcast %shift_right_arithmetic3A_655 : i32 to vector<16xi32>
          %shift_right_arithmetic3A_657 = arith.shrsi %get3A_645, %shift_right_arithmetic3A_656 : vector<16xi32>
          %swap3A_658 = arith.constant 16 : index
          %swap3A_659 = tpu.vector_load %arg13[%swap3A_658] {strides = array<i32>} : memref<125xi32, #tpu.memory_space<vmem>>, vector<16xi32>,
          %swap3A_660 = vector.shape_cast %swap3A_659 : vector<16xi32> to vector<16xi32>
          %swap3A_661 = vector.shape_cast %shift_right_arithmetic3A_657 : vector<16xi32> to vector<16xi32>
          tpu.vector_store %arg13[%swap3A_658], %swap3A_661 {strides = array<i32>} : memref<125xi32, #tpu.memory_space<vmem>>, vector<16xi32>,
          %get3A_662 = arith.index_cast %sub3A_600 : i32 to index
          %get3A_663 = arith.constant 32 : index
          %get3A_664 = tpu.vector_load %arg9[%get3A_662, %get3A_663] {strides = array<i32>} : memref<8x125xi32, #tpu.memory_space<vmem>>, vector<1x16xi32>,
          %get3A_665 = vector.shape_cast %get3A_664 : vector<1x16xi32> to vector<16xi32>
          %and3A_666 = arith.constant 65535 : i32
          %and3A_667 = vector.broadcast %and3A_666 : i32 to vector<16xi32>
          %and3A_668 = arith.andi %get3A_665, %and3A_667 : vector<16xi32>
          %add3A_669 = vector.broadcast %mul3A_0 : i32 to vector<16xi32>
          %add3A_670 = arith.addi %and3A_668, %add3A_669 : vector<16xi32>
          %swap3A_671 = arith.constant 32 : index
          %swap3A_672 = tpu.vector_load %arg12[%swap3A_671] {strides = array<i32>} : memref<125xi32, #tpu.memory_space<vmem>>, vector<16xi32>,
          %swap3A_673 = vector.shape_cast %swap3A_672 : vector<16xi32> to vector<16xi32>
          %swap3A_674 = vector.shape_cast %add3A_670 : vector<16xi32> to vector<16xi32>
          tpu.vector_store %arg12[%swap3A_671], %swap3A_674 {strides = array<i32>} : memref<125xi32, #tpu.memory_space<vmem>>, vector<16xi32>,
          %shift_right_arithmetic3A_675 = arith.constant 16 : i32
          %shift_right_arithmetic3A_676 = vector.broadcast %shift_right_arithmetic3A_675 : i32 to vector<16xi32>
          %shift_right_arithmetic3A_677 = arith.shrsi %get3A_665, %shift_right_arithmetic3A_676 : vector<16xi32>
          %swap3A_678 = arith.constant 32 : index
          %swap3A_679 = tpu.vector_load %arg13[%swap3A_678] {strides = array<i32>} : memref<125xi32, #tpu.memory_space<vmem>>, vector<16xi32>,
          %swap3A_680 = vector.shape_cast %swap3A_679 : vector<16xi32> to vector<16xi32>
          %swap3A_681 = vector.shape_cast %shift_right_arithmetic3A_677 : vector<16xi32> to vector<16xi32>
          tpu.vector_store %arg13[%swap3A_678], %swap3A_681 {strides = array<i32>} : memref<125xi32, #tpu.memory_space<vmem>>, vector<16xi32>,
          %get3A_682 = arith.index_cast %sub3A_600 : i32 to index
          %get3A_683 = arith.constant 48 : index
          %get3A_684 = tpu.vector_load %arg9[%get3A_682, %get3A_683] {strides = array<i32>} : memref<8x125xi32, #tpu.memory_space<vmem>>, vector<1x16xi32>,
          %get3A_685 = vector.shape_cast %get3A_684 : vector<1x16xi32> to vector<16xi32>
          %and3A_686 = arith.constant 65535 : i32
          %and3A_687 = vector.broadcast %and3A_686 : i32 to vector<16xi32>
          %and3A_688 = arith.andi %get3A_685, %and3A_687 : vector<16xi32>
          %add3A_689 = vector.broadcast %mul3A_0 : i32 to vector<16xi32>
          %add3A_690 = arith.addi %and3A_688, %add3A_689 : vector<16xi32>
          %swap3A_691 = arith.constant 48 : index
          %swap3A_692 = tpu.vector_load %arg12[%swap3A_691] {strides = array<i32>} : memref<125xi32, #tpu.memory_space<vmem>>, vector<16xi32>,
          %swap3A_693 = vector.shape_cast %swap3A_692 : vector<16xi32> to vector<16xi32>
          %swap3A_694 = vector.shape_cast %add3A_690 : vector<16xi32> to vector<16xi32>
          tpu.vector_store %arg12[%swap3A_691], %swap3A_694 {strides = array<i32>} : memref<125xi32, #tpu.memory_space<vmem>>, vector<16xi32>,
          %shift_right_arithmetic3A_695 = arith.constant 16 : i32
          %shift_right_arithmetic3A_696 = vector.broadcast %shift_right_arithmetic3A_695 : i32 to vector<16xi32>
          %shift_right_arithmetic3A_697 = arith.shrsi %get3A_685, %shift_right_arithmetic3A_696 : vector<16xi32>
          %swap3A_698 = arith.constant 48 : index
          %swap3A_699 = tpu.vector_load %arg13[%swap3A_698] {strides = array<i32>} : memref<125xi32, #tpu.memory_space<vmem>>, vector<16xi32>,
          %swap3A_700 = vector.shape_cast %swap3A_699 : vector<16xi32> to vector<16xi32>
          %swap3A_701 = vector.shape_cast %shift_right_arithmetic3A_697 : vector<16xi32> to vector<16xi32>
          tpu.vector_store %arg13[%swap3A_698], %swap3A_701 {strides = array<i32>} : memref<125xi32, #tpu.memory_space<vmem>>, vector<16xi32>,
          %get3A_702 = arith.index_cast %sub3A_600 : i32 to index
          %get3A_703 = arith.constant 64 : index
          %get3A_704 = tpu.vector_load %arg9[%get3A_702, %get3A_703] {strides = array<i32>} : memref<8x125xi32, #tpu.memory_space<vmem>>, vector<1x16xi32>,
          %get3A_705 = vector.shape_cast %get3A_704 : vector<1x16xi32> to vector<16xi32>
          %and3A_706 = arith.constant 65535 : i32
          %and3A_707 = vector.broadcast %and3A_706 : i32 to vector<16xi32>
          %and3A_708 = arith.andi %get3A_705, %and3A_707 : vector<16xi32>
          %add3A_709 = vector.broadcast %mul3A_0 : i32 to vector<16xi32>
          %add3A_710 = arith.addi %and3A_708, %add3A_709 : vector<16xi32>
          %swap3A_711 = arith.constant 64 : index
          %swap3A_712 = tpu.vector_load %arg12[%swap3A_711] {strides = array<i32>} : memref<125xi32, #tpu.memory_space<vmem>>, vector<16xi32>,
          %swap3A_713 = vector.shape_cast %swap3A_712 : vector<16xi32> to vector<16xi32>
          %swap3A_714 = vector.shape_cast %add3A_710 : vector<16xi32> to vector<16xi32>
          tpu.vector_store %arg12[%swap3A_711], %swap3A_714 {strides = array<i32>} : memref<125xi32, #tpu.memory_space<vmem>>, vector<16xi32>,
          %shift_right_arithmetic3A_715 = arith.constant 16 : i32
          %shift_right_arithmetic3A_716 = vector.broadcast %shift_right_arithmetic3A_715 : i32 to vector<16xi32>
          %shift_right_arithmetic3A_717 = arith.shrsi %get3A_705, %shift_right_arithmetic3A_716 : vector<16xi32>
          %swap3A_718 = arith.constant 64 : index
          %swap3A_719 = tpu.vector_load %arg13[%swap3A_718] {strides = array<i32>} : memref<125xi32, #tpu.memory_space<vmem>>, vector<16xi32>,
          %swap3A_720 = vector.shape_cast %swap3A_719 : vector<16xi32> to vector<16xi32>
          %swap3A_721 = vector.shape_cast %shift_right_arithmetic3A_717 : vector<16xi32> to vector<16xi32>
          tpu.vector_store %arg13[%swap3A_718], %swap3A_721 {strides = array<i32>} : memref<125xi32, #tpu.memory_space<vmem>>, vector<16xi32>,
          %get3A_722 = arith.index_cast %sub3A_600 : i32 to index
          %get3A_723 = arith.constant 80 : index
          %get3A_724 = tpu.vector_load %arg9[%get3A_722, %get3A_723] {strides = array<i32>} : memref<8x125xi32, #tpu.memory_space<vmem>>, vector<1x16xi32>,
          %get3A_725 = vector.shape_cast %get3A_724 : vector<1x16xi32> to vector<16xi32>
          %and3A_726 = arith.constant 65535 : i32
          %and3A_727 = vector.broadcast %and3A_726 : i32 to vector<16xi32>
          %and3A_728 = arith.andi %get3A_725, %and3A_727 : vector<16xi32>
          %add3A_729 = vector.broadcast %mul3A_0 : i32 to vector<16xi32>
          %add3A_730 = arith.addi %and3A_728, %add3A_729 : vector<16xi32>
          %swap3A_731 = arith.constant 80 : index
          %swap3A_732 = tpu.vector_load %arg12[%swap3A_731] {strides = array<i32>} : memref<125xi32, #tpu.memory_space<vmem>>, vector<16xi32>,
          %swap3A_733 = vector.shape_cast %swap3A_732 : vector<16xi32> to vector<16xi32>
          %swap3A_734 = vector.shape_cast %add3A_730 : vector<16xi32> to vector<16xi32>
          tpu.vector_store %arg12[%swap3A_731], %swap3A_734 {strides = array<i32>} : memref<125xi32, #tpu.memory_space<vmem>>, vector<16xi32>,
          %shift_right_arithmetic3A_735 = arith.constant 16 : i32
          %shift_right_arithmetic3A_736 = vector.broadcast %shift_right_arithmetic3A_735 : i32 to vector<16xi32>
          %shift_right_arithmetic3A_737 = arith.shrsi %get3A_725, %shift_right_arithmetic3A_736 : vector<16xi32>
          %swap3A_738 = arith.constant 80 : index
          %swap3A_739 = tpu.vector_load %arg13[%swap3A_738] {strides = array<i32>} : memref<125xi32, #tpu.memory_space<vmem>>, vector<16xi32>,
          %swap3A_740 = vector.shape_cast %swap3A_739 : vector<16xi32> to vector<16xi32>
          %swap3A_741 = vector.shape_cast %shift_right_arithmetic3A_737 : vector<16xi32> to vector<16xi32>
          tpu.vector_store %arg13[%swap3A_738], %swap3A_741 {strides = array<i32>} : memref<125xi32, #tpu.memory_space<vmem>>, vector<16xi32>,
          %get3A_742 = arith.index_cast %sub3A_600 : i32 to index
          %get3A_743 = arith.constant 96 : index
          %get3A_744 = tpu.vector_load %arg9[%get3A_742, %get3A_743] {strides = array<i32>} : memref<8x125xi32, #tpu.memory_space<vmem>>, vector<1x16xi32>,
          %get3A_745 = vector.shape_cast %get3A_744 : vector<1x16xi32> to vector<16xi32>
          %and3A_746 = arith.constant 65535 : i32
          %and3A_747 = vector.broadcast %and3A_746 : i32 to vector<16xi32>
          %and3A_748 = arith.andi %get3A_745, %and3A_747 : vector<16xi32>
          %add3A_749 = vector.broadcast %mul3A_0 : i32 to vector<16xi32>
          %add3A_750 = arith.addi %and3A_748, %add3A_749 : vector<16xi32>
          %swap3A_751 = arith.constant 96 : index
          %swap3A_752 = tpu.vector_load %arg12[%swap3A_751] {strides = array<i32>} : memref<125xi32, #tpu.memory_space<vmem>>, vector<16xi32>,
          %swap3A_753 = vector.shape_cast %swap3A_752 : vector<16xi32> to vector<16xi32>
          %swap3A_754 = vector.shape_cast %add3A_750 : vector<16xi32> to vector<16xi32>
          tpu.vector_store %arg12[%swap3A_751], %swap3A_754 {strides = array<i32>} : memref<125xi32, #tpu.memory_space<vmem>>, vector<16xi32>,
          %shift_right_arithmetic3A_755 = arith.constant 16 : i32
          %shift_right_arithmetic3A_756 = vector.broadcast %shift_right_arithmetic3A_755 : i32 to vector<16xi32>
          %shift_right_arithmetic3A_757 = arith.shrsi %get3A_745, %shift_right_arithmetic3A_756 : vector<16xi32>
          %swap3A_758 = arith.constant 96 : index
          %swap3A_759 = tpu.vector_load %arg13[%swap3A_758] {strides = array<i32>} : memref<125xi32, #tpu.memory_space<vmem>>, vector<16xi32>,
          %swap3A_760 = vector.shape_cast %swap3A_759 : vector<16xi32> to vector<16xi32>
          %swap3A_761 = vector.shape_cast %shift_right_arithmetic3A_757 : vector<16xi32> to vector<16xi32>
          tpu.vector_store %arg13[%swap3A_758], %swap3A_761 {strides = array<i32>} : memref<125xi32, #tpu.memory_space<vmem>>, vector<16xi32>,
          %get3A_762 = arith.index_cast %sub3A_600 : i32 to index
          %get3A_763 = arith.constant 109 : index
          %get3A_764 = tpu.vector_load %arg9[%get3A_762, %get3A_763] {strides = array<i32>} : memref<8x125xi32, #tpu.memory_space<vmem>>, vector<1x16xi32>,
          %get3A_765 = vector.shape_cast %get3A_764 : vector<1x16xi32> to vector<16xi32>
          %and3A_766 = arith.constant 65535 : i32
          %and3A_767 = vector.broadcast %and3A_766 : i32 to vector<16xi32>
          %and3A_768 = arith.andi %get3A_765, %and3A_767 : vector<16xi32>
          %add3A_769 = vector.broadcast %mul3A_0 : i32 to vector<16xi32>
          %add3A_770 = arith.addi %and3A_768, %add3A_769 : vector<16xi32>
          %swap3A_771 = arith.constant 109 : index
          %swap3A_772 = tpu.vector_load %arg12[%swap3A_771] {strides = array<i32>} : memref<125xi32, #tpu.memory_space<vmem>>, vector<16xi32>,
          %swap3A_773 = vector.shape_cast %swap3A_772 : vector<16xi32> to vector<16xi32>
          %swap3A_774 = vector.shape_cast %add3A_770 : vector<16xi32> to vector<16xi32>
          tpu.vector_store %arg12[%swap3A_771], %swap3A_774 {strides = array<i32>} : memref<125xi32, #tpu.memory_space<vmem>>, vector<16xi32>,
          %shift_right_arithmetic3A_775 = arith.constant 16 : i32
          %shift_right_arithmetic3A_776 = vector.broadcast %shift_right_arithmetic3A_775 : i32 to vector<16xi32>
          %shift_right_arithmetic3A_777 = arith.shrsi %get3A_765, %shift_right_arithmetic3A_776 : vector<16xi32>
          %swap3A_778 = arith.constant 109 : index
          %swap3A_779 = tpu.vector_load %arg13[%swap3A_778] {strides = array<i32>} : memref<125xi32, #tpu.memory_space<vmem>>, vector<16xi32>,
          %swap3A_780 = vector.shape_cast %swap3A_779 : vector<16xi32> to vector<16xi32>
          %swap3A_781 = vector.shape_cast %shift_right_arithmetic3A_777 : vector<16xi32> to vector<16xi32>
          tpu.vector_store %arg13[%swap3A_778], %swap3A_781 {strides = array<i32>} : memref<125xi32, #tpu.memory_space<vmem>>, vector<16xi32>,
          %jit3A_782 = arith.constant 8 : i32
          %eq3A_783 = arith.constant 0 : i32
          %eq3A_784 = arith.cmpi eq, %jit3A_782, %eq3A_783 : i32
          %jit3A_785 = arith.constant 1 : i32
          %select_n3A_786 = arith.select %eq3A_784, %jit3A_785, %jit3A_782 : i32
          %rem3A_787 = arith.remsi %add3A_580, %select_n3A_786 : i32
          %ne3A_788 = arith.constant 0 : i32
          %ne3A_789 = arith.cmpi ne, %rem3A_787, %ne3A_788 : i32
          %lt3A_790 = arith.constant 0 : i32
          %lt3A_791 = arith.cmpi slt, %rem3A_787, %lt3A_790 : i32
          %lt3A_792 = arith.constant 0 : i32
          %lt3A_793 = arith.cmpi slt, %select_n3A_786, %lt3A_792 : i32
          %ne3A_794 = arith.xori %lt3A_791, %lt3A_793 : i1
          %and3A_795 = arith.andi %ne3A_794, %ne3A_789 : i1
          %add3A_796 = arith.addi %rem3A_787, %select_n3A_786 : i32
          %select_n3A_797 = arith.select %and3A_795, %add3A_796, %rem3A_787 : i32
          %eq3A_798 = arith.constant 7 : i32
          %eq3A_799 = arith.cmpi eq, %select_n3A_797, %eq3A_798 : i32
          %convert_element_type3A_800 = arith.extui %eq3A_799 : i1 to i32
          %cond3A_801 = arith.constant 0 : i32
          %cond3A_802 = arith.cmpi ne, %convert_element_type3A_800, %cond3A_801 : i32
          scf.if %cond3A_802 {
            %lt3A_806 = arith.constant 9 : i32
            %lt3A_807 = arith.cmpi slt, %select_n3A, %lt3A_806 : i32
            %convert_element_type3A_808 = arith.extui %lt3A_807 : i1 to i32
            %cond3A_809 = arith.constant 0 : i32
            %cond3A_810 = arith.cmpi ne, %convert_element_type3A_808, %cond3A_809 : i32
            scf.if %cond3A_810 {
              %add3A_811 = arith.constant 1 : i32
              %add3A_812 = arith.addi %select_n3A, %add3A_811 : i32
              %mul3A_813 = arith.constant 8 : i32
              %mul3A_814 = arith.muli %add3A_812, %mul3A_813 : i32
              %add3A_815 = arith.addi %mul3A_3, %mul3A_814 : i32
              %dma_start3A_816 = arith.constant 0 : i32
              %dma_start3A_817 = tpu.memref_slice %arg3[%add3A_815, %dma_start3A_816] : memref<1280x125xi32, #tpu.memory_space<hbm>> -> memref<8x125xi32, #tpu.memory_space<hbm>>
              %dma_start3A_818 = arith.constant 0 : i32
              %dma_start3A_819 = tpu.memref_slice %arg3[%add3A_815, %dma_start3A_818] : memref<1280x125xi32, #tpu.memory_space<hbm>> -> memref<8x125xi32, #tpu.memory_space<hbm>>
              tpu.enqueue_dma source(%dma_start3A_819 : memref<8x125xi32, #tpu.memory_space<hbm>>) target(%arg9 : memref<8x125xi32, #tpu.memory_space<vmem>>) target_semaphore(%arg19 : memref<!tpu.dma_semaphore, #tpu.memory_space<semaphore_mem>>)
            } else {
            }
          } else {
          }
          %dma_start3A_803 = arith.constant 0 : i32
          %dma_start3A_804 = arith.constant 0 : i32
          %dma_start3A_805 = tpu.memref_slice %arg2[%dma_start3A_803, %dma_start3A_804] : memref<20000x128xf32, #tpu.memory_space<hbm>> -> memref<20000x128xf32, #tpu.memory_space<hbm>>
          tpu.enqueue_indirect_dma source(%dma_start3A_805 : memref<20000x128xf32, #tpu.memory_space<hbm>>) target(%arg7 : memref<125x128xf32, #tpu.memory_space<vmem>>) offsets(%arg12 : memref<125xi32, #tpu.memory_space<vmem>>) semaphore(%arg17 : memref<!tpu.dma_semaphore, #tpu.memory_space<semaphore_mem>>)
        } else {
        }
      } else {
      }
      %add3A_563 = arith.constant 2 : i32
      %add3A_564 = arith.addi %mul3A_550, %add3A_563 : i32
      %lt3A_565 = arith.constant 80 : i32
      %lt3A_566 = arith.cmpi slt, %add3A_564, %lt3A_565 : i32
      %convert_element_type3A_567 = arith.extui %lt3A_566 : i1 to i32
      %cond3A_568 = arith.constant 0 : i32
      %cond3A_569 = arith.cmpi ne, %convert_element_type3A_567, %cond3A_568 : i32
      scf.if %cond3A_569 {
        %dma_wait3A = arith.constant 0 : i32
        %dma_wait3A_570 = arith.constant 0 : i32
        %dma_wait3A_571 = tpu.memref_slice %arg2[%dma_wait3A, %dma_wait3A_570] : memref<20000x128xf32, #tpu.memory_space<hbm>> -> memref<20000x128xf32, #tpu.memory_space<hbm>>
        tpu.wait_indirect_dma semaphore(%arg18 : memref<!tpu.dma_semaphore, #tpu.memory_space<semaphore_mem>>) src(%dma_wait3A_571 : memref<20000x128xf32, #tpu.memory_space<hbm>>) dst(%arg8 : memref<125x128xf32, #tpu.memory_space<vmem>>)
        "tpu.region"() ({
          %run_scoped3A = tpu.sem_alloc : memref<!tpu.dma_semaphore, #tpu.memory_space<semaphore_mem>>
          %dma_start3A_579 = arith.constant 0 : i32
          %dma_start3A_580 = arith.constant 0 : i32
          %dma_start3A_581 = tpu.memref_slice %arg5[%dma_start3A_579, %dma_start3A_580] : memref<10000x128xf32, #tpu.memory_space<vmem_shared>> -> memref<10000x128xf32, #tpu.memory_space<vmem_shared>>
          tpu.enqueue_indirect_dma source(%arg8 : memref<125x128xf32, #tpu.memory_space<vmem>>) target(%dma_start3A_581 : memref<10000x128xf32, #tpu.memory_space<vmem_shared>>) offsets(%arg15 : memref<125xi32, #tpu.memory_space<vmem>>) semaphore(%run_scoped3A : memref<!tpu.dma_semaphore, #tpu.memory_space<semaphore_mem>>) {add = true}
          %dma_wait3A_582 = arith.constant 0 : i32
          %dma_wait3A_583 = arith.constant 0 : i32
          %dma_wait3A_584 = tpu.memref_slice %arg5[%dma_wait3A_582, %dma_wait3A_583] : memref<10000x128xf32, #tpu.memory_space<vmem_shared>> -> memref<10000x128xf32, #tpu.memory_space<vmem_shared>>
          tpu.wait_indirect_dma semaphore(%run_scoped3A : memref<!tpu.dma_semaphore, #tpu.memory_space<semaphore_mem>>) src(%arg8 : memref<125x128xf32, #tpu.memory_space<vmem>>) dst(%dma_wait3A_584 : memref<10000x128xf32, #tpu.memory_space<vmem_shared>>)
          tpu.yield
        }) : () -> ()
        %add3A_572 = arith.constant 3 : i32
        %add3A_573 = arith.addi %add3A_564, %add3A_572 : i32
        %lt3A_574 = arith.constant 80 : i32
        %lt3A_575 = arith.cmpi slt, %add3A_573, %lt3A_574 : i32
        %convert_element_type3A_576 = arith.extui %lt3A_575 : i1 to i32
        %cond3A_577 = arith.constant 0 : i32
        %cond3A_578 = arith.cmpi ne, %convert_element_type3A_576, %cond3A_577 : i32
        scf.if %cond3A_578 {
          %add3A_579 = arith.constant 3 : i32
          %add3A_580 = arith.addi %add3A_564, %add3A_579 : i32
          %jit3A = arith.constant 8 : i32
          %div3A = arith.divsi %add3A_580, %jit3A : i32
          %sign3A = arith.constant 0 : i32
          %sign3A_581 = arith.cmpi sgt, %add3A_580, %sign3A : i32
          %sign3A_582 = arith.extui %sign3A_581 : i1 to i32
          %sign3A_583 = arith.constant 0 : i32
          %sign3A_584 = arith.cmpi slt, %add3A_580, %sign3A_583 : i32
          %sign3A_585 = arith.extui %sign3A_584 : i1 to i32
          %sign3A_586 = arith.subi %sign3A_582, %sign3A_585 : i32
          %sign3A_587 = arith.constant 0 : i32
          %sign3A_588 = arith.cmpi sgt, %jit3A, %sign3A_587 : i32
          %sign3A_589 = arith.extui %sign3A_588 : i1 to i32
          %sign3A_590 = arith.constant 0 : i32
          %sign3A_591 = arith.cmpi slt, %jit3A, %sign3A_590 : i32
          %sign3A_592 = arith.extui %sign3A_591 : i1 to i32
          %sign3A_593 = arith.subi %sign3A_589, %sign3A_592 : i32
          %ne3A = arith.cmpi ne, %sign3A_586, %sign3A_593 : i32
          %rem3A = arith.remsi %add3A_580, %jit3A : i32
          %ne3A_594 = arith.constant 0 : i32
          %ne3A_595 = arith.cmpi ne, %rem3A, %ne3A_594 : i32
          %and3A_596 = arith.andi %ne3A, %ne3A_595 : i1
          %sub3A = arith.constant 1 : i32
          %sub3A_597 = arith.subi %div3A, %sub3A : i32
          %select_n3A = arith.select %and3A_596, %sub3A_597, %div3A : i32
          %mul3A_598 = arith.constant 8 : i32
          %mul3A_599 = arith.muli %select_n3A, %mul3A_598 : i32
          %sub3A_600 = arith.subi %add3A_580, %mul3A_599 : i32
          %jit3A_601 = arith.constant 8 : i32
          %eq3A_602 = arith.constant 0 : i32
          %eq3A_603 = arith.cmpi eq, %jit3A_601, %eq3A_602 : i32
          %jit3A_604 = arith.constant 1 : i32
          %select_n3A_605 = arith.select %eq3A_603, %jit3A_604, %jit3A_601 : i32
          %rem3A_606 = arith.remsi %add3A_580, %select_n3A_605 : i32
          %ne3A_607 = arith.constant 0 : i32
          %ne3A_608 = arith.cmpi ne, %rem3A_606, %ne3A_607 : i32
          %lt3A_609 = arith.constant 0 : i32
          %lt3A_610 = arith.cmpi slt, %rem3A_606, %lt3A_609 : i32
          %lt3A_611 = arith.constant 0 : i32
          %lt3A_612 = arith.cmpi slt, %select_n3A_605, %lt3A_611 : i32
          %ne3A_613 = arith.xori %lt3A_610, %lt3A_612 : i1
          %and3A_614 = arith.andi %ne3A_613, %ne3A_608 : i1
          %add3A_615 = arith.addi %rem3A_606, %select_n3A_605 : i32
          %select_n3A_616 = arith.select %and3A_614, %add3A_615, %rem3A_606 : i32
          %eq3A_617 = arith.constant 0 : i32
          %eq3A_618 = arith.cmpi eq, %select_n3A_616, %eq3A_617 : i32
          %convert_element_type3A_619 = arith.extui %eq3A_618 : i1 to i32
          %cond3A_620 = arith.constant 0 : i32
          %cond3A_621 = arith.cmpi ne, %convert_element_type3A_619, %cond3A_620 : i32
          scf.if %cond3A_621 {
            %mul3A_806 = arith.constant 8 : i32
            %mul3A_807 = arith.muli %select_n3A, %mul3A_806 : i32
            %add3A_808 = arith.addi %mul3A_3, %mul3A_807 : i32
            %dma_wait3A_809 = arith.constant 0 : i32
            %dma_wait3A_810 = tpu.memref_slice %arg3[%add3A_808, %dma_wait3A_809] : memref<1280x125xi32, #tpu.memory_space<hbm>> -> memref<8x125xi32, #tpu.memory_space<hbm>>
            %dma_wait3A_811 = arith.constant 0 : i32
            %dma_wait3A_812 = tpu.memref_slice %arg3[%add3A_808, %dma_wait3A_811] : memref<1280x125xi32, #tpu.memory_space<hbm>> -> memref<8x125xi32, #tpu.memory_space<hbm>>
            tpu.wait_dma2 semaphore(%arg19 : memref<!tpu.dma_semaphore, #tpu.memory_space<semaphore_mem>>) src(%dma_wait3A_812 : memref<8x125xi32, #tpu.memory_space<hbm>>) dst(%arg9 : memref<8x125xi32, #tpu.memory_space<vmem>>)
          } else {
          }
          %get3A_622 = arith.index_cast %sub3A_600 : i32 to index
          %get3A_623 = arith.constant 0 : index
          %get3A_624 = tpu.vector_load %arg9[%get3A_622, %get3A_623] {strides = array<i32>} : memref<8x125xi32, #tpu.memory_space<vmem>>, vector<1x16xi32>,
          %get3A_625 = vector.shape_cast %get3A_624 : vector<1x16xi32> to vector<16xi32>
          %and3A_626 = arith.constant 65535 : i32
          %and3A_627 = vector.broadcast %and3A_626 : i32 to vector<16xi32>
          %and3A_628 = arith.andi %get3A_625, %and3A_627 : vector<16xi32>
          %add3A_629 = vector.broadcast %mul3A_0 : i32 to vector<16xi32>
          %add3A_630 = arith.addi %and3A_628, %add3A_629 : vector<16xi32>
          %swap3A_631 = arith.constant 0 : index
          %swap3A_632 = tpu.vector_load %arg14[%swap3A_631] {strides = array<i32>} : memref<125xi32, #tpu.memory_space<vmem>>, vector<16xi32>,
          %swap3A_633 = vector.shape_cast %swap3A_632 : vector<16xi32> to vector<16xi32>
          %swap3A_634 = vector.shape_cast %add3A_630 : vector<16xi32> to vector<16xi32>
          tpu.vector_store %arg14[%swap3A_631], %swap3A_634 {strides = array<i32>} : memref<125xi32, #tpu.memory_space<vmem>>, vector<16xi32>,
          %shift_right_arithmetic3A_635 = arith.constant 16 : i32
          %shift_right_arithmetic3A_636 = vector.broadcast %shift_right_arithmetic3A_635 : i32 to vector<16xi32>
          %shift_right_arithmetic3A_637 = arith.shrsi %get3A_625, %shift_right_arithmetic3A_636 : vector<16xi32>
          %swap3A_638 = arith.constant 0 : index
          %swap3A_639 = tpu.vector_load %arg15[%swap3A_638] {strides = array<i32>} : memref<125xi32, #tpu.memory_space<vmem>>, vector<16xi32>,
          %swap3A_640 = vector.shape_cast %swap3A_639 : vector<16xi32> to vector<16xi32>
          %swap3A_641 = vector.shape_cast %shift_right_arithmetic3A_637 : vector<16xi32> to vector<16xi32>
          tpu.vector_store %arg15[%swap3A_638], %swap3A_641 {strides = array<i32>} : memref<125xi32, #tpu.memory_space<vmem>>, vector<16xi32>,
          %get3A_642 = arith.index_cast %sub3A_600 : i32 to index
          %get3A_643 = arith.constant 16 : index
          %get3A_644 = tpu.vector_load %arg9[%get3A_642, %get3A_643] {strides = array<i32>} : memref<8x125xi32, #tpu.memory_space<vmem>>, vector<1x16xi32>,
          %get3A_645 = vector.shape_cast %get3A_644 : vector<1x16xi32> to vector<16xi32>
          %and3A_646 = arith.constant 65535 : i32
          %and3A_647 = vector.broadcast %and3A_646 : i32 to vector<16xi32>
          %and3A_648 = arith.andi %get3A_645, %and3A_647 : vector<16xi32>
          %add3A_649 = vector.broadcast %mul3A_0 : i32 to vector<16xi32>
          %add3A_650 = arith.addi %and3A_648, %add3A_649 : vector<16xi32>
          %swap3A_651 = arith.constant 16 : index
          %swap3A_652 = tpu.vector_load %arg14[%swap3A_651] {strides = array<i32>} : memref<125xi32, #tpu.memory_space<vmem>>, vector<16xi32>,
          %swap3A_653 = vector.shape_cast %swap3A_652 : vector<16xi32> to vector<16xi32>
          %swap3A_654 = vector.shape_cast %add3A_650 : vector<16xi32> to vector<16xi32>
          tpu.vector_store %arg14[%swap3A_651], %swap3A_654 {strides = array<i32>} : memref<125xi32, #tpu.memory_space<vmem>>, vector<16xi32>,
          %shift_right_arithmetic3A_655 = arith.constant 16 : i32
          %shift_right_arithmetic3A_656 = vector.broadcast %shift_right_arithmetic3A_655 : i32 to vector<16xi32>
          %shift_right_arithmetic3A_657 = arith.shrsi %get3A_645, %shift_right_arithmetic3A_656 : vector<16xi32>
          %swap3A_658 = arith.constant 16 : index
          %swap3A_659 = tpu.vector_load %arg15[%swap3A_658] {strides = array<i32>} : memref<125xi32, #tpu.memory_space<vmem>>, vector<16xi32>,
          %swap3A_660 = vector.shape_cast %swap3A_659 : vector<16xi32> to vector<16xi32>
          %swap3A_661 = vector.shape_cast %shift_right_arithmetic3A_657 : vector<16xi32> to vector<16xi32>
          tpu.vector_store %arg15[%swap3A_658], %swap3A_661 {strides = array<i32>} : memref<125xi32, #tpu.memory_space<vmem>>, vector<16xi32>,
          %get3A_662 = arith.index_cast %sub3A_600 : i32 to index
          %get3A_663 = arith.constant 32 : index
          %get3A_664 = tpu.vector_load %arg9[%get3A_662, %get3A_663] {strides = array<i32>} : memref<8x125xi32, #tpu.memory_space<vmem>>, vector<1x16xi32>,
          %get3A_665 = vector.shape_cast %get3A_664 : vector<1x16xi32> to vector<16xi32>
          %and3A_666 = arith.constant 65535 : i32
          %and3A_667 = vector.broadcast %and3A_666 : i32 to vector<16xi32>
          %and3A_668 = arith.andi %get3A_665, %and3A_667 : vector<16xi32>
          %add3A_669 = vector.broadcast %mul3A_0 : i32 to vector<16xi32>
          %add3A_670 = arith.addi %and3A_668, %add3A_669 : vector<16xi32>
          %swap3A_671 = arith.constant 32 : index
          %swap3A_672 = tpu.vector_load %arg14[%swap3A_671] {strides = array<i32>} : memref<125xi32, #tpu.memory_space<vmem>>, vector<16xi32>,
          %swap3A_673 = vector.shape_cast %swap3A_672 : vector<16xi32> to vector<16xi32>
          %swap3A_674 = vector.shape_cast %add3A_670 : vector<16xi32> to vector<16xi32>
          tpu.vector_store %arg14[%swap3A_671], %swap3A_674 {strides = array<i32>} : memref<125xi32, #tpu.memory_space<vmem>>, vector<16xi32>,
          %shift_right_arithmetic3A_675 = arith.constant 16 : i32
          %shift_right_arithmetic3A_676 = vector.broadcast %shift_right_arithmetic3A_675 : i32 to vector<16xi32>
          %shift_right_arithmetic3A_677 = arith.shrsi %get3A_665, %shift_right_arithmetic3A_676 : vector<16xi32>
          %swap3A_678 = arith.constant 32 : index
          %swap3A_679 = tpu.vector_load %arg15[%swap3A_678] {strides = array<i32>} : memref<125xi32, #tpu.memory_space<vmem>>, vector<16xi32>,
          %swap3A_680 = vector.shape_cast %swap3A_679 : vector<16xi32> to vector<16xi32>
          %swap3A_681 = vector.shape_cast %shift_right_arithmetic3A_677 : vector<16xi32> to vector<16xi32>
          tpu.vector_store %arg15[%swap3A_678], %swap3A_681 {strides = array<i32>} : memref<125xi32, #tpu.memory_space<vmem>>, vector<16xi32>,
          %get3A_682 = arith.index_cast %sub3A_600 : i32 to index
          %get3A_683 = arith.constant 48 : index
          %get3A_684 = tpu.vector_load %arg9[%get3A_682, %get3A_683] {strides = array<i32>} : memref<8x125xi32, #tpu.memory_space<vmem>>, vector<1x16xi32>,
          %get3A_685 = vector.shape_cast %get3A_684 : vector<1x16xi32> to vector<16xi32>
          %and3A_686 = arith.constant 65535 : i32
          %and3A_687 = vector.broadcast %and3A_686 : i32 to vector<16xi32>
          %and3A_688 = arith.andi %get3A_685, %and3A_687 : vector<16xi32>
          %add3A_689 = vector.broadcast %mul3A_0 : i32 to vector<16xi32>
          %add3A_690 = arith.addi %and3A_688, %add3A_689 : vector<16xi32>
          %swap3A_691 = arith.constant 48 : index
          %swap3A_692 = tpu.vector_load %arg14[%swap3A_691] {strides = array<i32>} : memref<125xi32, #tpu.memory_space<vmem>>, vector<16xi32>,
          %swap3A_693 = vector.shape_cast %swap3A_692 : vector<16xi32> to vector<16xi32>
          %swap3A_694 = vector.shape_cast %add3A_690 : vector<16xi32> to vector<16xi32>
          tpu.vector_store %arg14[%swap3A_691], %swap3A_694 {strides = array<i32>} : memref<125xi32, #tpu.memory_space<vmem>>, vector<16xi32>,
          %shift_right_arithmetic3A_695 = arith.constant 16 : i32
          %shift_right_arithmetic3A_696 = vector.broadcast %shift_right_arithmetic3A_695 : i32 to vector<16xi32>
          %shift_right_arithmetic3A_697 = arith.shrsi %get3A_685, %shift_right_arithmetic3A_696 : vector<16xi32>
          %swap3A_698 = arith.constant 48 : index
          %swap3A_699 = tpu.vector_load %arg15[%swap3A_698] {strides = array<i32>} : memref<125xi32, #tpu.memory_space<vmem>>, vector<16xi32>,
          %swap3A_700 = vector.shape_cast %swap3A_699 : vector<16xi32> to vector<16xi32>
          %swap3A_701 = vector.shape_cast %shift_right_arithmetic3A_697 : vector<16xi32> to vector<16xi32>
          tpu.vector_store %arg15[%swap3A_698], %swap3A_701 {strides = array<i32>} : memref<125xi32, #tpu.memory_space<vmem>>, vector<16xi32>,
          %get3A_702 = arith.index_cast %sub3A_600 : i32 to index
          %get3A_703 = arith.constant 64 : index
          %get3A_704 = tpu.vector_load %arg9[%get3A_702, %get3A_703] {strides = array<i32>} : memref<8x125xi32, #tpu.memory_space<vmem>>, vector<1x16xi32>,
          %get3A_705 = vector.shape_cast %get3A_704 : vector<1x16xi32> to vector<16xi32>
          %and3A_706 = arith.constant 65535 : i32
          %and3A_707 = vector.broadcast %and3A_706 : i32 to vector<16xi32>
          %and3A_708 = arith.andi %get3A_705, %and3A_707 : vector<16xi32>
          %add3A_709 = vector.broadcast %mul3A_0 : i32 to vector<16xi32>
          %add3A_710 = arith.addi %and3A_708, %add3A_709 : vector<16xi32>
          %swap3A_711 = arith.constant 64 : index
          %swap3A_712 = tpu.vector_load %arg14[%swap3A_711] {strides = array<i32>} : memref<125xi32, #tpu.memory_space<vmem>>, vector<16xi32>,
          %swap3A_713 = vector.shape_cast %swap3A_712 : vector<16xi32> to vector<16xi32>
          %swap3A_714 = vector.shape_cast %add3A_710 : vector<16xi32> to vector<16xi32>
          tpu.vector_store %arg14[%swap3A_711], %swap3A_714 {strides = array<i32>} : memref<125xi32, #tpu.memory_space<vmem>>, vector<16xi32>,
          %shift_right_arithmetic3A_715 = arith.constant 16 : i32
          %shift_right_arithmetic3A_716 = vector.broadcast %shift_right_arithmetic3A_715 : i32 to vector<16xi32>
          %shift_right_arithmetic3A_717 = arith.shrsi %get3A_705, %shift_right_arithmetic3A_716 : vector<16xi32>
          %swap3A_718 = arith.constant 64 : index
          %swap3A_719 = tpu.vector_load %arg15[%swap3A_718] {strides = array<i32>} : memref<125xi32, #tpu.memory_space<vmem>>, vector<16xi32>,
          %swap3A_720 = vector.shape_cast %swap3A_719 : vector<16xi32> to vector<16xi32>
          %swap3A_721 = vector.shape_cast %shift_right_arithmetic3A_717 : vector<16xi32> to vector<16xi32>
          tpu.vector_store %arg15[%swap3A_718], %swap3A_721 {strides = array<i32>} : memref<125xi32, #tpu.memory_space<vmem>>, vector<16xi32>,
          %get3A_722 = arith.index_cast %sub3A_600 : i32 to index
          %get3A_723 = arith.constant 80 : index
          %get3A_724 = tpu.vector_load %arg9[%get3A_722, %get3A_723] {strides = array<i32>} : memref<8x125xi32, #tpu.memory_space<vmem>>, vector<1x16xi32>,
          %get3A_725 = vector.shape_cast %get3A_724 : vector<1x16xi32> to vector<16xi32>
          %and3A_726 = arith.constant 65535 : i32
          %and3A_727 = vector.broadcast %and3A_726 : i32 to vector<16xi32>
          %and3A_728 = arith.andi %get3A_725, %and3A_727 : vector<16xi32>
          %add3A_729 = vector.broadcast %mul3A_0 : i32 to vector<16xi32>
          %add3A_730 = arith.addi %and3A_728, %add3A_729 : vector<16xi32>
          %swap3A_731 = arith.constant 80 : index
          %swap3A_732 = tpu.vector_load %arg14[%swap3A_731] {strides = array<i32>} : memref<125xi32, #tpu.memory_space<vmem>>, vector<16xi32>,
          %swap3A_733 = vector.shape_cast %swap3A_732 : vector<16xi32> to vector<16xi32>
          %swap3A_734 = vector.shape_cast %add3A_730 : vector<16xi32> to vector<16xi32>
          tpu.vector_store %arg14[%swap3A_731], %swap3A_734 {strides = array<i32>} : memref<125xi32, #tpu.memory_space<vmem>>, vector<16xi32>,
          %shift_right_arithmetic3A_735 = arith.constant 16 : i32
          %shift_right_arithmetic3A_736 = vector.broadcast %shift_right_arithmetic3A_735 : i32 to vector<16xi32>
          %shift_right_arithmetic3A_737 = arith.shrsi %get3A_725, %shift_right_arithmetic3A_736 : vector<16xi32>
          %swap3A_738 = arith.constant 80 : index
          %swap3A_739 = tpu.vector_load %arg15[%swap3A_738] {strides = array<i32>} : memref<125xi32, #tpu.memory_space<vmem>>, vector<16xi32>,
          %swap3A_740 = vector.shape_cast %swap3A_739 : vector<16xi32> to vector<16xi32>
          %swap3A_741 = vector.shape_cast %shift_right_arithmetic3A_737 : vector<16xi32> to vector<16xi32>
          tpu.vector_store %arg15[%swap3A_738], %swap3A_741 {strides = array<i32>} : memref<125xi32, #tpu.memory_space<vmem>>, vector<16xi32>,
          %get3A_742 = arith.index_cast %sub3A_600 : i32 to index
          %get3A_743 = arith.constant 96 : index
          %get3A_744 = tpu.vector_load %arg9[%get3A_742, %get3A_743] {strides = array<i32>} : memref<8x125xi32, #tpu.memory_space<vmem>>, vector<1x16xi32>,
          %get3A_745 = vector.shape_cast %get3A_744 : vector<1x16xi32> to vector<16xi32>
          %and3A_746 = arith.constant 65535 : i32
          %and3A_747 = vector.broadcast %and3A_746 : i32 to vector<16xi32>
          %and3A_748 = arith.andi %get3A_745, %and3A_747 : vector<16xi32>
          %add3A_749 = vector.broadcast %mul3A_0 : i32 to vector<16xi32>
          %add3A_750 = arith.addi %and3A_748, %add3A_749 : vector<16xi32>
          %swap3A_751 = arith.constant 96 : index
          %swap3A_752 = tpu.vector_load %arg14[%swap3A_751] {strides = array<i32>} : memref<125xi32, #tpu.memory_space<vmem>>, vector<16xi32>,
          %swap3A_753 = vector.shape_cast %swap3A_752 : vector<16xi32> to vector<16xi32>
          %swap3A_754 = vector.shape_cast %add3A_750 : vector<16xi32> to vector<16xi32>
          tpu.vector_store %arg14[%swap3A_751], %swap3A_754 {strides = array<i32>} : memref<125xi32, #tpu.memory_space<vmem>>, vector<16xi32>,
          %shift_right_arithmetic3A_755 = arith.constant 16 : i32
          %shift_right_arithmetic3A_756 = vector.broadcast %shift_right_arithmetic3A_755 : i32 to vector<16xi32>
          %shift_right_arithmetic3A_757 = arith.shrsi %get3A_745, %shift_right_arithmetic3A_756 : vector<16xi32>
          %swap3A_758 = arith.constant 96 : index
          %swap3A_759 = tpu.vector_load %arg15[%swap3A_758] {strides = array<i32>} : memref<125xi32, #tpu.memory_space<vmem>>, vector<16xi32>,
          %swap3A_760 = vector.shape_cast %swap3A_759 : vector<16xi32> to vector<16xi32>
          %swap3A_761 = vector.shape_cast %shift_right_arithmetic3A_757 : vector<16xi32> to vector<16xi32>
          tpu.vector_store %arg15[%swap3A_758], %swap3A_761 {strides = array<i32>} : memref<125xi32, #tpu.memory_space<vmem>>, vector<16xi32>,
          %get3A_762 = arith.index_cast %sub3A_600 : i32 to index
          %get3A_763 = arith.constant 109 : index
          %get3A_764 = tpu.vector_load %arg9[%get3A_762, %get3A_763] {strides = array<i32>} : memref<8x125xi32, #tpu.memory_space<vmem>>, vector<1x16xi32>,
          %get3A_765 = vector.shape_cast %get3A_764 : vector<1x16xi32> to vector<16xi32>
          %and3A_766 = arith.constant 65535 : i32
          %and3A_767 = vector.broadcast %and3A_766 : i32 to vector<16xi32>
          %and3A_768 = arith.andi %get3A_765, %and3A_767 : vector<16xi32>
          %add3A_769 = vector.broadcast %mul3A_0 : i32 to vector<16xi32>
          %add3A_770 = arith.addi %and3A_768, %add3A_769 : vector<16xi32>
          %swap3A_771 = arith.constant 109 : index
          %swap3A_772 = tpu.vector_load %arg14[%swap3A_771] {strides = array<i32>} : memref<125xi32, #tpu.memory_space<vmem>>, vector<16xi32>,
          %swap3A_773 = vector.shape_cast %swap3A_772 : vector<16xi32> to vector<16xi32>
          %swap3A_774 = vector.shape_cast %add3A_770 : vector<16xi32> to vector<16xi32>
          tpu.vector_store %arg14[%swap3A_771], %swap3A_774 {strides = array<i32>} : memref<125xi32, #tpu.memory_space<vmem>>, vector<16xi32>,
          %shift_right_arithmetic3A_775 = arith.constant 16 : i32
          %shift_right_arithmetic3A_776 = vector.broadcast %shift_right_arithmetic3A_775 : i32 to vector<16xi32>
          %shift_right_arithmetic3A_777 = arith.shrsi %get3A_765, %shift_right_arithmetic3A_776 : vector<16xi32>
          %swap3A_778 = arith.constant 109 : index
          %swap3A_779 = tpu.vector_load %arg15[%swap3A_778] {strides = array<i32>} : memref<125xi32, #tpu.memory_space<vmem>>, vector<16xi32>,
          %swap3A_780 = vector.shape_cast %swap3A_779 : vector<16xi32> to vector<16xi32>
          %swap3A_781 = vector.shape_cast %shift_right_arithmetic3A_777 : vector<16xi32> to vector<16xi32>
          tpu.vector_store %arg15[%swap3A_778], %swap3A_781 {strides = array<i32>} : memref<125xi32, #tpu.memory_space<vmem>>, vector<16xi32>,
          %jit3A_782 = arith.constant 8 : i32
          %eq3A_783 = arith.constant 0 : i32
          %eq3A_784 = arith.cmpi eq, %jit3A_782, %eq3A_783 : i32
          %jit3A_785 = arith.constant 1 : i32
          %select_n3A_786 = arith.select %eq3A_784, %jit3A_785, %jit3A_782 : i32
          %rem3A_787 = arith.remsi %add3A_580, %select_n3A_786 : i32
          %ne3A_788 = arith.constant 0 : i32
          %ne3A_789 = arith.cmpi ne, %rem3A_787, %ne3A_788 : i32
          %lt3A_790 = arith.constant 0 : i32
          %lt3A_791 = arith.cmpi slt, %rem3A_787, %lt3A_790 : i32
          %lt3A_792 = arith.constant 0 : i32
          %lt3A_793 = arith.cmpi slt, %select_n3A_786, %lt3A_792 : i32
          %ne3A_794 = arith.xori %lt3A_791, %lt3A_793 : i1
          %and3A_795 = arith.andi %ne3A_794, %ne3A_789 : i1
          %add3A_796 = arith.addi %rem3A_787, %select_n3A_786 : i32
          %select_n3A_797 = arith.select %and3A_795, %add3A_796, %rem3A_787 : i32
          %eq3A_798 = arith.constant 7 : i32
          %eq3A_799 = arith.cmpi eq, %select_n3A_797, %eq3A_798 : i32
          %convert_element_type3A_800 = arith.extui %eq3A_799 : i1 to i32
          %cond3A_801 = arith.constant 0 : i32
          %cond3A_802 = arith.cmpi ne, %convert_element_type3A_800, %cond3A_801 : i32
          scf.if %cond3A_802 {
            %lt3A_806 = arith.constant 9 : i32
            %lt3A_807 = arith.cmpi slt, %select_n3A, %lt3A_806 : i32
            %convert_element_type3A_808 = arith.extui %lt3A_807 : i1 to i32
            %cond3A_809 = arith.constant 0 : i32
            %cond3A_810 = arith.cmpi ne, %convert_element_type3A_808, %cond3A_809 : i32
            scf.if %cond3A_810 {
              %add3A_811 = arith.constant 1 : i32
              %add3A_812 = arith.addi %select_n3A, %add3A_811 : i32
              %mul3A_813 = arith.constant 8 : i32
              %mul3A_814 = arith.muli %add3A_812, %mul3A_813 : i32
              %add3A_815 = arith.addi %mul3A_3, %mul3A_814 : i32
              %dma_start3A_816 = arith.constant 0 : i32
              %dma_start3A_817 = tpu.memref_slice %arg3[%add3A_815, %dma_start3A_816] : memref<1280x125xi32, #tpu.memory_space<hbm>> -> memref<8x125xi32, #tpu.memory_space<hbm>>
              %dma_start3A_818 = arith.constant 0 : i32
              %dma_start3A_819 = tpu.memref_slice %arg3[%add3A_815, %dma_start3A_818] : memref<1280x125xi32, #tpu.memory_space<hbm>> -> memref<8x125xi32, #tpu.memory_space<hbm>>
              tpu.enqueue_dma source(%dma_start3A_819 : memref<8x125xi32, #tpu.memory_space<hbm>>) target(%arg9 : memref<8x125xi32, #tpu.memory_space<vmem>>) target_semaphore(%arg19 : memref<!tpu.dma_semaphore, #tpu.memory_space<semaphore_mem>>)
            } else {
            }
          } else {
          }
          %dma_start3A_803 = arith.constant 0 : i32
          %dma_start3A_804 = arith.constant 0 : i32
          %dma_start3A_805 = tpu.memref_slice %arg2[%dma_start3A_803, %dma_start3A_804] : memref<20000x128xf32, #tpu.memory_space<hbm>> -> memref<20000x128xf32, #tpu.memory_space<hbm>>
          tpu.enqueue_indirect_dma source(%dma_start3A_805 : memref<20000x128xf32, #tpu.memory_space<hbm>>) target(%arg8 : memref<125x128xf32, #tpu.memory_space<vmem>>) offsets(%arg14 : memref<125xi32, #tpu.memory_space<vmem>>) semaphore(%arg18 : memref<!tpu.dma_semaphore, #tpu.memory_space<semaphore_mem>>)
        } else {
        }
      } else {
      }
    }
    %scan3A_532 = arith.constant 27 : i32
    %barrier3A_533 = arith.constant 0 : index
    tpu.barrier barrier_id(%barrier3A_533)
    %lt3A_534 = arith.constant 15 : i32
    %lt3A_535 = arith.cmpi slt, %arg1, %lt3A_534 : i32
    %convert_element_type3A_536 = arith.extui %lt3A_535 : i1 to i32
    %cond3A_537 = arith.constant 0 : i32
    %cond3A_538 = arith.cmpi ne, %convert_element_type3A_536, %cond3A_537 : i32
    scf.if %cond3A_538 {
      %add3A_544 = arith.addi %mul3A_0, %mul3A_9 : i32
      "tpu.region"() ({
        %run_scoped3A = tpu.sem_alloc : memref<!tpu.dma_semaphore, #tpu.memory_space<semaphore_mem>>
        %dma_start3A_545 = arith.constant 0 : i32
        %dma_start3A_546 = tpu.memref_slice %arg4[%add3A_544, %dma_start3A_545] : memref<20000x128xf32, #tpu.memory_space<hbm>> -> memref<624x128xf32, #tpu.memory_space<hbm>>
        %dma_start3A_547 = arith.constant 0 : i32
        %dma_start3A_548 = tpu.memref_slice %arg5[%mul3A_9, %dma_start3A_547] : memref<10000x128xf32, #tpu.memory_space<vmem_shared>> -> memref<624x128xf32, #tpu.memory_space<vmem_shared>>
        tpu.enqueue_dma source(%dma_start3A_548 : memref<624x128xf32, #tpu.memory_space<vmem_shared>>) target(%dma_start3A_546 : memref<624x128xf32, #tpu.memory_space<hbm>>) target_semaphore(%run_scoped3A : memref<!tpu.dma_semaphore, #tpu.memory_space<semaphore_mem>>)
        %dma_wait3A = arith.constant 0 : i32
        %dma_wait3A_549 = tpu.memref_slice %arg4[%add3A_544, %dma_wait3A] : memref<20000x128xf32, #tpu.memory_space<hbm>> -> memref<624x128xf32, #tpu.memory_space<hbm>>
        %dma_wait3A_550 = arith.constant 0 : i32
        %dma_wait3A_551 = tpu.memref_slice %arg5[%mul3A_9, %dma_wait3A_550] : memref<10000x128xf32, #tpu.memory_space<vmem_shared>> -> memref<624x128xf32, #tpu.memory_space<vmem_shared>>
        tpu.wait_dma2 semaphore(%run_scoped3A : memref<!tpu.dma_semaphore, #tpu.memory_space<semaphore_mem>>) src(%dma_wait3A_551 : memref<624x128xf32, #tpu.memory_space<vmem_shared>>) dst(%dma_wait3A_549 : memref<624x128xf32, #tpu.memory_space<hbm>>)
        tpu.yield
      }) : () -> ()
    } else {
    }
    %eq3A_539 = arith.constant 15 : i32
    %eq3A_540 = arith.cmpi eq, %arg1, %eq3A_539 : i32
    %convert_element_type3A_541 = arith.extui %eq3A_540 : i1 to i32
    %cond3A_542 = arith.constant 0 : i32
    %cond3A_543 = arith.cmpi ne, %convert_element_type3A_541, %cond3A_542 : i32
    scf.if %cond3A_543 {
      %add3A_544 = arith.addi %mul3A_0, %mul3A_9 : i32
      "tpu.region"() ({
        %run_scoped3A = tpu.sem_alloc : memref<!tpu.dma_semaphore, #tpu.memory_space<semaphore_mem>>
        %dma_start3A_545 = arith.constant 0 : i32
        %dma_start3A_546 = tpu.memref_slice %arg4[%add3A_544, %dma_start3A_545] : memref<20000x128xf32, #tpu.memory_space<hbm>> -> memref<640x128xf32, #tpu.memory_space<hbm>>
        %dma_start3A_547 = arith.constant 0 : i32
        %dma_start3A_548 = tpu.memref_slice %arg5[%mul3A_9, %dma_start3A_547] : memref<10000x128xf32, #tpu.memory_space<vmem_shared>> -> memref<640x128xf32, #tpu.memory_space<vmem_shared>>
        tpu.enqueue_dma source(%dma_start3A_548 : memref<640x128xf32, #tpu.memory_space<vmem_shared>>) target(%dma_start3A_546 : memref<640x128xf32, #tpu.memory_space<hbm>>) target_semaphore(%run_scoped3A : memref<!tpu.dma_semaphore, #tpu.memory_space<semaphore_mem>>)
        %dma_wait3A = arith.constant 0 : i32
        %dma_wait3A_549 = tpu.memref_slice %arg4[%add3A_544, %dma_wait3A] : memref<20000x128xf32, #tpu.memory_space<hbm>> -> memref<640x128xf32, #tpu.memory_space<hbm>>
        %dma_wait3A_550 = arith.constant 0 : i32
        %dma_wait3A_551 = tpu.memref_slice %arg5[%mul3A_9, %dma_wait3A_550] : memref<10000x128xf32, #tpu.memory_space<vmem_shared>> -> memref<640x128xf32, #tpu.memory_space<vmem_shared>>
        tpu.wait_dma2 semaphore(%run_scoped3A : memref<!tpu.dma_semaphore, #tpu.memory_space<semaphore_mem>>) src(%dma_wait3A_551 : memref<640x128xf32, #tpu.memory_space<vmem_shared>>) dst(%dma_wait3A_549 : memref<640x128xf32, #tpu.memory_space<hbm>>)
        tpu.yield
      }) : () -> ()
    } else {
    }
    return
  }
}

module attributes {stable_mosaic.version = 14 : i64} {
  func.func @body(%arg0: i32, %arg1: memref<1000x32xf32, #tpu.memory_space<vmem>>, %arg2: memref<1000x256xf32, #tpu.memory_space<vmem>>, %arg3: memref<2x1000x128xf32, #tpu.memory_space<vmem>>, %arg4: memref<1000x1xf32, #tpu.memory_space<vmem>>, %arg5: memref<1000x1xf32, #tpu.memory_space<vmem>>) attributes {dimension_semantics = [#tpu.dimension_semantics<arbitrary>], iteration_bounds = array<i64: 10>, scalar_prefetch = 0 : i64, scratch_operands = 0 : i64, tpu.core_type = #tpu.core_type<tc>, window_params = [{transform_indices = @transform_0, window_bounds = array<i64: 1000, 32>}, {transform_indices = @transform_1, window_bounds = array<i64: 1000, 256>}, {transform_indices = @transform_2, window_bounds = array<i64: 2, 1000, 128>}, {transform_indices = @transform_3, window_bounds = array<i64: 1000, 1>}, {transform_indices = @transform_4, window_bounds = array<i64: 1000, 1>}]} {
    %get3A = arith.constant 0 : index
    %get3A_0 = arith.constant 0 : index
    %get3A_1 = vector.load %arg1[%get3A, %get3A_0] : memref<1000x32xf32, #tpu.memory_space<vmem>>, vector<1000x32xf32>
    %slice3A = vector.extract_strided_slice %get3A_1 {offsets = [0, 0], sizes = [1000, 16], strides = [1, 1]} : vector<1000x32xf32> to vector<1000x16xf32>
    %reduce_sum3A = arith.constant dense<0.000000e+00> : vector<1000xf32>
    %reduce_sum3A_2 = vector.multi_reduction <add>, %slice3A, %reduce_sum3A [1] : vector<1000x16xf32> to vector<1000xf32>
    %max3A = arith.constant 1.000000e+00 : f32
    %max3A_3 = vector.broadcast %max3A : f32 to vector<1000xf32>
    %max3A_4 = arith.maximumf %reduce_sum3A_2, %max3A_3 : vector<1000xf32>
    %rsqrt3A = math.rsqrt %max3A_4 : vector<1000xf32>
    %slice3A_5 = vector.extract_strided_slice %get3A_1 {offsets = [0, 16], sizes = [1000, 16], strides = [1, 1]} : vector<1000x32xf32> to vector<1000x16xf32>
    %reduce_sum3A_6 = arith.constant dense<0.000000e+00> : vector<1000xf32>
    %reduce_sum3A_7 = vector.multi_reduction <add>, %slice3A_5, %reduce_sum3A_6 [1] : vector<1000x16xf32> to vector<1000xf32>
    %max3A_8 = arith.constant 1.000000e+00 : f32
    %max3A_9 = vector.broadcast %max3A_8 : f32 to vector<1000xf32>
    %max3A_10 = arith.maximumf %reduce_sum3A_7, %max3A_9 : vector<1000xf32>
    %rsqrt3A_11 = math.rsqrt %max3A_10 : vector<1000xf32>
    %broadcast_in_dim3A = vector.shape_cast %rsqrt3A : vector<1000xf32> to vector<1000x1xf32>
    %swap3A = arith.constant 0 : index
    %swap3A_12 = arith.constant 0 : index
    %swap3A_13 = vector.load %arg4[%swap3A, %swap3A_12] : memref<1000x1xf32, #tpu.memory_space<vmem>>, vector<1000x1xf32>
    tpu.vector_store %arg4[%swap3A, %swap3A_12], %broadcast_in_dim3A {strides = array<i32>} : memref<1000x1xf32, #tpu.memory_space<vmem>>, vector<1000x1xf32>,
    %broadcast_in_dim3A_14 = vector.shape_cast %rsqrt3A_11 : vector<1000xf32> to vector<1000x1xf32>
    %swap3A_15 = arith.constant 0 : index
    %swap3A_16 = arith.constant 0 : index
    %swap3A_17 = vector.load %arg5[%swap3A_15, %swap3A_16] : memref<1000x1xf32, #tpu.memory_space<vmem>>, vector<1000x1xf32>
    tpu.vector_store %arg5[%swap3A_15, %swap3A_16], %broadcast_in_dim3A_14 {strides = array<i32>} : memref<1000x1xf32, #tpu.memory_space<vmem>>, vector<1000x1xf32>,
    %get3A_18 = arith.constant 0 : index
    %get3A_19 = arith.constant 0 : index
    %get3A_20 = vector.load %arg2[%get3A_18, %get3A_19] : memref<1000x256xf32, #tpu.memory_space<vmem>>, vector<1000x256xf32>
    %broadcast_in_dim3A_21 = vector.shape_cast %rsqrt3A : vector<1000xf32> to vector<1000x1xf32>
    %mul3A = vector.broadcast %broadcast_in_dim3A_21 : vector<1000x1xf32> to vector<1000x256xf32>
    %mul3A_22 = arith.mulf %get3A_20, %mul3A : vector<1000x256xf32>
    %slice3A_23 = vector.extract_strided_slice %mul3A_22 {offsets = [0, 0], sizes = [1000, 128], strides = [1, 1]} : vector<1000x256xf32> to vector<1000x128xf32>
    %swap3A_24 = arith.constant 0 : index
    %swap3A_25 = arith.constant 0 : index
    %swap3A_26 = arith.constant 0 : index
    %swap3A_27 = vector.load %arg3[%swap3A_24, %swap3A_25, %swap3A_26] : memref<2x1000x128xf32, #tpu.memory_space<vmem>>, vector<1x1000x128xf32>
    %swap3A_28 = vector.shape_cast %swap3A_27 : vector<1x1000x128xf32> to vector<1000x128xf32>
    %swap3A_29 = vector.shape_cast %slice3A_23 : vector<1000x128xf32> to vector<1x1000x128xf32>
    tpu.vector_store %arg3[%swap3A_24, %swap3A_25, %swap3A_26], %swap3A_29 {strides = array<i32>} : memref<2x1000x128xf32, #tpu.memory_space<vmem>>, vector<1x1000x128xf32>,
    %slice3A_30 = vector.extract_strided_slice %mul3A_22 {offsets = [0, 128], sizes = [1000, 128], strides = [1, 1]} : vector<1000x256xf32> to vector<1000x128xf32>
    %swap3A_31 = arith.constant 1 : index
    %swap3A_32 = arith.constant 0 : index
    %swap3A_33 = arith.constant 0 : index
    %swap3A_34 = vector.load %arg3[%swap3A_31, %swap3A_32, %swap3A_33] : memref<2x1000x128xf32, #tpu.memory_space<vmem>>, vector<1x1000x128xf32>
    %swap3A_35 = vector.shape_cast %swap3A_34 : vector<1x1000x128xf32> to vector<1000x128xf32>
    %swap3A_36 = vector.shape_cast %slice3A_30 : vector<1000x128xf32> to vector<1x1000x128xf32>
    tpu.vector_store %arg3[%swap3A_31, %swap3A_32, %swap3A_33], %swap3A_36 {strides = array<i32>} : memref<2x1000x128xf32, #tpu.memory_space<vmem>>, vector<1x1000x128xf32>,
    return
  }
  func.func @transform_0(%arg0: i32) -> (i32, i32) {
    %c0_i32 = arith.constant 0 : i32
    %c0_i32_0 = arith.constant 0 : i32
    return %arg0, %c0_i32 : i32, i32
  }
  func.func @transform_1(%arg0: i32) -> (i32, i32) {
    %c0_i32 = arith.constant 0 : i32
    %c0_i32_0 = arith.constant 0 : i32
    return %arg0, %c0_i32 : i32, i32
  }
  func.func @transform_2(%arg0: i32) -> (i32, i32, i32) {
    %c0_i32 = arith.constant 0 : i32
    %c0_i32_0 = arith.constant 0 : i32
    %c0_i32_1 = arith.constant 0 : i32
    return %c0_i32, %arg0, %c0_i32_0 : i32, i32, i32
  }
  func.func @transform_3(%arg0: i32) -> (i32, i32) {
    %c0_i32 = arith.constant 0 : i32
    %c0_i32_0 = arith.constant 0 : i32
    return %arg0, %c0_i32 : i32, i32
  }
  func.func @transform_4(%arg0: i32) -> (i32, i32) {
    %c0_i32 = arith.constant 0 : i32
    %c0_i32_0 = arith.constant 0 : i32
    return %arg0, %c0_i32 : i32, i32
  }
}

module attributes {stable_mosaic.version = 14 : i64} {
  func.func @body(%arg0: i32, %arg1: memref<2x1000x128xf32, #tpu.memory_space<vmem>>, %arg2: memref<1000x1xf32, #tpu.memory_space<vmem>>, %arg3: memref<1000x1xf32, #tpu.memory_space<vmem>>, %arg4: memref<256x256xf32, #tpu.memory_space<vmem>>, %arg5: memref<1x256xf32, #tpu.memory_space<vmem>>, %arg6: memref<2x1000x128xf32, #tpu.memory_space<vmem>>) attributes {dimension_semantics = [#tpu.dimension_semantics<arbitrary>], iteration_bounds = array<i64: 10>, scalar_prefetch = 0 : i64, scratch_operands = 0 : i64, tpu.core_type = #tpu.core_type<tc>, window_params = [{transform_indices = @transform_0, window_bounds = array<i64: 2, 1000, 128>}, {transform_indices = @transform_1, window_bounds = array<i64: 1000, 1>}, {transform_indices = @transform_2, window_bounds = array<i64: 1000, 1>}, {pipeline_mode = #tpu.pipeline_mode<synchronous>, transform_indices = @transform_3, window_bounds = array<i64: 256, 256>}, {pipeline_mode = #tpu.pipeline_mode<synchronous>, transform_indices = @transform_4, window_bounds = array<i64: 1, 256>}, {transform_indices = @transform_5, window_bounds = array<i64: 2, 1000, 128>}]} {
    %get3A = arith.constant 0 : index
    %get3A_0 = arith.constant 0 : index
    %get3A_1 = arith.constant 0 : index
    %get3A_2 = vector.load %arg1[%get3A, %get3A_0, %get3A_1] : memref<2x1000x128xf32, #tpu.memory_space<vmem>>, vector<1x1000x128xf32>
    %get3A_3 = vector.shape_cast %get3A_2 : vector<1x1000x128xf32> to vector<1000x128xf32>
    %get3A_4 = arith.constant 1 : index
    %get3A_5 = arith.constant 0 : index
    %get3A_6 = arith.constant 0 : index
    %get3A_7 = vector.load %arg1[%get3A_4, %get3A_5, %get3A_6] : memref<2x1000x128xf32, #tpu.memory_space<vmem>>, vector<1x1000x128xf32>
    %get3A_8 = vector.shape_cast %get3A_7 : vector<1x1000x128xf32> to vector<1000x128xf32>
    %concatenate3A = tpu.concatenate %get3A_3, %get3A_8 in 1 : vector<1000x128xf32>, vector<1000x128xf32> -> vector<1000x256xf32>
    %get3A_9 = arith.constant 0 : index
    %get3A_10 = arith.constant 0 : index
    %get3A_11 = vector.load %arg2[%get3A_9, %get3A_10] : memref<1000x1xf32, #tpu.memory_space<vmem>>, vector<1000x1xf32>
    %mul3A = vector.broadcast %get3A_11 : vector<1000x1xf32> to vector<1000x256xf32>
    %mul3A_12 = arith.mulf %concatenate3A, %mul3A : vector<1000x256xf32>
    %get3A_13 = arith.constant 0 : index
    %get3A_14 = arith.constant 0 : index
    %get3A_15 = vector.load %arg4[%get3A_13, %get3A_14] : memref<256x256xf32, #tpu.memory_space<vmem>>, vector<256x256xf32>
    %dot_general3A = arith.constant dense<0.000000e+00> : vector<1000x256xf32>
    %dot_general3A_16 = tpu.matmul %mul3A_12, %get3A_15, %dot_general3A {dimension_numbers = #tpu.dot_dimension_numbers<[1], [0], [0], [1], [0, 0, 1, 1], [], []>, transpose_lhs_hint = false} : vector<1000x256xf32>, vector<256x256xf32>, vector<1000x256xf32> -> vector<1000x256xf32>
    %get3A_17 = arith.constant 0 : index
    %get3A_18 = arith.constant 0 : index
    %get3A_19 = vector.load %arg5[%get3A_17, %get3A_18] : memref<1x256xf32, #tpu.memory_space<vmem>>, vector<1x256xf32>
    %add3A = vector.broadcast %get3A_19 : vector<1x256xf32> to vector<1000x256xf32>
    %add3A_20 = arith.addf %dot_general3A_16, %add3A : vector<1000x256xf32>
    %max3A = arith.constant 0.000000e+00 : f32
    %max3A_21 = vector.broadcast %max3A : f32 to vector<1000x256xf32>
    %max3A_22 = arith.maximumf %add3A_20, %max3A_21 : vector<1000x256xf32>
    %get3A_23 = arith.constant 0 : index
    %get3A_24 = arith.constant 0 : index
    %get3A_25 = vector.load %arg3[%get3A_23, %get3A_24] : memref<1000x1xf32, #tpu.memory_space<vmem>>, vector<1000x1xf32>
    %mul3A_26 = vector.broadcast %get3A_25 : vector<1000x1xf32> to vector<1000x256xf32>
    %mul3A_27 = arith.mulf %max3A_22, %mul3A_26 : vector<1000x256xf32>
    %slice3A = vector.extract_strided_slice %mul3A_27 {offsets = [0, 0], sizes = [1000, 128], strides = [1, 1]} : vector<1000x256xf32> to vector<1000x128xf32>
    %swap3A = arith.constant 0 : index
    %swap3A_28 = arith.constant 0 : index
    %swap3A_29 = arith.constant 0 : index
    %swap3A_30 = vector.load %arg6[%swap3A, %swap3A_28, %swap3A_29] : memref<2x1000x128xf32, #tpu.memory_space<vmem>>, vector<1x1000x128xf32>
    %swap3A_31 = vector.shape_cast %swap3A_30 : vector<1x1000x128xf32> to vector<1000x128xf32>
    %swap3A_32 = vector.shape_cast %slice3A : vector<1000x128xf32> to vector<1x1000x128xf32>
    tpu.vector_store %arg6[%swap3A, %swap3A_28, %swap3A_29], %swap3A_32 {strides = array<i32>} : memref<2x1000x128xf32, #tpu.memory_space<vmem>>, vector<1x1000x128xf32>,
    %slice3A_33 = vector.extract_strided_slice %mul3A_27 {offsets = [0, 128], sizes = [1000, 128], strides = [1, 1]} : vector<1000x256xf32> to vector<1000x128xf32>
    %swap3A_34 = arith.constant 1 : index
    %swap3A_35 = arith.constant 0 : index
    %swap3A_36 = arith.constant 0 : index
    %swap3A_37 = vector.load %arg6[%swap3A_34, %swap3A_35, %swap3A_36] : memref<2x1000x128xf32, #tpu.memory_space<vmem>>, vector<1x1000x128xf32>
    %swap3A_38 = vector.shape_cast %swap3A_37 : vector<1x1000x128xf32> to vector<1000x128xf32>
    %swap3A_39 = vector.shape_cast %slice3A_33 : vector<1000x128xf32> to vector<1x1000x128xf32>
    tpu.vector_store %arg6[%swap3A_34, %swap3A_35, %swap3A_36], %swap3A_39 {strides = array<i32>} : memref<2x1000x128xf32, #tpu.memory_space<vmem>>, vector<1x1000x128xf32>,
    return
  }
  func.func @transform_0(%arg0: i32) -> (i32, i32, i32) {
    %c0_i32 = arith.constant 0 : i32
    %c0_i32_0 = arith.constant 0 : i32
    %c0_i32_1 = arith.constant 0 : i32
    return %c0_i32, %arg0, %c0_i32_0 : i32, i32, i32
  }
  func.func @transform_1(%arg0: i32) -> (i32, i32) {
    %c0_i32 = arith.constant 0 : i32
    %c0_i32_0 = arith.constant 0 : i32
    return %arg0, %c0_i32 : i32, i32
  }
  func.func @transform_2(%arg0: i32) -> (i32, i32) {
    %c0_i32 = arith.constant 0 : i32
    %c0_i32_0 = arith.constant 0 : i32
    return %arg0, %c0_i32 : i32, i32
  }
  func.func @transform_3(%arg0: i32) -> (i32, i32) {
    %c0_i32 = arith.constant 0 : i32
    %c0_i32_0 = arith.constant 0 : i32
    %c0_i32_1 = arith.constant 0 : i32
    return %c0_i32, %c0_i32_0 : i32, i32
  }
  func.func @transform_4(%arg0: i32) -> (i32, i32) {
    %c0_i32 = arith.constant 0 : i32
    %c0_i32_0 = arith.constant 0 : i32
    %c0_i32_1 = arith.constant 0 : i32
    return %c0_i32, %c0_i32_0 : i32, i32
  }
  func.func @transform_5(%arg0: i32) -> (i32, i32, i32) {
    %c0_i32 = arith.constant 0 : i32
    %c0_i32_0 = arith.constant 0 : i32
    %c0_i32_1 = arith.constant 0 : i32
    return %c0_i32, %arg0, %c0_i32_0 : i32, i32, i32
  }
}

module attributes {stable_mosaic.version = 14 : i64} {
  func.func @body(%arg0: i32, %arg1: memref<2x1000x128xf32, #tpu.memory_space<vmem>>, %arg2: memref<1000x1xf32, #tpu.memory_space<vmem>>, %arg3: memref<256x128xf32, #tpu.memory_space<vmem>>, %arg4: memref<1x128xf32, #tpu.memory_space<vmem>>, %arg5: memref<256x128xf32, #tpu.memory_space<vmem>>, %arg6: memref<1x128xf32, #tpu.memory_space<vmem>>, %arg7: memref<1000x128xf32, #tpu.memory_space<vmem>>, %arg8: memref<1000x128xf32, #tpu.memory_space<vmem>>) attributes {dimension_semantics = [#tpu.dimension_semantics<arbitrary>], iteration_bounds = array<i64: 10>, scalar_prefetch = 0 : i64, scratch_operands = 0 : i64, tpu.core_type = #tpu.core_type<tc>, window_params = [{transform_indices = @transform_0, window_bounds = array<i64: 2, 1000, 128>}, {transform_indices = @transform_1, window_bounds = array<i64: 1000, 1>}, {pipeline_mode = #tpu.pipeline_mode<synchronous>, transform_indices = @transform_2, window_bounds = array<i64: 256, 128>}, {pipeline_mode = #tpu.pipeline_mode<synchronous>, transform_indices = @transform_3, window_bounds = array<i64: 1, 128>}, {pipeline_mode = #tpu.pipeline_mode<synchronous>, transform_indices = @transform_4, window_bounds = array<i64: 256, 128>}, {pipeline_mode = #tpu.pipeline_mode<synchronous>, transform_indices = @transform_5, window_bounds = array<i64: 1, 128>}, {transform_indices = @transform_6, window_bounds = array<i64: 1000, 128>}, {transform_indices = @transform_7, window_bounds = array<i64: 1000, 128>}]} {
    %get3A = arith.constant 0 : index
    %get3A_0 = arith.constant 0 : index
    %get3A_1 = arith.constant 0 : index
    %get3A_2 = vector.load %arg1[%get3A, %get3A_0, %get3A_1] : memref<2x1000x128xf32, #tpu.memory_space<vmem>>, vector<1x1000x128xf32>
    %get3A_3 = vector.shape_cast %get3A_2 : vector<1x1000x128xf32> to vector<1000x128xf32>
    %get3A_4 = arith.constant 1 : index
    %get3A_5 = arith.constant 0 : index
    %get3A_6 = arith.constant 0 : index
    %get3A_7 = vector.load %arg1[%get3A_4, %get3A_5, %get3A_6] : memref<2x1000x128xf32, #tpu.memory_space<vmem>>, vector<1x1000x128xf32>
    %get3A_8 = vector.shape_cast %get3A_7 : vector<1x1000x128xf32> to vector<1000x128xf32>
    %concatenate3A = tpu.concatenate %get3A_3, %get3A_8 in 1 : vector<1000x128xf32>, vector<1000x128xf32> -> vector<1000x256xf32>
    %get3A_9 = arith.constant 0 : index
    %get3A_10 = arith.constant 0 : index
    %get3A_11 = vector.load %arg2[%get3A_9, %get3A_10] : memref<1000x1xf32, #tpu.memory_space<vmem>>, vector<1000x1xf32>
    %mul3A = vector.broadcast %get3A_11 : vector<1000x1xf32> to vector<1000x256xf32>
    %mul3A_12 = arith.mulf %concatenate3A, %mul3A : vector<1000x256xf32>
    %get3A_13 = arith.constant 0 : index
    %get3A_14 = arith.constant 0 : index
    %get3A_15 = vector.load %arg3[%get3A_13, %get3A_14] : memref<256x128xf32, #tpu.memory_space<vmem>>, vector<256x128xf32>
    %dot_general3A = arith.constant dense<0.000000e+00> : vector<1000x128xf32>
    %dot_general3A_16 = tpu.matmul %mul3A_12, %get3A_15, %dot_general3A {dimension_numbers = #tpu.dot_dimension_numbers<[1], [0], [0], [1], [0, 0, 1, 1], [], []>, transpose_lhs_hint = false} : vector<1000x256xf32>, vector<256x128xf32>, vector<1000x128xf32> -> vector<1000x128xf32>
    %get3A_17 = arith.constant 0 : index
    %get3A_18 = arith.constant 0 : index
    %get3A_19 = vector.load %arg4[%get3A_17, %get3A_18] : memref<1x128xf32, #tpu.memory_space<vmem>>, vector<1x128xf32>
    %add3A = vector.broadcast %get3A_19 : vector<1x128xf32> to vector<1000x128xf32>
    %add3A_20 = arith.addf %dot_general3A_16, %add3A : vector<1000x128xf32>
    %get3A_21 = arith.constant 0 : index
    %get3A_22 = arith.constant 0 : index
    %get3A_23 = vector.load %arg5[%get3A_21, %get3A_22] : memref<256x128xf32, #tpu.memory_space<vmem>>, vector<256x128xf32>
    %dot_general3A_24 = arith.constant dense<0.000000e+00> : vector<1000x128xf32>
    %dot_general3A_25 = tpu.matmul %mul3A_12, %get3A_23, %dot_general3A_24 {dimension_numbers = #tpu.dot_dimension_numbers<[1], [0], [0], [1], [0, 0, 1, 1], [], []>, transpose_lhs_hint = false} : vector<1000x256xf32>, vector<256x128xf32>, vector<1000x128xf32> -> vector<1000x128xf32>
    %get3A_26 = arith.constant 0 : index
    %get3A_27 = arith.constant 0 : index
    %get3A_28 = vector.load %arg6[%get3A_26, %get3A_27] : memref<1x128xf32, #tpu.memory_space<vmem>>, vector<1x128xf32>
    %add3A_29 = vector.broadcast %get3A_28 : vector<1x128xf32> to vector<1000x128xf32>
    %add3A_30 = arith.addf %dot_general3A_25, %add3A_29 : vector<1000x128xf32>
    %get3A_31 = arith.constant 0 : index
    %get3A_32 = arith.constant 0 : index
    %get3A_33 = vector.load %arg7[%get3A_31, %get3A_32] : memref<1000x128xf32, #tpu.memory_space<vmem>>, vector<1000x128xf32>
    %exp3A = math.exp %add3A_30 : vector<1000x128xf32>
    %mul3A_34 = arith.mulf %get3A_33, %exp3A : vector<1000x128xf32>
    %add3A_35 = arith.addf %add3A_20, %mul3A_34 : vector<1000x128xf32>
    %swap3A = arith.constant 0 : index
    %swap3A_36 = arith.constant 0 : index
    %swap3A_37 = vector.load %arg8[%swap3A, %swap3A_36] : memref<1000x128xf32, #tpu.memory_space<vmem>>, vector<1000x128xf32>
    tpu.vector_store %arg8[%swap3A, %swap3A_36], %add3A_35 {strides = array<i32>} : memref<1000x128xf32, #tpu.memory_space<vmem>>, vector<1000x128xf32>,
    return
  }
  func.func @transform_0(%arg0: i32) -> (i32, i32, i32) {
    %c0_i32 = arith.constant 0 : i32
    %c0_i32_0 = arith.constant 0 : i32
    %c0_i32_1 = arith.constant 0 : i32
    return %c0_i32, %arg0, %c0_i32_0 : i32, i32, i32
  }
  func.func @transform_1(%arg0: i32) -> (i32, i32) {
    %c0_i32 = arith.constant 0 : i32
    %c0_i32_0 = arith.constant 0 : i32
    return %arg0, %c0_i32 : i32, i32
  }
  func.func @transform_2(%arg0: i32) -> (i32, i32) {
    %c0_i32 = arith.constant 0 : i32
    %c0_i32_0 = arith.constant 0 : i32
    %c0_i32_1 = arith.constant 0 : i32
    return %c0_i32, %c0_i32_0 : i32, i32
  }
  func.func @transform_3(%arg0: i32) -> (i32, i32) {
    %c0_i32 = arith.constant 0 : i32
    %c0_i32_0 = arith.constant 0 : i32
    %c0_i32_1 = arith.constant 0 : i32
    return %c0_i32, %c0_i32_0 : i32, i32
  }
  func.func @transform_4(%arg0: i32) -> (i32, i32) {
    %c0_i32 = arith.constant 0 : i32
    %c0_i32_0 = arith.constant 0 : i32
    %c0_i32_1 = arith.constant 0 : i32
    return %c0_i32, %c0_i32_0 : i32, i32
  }
  func.func @transform_5(%arg0: i32) -> (i32, i32) {
    %c0_i32 = arith.constant 0 : i32
    %c0_i32_0 = arith.constant 0 : i32
    %c0_i32_1 = arith.constant 0 : i32
    return %c0_i32, %c0_i32_0 : i32, i32
  }
  func.func @transform_6(%arg0: i32) -> (i32, i32) {
    %c0_i32 = arith.constant 0 : i32
    %c0_i32_0 = arith.constant 0 : i32
    return %arg0, %c0_i32 : i32, i32
  }
  func.func @transform_7(%arg0: i32) -> (i32, i32) {
    %c0_i32 = arith.constant 0 : i32
    %c0_i32_0 = arith.constant 0 : i32
    return %arg0, %c0_i32 : i32, i32
  }
}

</mosaic_0001>

<sc_bundles>
// kernel: kernel.11.cloned.1.call-start
scs
__scs_entry_jumppad:
0x0: {  	(pc) =	sbr.rel $0x88, $3  }
0x1: {  	(tag) =	ssettag $0x0;
	lr =	simm.s32 $0x1  }
0x2: {  	[smem:$0x3F98] =	sst lr;
	_ =	strace $0xD0000000  }
0x3: {  	_ = 	snop  }
0x4: {  	_ = 	snop  }
0x5: {  	_ = 	snop  }
0x6: {  	_ = 	snop  }
0x7: {  	_ = 	snop  }
__scs_overlays_trampoline_lowered:
0x8: {  	[smem:$0x3FA7] =	sst s0  }
0x9: {  	[smem:$0x3FA8] =	sst s1  }
0xa: {  	[smem:$0x3FA9] =	sst s2  }
0xb: {  	[smem:$0x3FAA] =	sst s3  }
0xc: {  	[smem:$0x3FAB] =	sst s4  }
0xd: {  	[smem:$0x3FAC] =	sst s5  }
0xe: {  	[smem:$0x3FAD] =	sst s6  }
0xf: {  	[smem:$0x3FAE] =	sst s7  }
0x10: {  	[smem:$0x3FAF] =	sst s8  }
0x11: {  	[smem:$0x3FB0] =	sst s9;
	s0 =	simm.s32 @!p0 $0x0  }
0x12: {  	s1 =	sld [smem:$0x3F96];
	s0 =	simm.s32 @p0 $0x1  }
0x13: {  	[smem:$0x3FB1] =	sst s0;
	s0 =	simm.s32 @!p1 $0x0  }
0x14: {  	s2 =	sld [smem:$0x3F95];
	s0 =	simm.s32 @p1 $0x1  }
0x15: {  	[smem:$0x3FB2] =	sst s0;
	s0 =	simm.s32 @!p2 $0x0  }
0x16: {  	s3 =	sld [smem:$0x3FDB];
	s0 =	simm.s32 @p2 $0x1  }
0x17: {  	s4 =	simm.s32 $0x1BF5;
	[smem:$0x3FB4] =	sst s0  }
0x18: {  	s0 =	sld [smem:$0x3F97];
	_ =	swait.ge [sflag:s4], $0x0  }
0x19: {  	s7 =	sld [smem:$0x3F98]  }
0x1a: {  	s8 =	sadd.s32 $0xFFFFE003, lr  }
0x1b: {  	s9 =	sadd.s32 $0xFFFFFEF7, lr;
	s5 =	simm.s32 $0xFFFFFFFF;
	p2 =	slt.u32 s8, $0xFFFFF086  }
0x1c: {  	p1 =	slt.u32 s9, $0xF7A;
	s5 =	simm.s32 @!p2 $0x0  }
0x1d: {  	s5 =	simm.s32 @p1 $0x1;
	p0 =	seq.s32 s7, s2  }
0x1e: {  	s7 =	smul.u32 @!p0 $0xF7A, s2;
	p2 =	seq.s32 @!p0 s5, $0x0  }
0x1f: {  	s9 =	smul.u32 $0xF7A, s1;
	s8 =	simm.s32 @!p0 $0x1BF5;
	p2 =	por !p2, p0  }
0x20: {  	[sflag:s8] =	ssyncset.s32 @!p0 $0xFFFFF086;
	s6 =	sadd.s32 @!p0 s3, s7;
	s7 =	simm.s32 @!p0 $0x108  }
0x21: {  	s3 =	sadd.s32 s3, s9;
	s6 =	sadd.s32 @!p0 $0x88, s6;
	s7 =	simm.s32 @p2 $0x1082  }
0x22: {  	[simem:s7], [sflag:s8] =	dma.local @!p0 [hbm:s6], $0xF7A  }
0x23: {  	s9 =	sor.u32 $0xD0000000, s2;
	s6 =	simm.s32 $0x108;
	_ =	swait.ge @!p0 [sflag:s8], $0x0  }
0x24: {  	s3 =	sadd.s32 $0x88, s3;
	s6 =	simm.s32 @!p1 $0x1082;
	[sflag:s4] =	ssyncset.s32 $0xFFFFF086  }
0x25: {  	[simem:s6], [sflag:s4] =	dma.local [hbm:s3], $0xF7A  }
0x26: {  	[smem:$0x3F98] =	sst s1;
	(tag) =	ssettag s2;
	_ =	strace s9  }
0x27: {  	s1 =	sld [smem:$0x3FA8]  }
0x28: {  	s2 =	sld [smem:$0x3FA9]  }
0x29: {  	s4 =	sld [smem:$0x3FAB]  }
0x2a: {  	p0 =	seq.s32 s5, $0x0;
	s5 =	sld [smem:$0x3FAC]  }
0x2b: {  	s6 =	sld [smem:$0x3FAD]  }
0x2c: {  	s7 =	sld [smem:$0x3FAE]  }
0x2d: {  	s3 =	simm.s32 $0x108;
	s8 =	sld [smem:$0x3FAF]  }
0x2e: {  	s3 =	simm.s32 @!p0 $0x1082;
	s9 =	sld [smem:$0x3FB0]  }
0x2f: {  	lr =	sadd.s32 s0, s3;
	s0 =	sld [smem:$0x3FA7]  }
0x30: {  	s3 =	sld [smem:$0x3FAA]  }
0x31: {  	[smem:$0x3FB3] =	sst s10  }
0x32: {  	s10 =	sld [smem:$0x3FB1];
	_ =	sdelay $0x3  }
0x33: {  	p0 =	seq.s32 s10, $0x1;
	s10 =	sld [smem:$0x3FB3];
	_ =	sdelay $0x3  }
0x34: {  	[smem:$0x3FB3] =	sst s10  }
0x35: {  	s10 =	sld [smem:$0x3FB2];
	_ =	sdelay $0x3  }
0x36: {  	p1 =	seq.s32 s10, $0x1;
	s10 =	sld [smem:$0x3FB3];
	_ =	sdelay $0x3  }
0x37: {  	[smem:$0x3FB3] =	sst s10  }
0x38: {  	s10 =	sld [smem:$0x3FB4]  }
0x39: {  	_ = 	snop;
	(pc) =	sbr.ind lr, $3  }
0x3a: {  	_ = 	snop  }
0x3b: {  	_ = 	snop  }
0x3c: {  	p2 =	seq.s32 s10, $0x1;
	s10 =	sld [smem:$0x3FB3]  }
0x3d: {  	_ =	shalt  }
0x3e: {  	_ =	shalt  }
0x3f: {  	_ =	shalt  }
0x40: {  	_ =	shalt  }
0x41: {  	_ =	shalt  }
0x42: {  	_ =	shalt  }
0x43: {  	_ =	shalt  }
0x44: {  	_ =	shalt  }
0x45: {  	_ =	shalt  }
0x46: {  	_ =	shalt  }
0x47: {  	_ =	shalt  }
0x48: {  	_ =	shalt  }
0x49: {  	_ =	shalt  }
0x4a: {  	_ =	shalt  }
0x4b: {  	_ =	shalt  }
0x4c: {  	_ =	shalt  }
0x4d: {  	_ =	shalt  }
0x4e: {  	_ =	shalt  }
0x4f: {  	_ =	shalt  }
0x50: {  	_ =	shalt  }
0x51: {  	_ =	shalt  }
0x52: {  	_ =	shalt  }
0x53: {  	_ =	shalt  }
0x54: {  	_ =	shalt  }
0x55: {  	_ =	shalt  }
0x56: {  	_ =	shalt  }
0x57: {  	_ =	shalt  }
0x58: {  	_ =	shalt  }
0x59: {  	_ =	shalt  }
0x5a: {  	_ =	shalt  }
0x5b: {  	_ =	shalt  }
0x5c: {  	_ =	shalt  }
0x5d: {  	_ =	shalt  }
0x5e: {  	_ =	shalt  }
0x5f: {  	_ =	shalt  }
0x60: {  	_ =	shalt  }
0x61: {  	_ =	shalt  }
0x62: {  	_ =	shalt  }
0x63: {  	_ =	shalt  }
0x64: {  	_ =	shalt  }
0x65: {  	_ =	shalt  }
0x66: {  	_ =	shalt  }
0x67: {  	_ =	shalt  }
0x68: {  	_ =	shalt  }
0x69: {  	_ =	shalt  }
0x6a: {  	_ =	shalt  }
0x6b: {  	_ =	shalt  }
0x6c: {  	_ =	shalt  }
0x6d: {  	_ =	shalt  }
0x6e: {  	_ =	shalt  }
0x6f: {  	_ =	shalt  }
0x70: {  	_ =	shalt  }
0x71: {  	_ =	shalt  }
0x72: {  	_ =	shalt  }
0x73: {  	_ =	shalt  }
0x74: {  	_ =	shalt  }
0x75: {  	_ =	shalt  }
0x76: {  	_ =	shalt  }
0x77: {  	_ =	shalt  }
0x78: {  	_ =	shalt  }
0x79: {  	_ =	shalt  }
0x7a: {  	_ =	shalt  }
0x7b: {  	_ =	shalt  }
0x7c: {  	_ =	shalt  }
0x7d: {  	_ =	shalt  }
0x7e: {  	_ =	shalt  }
0x7f: {  	_ =	shalt  }
0x80: {  	_ =	shalt  }
0x81: {  	_ =	shalt  }
0x82: {  	_ =	shalt  }
0x83: {  	_ =	shalt  }
0x84: {  	_ =	shalt  }
0x85: {  	_ =	shalt  }
0x86: {  	_ =	shalt  }
0x87: {  	_ =	shalt  }
.Lfunc_end0:
.L_simem_size_0:
called_computation.1_lowered:
.L_overlay_start_0:
0x88: {  	s2 =	sld [smem:$0x3FD9]  }
0x89: {  	s3 =	sld [smem:$0x3FFE];
	_ =	sdelay $0x1  }
0x8a: {  	s1 =	srdreg.scid  }
0x8b: {  	s0 =	sand.u32 $0x1, s1  }
0x8c: {  	s16 =	sshll.u32 s0, $0xA;
	s2 =	sadd.s32 s3, s2  }
0x8d: {  	s2 =	sadd.s32 s2, s16  }
0x8e: {  	[smem:$0x3FBF] =	sst s2  }
0x8f: {  	_ = 	snop  }
0x90: {  	(tm) =	ssettm $0x1  }
0x91: {  	s17 =	sld [smem:$0x3FFB];
	_ =	sdelay $0x3  }
0x92: {  	_ =	strace s17  }
0x93: {  	s2 =	sld [smem:$0x3FFC];
	_ =	sdelay $0x3  }
0x94: {  	_ =	strace s2  }
0x95: {  	s2 =	sld [smem:$0x3FFD];
	_ =	sdelay $0x3  }
0x96: {  	_ =	strace s2  }
0x97: {  	_ =	strace $0x8FFFFFFF  }
0x98: {  	s18 =	sld [smem:$0x3FDB];
	_ =	sdelay $0x1  }
0x99: {  	s19 =	simm.s32 $_scs_section_size  }
0x9a: {  	s4 =	simm.s32 $_size__tile_overlayer_lowered;
	s5 =	simm.s32 $_tile_overlayer_lowered  }
0x9b: {  	s22 =	simm.s32 $0x1BFF;
	s21 =	sshll.u32 s5, $0x1;
	s2 =	sadd.s32 s19, s18  }
0x9c: {  	s6 =	simm.s32 $0x0;
	s20 =	sshll.u32 s4, $0x1;
	s4 =	sadd.s32 s21, s2  }
0x9d: {  	[timem:s6], [sflag:s22] =	dma.local [hbm:s4], s20  }
0x9e: {  	_ =	swait.ge [sflag:s22], s20  }
0x9f: {  	s3 =	ssub.s32 $0x0, s20;
	[sflag:s22] =	ssyncset.done $0x0  }
0xa0: {  	[sflag:s22] =	ssyncadd.s32 s3;
	_ =	sdelay $0x1  }
0xa1: {  	s23 =	simm.s32 $0x1B8B  }
0xa2: {  	_ =	swait.ge [sflag:s23], $0x1  }
0xa3: {  	[sflag:s23] =	ssyncset.done $0x0  }
0xa4: {  	s25 =	simm.s32 $0x1B8E;
	s24 =	sld [smem:$0x3FFE];
	[sflag:s23] =	ssyncadd.s32 $0xFFFFFFFF  }
0xa5: {  	s26 =	simm.s32 $execute0_lowered;
	[smem:$0x3FD2] =	sst s25  }
0xa6: {  	s4 =	sshll.u32 s26, $0x1;
	_ =	strace $0x80000049;
	[dreg:$0x1] =	wrdreg $0xFFFFFFFF  }
0xa7: {  	s28 =	simm.s32 $_size_execute0_lowered;
	s2 =	sadd.s32 s2, s4;
	[dreg:$0x0] =	wrdreg $0x0  }
0xa8: {  	s4 =	sshll.u32 s28, $0x1;
	[dreg:$0x2] =	wrdreg s2  }
0xa9: {  	[dreg:$0x3] =	wrdreg s4  }
0xaa: {  	[dreg:$0x4] =	wrdreg $0xC0  }
0xab: {  	_ =	task [dreg:s6], $0x5FFFF  }
0xac: {  	[dreg:$0x1] =	wrdreg $0xFFFFFFFF  }
0xad: {  	[dreg:$0x0] =	wrdreg $0x60  }
0xae: {  	[dreg:$0x2] =	wrdreg s24  }
0xaf: {  	[dreg:$0x3] =	wrdreg $0x0  }
0xb0: {  	[dreg:$0x4] =	wrdreg $0x9  }
0xb1: {  	_ =	task.clear_ibuf [dreg:s6], $0x5FFFF;
	_ =	strace $0x90000049  }
0xb2: {  	s29 =	simm.s32 $0x9;
	_ =	strace $0x8000004B  }
0xb3: {  	_ =	swait.ge [sflag:s29], $0x1  }
0xb4: {  	[sflag:s29] =	ssyncadd.s32 $0xFFFFFFFF  }
0xb5: {  	_ =	strace $0x9000004B  }
0xb6: {  	_ =	sfence  }
0xb7: {  	s30 =	sld [smem:$0x0];
	_ =	sdelay $0x2  }
0xb8: {  	s31 =	sshll.u32 s1, $0xD;
	s1 =	sshrl.u32 s1, $0x2  }
0xb9: {  	s3 =	sand.u32 $0x4000, s31;
	s1 =	sadd.s32 s1, s30  }
0xba: {  	s0 =	sor.u32 s3, s0;
	s1 =	sshll.u32 s1, $0x11  }
0xbb: {  	s0 =	sor.u32 s1, s0  }
0xbc: {  	s0 =	sadd.s32 $0x8F2B, s0  }
0xbd: {  	[sflag:s0] =	ssyncadd.remote.s32 $0x1  }
0xbe: {  	_ =	sfence.sel $0xFFFF  }
0xbf: {  	[dreg:$0x0] =	wrdreg $0xFFFFFFFF;
	(pc) =	sbr.abs _section_cstart, $3  }
0xc0: {  	[dreg:$0x1] =	wrdreg $0xFFFFFFFF  }
0xc1: {  	_ =	task.clear_ibuf [dreg:s6], $0x2FFFF;
	_ =	strace $0x9FFFFFFF  }
0xc2: {  	(tm) =	ssettm $0x7FFFFFFF  }
0xc3: {  	_ =	shalt  }
tec
execute0_lowered:
.L_overlay_start_1:
0x0: {  	(tag) =	ssettag $0x1  }
0x1: {  	s0 =	rddreg [dreg:$0x0]  }
0x2: {  	s1 =	rddreg [dreg:$0x1];
	s3 =	simm.s32 $0x0  }
0x3: {  	s2 =	srdreg.scid;
	s12 =	stileid.u32;
	s28 =	simm.s32 $0x1B880  }
0x4: {  	s29 =	simm.s32 $0x1;
	s30 =	simm.s32 $0x1FD00;
	s31 =	simm.s32 $0x2  }
0x5: {  	[smem:$0x7FF] =	sst s3;
	s2 =	sand.u32 $0x1, s2;
	s6 =	smul.u32 $0x50, s12  }
0x6: {  	s4 =	sadd.s32 $0x10800, s0;
	s5 =	sadd.s32 $0xB800, s0;
	s8 =	smul.u32 $0x4E000, s12  }
0x7: {  	s0 =	sadd.s32 $0x5EA00, s0;
	s10 =	smul.u32 $0x500, s12;
	s22 =	sadd.s32 $0x134200, s1  }
0x8: {  	s11 =	smul.u32 $0x270, s12;
	s24 =	sadd.s32 $0x138080, s1;
	p0 =	seq.s32 s12, $0xF  }
0x9: {  	s3 =	simm.s32 $0x3;
	s18 =	smul.u32 $0x2710, s2;
	_ =	strace $0x8000004A  }
0xa: {  	s7 =	ssub.s32 $0x2, s2;
	s2 =	smul.u32 $0x138800, s2;
	[dreg:$0x5] =	wrdreg s22  }
0xb: {  	[dreg:$0x6] =	wrdreg s24;
	s22 =	simm.s32 $0x1FC80;
	s9 =	sshrl.u32 s7, $0x1  }
0xc: {  	s19 =	sshrl.u32 s8, $0x2;
	s20 =	sadd.s32 s5, s10;
	s9 =	ssub.s32 s7, s9  }
0xd: {  	[dreg:$0x3] =	wrdreg s20;
	s7 =	sadd.s32 s19, s1;
	s23 =	sadd.s32 s11, s18  }
0xe: {  	s2 =	sshrl.u32 s2, $0x3;
	s11 =	sor.u32 $0x8, s6;
	s19 =	simm.s32 $0x5  }
0xf: {  	s20 =	simm.s32 $0x13880;
	v0 =	vmov s18;
	s18 =	simm.s32 $0x1FF00;
	s21 =	sadd.s32 $0xFA00, s7  }
0x10: {  	s8 =	sshll.u32 s23, $0x4;
	s26 =	smax.u32 s9, $0x1;
	s15 =	sadd.s32 $0x3E80, s7  }
0x11: {  	s16 =	sadd.s32 $0x7D00, s7;
	s17 =	sadd.s32 $0xBB80, s7;
	s23 =	simm.s32 $0x1FD80  }
.Ltmp0:
0x12: {  	[dreg:$0x4] =	wrdreg s21;
	s25 =	sadd.s32 s0, s8;
	(pc) =	sbr.rel .LBB2_1-.Ltmp0, $4  }
0x13: {  	s0 =	sadd.s32 s0, s2;
	s2 =	sadd.s32 $0x124800, s1;
	[dreg:$0x9] =	wrdreg s26  }
0x14: {  	s21 =	simm.s32 $0x7D;
	s26 =	simm.s32 $0x1FE80;
	[dreg:$0x7] =	wrdreg s25  }
0x15: {  	s0 =	sadd.s32 $0x24900, s0;
	s24 =	sshrl.u32 @p0 s2, $0x3;
	s25 =	simm.s32 $0x17880  }
0x16: {  	v1 =	vimm.f32 $0.0e+00;
	s2 =	simm.s32 $0x0;
	[dreg:$0x8] =	wrdreg s0;
	s0 =	simm.s32 $0x1FE00  }
.LBB2_10:
0x17: {  	_ =	swait.ge [sflag:s31], $0x3E80  }
0x18: {  	[sflag:s31] =	ssyncset.done $0x0  }
0x19: {  	[sflag:s31] =	ssyncadd.s32 $0xFFFFC180  }
0x1a: {  	[spmem:s1] =	stream.indirect.scatter.add.f32 [tilespmem:s25], [sflag:$0x5], $0x80, s0, s21, $0xb8;
	[tilespmem:$0x1FF80] =	vst v63  }
0x1b: {  	_ =	swait.ge [sflag:s19], $0x3E80  }
0x1c: {  	[sflag:s19] =	ssyncset.done $0x0  }
0x1d: {  	[sflag:s19] =	ssyncadd.s32 $0xFFFFC180  }
.LBB2_8:
0x1e: {  	[bflag:$0x0] =	sbarrier.arrive $0xFFFF  }
0x1f: {  	s6 =	simm.s32 @p0 $0x1FC5;
	s8 =	rddreg [dreg:$0x8]  }
0x20: {  	[hbm:s8], [sflag:s6] =	dma.local @p0 [spmem:s24], $0x2800  }
0x21: {  	s6 =	simm.s32 @p0 $0x5  }
0x22: {  	s8 =	stileid.u32;
	_ =	swait.ge @p0 [sflag:s6], $0x2800  }
0x23: {  	s8 =	sshll.u32 @!p0 s8, $0x6;
	[sflag:s6] =	ssyncset.done @p0 $0x0;
	s9 =	rddreg [dreg:$0x7]  }
0x24: {  	[sflag:s6] =	ssyncadd.s32 @p0 $0xFFFFD800;
	s6 =	sor.u32 @!p0 $0x1C05, s8;
	s8 =	sshrl.u32 @!p0 s7, $0x3  }
0x25: {  	[hbm:s9], [sflag:s6] =	dma.local @!p0 [spmem:s8], $0x2700  }
0x26: {  	s6 =	simm.s32 @!p0 $0x5  }
0x27: {  	_ =	swait.ge @!p0 [sflag:s6], $0x2700  }
0x28: {  	s2 =	sadd.s32 $0x1, s2;
	s14 =	rddreg [dreg:$0x9]  }
0x29: {  	p1 =	sne.s32 s2, s14  }
.Ltmp1:
0x2a: {  	_ = 	snop;
	(pc) =	sbr.rel @!p1 .LBB2_9-.Ltmp1, $3  }
0x2b: {  	_ =	sdelay $0x1  }
0x2c: {  	[sflag:s6] =	ssyncset.done @!p0 $0x0  }
0x2d: {  	[sflag:s6] =	ssyncadd.s32 @!p0 $0xFFFFD900  }
.LBB2_1:
0x2e: {  	s6 =	simm.s32 $0x0;
	s8 =	rddreg [dreg:$0x3];
	s9 =	simm.s32 $0x1F880  }
0x2f: {  	[tilespmem:s9], [sflag:$0x5] =	stream.linear.gather [hbm4b:s8+s6], $0x400, $0x38;
	[tilespmem:$0x1FF80] =	vst v63  }
0x30: {  	_ =	swait.ge [sflag:s19], $0x400  }
0x31: {  	[sflag:s19] =	ssyncset.done $0x0  }
0x32: {  	s6 =	simm.s32 $0x70;
	s8 =	simm.s32 $0x3C0;
	[sflag:s19] =	ssyncadd.s32 $0xFFFFFC00  }
.LBB2_2:
0x33: {  	p1 =	sne.s32 s8, $0xF9C0;
	[tilespmem:s6+$0x13880] =	vst v1  }
0x34: {  	[tilespmem:s6+$0x13810] =	vst v1  }
0x35: {  	[tilespmem:s6+$0x13820] =	vst v1  }
.Ltmp2:
0x36: {  	[tilespmem:s6+$0x13830] =	vst v1;
	(pc) =	sbr.rel @p1 .LBB2_2-.Ltmp2, $4  }
0x37: {  	[tilespmem:s6+$0x13840] =	vst v1  }
0x38: {  	[tilespmem:s6+$0x13850] =	vst v1  }
0x39: {  	[tilespmem:s6+$0x13860] =	vst v1  }
0x3a: {  	[tilespmem:s6+$0x13870] =	vst v1;
	s6 =	sshra.s32 s8, $0x2;
	s8 =	sadd.s32 $0x200, s8  }
0x3b: {  	[tilespmem:s6+$0x13880] =	vst v1  }
0x3c: {  	[tilespmem:s6+$0x13810] =	vst v1  }
0x3d: {  	[tilespmem:s6+$0x13820] =	vst v1  }
0x3e: {  	[tilespmem:s6+$0x13830] =	vst v1  }
0x3f: {  	[tilespmem:s6+$0x13840] =	vst v1  }
0x40: {  	[tilespmem:s6+$0x13850] =	vst v1  }
0x41: {  	[tilespmem:s6+$0x13860] =	vst v1  }
0x42: {  	[tilespmem:s6+$0x13870] =	vst v1  }
0x43: {  	[spmem:s7] =	stream.linear.scatter [tilespmem:s20], [sflag:$0x5], $0x3E80, $0x38;
	[tilespmem:$0x1FF80] =	vst v63  }
0x44: {  	_ =	swait.ge [sflag:s19], $0x3E80  }
0x45: {  	[sflag:s19] =	ssyncset.done $0x0  }
0x46: {  	[sflag:s19] =	ssyncadd.s32 $0xFFFFC180  }
0x47: {  	[spmem:s15] =	stream.linear.scatter [tilespmem:s20], [sflag:$0x5], $0x3E80, $0x38;
	[tilespmem:$0x1FF80] =	vst v63  }
0x48: {  	_ =	swait.ge [sflag:s19], $0x3E80  }
0x49: {  	[sflag:s19] =	ssyncset.done $0x0  }
0x4a: {  	[sflag:s19] =	ssyncadd.s32 $0xFFFFC180  }
0x4b: {  	[spmem:s16] =	stream.linear.scatter [tilespmem:s20], [sflag:$0x5], $0x3E80, $0x38;
	[tilespmem:$0x1FF80] =	vst v63  }
0x4c: {  	_ =	swait.ge [sflag:s19], $0x3E80  }
0x4d: {  	[sflag:s19] =	ssyncset.done $0x0  }
0x4e: {  	[sflag:s19] =	ssyncadd.s32 $0xFFFFC180  }
0x4f: {  	[spmem:s17] =	stream.linear.scatter [tilespmem:s20], [sflag:$0x5], $0x3E80, $0x38;
	[tilespmem:$0x1FF80] =	vst v63  }
0x50: {  	_ =	swait.ge [sflag:s19], $0x3E80  }
0x51: {  	[sflag:s19] =	ssyncset.done $0x0  }
0x52: {  	s6 =	simm.s32 @p0 $0x13880;
	s8 =	rddreg [dreg:$0x5];
	[sflag:s19] =	ssyncadd.s32 $0xFFFFC180  }
0x53: {  	[spmem:s8] =	stream.linear.scatter @p0 [tilespmem:s6], [sflag:$0x5], $0x3E80, $0x38;
	[tilespmem:$0x1FF80] =	vst v63  }
0x54: {  	s8 =	simm.s32 @p0 $0x5  }
0x55: {  	_ =	swait.ge @p0 [sflag:s8], $0x3E80  }
0x56: {  	[sflag:s8] =	ssyncset.done @p0 $0x0  }
0x57: {  	s9 =	rddreg [dreg:$0x6];
	[sflag:s8] =	ssyncadd.s32 @p0 $0xFFFFC180  }
0x58: {  	[spmem:s9] =	stream.linear.scatter @p0 [tilespmem:s6], [sflag:$0x5], $0x780, $0x38;
	[tilespmem:$0x1FF80] =	vst v63  }
0x59: {  	_ =	swait.ge @p0 [sflag:s8], $0x780  }
0x5a: {  	[sflag:s8] =	ssyncset.done @p0 $0x0  }
0x5b: {  	s6 =	simm.s32 @!p0 $0x13880;
	[sflag:s8] =	ssyncadd.s32 @p0 $0xFFFFF880;
	s8 =	rddreg [dreg:$0x4]  }
0x5c: {  	[spmem:s8] =	stream.linear.scatter @!p0 [tilespmem:s6], [sflag:$0x5], $0x3E00, $0x38;
	[tilespmem:$0x1FF80] =	vst v63  }
0x5d: {  	s6 =	simm.s32 @!p0 $0x5  }
0x5e: {  	_ =	swait.ge @!p0 [sflag:s6], $0x3E00  }
0x5f: {  	[sflag:s6] =	ssyncset.done @!p0 $0x0  }
0x60: {  	[sflag:s6] =	ssyncadd.s32 @!p0 $0xFFFFC200  }
0x61: {  	[bflag:$0x0] =	sbarrier.arrive $0xFFFF  }
0x62: {  	v2 =	vld [tilespmem:$0x1F880]  }
0x63: {  	v3 =	vld [tilespmem:$0x1F890];
	_ =	sdelay $0x1  }
0x64: {  	v4 =	vld [tilespmem:$0x1F8A0];
	_ =	sdelay $0x1  }
0x65: {  	v6 =	vld [tilespmem:$0x1F8B0];
	v5 =	vand.u32 $0xFFFF, v2;
	v2 =	vshra.s32 v2, $0x10  }
0x66: {  	v37 =	vand.u32 $0xFFFF, v3;
	v5 =	vadd.s32 v0, v5;
	[tilespmem:$0x1FD00] =	vst v2  }
0x67: {  	v38 =	vld [tilespmem:$0x1F8C0];
	v2 =	vadd.s32 v0, v37;
	[tilespmem:$0x1FC80] =	vst v5  }
0x68: {  	[tilespmem:$0x1FC90] =	vst v2;
	v2 =	vshra.s32 v3, $0x10;
	v3 =	vand.u32 $0xFFFF, v4  }
0x69: {  	[tilespmem:$0x1FD10] =	vst v2;
	v2 =	vadd.s32 v0, v3;
	v3 =	vld [tilespmem:$0x1F8D0]  }
0x6a: {  	v39 =	vand.u32 $0xFFFF, v6;
	[tilespmem:$0x1FCA0] =	vst v2;
	v2 =	vshra.s32 v4, $0x10  }
0x6b: {  	v40 =	vld [tilespmem:$0x1F8E0];
	[tilespmem:$0x1FD20] =	vst v2;
	v2 =	vadd.s32 v0, v39  }
0x6c: {  	v41 =	vand.u32 $0xFFFF, v38;
	[tilespmem:$0x1FCB0] =	vst v2;
	v2 =	vshra.s32 v6, $0x10  }
0x6d: {  	v42 =	vld [tilespmem:$0x1F8ED];
	[tilespmem:$0x1FD30] =	vst v2;
	v2 =	vadd.s32 v0, v41  }
0x6e: {  	[tilespmem:$0x1FCC0] =	vst v2;
	v2 =	vshra.s32 v38, $0x10;
	v43 =	vand.u32 $0xFFFF, v3  }
0x6f: {  	[tilespmem:$0x1FD40] =	vst v2;
	v2 =	vadd.s32 v0, v43  }
0x70: {  	[tilespmem:$0x1FCD0] =	vst v2;
	v2 =	vshra.s32 v3, $0x10;
	v3 =	vand.u32 $0xFFFF, v40  }
0x71: {  	[tilespmem:$0x1FD50] =	vst v2;
	v2 =	vadd.s32 v0, v3  }
0x72: {  	v3 =	vand.u32 $0xFFFF, v42;
	[tilespmem:$0x1FCE0] =	vst v2;
	v2 =	vshra.s32 v40, $0x10  }
0x73: {  	[tilespmem:$0x1FD60] =	vst v2;
	v2 =	vadd.s32 v0, v3  }
0x74: {  	[tilespmem:$0x1FCED] =	vst v2;
	v2 =	vshra.s32 v42, $0x10  }
0x75: {  	[tilespmem:$0x1FD6D] =	vst v2  }
0x76: {  	[tilespmem:s20], [sflag:$0x1] =	stream.indirect.gather [hbm4b:s4+s21], $0x80, s22, s21, $0xb8;
	[tilespmem:$0x1FF80] =	vst v63  }
0x77: {  	v2 =	vld [tilespmem:$0x1F900]  }
0x78: {  	v3 =	vld [tilespmem:$0x1F910];
	_ =	sdelay $0x1  }
0x79: {  	v44 =	vld [tilespmem:$0x1F920];
	_ =	sdelay $0x1  }
0x7a: {  	v46 =	vld [tilespmem:$0x1F930];
	v45 =	vand.u32 $0xFFFF, v2;
	v2 =	vshra.s32 v2, $0x10  }
0x7b: {  	v47 =	vand.u32 $0xFFFF, v3;
	v5 =	vadd.s32 v0, v45;
	[tilespmem:$0x1FE00] =	vst v2  }
0x7c: {  	v48 =	vld [tilespmem:$0x1F940];
	v2 =	vadd.s32 v0, v47;
	[tilespmem:$0x1FD80] =	vst v5  }
0x7d: {  	[tilespmem:$0x1FD90] =	vst v2;
	v2 =	vshra.s32 v3, $0x10;
	v3 =	vand.u32 $0xFFFF, v44  }
0x7e: {  	[tilespmem:$0x1FE10] =	vst v2;
	v2 =	vadd.s32 v0, v3;
	v3 =	vld [tilespmem:$0x1F950]  }
0x7f: {  	v49 =	vand.u32 $0xFFFF, v46;
	[tilespmem:$0x1FDA0] =	vst v2;
	v2 =	vshra.s32 v44, $0x10  }
0x80: {  	v50 =	vld [tilespmem:$0x1F960];
	[tilespmem:$0x1FE20] =	vst v2;
	v2 =	vadd.s32 v0, v49  }
0x81: {  	v51 =	vand.u32 $0xFFFF, v48;
	[tilespmem:$0x1FDB0] =	vst v2;
	v2 =	vshra.s32 v46, $0x10  }
0x82: {  	v52 =	vld [tilespmem:$0x1F96D];
	[tilespmem:$0x1FE30] =	vst v2;
	v2 =	vadd.s32 v0, v51  }
0x83: {  	[tilespmem:$0x1FDC0] =	vst v2;
	v2 =	vshra.s32 v48, $0x10;
	v53 =	vand.u32 $0xFFFF, v3  }
0x84: {  	[tilespmem:$0x1FE40] =	vst v2;
	v2 =	vadd.s32 v0, v53  }
0x85: {  	[tilespmem:$0x1FDD0] =	vst v2;
	v2 =	vshra.s32 v3, $0x10;
	v3 =	vand.u32 $0xFFFF, v50  }
0x86: {  	[tilespmem:$0x1FE50] =	vst v2;
	v2 =	vadd.s32 v0, v3  }
0x87: {  	v3 =	vand.u32 $0xFFFF, v52;
	[tilespmem:$0x1FDE0] =	vst v2;
	v2 =	vshra.s32 v50, $0x10  }
0x88: {  	[tilespmem:$0x1FE60] =	vst v2;
	v2 =	vadd.s32 v0, v3  }
0x89: {  	[tilespmem:$0x1FDED] =	vst v2;
	v2 =	vshra.s32 v52, $0x10  }
0x8a: {  	[tilespmem:$0x1FE6D] =	vst v2  }
0x8b: {  	[tilespmem:s25], [sflag:$0x2] =	stream.indirect.gather [hbm4b:s4+s21], $0x80, s23, s21, $0xb8;
	[tilespmem:$0x1FF80] =	vst v63  }
0x8c: {  	v2 =	vld [tilespmem:$0x1F980]  }
0x8d: {  	v3 =	vld [tilespmem:$0x1F990];
	_ =	sdelay $0x1  }
0x8e: {  	v54 =	vld [tilespmem:$0x1F9A0];
	_ =	sdelay $0x1  }
0x8f: {  	v56 =	vld [tilespmem:$0x1F9B0];
	v55 =	vand.u32 $0xFFFF, v2;
	v2 =	vshra.s32 v2, $0x10  }
0x90: {  	v57 =	vand.u32 $0xFFFF, v3;
	v5 =	vadd.s32 v0, v55;
	[tilespmem:$0x1FF00] =	vst v2  }
0x91: {  	v58 =	vld [tilespmem:$0x1F9C0];
	v2 =	vadd.s32 v0, v57;
	[tilespmem:$0x1FE80] =	vst v5  }
0x92: {  	[tilespmem:$0x1FE90] =	vst v2;
	v2 =	vshra.s32 v3, $0x10;
	v3 =	vand.u32 $0xFFFF, v54  }
0x93: {  	[tilespmem:$0x1FF10] =	vst v2;
	v2 =	vadd.s32 v0, v3;
	v3 =	vld [tilespmem:$0x1F9D0]  }
0x94: {  	v59 =	vand.u32 $0xFFFF, v56;
	[tilespmem:$0x1FEA0] =	vst v2;
	v2 =	vshra.s32 v54, $0x10  }
0x95: {  	v60 =	vld [tilespmem:$0x1F9E0];
	[tilespmem:$0x1FF20] =	vst v2;
	v2 =	vadd.s32 v0, v59  }
0x96: {  	v61 =	vand.u32 $0xFFFF, v58;
	[tilespmem:$0x1FEB0] =	vst v2;
	v2 =	vshra.s32 v56, $0x10  }
0x97: {  	v62 =	vld [tilespmem:$0x1F9ED];
	[tilespmem:$0x1FF30] =	vst v2;
	v2 =	vadd.s32 v0, v61  }
0x98: {  	[tilespmem:$0x1FEC0] =	vst v2;
	v2 =	vshra.s32 v58, $0x10;
	v63 =	vand.u32 $0xFFFF, v3  }
0x99: {  	[tilespmem:$0x1FF40] =	vst v2;
	v2 =	vadd.s32 v0, v63  }
0x9a: {  	[tilespmem:$0x1FED0] =	vst v2;
	v2 =	vshra.s32 v3, $0x10;
	v3 =	vand.u32 $0xFFFF, v60  }
0x9b: {  	[tilespmem:$0x1FF50] =	vst v2;
	v2 =	vadd.s32 v0, v3  }
.Ltmp3:
0x9c: {  	v3 =	vand.u32 $0xFFFF, v62;
	[tilespmem:$0x1FEE0] =	vst v2;
	v2 =	vshra.s32 v60, $0x10;
	(pc) =	sbr.rel .LBB2_4-.Ltmp3, $4  }
0x9d: {  	[tilespmem:$0x1FF60] =	vst v2;
	v2 =	vadd.s32 v0, v3  }
0x9e: {  	[tilespmem:$0x1FEED] =	vst v2;
	v2 =	vshra.s32 v62, $0x10  }
0x9f: {  	s9 =	simm.s32 $0x5;
	s8 =	simm.s32 $0x280;
	s6 =	simm.s32 $0x0;
	[tilespmem:$0x1FF6D] =	vst v2  }
0xa0: {  	[tilespmem:s28], [sflag:$0x3] =	stream.indirect.gather [hbm4b:s4+s21], $0x80, s26, s21, $0xb8;
	[tilespmem:$0x1FF80] =	vst v63  }
.LBB2_7:
0xa1: {  	s8 =	sadd.s32 $0x180, s8  }
0xa2: {  	p1 =	sne.s32 s8, $0x2B00  }
.Ltmp4:
0xa3: {  	_ = 	snop;
	(pc) =	sbr.rel @!p1 .LBB2_8-.Ltmp4, $2  }
0xa4: {  	_ =	sdelay $0x2  }
0xa5: {  	s6 =	sadd.s32 $0x1, s6;
	s9 =	sadd.s32 $0x3, s9  }
.LBB2_4:
0xa6: {  	_ =	swait.ge [sflag:s29], $0x3E80  }
0xa7: {  	p1 =	seq.s32 s8, $0x2980;
	[sflag:s29] =	ssyncset.done $0x0  }
.Ltmp5:
0xa8: {  	[sflag:s29] =	ssyncadd.s32 $0xFFFFC180;
	(pc) =	sbr.rel @p1 .LBB2_10-.Ltmp5, $4  }
0xa9: {  	[spmem:s1] =	stream.indirect.scatter.add.f32 [tilespmem:s20], [sflag:$0x5], $0x80, s30, s21, $0xb8;
	[tilespmem:$0x1FF80] =	vst v63  }
0xaa: {  	_ =	swait.ge [sflag:s19], $0x3E80  }
0xab: {  	[sflag:s19] =	ssyncset.done $0x0  }
0xac: {  	[sflag:s19] =	ssyncadd.s32 $0xFFFFC180  }
0xad: {  	s10 =	sadd.s32 $0xFFFFFFFE, s9  }
0xae: {  	s12 =	sand.u32 $0x7, s10  }
0xaf: {  	p1 =	sne.s32 s12, $0x0  }
0xb0: {  	s13 =	simm.s32 @!p1 $0x4  }
0xb1: {  	_ =	swait.ge @!p1 [sflag:s13], $0x400  }
0xb2: {  	s14 =	sadd.s32 $0xFFFFFF00, s8;
	[sflag:s13] =	ssyncset.done @!p1 $0x0  }
0xb3: {  	s14 =	sand.u32 $0x380, s14;
	[sflag:s13] =	ssyncadd.s32 @!p1 $0xFFFFFC00  }
0xb4: {  	v2 =	vld [tilespmem:s14+$0x1F880];
	_ =	sdelay $0x4  }
0xb5: {  	v3 =	vand.u32 $0xFFFF, v2;
	v2 =	vshra.s32 v2, $0x10  }
0xb6: {  	v3 =	vadd.s32 v0, v3;
	[tilespmem:$0x1FD00] =	vst v2  }
0xb7: {  	[tilespmem:$0x1FC80] =	vst v3  }
0xb8: {  	v2 =	vld [tilespmem:s14+$0x1F890];
	_ =	sdelay $0x4  }
0xb9: {  	v3 =	vand.u32 $0xFFFF, v2;
	v2 =	vshra.s32 v2, $0x10  }
0xba: {  	v3 =	vadd.s32 v0, v3;
	[tilespmem:$0x1FD10] =	vst v2  }
0xbb: {  	[tilespmem:$0x1FC90] =	vst v3  }
0xbc: {  	v2 =	vld [tilespmem:s14+$0x1F8A0];
	_ =	sdelay $0x4  }
0xbd: {  	v3 =	vand.u32 $0xFFFF, v2;
	v2 =	vshra.s32 v2, $0x10  }
0xbe: {  	v3 =	vadd.s32 v0, v3;
	[tilespmem:$0x1FD20] =	vst v2  }
0xbf: {  	[tilespmem:$0x1FCA0] =	vst v3  }
0xc0: {  	v2 =	vld [tilespmem:s14+$0x1F8B0];
	_ =	sdelay $0x4  }
0xc1: {  	v3 =	vand.u32 $0xFFFF, v2;
	v2 =	vshra.s32 v2, $0x10  }
0xc2: {  	v3 =	vadd.s32 v0, v3;
	[tilespmem:$0x1FD30] =	vst v2  }
0xc3: {  	[tilespmem:$0x1FCB0] =	vst v3  }
0xc4: {  	v2 =	vld [tilespmem:s14+$0x1F8C0];
	_ =	sdelay $0x4  }
0xc5: {  	v3 =	vand.u32 $0xFFFF, v2;
	v2 =	vshra.s32 v2, $0x10  }
0xc6: {  	v3 =	vadd.s32 v0, v3;
	[tilespmem:$0x1FD40] =	vst v2  }
0xc7: {  	[tilespmem:$0x1FCC0] =	vst v3  }
0xc8: {  	v2 =	vld [tilespmem:s14+$0x1F8D0];
	_ =	sdelay $0x4  }
0xc9: {  	v3 =	vand.u32 $0xFFFF, v2;
	v2 =	vshra.s32 v2, $0x10  }
0xca: {  	v3 =	vadd.s32 v0, v3;
	[tilespmem:$0x1FD50] =	vst v2  }
0xcb: {  	[tilespmem:$0x1FCD0] =	vst v3  }
0xcc: {  	v2 =	vld [tilespmem:s14+$0x1F8E0];
	_ =	sdelay $0x4  }
0xcd: {  	v3 =	vand.u32 $0xFFFF, v2;
	v2 =	vshra.s32 v2, $0x10  }
0xce: {  	v3 =	vadd.s32 v0, v3;
	[tilespmem:$0x1FD60] =	vst v2  }
0xcf: {  	[tilespmem:$0x1FCE0] =	vst v3  }
0xd0: {  	v2 =	vld [tilespmem:s14+$0x1F8ED]  }
0xd1: {  	p1 =	sgt.u32 s6, $0x16  }
0xd2: {  	p2 =	sne.s32 @!p1 s12, $0x7  }
0xd3: {  	p2 =	por p2, p1  }
0xd4: {  	s10 =	sand.u32 @!p2 $0xF8, s10  }
0xd5: {  	s10 =	sadd.s32 @!p2 s10, s11;
	v3 =	vand.u32 $0xFFFF, v2;
	v2 =	vshra.s32 v2, $0x10  }
0xd6: {  	s10 =	sshll.u32 @!p2 s10, $0x4;
	v3 =	vadd.s32 v0, v3;
	[tilespmem:$0x1FD6D] =	vst v2  }
0xd7: {  	s12 =	simm.s32 @!p2 $0x0;
	s13 =	simm.s32 @!p2 $0x1F880;
	s10 =	sadd.s32 @!p2 s5, s10;
	[tilespmem:$0x1FCED] =	vst v3  }
0xd8: {  	[tilespmem:s13], [sflag:$0x4] =	stream.linear.gather @!p2 [hbm4b:s10+s12], $0x400, $0x38;
	[tilespmem:$0x1FF80] =	vst v63  }
0xd9: {  	_ = 	snop  }
0xda: {  	[tilespmem:s20], [sflag:$0x1] =	stream.indirect.gather [hbm4b:s4+s21], $0x80, s22, s21, $0xb8;
	[tilespmem:$0x1FF80] =	vst v63  }
0xdb: {  	_ =	swait.ge [sflag:s31], $0x3E80  }
0xdc: {  	[sflag:s31] =	ssyncset.done $0x0  }
0xdd: {  	s10 =	sadd.s32 $0xFFFFFFFF, s9;
	[sflag:s31] =	ssyncadd.s32 $0xFFFFC180  }
0xde: {  	[spmem:s1] =	stream.indirect.scatter.add.f32 [tilespmem:s25], [sflag:$0x5], $0x80, s0, s21, $0xb8;
	[tilespmem:$0x1FF80] =	vst v63  }
0xdf: {  	s12 =	sand.u32 $0x7, s10;
	_ =	swait.ge [sflag:s19], $0x3E80  }
0xe0: {  	p2 =	sne.s32 s12, $0x0;
	[sflag:s19] =	ssyncset.done $0x0  }
0xe1: {  	s13 =	simm.s32 @!p2 $0x4;
	[sflag:s19] =	ssyncadd.s32 $0xFFFFC180  }
0xe2: {  	_ =	swait.ge @!p2 [sflag:s13], $0x400  }
0xe3: {  	s14 =	sadd.s32 $0xFFFFFF80, s8;
	[sflag:s13] =	ssyncset.done @!p2 $0x0  }
0xe4: {  	s14 =	sand.u32 $0x380, s14;
	[sflag:s13] =	ssyncadd.s32 @!p2 $0xFFFFFC00  }
0xe5: {  	v2 =	vld [tilespmem:s14+$0x1F880];
	_ =	sdelay $0x4  }
0xe6: {  	v3 =	vand.u32 $0xFFFF, v2;
	v2 =	vshra.s32 v2, $0x10  }
0xe7: {  	v3 =	vadd.s32 v0, v3;
	[tilespmem:$0x1FE00] =	vst v2  }
0xe8: {  	[tilespmem:$0x1FD80] =	vst v3  }
0xe9: {  	v2 =	vld [tilespmem:s14+$0x1F890];
	_ =	sdelay $0x4  }
0xea: {  	v3 =	vand.u32 $0xFFFF, v2;
	v2 =	vshra.s32 v2, $0x10  }
0xeb: {  	v3 =	vadd.s32 v0, v3;
	[tilespmem:$0x1FE10] =	vst v2  }
0xec: {  	[tilespmem:$0x1FD90] =	vst v3  }
0xed: {  	v2 =	vld [tilespmem:s14+$0x1F8A0];
	_ =	sdelay $0x4  }
0xee: {  	v3 =	vand.u32 $0xFFFF, v2;
	v2 =	vshra.s32 v2, $0x10  }
0xef: {  	v3 =	vadd.s32 v0, v3;
	[tilespmem:$0x1FE20] =	vst v2  }
0xf0: {  	[tilespmem:$0x1FDA0] =	vst v3  }
0xf1: {  	v2 =	vld [tilespmem:s14+$0x1F8B0];
	_ =	sdelay $0x4  }
0xf2: {  	v3 =	vand.u32 $0xFFFF, v2;
	v2 =	vshra.s32 v2, $0x10  }
0xf3: {  	v3 =	vadd.s32 v0, v3;
	[tilespmem:$0x1FE30] =	vst v2  }
0xf4: {  	[tilespmem:$0x1FDB0] =	vst v3  }
0xf5: {  	v2 =	vld [tilespmem:s14+$0x1F8C0];
	_ =	sdelay $0x4  }
0xf6: {  	v3 =	vand.u32 $0xFFFF, v2;
	v2 =	vshra.s32 v2, $0x10  }
0xf7: {  	v3 =	vadd.s32 v0, v3;
	[tilespmem:$0x1FE40] =	vst v2  }
0xf8: {  	[tilespmem:$0x1FDC0] =	vst v3  }
0xf9: {  	v2 =	vld [tilespmem:s14+$0x1F8D0];
	_ =	sdelay $0x4  }
0xfa: {  	v3 =	vand.u32 $0xFFFF, v2;
	v2 =	vshra.s32 v2, $0x10  }
0xfb: {  	v3 =	vadd.s32 v0, v3;
	[tilespmem:$0x1FE50] =	vst v2  }
0xfc: {  	[tilespmem:$0x1FDD0] =	vst v3  }
0xfd: {  	v2 =	vld [tilespmem:s14+$0x1F8E0];
	_ =	sdelay $0x4  }
0xfe: {  	v3 =	vand.u32 $0xFFFF, v2;
	v2 =	vshra.s32 v2, $0x10  }
0xff: {  	v3 =	vadd.s32 v0, v3;
	[tilespmem:$0x1FE60] =	vst v2  }
0x100: {  	[tilespmem:$0x1FDE0] =	vst v3  }
0x101: {  	v2 =	vld [tilespmem:s14+$0x1F8ED];
	_ =	sdelay $0x1  }
0x102: {  	p2 =	sne.s32 @!p1 s12, $0x7  }
0x103: {  	p2 =	por p2, p1  }
0x104: {  	s10 =	sand.u32 @!p2 $0xF8, s10  }
0x105: {  	s10 =	sadd.s32 @!p2 s10, s11;
	v3 =	vand.u32 $0xFFFF, v2;
	v2 =	vshra.s32 v2, $0x10  }
0x106: {  	s10 =	sshll.u32 @!p2 s10, $0x4;
	v3 =	vadd.s32 v0, v3;
	[tilespmem:$0x1FE6D] =	vst v2  }
0x107: {  	s12 =	simm.s32 @!p2 $0x0;
	s13 =	simm.s32 @!p2 $0x1F880;
	s10 =	sadd.s32 @!p2 s5, s10;
	[tilespmem:$0x1FDED] =	vst v3  }
0x108: {  	[tilespmem:s13], [sflag:$0x4] =	stream.linear.gather @!p2 [hbm4b:s10+s12], $0x400, $0x38;
	[tilespmem:$0x1FF80] =	vst v63  }
0x109: {  	_ = 	snop  }
0x10a: {  	[tilespmem:s25], [sflag:$0x2] =	stream.indirect.gather [hbm4b:s4+s21], $0x80, s23, s21, $0xb8;
	[tilespmem:$0x1FF80] =	vst v63  }
0x10b: {  	_ =	swait.ge [sflag:s3], $0x3E80  }
0x10c: {  	p2 =	sgt.u32 s6, $0x18;
	[sflag:s3] =	ssyncset.done $0x0  }
.Ltmp6:
0x10d: {  	[sflag:s3] =	ssyncadd.s32 $0xFFFFC180;
	(pc) =	sbr.rel @p2 .LBB2_7-.Ltmp6, $4  }
0x10e: {  	[spmem:s1] =	stream.indirect.scatter.add.f32 [tilespmem:s28], [sflag:$0x5], $0x80, s18, s21, $0xb8;
	[tilespmem:$0x1FF80] =	vst v63  }
0x10f: {  	_ =	swait.ge [sflag:s19], $0x3E80  }
0x110: {  	[sflag:s19] =	ssyncset.done $0x0  }
0x111: {  	[sflag:s19] =	ssyncadd.s32 $0xFFFFC180  }
0x112: {  	s10 =	sand.u32 $0x7, s9  }
0x113: {  	p2 =	sne.s32 s10, $0x0  }
0x114: {  	s12 =	simm.s32 @!p2 $0x4  }
0x115: {  	_ =	swait.ge @!p2 [sflag:s12], $0x400  }
0x116: {  	[sflag:s12] =	ssyncset.done @!p2 $0x0  }
0x117: {  	s14 =	sand.u32 $0x380, s8;
	[sflag:s12] =	ssyncadd.s32 @!p2 $0xFFFFFC00  }
0x118: {  	v2 =	vld [tilespmem:s14+$0x1F880];
	_ =	sdelay $0x4  }
0x119: {  	v3 =	vand.u32 $0xFFFF, v2;
	v2 =	vshra.s32 v2, $0x10  }
0x11a: {  	v3 =	vadd.s32 v0, v3;
	[tilespmem:$0x1FF00] =	vst v2  }
0x11b: {  	[tilespmem:$0x1FE80] =	vst v3  }
0x11c: {  	v2 =	vld [tilespmem:s14+$0x1F890];
	_ =	sdelay $0x4  }
0x11d: {  	v3 =	vand.u32 $0xFFFF, v2;
	v2 =	vshra.s32 v2, $0x10  }
0x11e: {  	v3 =	vadd.s32 v0, v3;
	[tilespmem:$0x1FF10] =	vst v2  }
0x11f: {  	[tilespmem:$0x1FE90] =	vst v3  }
0x120: {  	v2 =	vld [tilespmem:s14+$0x1F8A0];
	_ =	sdelay $0x4  }
0x121: {  	v3 =	vand.u32 $0xFFFF, v2;
	v2 =	vshra.s32 v2, $0x10  }
0x122: {  	v3 =	vadd.s32 v0, v3;
	[tilespmem:$0x1FF20] =	vst v2  }
0x123: {  	[tilespmem:$0x1FEA0] =	vst v3  }
0x124: {  	v2 =	vld [tilespmem:s14+$0x1F8B0];
	_ =	sdelay $0x4  }
0x125: {  	v3 =	vand.u32 $0xFFFF, v2;
	v2 =	vshra.s32 v2, $0x10  }
0x126: {  	v3 =	vadd.s32 v0, v3;
	[tilespmem:$0x1FF30] =	vst v2  }
0x127: {  	[tilespmem:$0x1FEB0] =	vst v3  }
0x128: {  	v2 =	vld [tilespmem:s14+$0x1F8C0];
	_ =	sdelay $0x4  }
0x129: {  	v3 =	vand.u32 $0xFFFF, v2;
	v2 =	vshra.s32 v2, $0x10  }
0x12a: {  	v3 =	vadd.s32 v0, v3;
	[tilespmem:$0x1FF40] =	vst v2  }
0x12b: {  	[tilespmem:$0x1FEC0] =	vst v3  }
0x12c: {  	v2 =	vld [tilespmem:s14+$0x1F8D0];
	_ =	sdelay $0x4  }
0x12d: {  	v3 =	vand.u32 $0xFFFF, v2;
	v2 =	vshra.s32 v2, $0x10  }
0x12e: {  	v3 =	vadd.s32 v0, v3;
	[tilespmem:$0x1FF50] =	vst v2  }
0x12f: {  	[tilespmem:$0x1FED0] =	vst v3  }
0x130: {  	v2 =	vld [tilespmem:s14+$0x1F8E0];
	_ =	sdelay $0x4  }
0x131: {  	v3 =	vand.u32 $0xFFFF, v2;
	v2 =	vshra.s32 v2, $0x10  }
0x132: {  	v3 =	vadd.s32 v0, v3;
	[tilespmem:$0x1FF60] =	vst v2  }
0x133: {  	[tilespmem:$0x1FEE0] =	vst v3  }
0x134: {  	v2 =	vld [tilespmem:s14+$0x1F8ED];
	_ =	sdelay $0x1  }
0x135: {  	p2 =	sne.s32 @!p1 s10, $0x7  }
0x136: {  	p1 =	por p2, p1  }
0x137: {  	s10 =	sand.u32 @!p1 $0xF8, s9  }
0x138: {  	s10 =	sadd.s32 @!p1 s10, s11;
	v3 =	vand.u32 $0xFFFF, v2;
	v2 =	vshra.s32 v2, $0x10  }
.Ltmp7:
0x139: {  	s10 =	sshll.u32 @!p1 s10, $0x4;
	v3 =	vadd.s32 v0, v3;
	[tilespmem:$0x1FF6D] =	vst v2;
	(pc) =	sbr.rel .LBB2_7-.Ltmp7, $4  }
0x13a: {  	s12 =	simm.s32 @!p1 $0x0;
	s13 =	simm.s32 @!p1 $0x1F880;
	s10 =	sadd.s32 @!p1 s5, s10;
	[tilespmem:$0x1FEED] =	vst v3  }
0x13b: {  	[tilespmem:s13], [sflag:$0x4] =	stream.linear.gather @!p1 [hbm4b:s10+s12], $0x400, $0x38;
	[tilespmem:$0x1FF80] =	vst v63  }
0x13c: {  	_ = 	snop  }
0x13d: {  	[tilespmem:s28], [sflag:$0x3] =	stream.indirect.gather [hbm4b:s4+s21], $0x80, s26, s21, $0xb8;
	[tilespmem:$0x1FF80] =	vst v63  }
.LBB2_9:
0x13e: {  	_ =	sfence.sel $0x180000  }
0x13f: {  	[bflag:$0x0] =	sbarrier.arrive $0xFFFF  }
0x140: {  	_ =	strace $0x9000004A  }
0x141: {  	s0 =	stileid.u32;
	[bflag:$0x2] =	sbarrier.arrive $0xFFFF  }
0x142: {  	p0 =	sne.s32 s0, $0x0;
	s0 =	rddreg [dreg:$0x2]  }
0x143: {  	s0 =	sadd.s32 @!p0 $0x100000, s0  }
0x144: {  	[sflag:s0] =	ssyncadd.tile.s32 @!p0 $0x1;
	_ =	shalt  }
.Lfunc_end2:
_tile_overlayer_lowered:
.L_overlay_start_2:
0x145: {  	(tag) =	ssettag $0x2  }
0x146: {  	s0 =	rddreg [dreg:$0x0];
	s2 =	stileid.u32  }
0x147: {  	s1 =	rddreg [dreg:$0x1];
	p0 =	sne.s32 s2, $0x0  }
0x148: {  	s3 =	rddreg [dreg:$0x2];
	[bflag:$0x3] =	sbarrier.arrive $0xFFFF;
	s2 =	simm.s32 @!p0 $0x1C05  }
0x149: {  	[timem:s3], [sflag:s2] =	dma.local @!p0 [hbm:s0], s1  }
0x14a: {  	s0 =	simm.s32 @!p0 $0x5  }
0x14b: {  	_ =	swait.ge @!p0 [sflag:s0], s1  }
0x14c: {  	s1 =	ssub.s32 @!p0 $0x0, s1;
	[sflag:s0] =	ssyncset.done @!p0 $0x0  }
0x14d: {  	[sflag:s0] =	ssyncadd.s32 @!p0 s1  }
0x14e: {  	[bflag:$0x3] =	sbarrier.arrive $0xFFFF  }
0x14f: {  	_ =	shalt  }

// kernel: kernel.14.cloned.1.call-start
scs
__scs_entry_jumppad:
0x0: {  	(pc) =	sbr.rel $0x88, $3  }
0x1: {  	(tag) =	ssettag $0x0;
	lr =	simm.s32 $0x1  }
0x2: {  	[smem:$0x3F98] =	sst lr;
	_ =	strace $0xD0000000  }
0x3: {  	_ = 	snop  }
0x4: {  	_ = 	snop  }
0x5: {  	_ = 	snop  }
0x6: {  	_ = 	snop  }
0x7: {  	_ = 	snop  }
__scs_overlays_trampoline_lowered:
0x8: {  	[smem:$0x3FA7] =	sst s0  }
0x9: {  	[smem:$0x3FA8] =	sst s1  }
0xa: {  	[smem:$0x3FA9] =	sst s2  }
0xb: {  	[smem:$0x3FAA] =	sst s3  }
0xc: {  	[smem:$0x3FAB] =	sst s4  }
0xd: {  	[smem:$0x3FAC] =	sst s5  }
0xe: {  	[smem:$0x3FAD] =	sst s6  }
0xf: {  	[smem:$0x3FAE] =	sst s7  }
0x10: {  	[smem:$0x3FAF] =	sst s8  }
0x11: {  	[smem:$0x3FB0] =	sst s9;
	s0 =	simm.s32 @!p0 $0x0  }
0x12: {  	s1 =	sld [smem:$0x3F96];
	s0 =	simm.s32 @p0 $0x1  }
0x13: {  	[smem:$0x3FB1] =	sst s0;
	s0 =	simm.s32 @!p1 $0x0  }
0x14: {  	s2 =	sld [smem:$0x3F95];
	s0 =	simm.s32 @p1 $0x1  }
0x15: {  	[smem:$0x3FB2] =	sst s0;
	s0 =	simm.s32 @!p2 $0x0  }
0x16: {  	s3 =	sld [smem:$0x3FDB];
	s0 =	simm.s32 @p2 $0x1  }
0x17: {  	s4 =	simm.s32 $0x1BF5;
	[smem:$0x3FB4] =	sst s0  }
0x18: {  	s0 =	sld [smem:$0x3F97];
	_ =	swait.ge [sflag:s4], $0x0  }
0x19: {  	s7 =	sld [smem:$0x3F98]  }
0x1a: {  	s8 =	sadd.s32 $0xFFFFE003, lr  }
0x1b: {  	s9 =	sadd.s32 $0xFFFFFEF7, lr;
	s5 =	simm.s32 $0xFFFFFFFF;
	p2 =	slt.u32 s8, $0xFFFFF086  }
0x1c: {  	p1 =	slt.u32 s9, $0xF7A;
	s5 =	simm.s32 @!p2 $0x0  }
0x1d: {  	s5 =	simm.s32 @p1 $0x1;
	p0 =	seq.s32 s7, s2  }
0x1e: {  	s7 =	smul.u32 @!p0 $0xF7A, s2;
	p2 =	seq.s32 @!p0 s5, $0x0  }
0x1f: {  	s9 =	smul.u32 $0xF7A, s1;
	s8 =	simm.s32 @!p0 $0x1BF5;
	p2 =	por !p2, p0  }
0x20: {  	[sflag:s8] =	ssyncset.s32 @!p0 $0xFFFFF086;
	s6 =	sadd.s32 @!p0 s3, s7;
	s7 =	simm.s32 @!p0 $0x108  }
0x21: {  	s3 =	sadd.s32 s3, s9;
	s6 =	sadd.s32 @!p0 $0x88, s6;
	s7 =	simm.s32 @p2 $0x1082  }
0x22: {  	[simem:s7], [sflag:s8] =	dma.local @!p0 [hbm:s6], $0xF7A  }
0x23: {  	s9 =	sor.u32 $0xD0000000, s2;
	s6 =	simm.s32 $0x108;
	_ =	swait.ge @!p0 [sflag:s8], $0x0  }
0x24: {  	s3 =	sadd.s32 $0x88, s3;
	s6 =	simm.s32 @!p1 $0x1082;
	[sflag:s4] =	ssyncset.s32 $0xFFFFF086  }
0x25: {  	[simem:s6], [sflag:s4] =	dma.local [hbm:s3], $0xF7A  }
0x26: {  	[smem:$0x3F98] =	sst s1;
	(tag) =	ssettag s2;
	_ =	strace s9  }
0x27: {  	s1 =	sld [smem:$0x3FA8]  }
0x28: {  	s2 =	sld [smem:$0x3FA9]  }
0x29: {  	s4 =	sld [smem:$0x3FAB]  }
0x2a: {  	p0 =	seq.s32 s5, $0x0;
	s5 =	sld [smem:$0x3FAC]  }
0x2b: {  	s6 =	sld [smem:$0x3FAD]  }
0x2c: {  	s7 =	sld [smem:$0x3FAE]  }
0x2d: {  	s3 =	simm.s32 $0x108;
	s8 =	sld [smem:$0x3FAF]  }
0x2e: {  	s3 =	simm.s32 @!p0 $0x1082;
	s9 =	sld [smem:$0x3FB0]  }
0x2f: {  	lr =	sadd.s32 s0, s3;
	s0 =	sld [smem:$0x3FA7]  }
0x30: {  	s3 =	sld [smem:$0x3FAA]  }
0x31: {  	[smem:$0x3FB3] =	sst s10  }
0x32: {  	s10 =	sld [smem:$0x3FB1];
	_ =	sdelay $0x3  }
0x33: {  	p0 =	seq.s32 s10, $0x1;
	s10 =	sld [smem:$0x3FB3];
	_ =	sdelay $0x3  }
0x34: {  	[smem:$0x3FB3] =	sst s10  }
0x35: {  	s10 =	sld [smem:$0x3FB2];
	_ =	sdelay $0x3  }
0x36: {  	p1 =	seq.s32 s10, $0x1;
	s10 =	sld [smem:$0x3FB3];
	_ =	sdelay $0x3  }
0x37: {  	[smem:$0x3FB3] =	sst s10  }
0x38: {  	s10 =	sld [smem:$0x3FB4]  }
0x39: {  	_ = 	snop;
	(pc) =	sbr.ind lr, $3  }
0x3a: {  	_ = 	snop  }
0x3b: {  	_ = 	snop  }
0x3c: {  	p2 =	seq.s32 s10, $0x1;
	s10 =	sld [smem:$0x3FB3]  }
0x3d: {  	_ =	shalt  }
0x3e: {  	_ =	shalt  }
0x3f: {  	_ =	shalt  }
0x40: {  	_ =	shalt  }
0x41: {  	_ =	shalt  }
0x42: {  	_ =	shalt  }
0x43: {  	_ =	shalt  }
0x44: {  	_ =	shalt  }
0x45: {  	_ =	shalt  }
0x46: {  	_ =	shalt  }
0x47: {  	_ =	shalt  }
0x48: {  	_ =	shalt  }
0x49: {  	_ =	shalt  }
0x4a: {  	_ =	shalt  }
0x4b: {  	_ =	shalt  }
0x4c: {  	_ =	shalt  }
0x4d: {  	_ =	shalt  }
0x4e: {  	_ =	shalt  }
0x4f: {  	_ =	shalt  }
0x50: {  	_ =	shalt  }
0x51: {  	_ =	shalt  }
0x52: {  	_ =	shalt  }
0x53: {  	_ =	shalt  }
0x54: {  	_ =	shalt  }
0x55: {  	_ =	shalt  }
0x56: {  	_ =	shalt  }
0x57: {  	_ =	shalt  }
0x58: {  	_ =	shalt  }
0x59: {  	_ =	shalt  }
0x5a: {  	_ =	shalt  }
0x5b: {  	_ =	shalt  }
0x5c: {  	_ =	shalt  }
0x5d: {  	_ =	shalt  }
0x5e: {  	_ =	shalt  }
0x5f: {  	_ =	shalt  }
0x60: {  	_ =	shalt  }
0x61: {  	_ =	shalt  }
0x62: {  	_ =	shalt  }
0x63: {  	_ =	shalt  }
0x64: {  	_ =	shalt  }
0x65: {  	_ =	shalt  }
0x66: {  	_ =	shalt  }
0x67: {  	_ =	shalt  }
0x68: {  	_ =	shalt  }
0x69: {  	_ =	shalt  }
0x6a: {  	_ =	shalt  }
0x6b: {  	_ =	shalt  }
0x6c: {  	_ =	shalt  }
0x6d: {  	_ =	shalt  }
0x6e: {  	_ =	shalt  }
0x6f: {  	_ =	shalt  }
0x70: {  	_ =	shalt  }
0x71: {  	_ =	shalt  }
0x72: {  	_ =	shalt  }
0x73: {  	_ =	shalt  }
0x74: {  	_ =	shalt  }
0x75: {  	_ =	shalt  }
0x76: {  	_ =	shalt  }
0x77: {  	_ =	shalt  }
0x78: {  	_ =	shalt  }
0x79: {  	_ =	shalt  }
0x7a: {  	_ =	shalt  }
0x7b: {  	_ =	shalt  }
0x7c: {  	_ =	shalt  }
0x7d: {  	_ =	shalt  }
0x7e: {  	_ =	shalt  }
0x7f: {  	_ =	shalt  }
0x80: {  	_ =	shalt  }
0x81: {  	_ =	shalt  }
0x82: {  	_ =	shalt  }
0x83: {  	_ =	shalt  }
0x84: {  	_ =	shalt  }
0x85: {  	_ =	shalt  }
0x86: {  	_ =	shalt  }
0x87: {  	_ =	shalt  }
.Lfunc_end0:
.L_simem_size_0:
called_computation.2_lowered:
.L_overlay_start_0:
0x88: {  	s2 =	sld [smem:$0x3FD9]  }
0x89: {  	s3 =	sld [smem:$0x3FFE];
	_ =	sdelay $0x1  }
0x8a: {  	s1 =	srdreg.scid  }
0x8b: {  	s0 =	sand.u32 $0x1, s1  }
0x8c: {  	s16 =	sshll.u32 s0, $0xA;
	s2 =	sadd.s32 s3, s2  }
0x8d: {  	s2 =	sadd.s32 s2, s16  }
0x8e: {  	[smem:$0x3FBF] =	sst s2  }
0x8f: {  	_ = 	snop  }
0x90: {  	(tm) =	ssettm $0x1  }
0x91: {  	s17 =	sld [smem:$0x3FFB];
	_ =	sdelay $0x3  }
0x92: {  	_ =	strace s17  }
0x93: {  	s2 =	sld [smem:$0x3FFC];
	_ =	sdelay $0x3  }
0x94: {  	_ =	strace s2  }
0x95: {  	s2 =	sld [smem:$0x3FFD];
	_ =	sdelay $0x3  }
0x96: {  	_ =	strace s2  }
0x97: {  	_ =	strace $0x8FFFFFFF  }
0x98: {  	s18 =	sld [smem:$0x3FDB];
	_ =	sdelay $0x1  }
0x99: {  	s19 =	simm.s32 $_scs_section_size  }
0x9a: {  	s4 =	simm.s32 $_size__tile_overlayer_lowered;
	s5 =	simm.s32 $_tile_overlayer_lowered  }
0x9b: {  	s22 =	simm.s32 $0x1BFF;
	s21 =	sshll.u32 s5, $0x1;
	s2 =	sadd.s32 s19, s18  }
0x9c: {  	s6 =	simm.s32 $0x0;
	s20 =	sshll.u32 s4, $0x1;
	s4 =	sadd.s32 s21, s2  }
0x9d: {  	[timem:s6], [sflag:s22] =	dma.local [hbm:s4], s20  }
0x9e: {  	_ =	swait.ge [sflag:s22], s20  }
0x9f: {  	s3 =	ssub.s32 $0x0, s20;
	[sflag:s22] =	ssyncset.done $0x0  }
0xa0: {  	[sflag:s22] =	ssyncadd.s32 s3;
	_ =	sdelay $0x1  }
0xa1: {  	s23 =	simm.s32 $0x1B8B  }
0xa2: {  	_ =	swait.ge [sflag:s23], $0x1  }
0xa3: {  	[sflag:s23] =	ssyncset.done $0x0  }
0xa4: {  	s25 =	simm.s32 $0x1B8E;
	s24 =	sld [smem:$0x3FFE];
	[sflag:s23] =	ssyncadd.s32 $0xFFFFFFFF  }
0xa5: {  	s26 =	simm.s32 $execute0_lowered;
	[smem:$0x3FD2] =	sst s25  }
0xa6: {  	s4 =	sshll.u32 s26, $0x1;
	_ =	strace $0x8000004C;
	[dreg:$0x1] =	wrdreg $0xFFFFFFFF  }
0xa7: {  	s28 =	simm.s32 $_size_execute0_lowered;
	s2 =	sadd.s32 s2, s4;
	[dreg:$0x0] =	wrdreg $0x0  }
0xa8: {  	s4 =	sshll.u32 s28, $0x1;
	[dreg:$0x2] =	wrdreg s2  }
0xa9: {  	[dreg:$0x3] =	wrdreg s4  }
0xaa: {  	[dreg:$0x4] =	wrdreg $0xC0  }
0xab: {  	_ =	task [dreg:s6], $0x5FFFF  }
0xac: {  	[dreg:$0x1] =	wrdreg $0xFFFFFFFF  }
0xad: {  	[dreg:$0x0] =	wrdreg $0x60  }
0xae: {  	[dreg:$0x2] =	wrdreg s24  }
0xaf: {  	[dreg:$0x3] =	wrdreg $0x0  }
0xb0: {  	[dreg:$0x4] =	wrdreg $0x9  }
0xb1: {  	_ =	task.clear_ibuf [dreg:s6], $0x5FFFF;
	_ =	strace $0x9000004C  }
0xb2: {  	s29 =	simm.s32 $0x9;
	_ =	strace $0x8000004E  }
0xb3: {  	_ =	swait.ge [sflag:s29], $0x1  }
0xb4: {  	[sflag:s29] =	ssyncadd.s32 $0xFFFFFFFF  }
0xb5: {  	_ =	strace $0x9000004E  }
0xb6: {  	_ =	sfence  }
0xb7: {  	s30 =	sld [smem:$0x0];
	_ =	sdelay $0x2  }
0xb8: {  	s31 =	sshll.u32 s1, $0xD;
	s1 =	sshrl.u32 s1, $0x2  }
0xb9: {  	s3 =	sand.u32 $0x4000, s31;
	s1 =	sadd.s32 s1, s30  }
0xba: {  	s0 =	sor.u32 s3, s0;
	s1 =	sshll.u32 s1, $0x11  }
0xbb: {  	s0 =	sor.u32 s1, s0  }
0xbc: {  	s0 =	sadd.s32 $0x8F2B, s0  }
0xbd: {  	[sflag:s0] =	ssyncadd.remote.s32 $0x1  }
0xbe: {  	_ =	sfence.sel $0xFFFF  }
0xbf: {  	[dreg:$0x0] =	wrdreg $0xFFFFFFFF;
	(pc) =	sbr.abs _section_cstart, $3  }
0xc0: {  	[dreg:$0x1] =	wrdreg $0xFFFFFFFF  }
0xc1: {  	_ =	task.clear_ibuf [dreg:s6], $0x2FFFF;
	_ =	strace $0x9FFFFFFF  }
0xc2: {  	(tm) =	ssettm $0x7FFFFFFF  }
0xc3: {  	_ =	shalt  }
tec
execute0_lowered:
.L_overlay_start_1:
0x0: {  	(tag) =	ssettag $0x1  }
0x1: {  	s0 =	rddreg [dreg:$0x0]  }
0x2: {  	s1 =	rddreg [dreg:$0x1];
	s3 =	simm.s32 $0x0  }
0x3: {  	s2 =	srdreg.scid;
	s12 =	stileid.u32;
	s28 =	simm.s32 $0x1B880  }
0x4: {  	s29 =	simm.s32 $0x1;
	s30 =	simm.s32 $0x1FD00;
	s31 =	simm.s32 $0x2  }
0x5: {  	[smem:$0x7FF] =	sst s3;
	s2 =	sand.u32 $0x1, s2;
	s6 =	smul.u32 $0x50, s12  }
0x6: {  	s4 =	sadd.s32 $0x10800, s0;
	s5 =	sadd.s32 $0xB800, s0;
	s8 =	smul.u32 $0x4E000, s12  }
0x7: {  	s0 =	sadd.s32 $0x5EA00, s0;
	s10 =	smul.u32 $0x500, s12;
	s22 =	sadd.s32 $0x134200, s1  }
0x8: {  	s11 =	smul.u32 $0x270, s12;
	s24 =	sadd.s32 $0x138080, s1;
	p0 =	seq.s32 s12, $0xF  }
0x9: {  	s3 =	simm.s32 $0x3;
	s18 =	smul.u32 $0x2710, s2;
	_ =	strace $0x8000004D  }
0xa: {  	s7 =	ssub.s32 $0x2, s2;
	s2 =	smul.u32 $0x138800, s2;
	[dreg:$0x5] =	wrdreg s22  }
0xb: {  	[dreg:$0x6] =	wrdreg s24;
	s22 =	simm.s32 $0x1FC80;
	s9 =	sshrl.u32 s7, $0x1  }
0xc: {  	s19 =	sshrl.u32 s8, $0x2;
	s20 =	sadd.s32 s5, s10;
	s9 =	ssub.s32 s7, s9  }
0xd: {  	[dreg:$0x3] =	wrdreg s20;
	s7 =	sadd.s32 s19, s1;
	s23 =	sadd.s32 s11, s18  }
0xe: {  	s2 =	sshrl.u32 s2, $0x3;
	s11 =	sor.u32 $0x8, s6;
	s19 =	simm.s32 $0x5  }
0xf: {  	s20 =	simm.s32 $0x13880;
	v0 =	vmov s18;
	s18 =	simm.s32 $0x1FF00;
	s21 =	sadd.s32 $0xFA00, s7  }
0x10: {  	s8 =	sshll.u32 s23, $0x4;
	s26 =	smax.u32 s9, $0x1;
	s15 =	sadd.s32 $0x3E80, s7  }
0x11: {  	s16 =	sadd.s32 $0x7D00, s7;
	s17 =	sadd.s32 $0xBB80, s7;
	s23 =	simm.s32 $0x1FD80  }
.Ltmp0:
0x12: {  	[dreg:$0x4] =	wrdreg s21;
	s25 =	sadd.s32 s0, s8;
	(pc) =	sbr.rel .LBB2_1-.Ltmp0, $4  }
0x13: {  	s0 =	sadd.s32 s0, s2;
	s2 =	sadd.s32 $0x124800, s1;
	[dreg:$0x9] =	wrdreg s26  }
0x14: {  	s21 =	simm.s32 $0x7D;
	s26 =	simm.s32 $0x1FE80;
	[dreg:$0x7] =	wrdreg s25  }
0x15: {  	s0 =	sadd.s32 $0x24900, s0;
	s24 =	sshrl.u32 @p0 s2, $0x3;
	s25 =	simm.s32 $0x17880  }
0x16: {  	v1 =	vimm.f32 $0.0e+00;
	s2 =	simm.s32 $0x0;
	[dreg:$0x8] =	wrdreg s0;
	s0 =	simm.s32 $0x1FE00  }
.LBB2_10:
0x17: {  	_ =	swait.ge [sflag:s31], $0x3E80  }
0x18: {  	[sflag:s31] =	ssyncset.done $0x0  }
0x19: {  	[sflag:s31] =	ssyncadd.s32 $0xFFFFC180  }
0x1a: {  	[spmem:s1] =	stream.indirect.scatter.add.f32 [tilespmem:s25], [sflag:$0x5], $0x80, s0, s21, $0xb8;
	[tilespmem:$0x1FF80] =	vst v63  }
0x1b: {  	_ =	swait.ge [sflag:s19], $0x3E80  }
0x1c: {  	[sflag:s19] =	ssyncset.done $0x0  }
0x1d: {  	[sflag:s19] =	ssyncadd.s32 $0xFFFFC180  }
.LBB2_8:
0x1e: {  	[bflag:$0x0] =	sbarrier.arrive $0xFFFF  }
0x1f: {  	s6 =	simm.s32 @p0 $0x1FC5;
	s8 =	rddreg [dreg:$0x8]  }
0x20: {  	[hbm:s8], [sflag:s6] =	dma.local @p0 [spmem:s24], $0x2800  }
0x21: {  	s6 =	simm.s32 @p0 $0x5  }
0x22: {  	s8 =	stileid.u32;
	_ =	swait.ge @p0 [sflag:s6], $0x2800  }
0x23: {  	s8 =	sshll.u32 @!p0 s8, $0x6;
	[sflag:s6] =	ssyncset.done @p0 $0x0;
	s9 =	rddreg [dreg:$0x7]  }
0x24: {  	[sflag:s6] =	ssyncadd.s32 @p0 $0xFFFFD800;
	s6 =	sor.u32 @!p0 $0x1C05, s8;
	s8 =	sshrl.u32 @!p0 s7, $0x3  }
0x25: {  	[hbm:s9], [sflag:s6] =	dma.local @!p0 [spmem:s8], $0x2700  }
0x26: {  	s6 =	simm.s32 @!p0 $0x5  }
0x27: {  	_ =	swait.ge @!p0 [sflag:s6], $0x2700  }
0x28: {  	s2 =	sadd.s32 $0x1, s2;
	s14 =	rddreg [dreg:$0x9]  }
0x29: {  	p1 =	sne.s32 s2, s14  }
.Ltmp1:
0x2a: {  	_ = 	snop;
	(pc) =	sbr.rel @!p1 .LBB2_9-.Ltmp1, $3  }
0x2b: {  	_ =	sdelay $0x1  }
0x2c: {  	[sflag:s6] =	ssyncset.done @!p0 $0x0  }
0x2d: {  	[sflag:s6] =	ssyncadd.s32 @!p0 $0xFFFFD900  }
.LBB2_1:
0x2e: {  	s6 =	simm.s32 $0x0;
	s8 =	rddreg [dreg:$0x3];
	s9 =	simm.s32 $0x1F880  }
0x2f: {  	[tilespmem:s9], [sflag:$0x5] =	stream.linear.gather [hbm4b:s8+s6], $0x400, $0x38;
	[tilespmem:$0x1FF80] =	vst v63  }
0x30: {  	_ =	swait.ge [sflag:s19], $0x400  }
0x31: {  	[sflag:s19] =	ssyncset.done $0x0  }
0x32: {  	s6 =	simm.s32 $0x70;
	s8 =	simm.s32 $0x3C0;
	[sflag:s19] =	ssyncadd.s32 $0xFFFFFC00  }
.LBB2_2:
0x33: {  	p1 =	sne.s32 s8, $0xF9C0;
	[tilespmem:s6+$0x13880] =	vst v1  }
0x34: {  	[tilespmem:s6+$0x13810] =	vst v1  }
0x35: {  	[tilespmem:s6+$0x13820] =	vst v1  }
.Ltmp2:
0x36: {  	[tilespmem:s6+$0x13830] =	vst v1;
	(pc) =	sbr.rel @p1 .LBB2_2-.Ltmp2, $4  }
0x37: {  	[tilespmem:s6+$0x13840] =	vst v1  }
0x38: {  	[tilespmem:s6+$0x13850] =	vst v1  }
0x39: {  	[tilespmem:s6+$0x13860] =	vst v1  }
0x3a: {  	[tilespmem:s6+$0x13870] =	vst v1;
	s6 =	sshra.s32 s8, $0x2;
	s8 =	sadd.s32 $0x200, s8  }
0x3b: {  	[tilespmem:s6+$0x13880] =	vst v1  }
0x3c: {  	[tilespmem:s6+$0x13810] =	vst v1  }
0x3d: {  	[tilespmem:s6+$0x13820] =	vst v1  }
0x3e: {  	[tilespmem:s6+$0x13830] =	vst v1  }
0x3f: {  	[tilespmem:s6+$0x13840] =	vst v1  }
0x40: {  	[tilespmem:s6+$0x13850] =	vst v1  }
0x41: {  	[tilespmem:s6+$0x13860] =	vst v1  }
0x42: {  	[tilespmem:s6+$0x13870] =	vst v1  }
0x43: {  	[spmem:s7] =	stream.linear.scatter [tilespmem:s20], [sflag:$0x5], $0x3E80, $0x38;
	[tilespmem:$0x1FF80] =	vst v63  }
0x44: {  	_ =	swait.ge [sflag:s19], $0x3E80  }
0x45: {  	[sflag:s19] =	ssyncset.done $0x0  }
0x46: {  	[sflag:s19] =	ssyncadd.s32 $0xFFFFC180  }
0x47: {  	[spmem:s15] =	stream.linear.scatter [tilespmem:s20], [sflag:$0x5], $0x3E80, $0x38;
	[tilespmem:$0x1FF80] =	vst v63  }
0x48: {  	_ =	swait.ge [sflag:s19], $0x3E80  }
0x49: {  	[sflag:s19] =	ssyncset.done $0x0  }
0x4a: {  	[sflag:s19] =	ssyncadd.s32 $0xFFFFC180  }
0x4b: {  	[spmem:s16] =	stream.linear.scatter [tilespmem:s20], [sflag:$0x5], $0x3E80, $0x38;
	[tilespmem:$0x1FF80] =	vst v63  }
0x4c: {  	_ =	swait.ge [sflag:s19], $0x3E80  }
0x4d: {  	[sflag:s19] =	ssyncset.done $0x0  }
0x4e: {  	[sflag:s19] =	ssyncadd.s32 $0xFFFFC180  }
0x4f: {  	[spmem:s17] =	stream.linear.scatter [tilespmem:s20], [sflag:$0x5], $0x3E80, $0x38;
	[tilespmem:$0x1FF80] =	vst v63  }
0x50: {  	_ =	swait.ge [sflag:s19], $0x3E80  }
0x51: {  	[sflag:s19] =	ssyncset.done $0x0  }
0x52: {  	s6 =	simm.s32 @p0 $0x13880;
	s8 =	rddreg [dreg:$0x5];
	[sflag:s19] =	ssyncadd.s32 $0xFFFFC180  }
0x53: {  	[spmem:s8] =	stream.linear.scatter @p0 [tilespmem:s6], [sflag:$0x5], $0x3E80, $0x38;
	[tilespmem:$0x1FF80] =	vst v63  }
0x54: {  	s8 =	simm.s32 @p0 $0x5  }
0x55: {  	_ =	swait.ge @p0 [sflag:s8], $0x3E80  }
0x56: {  	[sflag:s8] =	ssyncset.done @p0 $0x0  }
0x57: {  	s9 =	rddreg [dreg:$0x6];
	[sflag:s8] =	ssyncadd.s32 @p0 $0xFFFFC180  }
0x58: {  	[spmem:s9] =	stream.linear.scatter @p0 [tilespmem:s6], [sflag:$0x5], $0x780, $0x38;
	[tilespmem:$0x1FF80] =	vst v63  }
0x59: {  	_ =	swait.ge @p0 [sflag:s8], $0x780  }
0x5a: {  	[sflag:s8] =	ssyncset.done @p0 $0x0  }
0x5b: {  	s6 =	simm.s32 @!p0 $0x13880;
	[sflag:s8] =	ssyncadd.s32 @p0 $0xFFFFF880;
	s8 =	rddreg [dreg:$0x4]  }
0x5c: {  	[spmem:s8] =	stream.linear.scatter @!p0 [tilespmem:s6], [sflag:$0x5], $0x3E00, $0x38;
	[tilespmem:$0x1FF80] =	vst v63  }
0x5d: {  	s6 =	simm.s32 @!p0 $0x5  }
0x5e: {  	_ =	swait.ge @!p0 [sflag:s6], $0x3E00  }
0x5f: {  	[sflag:s6] =	ssyncset.done @!p0 $0x0  }
0x60: {  	[sflag:s6] =	ssyncadd.s32 @!p0 $0xFFFFC200  }
0x61: {  	[bflag:$0x0] =	sbarrier.arrive $0xFFFF  }
0x62: {  	v2 =	vld [tilespmem:$0x1F880]  }
0x63: {  	v3 =	vld [tilespmem:$0x1F890];
	_ =	sdelay $0x1  }
0x64: {  	v4 =	vld [tilespmem:$0x1F8A0];
	_ =	sdelay $0x1  }
0x65: {  	v6 =	vld [tilespmem:$0x1F8B0];
	v5 =	vand.u32 $0xFFFF, v2;
	v2 =	vshra.s32 v2, $0x10  }
0x66: {  	v37 =	vand.u32 $0xFFFF, v3;
	v5 =	vadd.s32 v0, v5;
	[tilespmem:$0x1FD00] =	vst v2  }
0x67: {  	v38 =	vld [tilespmem:$0x1F8C0];
	v2 =	vadd.s32 v0, v37;
	[tilespmem:$0x1FC80] =	vst v5  }
0x68: {  	[tilespmem:$0x1FC90] =	vst v2;
	v2 =	vshra.s32 v3, $0x10;
	v3 =	vand.u32 $0xFFFF, v4  }
0x69: {  	[tilespmem:$0x1FD10] =	vst v2;
	v2 =	vadd.s32 v0, v3;
	v3 =	vld [tilespmem:$0x1F8D0]  }
0x6a: {  	v39 =	vand.u32 $0xFFFF, v6;
	[tilespmem:$0x1FCA0] =	vst v2;
	v2 =	vshra.s32 v4, $0x10  }
0x6b: {  	v40 =	vld [tilespmem:$0x1F8E0];
	[tilespmem:$0x1FD20] =	vst v2;
	v2 =	vadd.s32 v0, v39  }
0x6c: {  	v41 =	vand.u32 $0xFFFF, v38;
	[tilespmem:$0x1FCB0] =	vst v2;
	v2 =	vshra.s32 v6, $0x10  }
0x6d: {  	v42 =	vld [tilespmem:$0x1F8ED];
	[tilespmem:$0x1FD30] =	vst v2;
	v2 =	vadd.s32 v0, v41  }
0x6e: {  	[tilespmem:$0x1FCC0] =	vst v2;
	v2 =	vshra.s32 v38, $0x10;
	v43 =	vand.u32 $0xFFFF, v3  }
0x6f: {  	[tilespmem:$0x1FD40] =	vst v2;
	v2 =	vadd.s32 v0, v43  }
0x70: {  	[tilespmem:$0x1FCD0] =	vst v2;
	v2 =	vshra.s32 v3, $0x10;
	v3 =	vand.u32 $0xFFFF, v40  }
0x71: {  	[tilespmem:$0x1FD50] =	vst v2;
	v2 =	vadd.s32 v0, v3  }
0x72: {  	v3 =	vand.u32 $0xFFFF, v42;
	[tilespmem:$0x1FCE0] =	vst v2;
	v2 =	vshra.s32 v40, $0x10  }
0x73: {  	[tilespmem:$0x1FD60] =	vst v2;
	v2 =	vadd.s32 v0, v3  }
0x74: {  	[tilespmem:$0x1FCED] =	vst v2;
	v2 =	vshra.s32 v42, $0x10  }
0x75: {  	[tilespmem:$0x1FD6D] =	vst v2  }
0x76: {  	[tilespmem:s20], [sflag:$0x1] =	stream.indirect.gather [hbm4b:s4+s21], $0x80, s22, s21, $0xb8;
	[tilespmem:$0x1FF80] =	vst v63  }
0x77: {  	v2 =	vld [tilespmem:$0x1F900]  }
0x78: {  	v3 =	vld [tilespmem:$0x1F910];
	_ =	sdelay $0x1  }
0x79: {  	v44 =	vld [tilespmem:$0x1F920];
	_ =	sdelay $0x1  }
0x7a: {  	v46 =	vld [tilespmem:$0x1F930];
	v45 =	vand.u32 $0xFFFF, v2;
	v2 =	vshra.s32 v2, $0x10  }
0x7b: {  	v47 =	vand.u32 $0xFFFF, v3;
	v5 =	vadd.s32 v0, v45;
	[tilespmem:$0x1FE00] =	vst v2  }
0x7c: {  	v48 =	vld [tilespmem:$0x1F940];
	v2 =	vadd.s32 v0, v47;
	[tilespmem:$0x1FD80] =	vst v5  }
0x7d: {  	[tilespmem:$0x1FD90] =	vst v2;
	v2 =	vshra.s32 v3, $0x10;
	v3 =	vand.u32 $0xFFFF, v44  }
0x7e: {  	[tilespmem:$0x1FE10] =	vst v2;
	v2 =	vadd.s32 v0, v3;
	v3 =	vld [tilespmem:$0x1F950]  }
0x7f: {  	v49 =	vand.u32 $0xFFFF, v46;
	[tilespmem:$0x1FDA0] =	vst v2;
	v2 =	vshra.s32 v44, $0x10  }
0x80: {  	v50 =	vld [tilespmem:$0x1F960];
	[tilespmem:$0x1FE20] =	vst v2;
	v2 =	vadd.s32 v0, v49  }
0x81: {  	v51 =	vand.u32 $0xFFFF, v48;
	[tilespmem:$0x1FDB0] =	vst v2;
	v2 =	vshra.s32 v46, $0x10  }
0x82: {  	v52 =	vld [tilespmem:$0x1F96D];
	[tilespmem:$0x1FE30] =	vst v2;
	v2 =	vadd.s32 v0, v51  }
0x83: {  	[tilespmem:$0x1FDC0] =	vst v2;
	v2 =	vshra.s32 v48, $0x10;
	v53 =	vand.u32 $0xFFFF, v3  }
0x84: {  	[tilespmem:$0x1FE40] =	vst v2;
	v2 =	vadd.s32 v0, v53  }
0x85: {  	[tilespmem:$0x1FDD0] =	vst v2;
	v2 =	vshra.s32 v3, $0x10;
	v3 =	vand.u32 $0xFFFF, v50  }
0x86: {  	[tilespmem:$0x1FE50] =	vst v2;
	v2 =	vadd.s32 v0, v3  }
0x87: {  	v3 =	vand.u32 $0xFFFF, v52;
	[tilespmem:$0x1FDE0] =	vst v2;
	v2 =	vshra.s32 v50, $0x10  }
0x88: {  	[tilespmem:$0x1FE60] =	vst v2;
	v2 =	vadd.s32 v0, v3  }
0x89: {  	[tilespmem:$0x1FDED] =	vst v2;
	v2 =	vshra.s32 v52, $0x10  }
0x8a: {  	[tilespmem:$0x1FE6D] =	vst v2  }
0x8b: {  	[tilespmem:s25], [sflag:$0x2] =	stream.indirect.gather [hbm4b:s4+s21], $0x80, s23, s21, $0xb8;
	[tilespmem:$0x1FF80] =	vst v63  }
0x8c: {  	v2 =	vld [tilespmem:$0x1F980]  }
0x8d: {  	v3 =	vld [tilespmem:$0x1F990];
	_ =	sdelay $0x1  }
0x8e: {  	v54 =	vld [tilespmem:$0x1F9A0];
	_ =	sdelay $0x1  }
0x8f: {  	v56 =	vld [tilespmem:$0x1F9B0];
	v55 =	vand.u32 $0xFFFF, v2;
	v2 =	vshra.s32 v2, $0x10  }
0x90: {  	v57 =	vand.u32 $0xFFFF, v3;
	v5 =	vadd.s32 v0, v55;
	[tilespmem:$0x1FF00] =	vst v2  }
0x91: {  	v58 =	vld [tilespmem:$0x1F9C0];
	v2 =	vadd.s32 v0, v57;
	[tilespmem:$0x1FE80] =	vst v5  }
0x92: {  	[tilespmem:$0x1FE90] =	vst v2;
	v2 =	vshra.s32 v3, $0x10;
	v3 =	vand.u32 $0xFFFF, v54  }
0x93: {  	[tilespmem:$0x1FF10] =	vst v2;
	v2 =	vadd.s32 v0, v3;
	v3 =	vld [tilespmem:$0x1F9D0]  }
0x94: {  	v59 =	vand.u32 $0xFFFF, v56;
	[tilespmem:$0x1FEA0] =	vst v2;
	v2 =	vshra.s32 v54, $0x10  }
0x95: {  	v60 =	vld [tilespmem:$0x1F9E0];
	[tilespmem:$0x1FF20] =	vst v2;
	v2 =	vadd.s32 v0, v59  }
0x96: {  	v61 =	vand.u32 $0xFFFF, v58;
	[tilespmem:$0x1FEB0] =	vst v2;
	v2 =	vshra.s32 v56, $0x10  }
0x97: {  	v62 =	vld [tilespmem:$0x1F9ED];
	[tilespmem:$0x1FF30] =	vst v2;
	v2 =	vadd.s32 v0, v61  }
0x98: {  	[tilespmem:$0x1FEC0] =	vst v2;
	v2 =	vshra.s32 v58, $0x10;
	v63 =	vand.u32 $0xFFFF, v3  }
0x99: {  	[tilespmem:$0x1FF40] =	vst v2;
	v2 =	vadd.s32 v0, v63  }
0x9a: {  	[tilespmem:$0x1FED0] =	vst v2;
	v2 =	vshra.s32 v3, $0x10;
	v3 =	vand.u32 $0xFFFF, v60  }
0x9b: {  	[tilespmem:$0x1FF50] =	vst v2;
	v2 =	vadd.s32 v0, v3  }
.Ltmp3:
0x9c: {  	v3 =	vand.u32 $0xFFFF, v62;
	[tilespmem:$0x1FEE0] =	vst v2;
	v2 =	vshra.s32 v60, $0x10;
	(pc) =	sbr.rel .LBB2_4-.Ltmp3, $4  }
0x9d: {  	[tilespmem:$0x1FF60] =	vst v2;
	v2 =	vadd.s32 v0, v3  }
0x9e: {  	[tilespmem:$0x1FEED] =	vst v2;
	v2 =	vshra.s32 v62, $0x10  }
0x9f: {  	s9 =	simm.s32 $0x5;
	s8 =	simm.s32 $0x280;
	s6 =	simm.s32 $0x0;
	[tilespmem:$0x1FF6D] =	vst v2  }
0xa0: {  	[tilespmem:s28], [sflag:$0x3] =	stream.indirect.gather [hbm4b:s4+s21], $0x80, s26, s21, $0xb8;
	[tilespmem:$0x1FF80] =	vst v63  }
.LBB2_7:
0xa1: {  	s8 =	sadd.s32 $0x180, s8  }
0xa2: {  	p1 =	sne.s32 s8, $0x2B00  }
.Ltmp4:
0xa3: {  	_ = 	snop;
	(pc) =	sbr.rel @!p1 .LBB2_8-.Ltmp4, $2  }
0xa4: {  	_ =	sdelay $0x2  }
0xa5: {  	s6 =	sadd.s32 $0x1, s6;
	s9 =	sadd.s32 $0x3, s9  }
.LBB2_4:
0xa6: {  	_ =	swait.ge [sflag:s29], $0x3E80  }
0xa7: {  	p1 =	seq.s32 s8, $0x2980;
	[sflag:s29] =	ssyncset.done $0x0  }
.Ltmp5:
0xa8: {  	[sflag:s29] =	ssyncadd.s32 $0xFFFFC180;
	(pc) =	sbr.rel @p1 .LBB2_10-.Ltmp5, $4  }
0xa9: {  	[spmem:s1] =	stream.indirect.scatter.add.f32 [tilespmem:s20], [sflag:$0x5], $0x80, s30, s21, $0xb8;
	[tilespmem:$0x1FF80] =	vst v63  }
0xaa: {  	_ =	swait.ge [sflag:s19], $0x3E80  }
0xab: {  	[sflag:s19] =	ssyncset.done $0x0  }
0xac: {  	[sflag:s19] =	ssyncadd.s32 $0xFFFFC180  }
0xad: {  	s10 =	sadd.s32 $0xFFFFFFFE, s9  }
0xae: {  	s12 =	sand.u32 $0x7, s10  }
0xaf: {  	p1 =	sne.s32 s12, $0x0  }
0xb0: {  	s13 =	simm.s32 @!p1 $0x4  }
0xb1: {  	_ =	swait.ge @!p1 [sflag:s13], $0x400  }
0xb2: {  	s14 =	sadd.s32 $0xFFFFFF00, s8;
	[sflag:s13] =	ssyncset.done @!p1 $0x0  }
0xb3: {  	s14 =	sand.u32 $0x380, s14;
	[sflag:s13] =	ssyncadd.s32 @!p1 $0xFFFFFC00  }
0xb4: {  	v2 =	vld [tilespmem:s14+$0x1F880];
	_ =	sdelay $0x4  }
0xb5: {  	v3 =	vand.u32 $0xFFFF, v2;
	v2 =	vshra.s32 v2, $0x10  }
0xb6: {  	v3 =	vadd.s32 v0, v3;
	[tilespmem:$0x1FD00] =	vst v2  }
0xb7: {  	[tilespmem:$0x1FC80] =	vst v3  }
0xb8: {  	v2 =	vld [tilespmem:s14+$0x1F890];
	_ =	sdelay $0x4  }
0xb9: {  	v3 =	vand.u32 $0xFFFF, v2;
	v2 =	vshra.s32 v2, $0x10  }
0xba: {  	v3 =	vadd.s32 v0, v3;
	[tilespmem:$0x1FD10] =	vst v2  }
0xbb: {  	[tilespmem:$0x1FC90] =	vst v3  }
0xbc: {  	v2 =	vld [tilespmem:s14+$0x1F8A0];
	_ =	sdelay $0x4  }
0xbd: {  	v3 =	vand.u32 $0xFFFF, v2;
	v2 =	vshra.s32 v2, $0x10  }
0xbe: {  	v3 =	vadd.s32 v0, v3;
	[tilespmem:$0x1FD20] =	vst v2  }
0xbf: {  	[tilespmem:$0x1FCA0] =	vst v3  }
0xc0: {  	v2 =	vld [tilespmem:s14+$0x1F8B0];
	_ =	sdelay $0x4  }
0xc1: {  	v3 =	vand.u32 $0xFFFF, v2;
	v2 =	vshra.s32 v2, $0x10  }
0xc2: {  	v3 =	vadd.s32 v0, v3;
	[tilespmem:$0x1FD30] =	vst v2  }
0xc3: {  	[tilespmem:$0x1FCB0] =	vst v3  }
0xc4: {  	v2 =	vld [tilespmem:s14+$0x1F8C0];
	_ =	sdelay $0x4  }
0xc5: {  	v3 =	vand.u32 $0xFFFF, v2;
	v2 =	vshra.s32 v2, $0x10  }
0xc6: {  	v3 =	vadd.s32 v0, v3;
	[tilespmem:$0x1FD40] =	vst v2  }
0xc7: {  	[tilespmem:$0x1FCC0] =	vst v3  }
0xc8: {  	v2 =	vld [tilespmem:s14+$0x1F8D0];
	_ =	sdelay $0x4  }
0xc9: {  	v3 =	vand.u32 $0xFFFF, v2;
	v2 =	vshra.s32 v2, $0x10  }
0xca: {  	v3 =	vadd.s32 v0, v3;
	[tilespmem:$0x1FD50] =	vst v2  }
0xcb: {  	[tilespmem:$0x1FCD0] =	vst v3  }
0xcc: {  	v2 =	vld [tilespmem:s14+$0x1F8E0];
	_ =	sdelay $0x4  }
0xcd: {  	v3 =	vand.u32 $0xFFFF, v2;
	v2 =	vshra.s32 v2, $0x10  }
0xce: {  	v3 =	vadd.s32 v0, v3;
	[tilespmem:$0x1FD60] =	vst v2  }
0xcf: {  	[tilespmem:$0x1FCE0] =	vst v3  }
0xd0: {  	v2 =	vld [tilespmem:s14+$0x1F8ED]  }
0xd1: {  	p1 =	sgt.u32 s6, $0x16  }
0xd2: {  	p2 =	sne.s32 @!p1 s12, $0x7  }
0xd3: {  	p2 =	por p2, p1  }
0xd4: {  	s10 =	sand.u32 @!p2 $0xF8, s10  }
0xd5: {  	s10 =	sadd.s32 @!p2 s10, s11;
	v3 =	vand.u32 $0xFFFF, v2;
	v2 =	vshra.s32 v2, $0x10  }
0xd6: {  	s10 =	sshll.u32 @!p2 s10, $0x4;
	v3 =	vadd.s32 v0, v3;
	[tilespmem:$0x1FD6D] =	vst v2  }
0xd7: {  	s12 =	simm.s32 @!p2 $0x0;
	s13 =	simm.s32 @!p2 $0x1F880;
	s10 =	sadd.s32 @!p2 s5, s10;
	[tilespmem:$0x1FCED] =	vst v3  }
0xd8: {  	[tilespmem:s13], [sflag:$0x4] =	stream.linear.gather @!p2 [hbm4b:s10+s12], $0x400, $0x38;
	[tilespmem:$0x1FF80] =	vst v63  }
0xd9: {  	_ = 	snop  }
0xda: {  	[tilespmem:s20], [sflag:$0x1] =	stream.indirect.gather [hbm4b:s4+s21], $0x80, s22, s21, $0xb8;
	[tilespmem:$0x1FF80] =	vst v63  }
0xdb: {  	_ =	swait.ge [sflag:s31], $0x3E80  }
0xdc: {  	[sflag:s31] =	ssyncset.done $0x0  }
0xdd: {  	s10 =	sadd.s32 $0xFFFFFFFF, s9;
	[sflag:s31] =	ssyncadd.s32 $0xFFFFC180  }
0xde: {  	[spmem:s1] =	stream.indirect.scatter.add.f32 [tilespmem:s25], [sflag:$0x5], $0x80, s0, s21, $0xb8;
	[tilespmem:$0x1FF80] =	vst v63  }
0xdf: {  	s12 =	sand.u32 $0x7, s10;
	_ =	swait.ge [sflag:s19], $0x3E80  }
0xe0: {  	p2 =	sne.s32 s12, $0x0;
	[sflag:s19] =	ssyncset.done $0x0  }
0xe1: {  	s13 =	simm.s32 @!p2 $0x4;
	[sflag:s19] =	ssyncadd.s32 $0xFFFFC180  }
0xe2: {  	_ =	swait.ge @!p2 [sflag:s13], $0x400  }
0xe3: {  	s14 =	sadd.s32 $0xFFFFFF80, s8;
	[sflag:s13] =	ssyncset.done @!p2 $0x0  }
0xe4: {  	s14 =	sand.u32 $0x380, s14;
	[sflag:s13] =	ssyncadd.s32 @!p2 $0xFFFFFC00  }
0xe5: {  	v2 =	vld [tilespmem:s14+$0x1F880];
	_ =	sdelay $0x4  }
0xe6: {  	v3 =	vand.u32 $0xFFFF, v2;
	v2 =	vshra.s32 v2, $0x10  }
0xe7: {  	v3 =	vadd.s32 v0, v3;
	[tilespmem:$0x1FE00] =	vst v2  }
0xe8: {  	[tilespmem:$0x1FD80] =	vst v3  }
0xe9: {  	v2 =	vld [tilespmem:s14+$0x1F890];
	_ =	sdelay $0x4  }
0xea: {  	v3 =	vand.u32 $0xFFFF, v2;
	v2 =	vshra.s32 v2, $0x10  }
0xeb: {  	v3 =	vadd.s32 v0, v3;
	[tilespmem:$0x1FE10] =	vst v2  }
0xec: {  	[tilespmem:$0x1FD90] =	vst v3  }
0xed: {  	v2 =	vld [tilespmem:s14+$0x1F8A0];
	_ =	sdelay $0x4  }
0xee: {  	v3 =	vand.u32 $0xFFFF, v2;
	v2 =	vshra.s32 v2, $0x10  }
0xef: {  	v3 =	vadd.s32 v0, v3;
	[tilespmem:$0x1FE20] =	vst v2  }
0xf0: {  	[tilespmem:$0x1FDA0] =	vst v3  }
0xf1: {  	v2 =	vld [tilespmem:s14+$0x1F8B0];
	_ =	sdelay $0x4  }
0xf2: {  	v3 =	vand.u32 $0xFFFF, v2;
	v2 =	vshra.s32 v2, $0x10  }
0xf3: {  	v3 =	vadd.s32 v0, v3;
	[tilespmem:$0x1FE30] =	vst v2  }
0xf4: {  	[tilespmem:$0x1FDB0] =	vst v3  }
0xf5: {  	v2 =	vld [tilespmem:s14+$0x1F8C0];
	_ =	sdelay $0x4  }
0xf6: {  	v3 =	vand.u32 $0xFFFF, v2;
	v2 =	vshra.s32 v2, $0x10  }
0xf7: {  	v3 =	vadd.s32 v0, v3;
	[tilespmem:$0x1FE40] =	vst v2  }
0xf8: {  	[tilespmem:$0x1FDC0] =	vst v3  }
0xf9: {  	v2 =	vld [tilespmem:s14+$0x1F8D0];
	_ =	sdelay $0x4  }
0xfa: {  	v3 =	vand.u32 $0xFFFF, v2;
	v2 =	vshra.s32 v2, $0x10  }
0xfb: {  	v3 =	vadd.s32 v0, v3;
	[tilespmem:$0x1FE50] =	vst v2  }
0xfc: {  	[tilespmem:$0x1FDD0] =	vst v3  }
0xfd: {  	v2 =	vld [tilespmem:s14+$0x1F8E0];
	_ =	sdelay $0x4  }
0xfe: {  	v3 =	vand.u32 $0xFFFF, v2;
	v2 =	vshra.s32 v2, $0x10  }
0xff: {  	v3 =	vadd.s32 v0, v3;
	[tilespmem:$0x1FE60] =	vst v2  }
0x100: {  	[tilespmem:$0x1FDE0] =	vst v3  }
0x101: {  	v2 =	vld [tilespmem:s14+$0x1F8ED];
	_ =	sdelay $0x1  }
0x102: {  	p2 =	sne.s32 @!p1 s12, $0x7  }
0x103: {  	p2 =	por p2, p1  }
0x104: {  	s10 =	sand.u32 @!p2 $0xF8, s10  }
0x105: {  	s10 =	sadd.s32 @!p2 s10, s11;
	v3 =	vand.u32 $0xFFFF, v2;
	v2 =	vshra.s32 v2, $0x10  }
0x106: {  	s10 =	sshll.u32 @!p2 s10, $0x4;
	v3 =	vadd.s32 v0, v3;
	[tilespmem:$0x1FE6D] =	vst v2  }
0x107: {  	s12 =	simm.s32 @!p2 $0x0;
	s13 =	simm.s32 @!p2 $0x1F880;
	s10 =	sadd.s32 @!p2 s5, s10;
	[tilespmem:$0x1FDED] =	vst v3  }
0x108: {  	[tilespmem:s13], [sflag:$0x4] =	stream.linear.gather @!p2 [hbm4b:s10+s12], $0x400, $0x38;
	[tilespmem:$0x1FF80] =	vst v63  }
0x109: {  	_ = 	snop  }
0x10a: {  	[tilespmem:s25], [sflag:$0x2] =	stream.indirect.gather [hbm4b:s4+s21], $0x80, s23, s21, $0xb8;
	[tilespmem:$0x1FF80] =	vst v63  }
0x10b: {  	_ =	swait.ge [sflag:s3], $0x3E80  }
0x10c: {  	p2 =	sgt.u32 s6, $0x18;
	[sflag:s3] =	ssyncset.done $0x0  }
.Ltmp6:
0x10d: {  	[sflag:s3] =	ssyncadd.s32 $0xFFFFC180;
	(pc) =	sbr.rel @p2 .LBB2_7-.Ltmp6, $4  }
0x10e: {  	[spmem:s1] =	stream.indirect.scatter.add.f32 [tilespmem:s28], [sflag:$0x5], $0x80, s18, s21, $0xb8;
	[tilespmem:$0x1FF80] =	vst v63  }
0x10f: {  	_ =	swait.ge [sflag:s19], $0x3E80  }
0x110: {  	[sflag:s19] =	ssyncset.done $0x0  }
0x111: {  	[sflag:s19] =	ssyncadd.s32 $0xFFFFC180  }
0x112: {  	s10 =	sand.u32 $0x7, s9  }
0x113: {  	p2 =	sne.s32 s10, $0x0  }
0x114: {  	s12 =	simm.s32 @!p2 $0x4  }
0x115: {  	_ =	swait.ge @!p2 [sflag:s12], $0x400  }
0x116: {  	[sflag:s12] =	ssyncset.done @!p2 $0x0  }
0x117: {  	s14 =	sand.u32 $0x380, s8;
	[sflag:s12] =	ssyncadd.s32 @!p2 $0xFFFFFC00  }
0x118: {  	v2 =	vld [tilespmem:s14+$0x1F880];
	_ =	sdelay $0x4  }
0x119: {  	v3 =	vand.u32 $0xFFFF, v2;
	v2 =	vshra.s32 v2, $0x10  }
0x11a: {  	v3 =	vadd.s32 v0, v3;
	[tilespmem:$0x1FF00] =	vst v2  }
0x11b: {  	[tilespmem:$0x1FE80] =	vst v3  }
0x11c: {  	v2 =	vld [tilespmem:s14+$0x1F890];
	_ =	sdelay $0x4  }
0x11d: {  	v3 =	vand.u32 $0xFFFF, v2;
	v2 =	vshra.s32 v2, $0x10  }
0x11e: {  	v3 =	vadd.s32 v0, v3;
	[tilespmem:$0x1FF10] =	vst v2  }
0x11f: {  	[tilespmem:$0x1FE90] =	vst v3  }
0x120: {  	v2 =	vld [tilespmem:s14+$0x1F8A0];
	_ =	sdelay $0x4  }
0x121: {  	v3 =	vand.u32 $0xFFFF, v2;
	v2 =	vshra.s32 v2, $0x10  }
0x122: {  	v3 =	vadd.s32 v0, v3;
	[tilespmem:$0x1FF20] =	vst v2  }
0x123: {  	[tilespmem:$0x1FEA0] =	vst v3  }
0x124: {  	v2 =	vld [tilespmem:s14+$0x1F8B0];
	_ =	sdelay $0x4  }
0x125: {  	v3 =	vand.u32 $0xFFFF, v2;
	v2 =	vshra.s32 v2, $0x10  }
0x126: {  	v3 =	vadd.s32 v0, v3;
	[tilespmem:$0x1FF30] =	vst v2  }
0x127: {  	[tilespmem:$0x1FEB0] =	vst v3  }
0x128: {  	v2 =	vld [tilespmem:s14+$0x1F8C0];
	_ =	sdelay $0x4  }
0x129: {  	v3 =	vand.u32 $0xFFFF, v2;
	v2 =	vshra.s32 v2, $0x10  }
0x12a: {  	v3 =	vadd.s32 v0, v3;
	[tilespmem:$0x1FF40] =	vst v2  }
0x12b: {  	[tilespmem:$0x1FEC0] =	vst v3  }
0x12c: {  	v2 =	vld [tilespmem:s14+$0x1F8D0];
	_ =	sdelay $0x4  }
0x12d: {  	v3 =	vand.u32 $0xFFFF, v2;
	v2 =	vshra.s32 v2, $0x10  }
0x12e: {  	v3 =	vadd.s32 v0, v3;
	[tilespmem:$0x1FF50] =	vst v2  }
0x12f: {  	[tilespmem:$0x1FED0] =	vst v3  }
0x130: {  	v2 =	vld [tilespmem:s14+$0x1F8E0];
	_ =	sdelay $0x4  }
0x131: {  	v3 =	vand.u32 $0xFFFF, v2;
	v2 =	vshra.s32 v2, $0x10  }
0x132: {  	v3 =	vadd.s32 v0, v3;
	[tilespmem:$0x1FF60] =	vst v2  }
0x133: {  	[tilespmem:$0x1FEE0] =	vst v3  }
0x134: {  	v2 =	vld [tilespmem:s14+$0x1F8ED];
	_ =	sdelay $0x1  }
0x135: {  	p2 =	sne.s32 @!p1 s10, $0x7  }
0x136: {  	p1 =	por p2, p1  }
0x137: {  	s10 =	sand.u32 @!p1 $0xF8, s9  }
0x138: {  	s10 =	sadd.s32 @!p1 s10, s11;
	v3 =	vand.u32 $0xFFFF, v2;
	v2 =	vshra.s32 v2, $0x10  }
.Ltmp7:
0x139: {  	s10 =	sshll.u32 @!p1 s10, $0x4;
	v3 =	vadd.s32 v0, v3;
	[tilespmem:$0x1FF6D] =	vst v2;
	(pc) =	sbr.rel .LBB2_7-.Ltmp7, $4  }
0x13a: {  	s12 =	simm.s32 @!p1 $0x0;
	s13 =	simm.s32 @!p1 $0x1F880;
	s10 =	sadd.s32 @!p1 s5, s10;
	[tilespmem:$0x1FEED] =	vst v3  }
0x13b: {  	[tilespmem:s13], [sflag:$0x4] =	stream.linear.gather @!p1 [hbm4b:s10+s12], $0x400, $0x38;
	[tilespmem:$0x1FF80] =	vst v63  }
0x13c: {  	_ = 	snop  }
0x13d: {  	[tilespmem:s28], [sflag:$0x3] =	stream.indirect.gather [hbm4b:s4+s21], $0x80, s26, s21, $0xb8;
	[tilespmem:$0x1FF80] =	vst v63  }
.LBB2_9:
0x13e: {  	_ =	sfence.sel $0x180000  }
0x13f: {  	[bflag:$0x0] =	sbarrier.arrive $0xFFFF  }
0x140: {  	_ =	strace $0x9000004D  }
0x141: {  	s0 =	stileid.u32;
	[bflag:$0x2] =	sbarrier.arrive $0xFFFF  }
0x142: {  	p0 =	sne.s32 s0, $0x0;
	s0 =	rddreg [dreg:$0x2]  }
0x143: {  	s0 =	sadd.s32 @!p0 $0x100000, s0  }
0x144: {  	[sflag:s0] =	ssyncadd.tile.s32 @!p0 $0x1;
	_ =	shalt  }
.Lfunc_end2:
_tile_overlayer_lowered:
.L_overlay_start_2:
0x145: {  	(tag) =	ssettag $0x2  }
0x146: {  	s0 =	rddreg [dreg:$0x0];
	s2 =	stileid.u32  }
0x147: {  	s1 =	rddreg [dreg:$0x1];
	p0 =	sne.s32 s2, $0x0  }
0x148: {  	s3 =	rddreg [dreg:$0x2];
	[bflag:$0x3] =	sbarrier.arrive $0xFFFF;
	s2 =	simm.s32 @!p0 $0x1C05  }
0x149: {  	[timem:s3], [sflag:s2] =	dma.local @!p0 [hbm:s0], s1  }
0x14a: {  	s0 =	simm.s32 @!p0 $0x5  }
0x14b: {  	_ =	swait.ge @!p0 [sflag:s0], s1  }
0x14c: {  	s1 =	ssub.s32 @!p0 $0x0, s1;
	[sflag:s0] =	ssyncset.done @!p0 $0x0  }
0x14d: {  	[sflag:s0] =	ssyncadd.s32 @!p0 s1  }
0x14e: {  	[bflag:$0x3] =	sbarrier.arrive $0xFFFF  }
0x14f: {  	_ =	shalt  }

// kernel: kernel.8.cloned.1.call-start
scs
__scs_entry_jumppad:
0x0: {  	(pc) =	sbr.rel $0x88, $3  }
0x1: {  	(tag) =	ssettag $0x0;
	lr =	simm.s32 $0x1  }
0x2: {  	[smem:$0x3F98] =	sst lr;
	_ =	strace $0xD0000000  }
0x3: {  	_ = 	snop  }
0x4: {  	_ = 	snop  }
0x5: {  	_ = 	snop  }
0x6: {  	_ = 	snop  }
0x7: {  	_ = 	snop  }
__scs_overlays_trampoline_lowered:
0x8: {  	[smem:$0x3FA7] =	sst s0  }
0x9: {  	[smem:$0x3FA8] =	sst s1  }
0xa: {  	[smem:$0x3FA9] =	sst s2  }
0xb: {  	[smem:$0x3FAA] =	sst s3  }
0xc: {  	[smem:$0x3FAB] =	sst s4  }
0xd: {  	[smem:$0x3FAC] =	sst s5  }
0xe: {  	[smem:$0x3FAD] =	sst s6  }
0xf: {  	[smem:$0x3FAE] =	sst s7  }
0x10: {  	[smem:$0x3FAF] =	sst s8  }
0x11: {  	[smem:$0x3FB0] =	sst s9;
	s0 =	simm.s32 @!p0 $0x0  }
0x12: {  	s1 =	sld [smem:$0x3F96];
	s0 =	simm.s32 @p0 $0x1  }
0x13: {  	[smem:$0x3FB1] =	sst s0;
	s0 =	simm.s32 @!p1 $0x0  }
0x14: {  	s2 =	sld [smem:$0x3F95];
	s0 =	simm.s32 @p1 $0x1  }
0x15: {  	[smem:$0x3FB2] =	sst s0;
	s0 =	simm.s32 @!p2 $0x0  }
0x16: {  	s3 =	sld [smem:$0x3FDB];
	s0 =	simm.s32 @p2 $0x1  }
0x17: {  	s4 =	simm.s32 $0x1BF5;
	[smem:$0x3FB4] =	sst s0  }
0x18: {  	s0 =	sld [smem:$0x3F97];
	_ =	swait.ge [sflag:s4], $0x0  }
0x19: {  	s7 =	sld [smem:$0x3F98]  }
0x1a: {  	s8 =	sadd.s32 $0xFFFFE003, lr  }
0x1b: {  	s9 =	sadd.s32 $0xFFFFFEF7, lr;
	s5 =	simm.s32 $0xFFFFFFFF;
	p2 =	slt.u32 s8, $0xFFFFF086  }
0x1c: {  	p1 =	slt.u32 s9, $0xF7A;
	s5 =	simm.s32 @!p2 $0x0  }
0x1d: {  	s5 =	simm.s32 @p1 $0x1;
	p0 =	seq.s32 s7, s2  }
0x1e: {  	s7 =	smul.u32 @!p0 $0xF7A, s2;
	p2 =	seq.s32 @!p0 s5, $0x0  }
0x1f: {  	s9 =	smul.u32 $0xF7A, s1;
	s8 =	simm.s32 @!p0 $0x1BF5;
	p2 =	por !p2, p0  }
0x20: {  	[sflag:s8] =	ssyncset.s32 @!p0 $0xFFFFF086;
	s6 =	sadd.s32 @!p0 s3, s7;
	s7 =	simm.s32 @!p0 $0x108  }
0x21: {  	s3 =	sadd.s32 s3, s9;
	s6 =	sadd.s32 @!p0 $0x88, s6;
	s7 =	simm.s32 @p2 $0x1082  }
0x22: {  	[simem:s7], [sflag:s8] =	dma.local @!p0 [hbm:s6], $0xF7A  }
0x23: {  	s9 =	sor.u32 $0xD0000000, s2;
	s6 =	simm.s32 $0x108;
	_ =	swait.ge @!p0 [sflag:s8], $0x0  }
0x24: {  	s3 =	sadd.s32 $0x88, s3;
	s6 =	simm.s32 @!p1 $0x1082;
	[sflag:s4] =	ssyncset.s32 $0xFFFFF086  }
0x25: {  	[simem:s6], [sflag:s4] =	dma.local [hbm:s3], $0xF7A  }
0x26: {  	[smem:$0x3F98] =	sst s1;
	(tag) =	ssettag s2;
	_ =	strace s9  }
0x27: {  	s1 =	sld [smem:$0x3FA8]  }
0x28: {  	s2 =	sld [smem:$0x3FA9]  }
0x29: {  	s4 =	sld [smem:$0x3FAB]  }
0x2a: {  	p0 =	seq.s32 s5, $0x0;
	s5 =	sld [smem:$0x3FAC]  }
0x2b: {  	s6 =	sld [smem:$0x3FAD]  }
0x2c: {  	s7 =	sld [smem:$0x3FAE]  }
0x2d: {  	s3 =	simm.s32 $0x108;
	s8 =	sld [smem:$0x3FAF]  }
0x2e: {  	s3 =	simm.s32 @!p0 $0x1082;
	s9 =	sld [smem:$0x3FB0]  }
0x2f: {  	lr =	sadd.s32 s0, s3;
	s0 =	sld [smem:$0x3FA7]  }
0x30: {  	s3 =	sld [smem:$0x3FAA]  }
0x31: {  	[smem:$0x3FB3] =	sst s10  }
0x32: {  	s10 =	sld [smem:$0x3FB1];
	_ =	sdelay $0x3  }
0x33: {  	p0 =	seq.s32 s10, $0x1;
	s10 =	sld [smem:$0x3FB3];
	_ =	sdelay $0x3  }
0x34: {  	[smem:$0x3FB3] =	sst s10  }
0x35: {  	s10 =	sld [smem:$0x3FB2];
	_ =	sdelay $0x3  }
0x36: {  	p1 =	seq.s32 s10, $0x1;
	s10 =	sld [smem:$0x3FB3];
	_ =	sdelay $0x3  }
0x37: {  	[smem:$0x3FB3] =	sst s10  }
0x38: {  	s10 =	sld [smem:$0x3FB4]  }
0x39: {  	_ = 	snop;
	(pc) =	sbr.ind lr, $3  }
0x3a: {  	_ = 	snop  }
0x3b: {  	_ = 	snop  }
0x3c: {  	p2 =	seq.s32 s10, $0x1;
	s10 =	sld [smem:$0x3FB3]  }
0x3d: {  	_ =	shalt  }
0x3e: {  	_ =	shalt  }
0x3f: {  	_ =	shalt  }
0x40: {  	_ =	shalt  }
0x41: {  	_ =	shalt  }
0x42: {  	_ =	shalt  }
0x43: {  	_ =	shalt  }
0x44: {  	_ =	shalt  }
0x45: {  	_ =	shalt  }
0x46: {  	_ =	shalt  }
0x47: {  	_ =	shalt  }
0x48: {  	_ =	shalt  }
0x49: {  	_ =	shalt  }
0x4a: {  	_ =	shalt  }
0x4b: {  	_ =	shalt  }
0x4c: {  	_ =	shalt  }
0x4d: {  	_ =	shalt  }
0x4e: {  	_ =	shalt  }
0x4f: {  	_ =	shalt  }
0x50: {  	_ =	shalt  }
0x51: {  	_ =	shalt  }
0x52: {  	_ =	shalt  }
0x53: {  	_ =	shalt  }
0x54: {  	_ =	shalt  }
0x55: {  	_ =	shalt  }
0x56: {  	_ =	shalt  }
0x57: {  	_ =	shalt  }
0x58: {  	_ =	shalt  }
0x59: {  	_ =	shalt  }
0x5a: {  	_ =	shalt  }
0x5b: {  	_ =	shalt  }
0x5c: {  	_ =	shalt  }
0x5d: {  	_ =	shalt  }
0x5e: {  	_ =	shalt  }
0x5f: {  	_ =	shalt  }
0x60: {  	_ =	shalt  }
0x61: {  	_ =	shalt  }
0x62: {  	_ =	shalt  }
0x63: {  	_ =	shalt  }
0x64: {  	_ =	shalt  }
0x65: {  	_ =	shalt  }
0x66: {  	_ =	shalt  }
0x67: {  	_ =	shalt  }
0x68: {  	_ =	shalt  }
0x69: {  	_ =	shalt  }
0x6a: {  	_ =	shalt  }
0x6b: {  	_ =	shalt  }
0x6c: {  	_ =	shalt  }
0x6d: {  	_ =	shalt  }
0x6e: {  	_ =	shalt  }
0x6f: {  	_ =	shalt  }
0x70: {  	_ =	shalt  }
0x71: {  	_ =	shalt  }
0x72: {  	_ =	shalt  }
0x73: {  	_ =	shalt  }
0x74: {  	_ =	shalt  }
0x75: {  	_ =	shalt  }
0x76: {  	_ =	shalt  }
0x77: {  	_ =	shalt  }
0x78: {  	_ =	shalt  }
0x79: {  	_ =	shalt  }
0x7a: {  	_ =	shalt  }
0x7b: {  	_ =	shalt  }
0x7c: {  	_ =	shalt  }
0x7d: {  	_ =	shalt  }
0x7e: {  	_ =	shalt  }
0x7f: {  	_ =	shalt  }
0x80: {  	_ =	shalt  }
0x81: {  	_ =	shalt  }
0x82: {  	_ =	shalt  }
0x83: {  	_ =	shalt  }
0x84: {  	_ =	shalt  }
0x85: {  	_ =	shalt  }
0x86: {  	_ =	shalt  }
0x87: {  	_ =	shalt  }
.Lfunc_end0:
.L_simem_size_0:
called_computation_lowered:
.L_overlay_start_0:
0x88: {  	s2 =	sld [smem:$0x3FD9]  }
0x89: {  	s3 =	sld [smem:$0x3FFE];
	_ =	sdelay $0x1  }
0x8a: {  	s1 =	srdreg.scid  }
0x8b: {  	s0 =	sand.u32 $0x1, s1  }
0x8c: {  	s17 =	sshll.u32 s0, $0xA;
	s2 =	sadd.s32 s3, s2  }
0x8d: {  	s2 =	sadd.s32 s2, s17  }
0x8e: {  	[smem:$0x3FBF] =	sst s2  }
0x8f: {  	_ = 	snop  }
0x90: {  	s2 =	sld [smem:$0x3FD0];
	(tm) =	ssettm $0x1  }
0x91: {  	s18 =	sld [smem:$0x3FFB];
	_ =	sdelay $0x3  }
0x92: {  	_ =	strace s18  }
0x93: {  	s3 =	sld [smem:$0x3FFC];
	_ =	sdelay $0x3  }
0x94: {  	_ =	strace s3  }
0x95: {  	s3 =	sld [smem:$0x3FFD];
	_ =	sdelay $0x3  }
0x96: {  	_ =	strace s3  }
0x97: {  	_ =	strace $0x8FFFFFFF  }
0x98: {  	s19 =	sld [smem:$0x3FDB];
	_ =	sdelay $0x1  }
0x99: {  	s4 =	simm.s32 $_scs_section_size  }
0x9a: {  	s5 =	simm.s32 $_size__tile_overlayer_lowered;
	s6 =	simm.s32 $_tile_overlayer_lowered  }
0x9b: {  	s22 =	simm.s32 $0x1BFF;
	s21 =	sshll.u32 s6, $0x1;
	s3 =	sadd.s32 s4, s19  }
0x9c: {  	s7 =	simm.s32 $0x0;
	s20 =	sshll.u32 s5, $0x1;
	s5 =	sadd.s32 s21, s3  }
0x9d: {  	[timem:s7], [sflag:s22] =	dma.local [hbm:s5], s20  }
0x9e: {  	_ =	swait.ge [sflag:s22], s20  }
0x9f: {  	s4 =	ssub.s32 $0x0, s20;
	[sflag:s22] =	ssyncset.done $0x0  }
0xa0: {  	[sflag:s22] =	ssyncadd.s32 s4;
	_ =	sdelay $0x1  }
0xa1: {  	s23 =	simm.s32 $0x1B8B  }
0xa2: {  	_ =	swait.ge [sflag:s23], $0x1  }
0xa3: {  	[sflag:s23] =	ssyncset.done $0x0  }
0xa4: {  	s25 =	simm.s32 $0x1B8E;
	s24 =	sld [smem:$0x3FFE];
	[sflag:s23] =	ssyncadd.s32 $0xFFFFFFFF  }
0xa5: {  	s26 =	simm.s32 $execute0_lowered;
	[smem:$0x3FD2] =	sst s25  }
0xa6: {  	s5 =	sshll.u32 s26, $0x1;
	_ =	strace $0x80000046;
	[dreg:$0x1] =	wrdreg $0xFFFFFFFF  }
0xa7: {  	s28 =	simm.s32 $_size_execute0_lowered;
	s3 =	sadd.s32 s3, s5;
	[dreg:$0x0] =	wrdreg $0x0  }
0xa8: {  	s5 =	sshll.u32 s28, $0x1;
	[dreg:$0x2] =	wrdreg s3  }
0xa9: {  	[dreg:$0x3] =	wrdreg s5  }
0xaa: {  	[dreg:$0x4] =	wrdreg $0xC0  }
0xab: {  	_ =	task [dreg:s7], $0x5FFFF  }
0xac: {  	[dreg:$0x1] =	wrdreg $0xFFFFFFFF  }
0xad: {  	[dreg:$0x0] =	wrdreg $0x60  }
0xae: {  	[dreg:$0x2] =	wrdreg s24  }
0xaf: {  	[dreg:$0x3] =	wrdreg s2  }
0xb0: {  	[dreg:$0x4] =	wrdreg $0x9  }
0xb1: {  	_ =	task.clear_ibuf [dreg:s7], $0x5FFFF;
	_ =	strace $0x90000046  }
0xb2: {  	s29 =	simm.s32 $0x9;
	_ =	strace $0x80000048  }
0xb3: {  	_ =	swait.ge [sflag:s29], $0x1  }
0xb4: {  	[sflag:s29] =	ssyncadd.s32 $0xFFFFFFFF  }
0xb5: {  	_ =	strace $0x90000048  }
0xb6: {  	_ =	sfence  }
0xb7: {  	s30 =	sld [smem:$0x0];
	_ =	sdelay $0x2  }
0xb8: {  	s31 =	sshll.u32 s1, $0xD;
	s1 =	sshrl.u32 s1, $0x2  }
0xb9: {  	s3 =	sand.u32 $0x4000, s31;
	s1 =	sadd.s32 s1, s30  }
0xba: {  	s0 =	sor.u32 s3, s0;
	s1 =	sshll.u32 s1, $0x11  }
0xbb: {  	s0 =	sor.u32 s1, s0  }
0xbc: {  	s0 =	sadd.s32 $0x8F2B, s0  }
0xbd: {  	[sflag:s0] =	ssyncadd.remote.s32 $0x1  }
0xbe: {  	_ =	sfence.sel $0xFFFF  }
0xbf: {  	[dreg:$0x0] =	wrdreg $0xFFFFFFFF;
	(pc) =	sbr.abs _section_cstart, $3  }
0xc0: {  	[dreg:$0x1] =	wrdreg $0xFFFFFFFF  }
0xc1: {  	_ =	task.clear_ibuf [dreg:s7], $0x2FFFF;
	_ =	strace $0x9FFFFFFF  }
0xc2: {  	(tm) =	ssettm $0x7FFFFFFF  }
0xc3: {  	_ =	shalt  }
tec
execute0_lowered:
.L_overlay_start_1:
0x0: {  	(tag) =	ssettag $0x1  }
0x1: {  	s3 =	rddreg [dreg:$0x0]  }
0x2: {  	s4 =	rddreg [dreg:$0x1]  }
0x3: {  	s1 =	srdreg.scid;
	s0 =	rddreg [dreg:$0x2];
	s2 =	simm.s32 $0x0  }
0x4: {  	s11 =	simm.s32 $0x1;
	s12 =	simm.s32 $0x80;
	s5 =	sand.u32 $0x1, s1  }
0x5: {  	s13 =	simm.s32 $0x400;
	s1 =	stileid.u32;
	s6 =	sshll.u32 s5, $0x4  }
0x6: {  	s14 =	simm.s32 $0x0;
	[smem:$0x7FF] =	sst s2;
	s6 =	sor.u32 s1, s6  }
0x7: {  	_ =	strace $0x80000047;
	s8 =	smul.u32 $0x2710, s1;
	s6 =	sshrl.u32 s6, $0x3  }
0x8: {  	s7 =	ssub.s32 $0x2, s5;
	s10 =	sshll.u32 s1, $0x7;
	s6 =	smul.u32 $0x13C00, s6  }
0x9: {  	p0 =	seq.s32 s5, $0x1;
	s29 =	sand.u32 $0x380, s10;
	s10 =	simm.s32 $0x1800  }
0xa: {  	s9 =	sshrl.u32 s7, $0x1;
	s10 =	simm.s32 @!p0 $0x6800;
	s5 =	sor.u32 s29, s6  }
0xb: {  	s30 =	sshrl.u32 s8, $0x3;
	s31 =	sadd.s32 s10, s3;
	s5 =	sshrl.u32 s5, $0x3  }
0xc: {  	s7 =	ssub.s32 s7, s9;
	s3 =	sadd.s32 s4, s5;
	s5 =	sadd.s32 s31, s30  }
0xd: {  	s10 =	simm.s32 $0x2780;
	s4 =	smax.u32 s7, $0x1;
	s6 =	sadd.s32 $0xFA, s5  }
0xe: {  	v0 =	vimm.f32 $0.0e+00;
	v1 =	vimm.f32 $1.000000000e+00;
	s7 =	sadd.s32 $0x1F4, s5;
	s8 =	sadd.s32 $0x2EE, s5;
	s9 =	sadd.s32 $0x3E8, s5  }
.LBB2_1:
0xf: {  	s15 =	simm.s32 $0x40;
	s16 =	simm.s32 $0x0  }
.LBB2_2:
0x10: {  	p0 =	sne.s32 s15, $0x9C00;
	[tilespmem:s16+$0x0] =	vst v0;
	s16 =	smov.u32 s15;
	s15 =	sadd.s32 $0x40, s15  }
.Ltmp0:
0x11: {  	(pc) =	sbr.rel @p0 .LBB2_2-.Ltmp0, $2  }
0x12: {  	_ =	sdelay $0x2  }
0x13: {  	s16 =	sshra.s32 s16, $0x2  }
0x14: {  	[tilespmem:s16+$0x0] =	vst v0;
	s15 =	simm.s32 $0x0  }
0x15: {  	[tilespmem:s10], [sflag:$0x1] =	stream.linear.gather [hbm4b:s5+s15], $0x7D0, $0x38;
	[tilespmem:$0x2F80] =	vst v63  }
0x16: {  	_ =	swait.ge [sflag:s11], $0x7D0  }
0x17: {  	[sflag:s11] =	ssyncset.done $0x0  }
0x18: {  	s16 =	simm.s32 $0x0;
	s15 =	simm.s32 $0x40;
	[sflag:s11] =	ssyncadd.s32 $0xFFFFF830  }
.LBB2_4:
0x19: {  	p0 =	sne.s32 s15, $0x1F00;
	v2 =	vld [tilespmem:s16+$0x2780];
	_ =	sdelay $0x3  }
.Ltmp1:
0x1a: {  	(pc) =	sbr.rel @p0 .LBB2_4-.Ltmp1, $2  }
0x1b: {  	_ =	sdelay $0x2  }
0x1c: {  	s16 =	sshra.s32 s15, $0x2;
	s15 =	sadd.s32 $0x40, s15;
	[tilespmem:v2+s2+$0x0] =	vst.idx.add.f32.msk $0xffff, v1  }
0x1d: {  	v2 =	vld [tilespmem:s16+$0x2780];
	_ =	sdelay $0x7  }
0x1e: {  	s15 =	simm.s32 $0x0;
	[tilespmem:v2+s2+$0x0] =	vst.idx.add.f32.msk $0xffff, v1  }
0x1f: {  	[tilespmem:s10], [sflag:$0x1] =	stream.linear.gather [hbm4b:s6+s15], $0x7D0, $0x38;
	[tilespmem:$0x2F80] =	vst v63  }
0x20: {  	_ =	swait.ge [sflag:s11], $0x7D0  }
0x21: {  	[sflag:s11] =	ssyncset.done $0x0  }
0x22: {  	s16 =	simm.s32 $0x0;
	s15 =	simm.s32 $0x40;
	[sflag:s11] =	ssyncadd.s32 $0xFFFFF830  }
.LBB2_6:
0x23: {  	p0 =	sne.s32 s15, $0x1F00;
	v2 =	vld [tilespmem:s16+$0x2780];
	_ =	sdelay $0x3  }
.Ltmp2:
0x24: {  	(pc) =	sbr.rel @p0 .LBB2_6-.Ltmp2, $2  }
0x25: {  	_ =	sdelay $0x2  }
0x26: {  	s16 =	sshra.s32 s15, $0x2;
	s15 =	sadd.s32 $0x40, s15;
	[tilespmem:v2+s2+$0x0] =	vst.idx.add.f32.msk $0xffff, v1  }
0x27: {  	v2 =	vld [tilespmem:s16+$0x2780];
	_ =	sdelay $0x7  }
0x28: {  	s15 =	simm.s32 $0x0;
	[tilespmem:v2+s2+$0x0] =	vst.idx.add.f32.msk $0xffff, v1  }
0x29: {  	[tilespmem:s10], [sflag:$0x1] =	stream.linear.gather [hbm4b:s7+s15], $0x7D0, $0x38;
	[tilespmem:$0x2F80] =	vst v63  }
0x2a: {  	_ =	swait.ge [sflag:s11], $0x7D0  }
0x2b: {  	[sflag:s11] =	ssyncset.done $0x0  }
0x2c: {  	s16 =	simm.s32 $0x0;
	s15 =	simm.s32 $0x40;
	[sflag:s11] =	ssyncadd.s32 $0xFFFFF830  }
.LBB2_8:
0x2d: {  	p0 =	sne.s32 s15, $0x1F00;
	v2 =	vld [tilespmem:s16+$0x2780];
	_ =	sdelay $0x3  }
.Ltmp3:
0x2e: {  	(pc) =	sbr.rel @p0 .LBB2_8-.Ltmp3, $2  }
0x2f: {  	_ =	sdelay $0x2  }
0x30: {  	s16 =	sshra.s32 s15, $0x2;
	s15 =	sadd.s32 $0x40, s15;
	[tilespmem:v2+s2+$0x0] =	vst.idx.add.f32.msk $0xffff, v1  }
0x31: {  	v2 =	vld [tilespmem:s16+$0x2780];
	_ =	sdelay $0x7  }
0x32: {  	s15 =	simm.s32 $0x0;
	[tilespmem:v2+s2+$0x0] =	vst.idx.add.f32.msk $0xffff, v1  }
0x33: {  	[tilespmem:s10], [sflag:$0x1] =	stream.linear.gather [hbm4b:s8+s15], $0x7D0, $0x38;
	[tilespmem:$0x2F80] =	vst v63  }
0x34: {  	_ =	swait.ge [sflag:s11], $0x7D0  }
0x35: {  	[sflag:s11] =	ssyncset.done $0x0  }
0x36: {  	s16 =	simm.s32 $0x0;
	s15 =	simm.s32 $0x40;
	[sflag:s11] =	ssyncadd.s32 $0xFFFFF830  }
.LBB2_10:
0x37: {  	p0 =	sne.s32 s15, $0x1F00;
	v2 =	vld [tilespmem:s16+$0x2780];
	_ =	sdelay $0x3  }
.Ltmp4:
0x38: {  	(pc) =	sbr.rel @p0 .LBB2_10-.Ltmp4, $2  }
0x39: {  	_ =	sdelay $0x2  }
0x3a: {  	s16 =	sshra.s32 s15, $0x2;
	s15 =	sadd.s32 $0x40, s15;
	[tilespmem:v2+s2+$0x0] =	vst.idx.add.f32.msk $0xffff, v1  }
0x3b: {  	v2 =	vld [tilespmem:s16+$0x2780];
	_ =	sdelay $0x7  }
0x3c: {  	s15 =	simm.s32 $0x0;
	[tilespmem:v2+s2+$0x0] =	vst.idx.add.f32.msk $0xffff, v1  }
0x3d: {  	[tilespmem:s10], [sflag:$0x1] =	stream.linear.gather [hbm4b:s9+s15], $0x7D0, $0x38;
	[tilespmem:$0x2F80] =	vst v63  }
0x3e: {  	_ =	swait.ge [sflag:s11], $0x7D0  }
0x3f: {  	[sflag:s11] =	ssyncset.done $0x0  }
0x40: {  	s16 =	simm.s32 $0x0;
	s15 =	simm.s32 $0x40;
	[sflag:s11] =	ssyncadd.s32 $0xFFFFF830  }
.LBB2_12:
0x41: {  	p0 =	sne.s32 s15, $0x1F00;
	v2 =	vld [tilespmem:s16+$0x2780];
	_ =	sdelay $0x3  }
.Ltmp5:
0x42: {  	(pc) =	sbr.rel @p0 .LBB2_12-.Ltmp5, $2  }
0x43: {  	_ =	sdelay $0x2  }
0x44: {  	s16 =	sshra.s32 s15, $0x2;
	s15 =	sadd.s32 $0x40, s15;
	[tilespmem:v2+s2+$0x0] =	vst.idx.add.f32.msk $0xffff, v1  }
0x45: {  	v2 =	vld [tilespmem:s16+$0x2780];
	_ =	sdelay $0x5  }
0x46: {  	s14 =	sadd.s32 $0x1, s14  }
0x47: {  	p0 =	sne.s32 s14, s4  }
.Ltmp6:
0x48: {  	[tilespmem:v2+s2+$0x0] =	vst.idx.add.f32.msk $0xffff, v1;
	(pc) =	sbr.rel @p0 .LBB2_1-.Ltmp6, $4  }
0x49: {  	[hbm4b:s3+s12] =	stream.strided.scatter [tilespmem:s2], [sflag:$0x1], $0x2780, s13, s12, $0x38;
	[tilespmem:$0x2F80] =	vst v63  }
0x4a: {  	_ =	swait.ge [sflag:s11], $0x2780  }
0x4b: {  	[sflag:s11] =	ssyncset.done $0x0  }
0x4c: {  	[sflag:s11] =	ssyncadd.s32 $0xFFFFD880  }
0x4d: {  	_ =	sfence.sel $0x180000  }
0x4e: {  	[bflag:$0x0] =	sbarrier.arrive $0xFFFF  }
0x4f: {  	p0 =	sne.s32 s1, $0x0;
	_ =	strace $0x90000047  }
0x50: {  	s0 =	sadd.s32 @!p0 $0x100000, s0;
	[bflag:$0x2] =	sbarrier.arrive $0xFFFF  }
0x51: {  	[sflag:s0] =	ssyncadd.tile.s32 @!p0 $0x1;
	_ =	shalt  }
.Lfunc_end2:
_tile_overlayer_lowered:
.L_overlay_start_2:
0x52: {  	(tag) =	ssettag $0x2  }
0x53: {  	s0 =	rddreg [dreg:$0x0];
	s2 =	stileid.u32  }
0x54: {  	s1 =	rddreg [dreg:$0x1];
	p0 =	sne.s32 s2, $0x0  }
0x55: {  	s3 =	rddreg [dreg:$0x2];
	[bflag:$0x3] =	sbarrier.arrive $0xFFFF;
	s2 =	simm.s32 @!p0 $0x1C01  }
0x56: {  	[timem:s3], [sflag:s2] =	dma.local @!p0 [hbm:s0], s1  }
0x57: {  	s0 =	simm.s32 @!p0 $0x1  }
0x58: {  	_ =	swait.ge @!p0 [sflag:s0], s1  }
0x59: {  	s1 =	ssub.s32 @!p0 $0x0, s1;
	[sflag:s0] =	ssyncset.done @!p0 $0x0  }
0x5a: {  	[sflag:s0] =	ssyncadd.s32 @!p0 s1  }
0x5b: {  	[bflag:$0x3] =	sbarrier.arrive $0xFFFF  }
0x5c: {  	_ =	shalt  }

</sc_bundles>
